<compile_context>
chip_gen: v7x
topology: tpu7x:2x2x1
jax: 0.10.2.dev20260603
libtpu: 0.0.44.dev20260713+nightly
codegen_flags: <defaults>
</compile_context>

<pallas_src>
import functools

import jax
import jax.numpy as jnp
from jax import lax
from jax.experimental import pallas as pl
from jax.experimental.pallas import tpu as pltpu
from jax.experimental.pallas import tpu_sc as plsc

ROWS = 128
N = 32768
K = 1024
CAP = 2048
NBINS = 1024
L = 16
NCH = N // L
NV = CAP // L
IMIN = -(2**31)


def _key_from_f32(v):
    s = plsc.bitcast(v, jnp.int32)
    return jnp.where(s < 0, s ^ jnp.int32(0x7FFFFFFF), s)


def _f32_from_key(k):
    s = jnp.where(k < 0, k ^ jnp.int32(0x7FFFFFFF), k)
    return plsc.bitcast(s, jnp.float32)


def _vsort16(v, desc):
    sb = jnp.int32(IMIN)
    vs = lax.sort(v ^ sb, dimension=0) ^ sb
    vr = lax.rev(vs, (0,))
    db = lax.broadcast_in_dim(desc, (L,), ())
    return jnp.where(db, vr, vs)


_mesh = plsc.VectorSubcoreMesh(core_axis_name="c", subcore_axis_name="s")


@functools.partial(
    pl.kernel,
    out_type=jax.ShapeDtypeStruct((ROWS, K), jnp.float32),
    mesh=_mesh,
    compiler_params=pltpu.CompilerParams(needs_layout_passes=False),
    scratch_types=[
        pltpu.VMEM((N,), jnp.float32),
        pltpu.VMEM((2, N), jnp.float32),
        pltpu.VMEM((L, NBINS), jnp.int32),
        pltpu.VMEM((CAP,), jnp.int32),
        pltpu.VMEM((K,), jnp.float32),
        pltpu.SemaphoreType.DMA,
    ],
)
def _topk_sc(x_hbm, params_hbm, out_hbm, params_v, xk2_v, hist_v, cand_v,
             out_v, sem):
    nc = _mesh.num_cores
    wid = lax.axis_index("s") * nc + lax.axis_index("c")
    rows_per = ROWS // (nc * _mesh.num_subcores)
    iota = lax.iota(jnp.int32, L)
    ones = jnp.ones((L,), jnp.int32)

    row0 = wid * rows_per
    pltpu.async_copy(x_hbm.at[pl.ds(row0, 1)], xk2_v.at[pl.ds(0, 1)], sem)
    pltpu.sync_copy(params_hbm, params_v)

    def do_row(r, carry):
        row = row0 + r
        buf = r & 1
        pltpu.make_async_copy(x_hbm.at[pl.ds(row, 1)], xk2_v.at[pl.ds(buf, 1)],
                              sem).wait()

        @pl.when(r + 1 < rows_per)
        def _():
            pltpu.async_copy(x_hbm.at[pl.ds(row + 1, 1)],
                             xk2_v.at[pl.ds(1 - buf, 1)], sem)

        zl = jnp.zeros((L,), jnp.int32)

        @plsc.parallel_loop(0, NBINS // L, unroll=2)
        def _zero(j):
            for l in range(L):
                hist_v[l, pl.ds(j * L, L)] = zl

        @plsc.parallel_loop(0, NCH, unroll=8)
        def _p1(j):
            xv = xk2_v[buf, pl.ds(j * L, L)]
            pv = params_v[pl.ds(j * L, L)]
            key = _key_from_f32(xv * pv)
            xk2_v[buf, pl.ds(j * L, L)] = plsc.bitcast(key, jnp.float32)
            b = (key >> 22) + 512
            plsc.addupdate_scatter(hist_v, [iota, b], ones)

        @plsc.parallel_loop(0, NBINS // L, carry=(jnp.int32(0), jnp.int32(-1)))
        def tscan(t, carry_):
            acc, bfound = carry_
            base = (NBINS // L - 1 - t) * L
            tot = hist_v[0, pl.ds(base, L)]
            for l in range(1, L):
                tot = tot + hist_v[l, pl.ds(base, L)]
            suf = lax.rev(plsc.cumsum(lax.rev(tot, (0,))), (0,))
            incl = acc + suf
            pc = jnp.sum((incl >= K).astype(jnp.int32))
            bc = base + pc - 1
            bfound = jnp.where((bfound < 0) & (pc > 0), bc, bfound)
            return acc + jnp.sum(tot), bfound

        _, B = tscan

        @plsc.parallel_loop(0, NV, unroll=4)
        def _clear(j):
            cand_v[pl.ds(j * L, L)] = jnp.full((L,), IMIN, jnp.int32)

        @plsc.parallel_loop(0, NCH, unroll=8, carry=jnp.int32(0))
        def _p2(j, cnt):
            key = plsc.bitcast(xk2_v[buf, pl.ds(j * L, L)], jnp.int32)
            b = (key >> 22) + 512
            m = b >= B
            mi = m.astype(jnp.int32)
            pci = plsc.cumsum(mi)
            idx = cnt + pci - mi
            m2 = m & (idx < CAP)
            idx = jnp.minimum(idx, CAP - 1)
            plsc.store_scatter(cand_v, [idx], key, mask=m2)
            return cnt + jnp.max(pci)

        @plsc.parallel_loop(0, NV, unroll=4)
        def _sort_init(J):
            v = cand_v[pl.ds(J * L, L)]
            cand_v[pl.ds(J * L, L)] = _vsort16(v, (J & 1) == 0)

        for k_log in range(5, CAP.bit_length()):
            kv_bit = 1 << (k_log - 4)

            for j_log in range(k_log - 1, 3, -1):
                j_sh = j_log - 4

                @plsc.parallel_loop(0, NV // 2, unroll=4)
                def _pair(p, j_sh=j_sh, kv_bit=kv_bit):
                    low = p & ((1 << j_sh) - 1)
                    J = ((p >> j_sh) << (j_sh + 1)) | low
                    P = J + (1 << j_sh)
                    a = cand_v[pl.ds(J * L, L)]
                    b2 = cand_v[pl.ds(P * L, L)]
                    mn = jnp.minimum(a, b2)
                    mx = jnp.maximum(a, b2)
                    db = lax.broadcast_in_dim((J & kv_bit) == 0, (L,), ())
                    cand_v[pl.ds(J * L, L)] = jnp.where(db, mx, mn)
                    cand_v[pl.ds(P * L, L)] = jnp.where(db, mn, mx)

            @plsc.parallel_loop(0, NV, unroll=4)
            def _fin(J, kv_bit=kv_bit):
                v = cand_v[pl.ds(J * L, L)]
                cand_v[pl.ds(J * L, L)] = _vsort16(v, (J & kv_bit) == 0)

        @plsc.parallel_loop(0, K // L, unroll=2)
        def _emit(j):
            key = plsc.bitcast(cand_v[pl.ds(j * L, L)], jnp.int32)
            out_v[pl.ds(j * L, L)] = _f32_from_key(key)
        pltpu.sync_copy(out_v, out_hbm.at[row])
        return carry

    lax.fori_loop(0, rows_per, do_row, 0)


def kernel(x, params):
    return _topk_sc(x, params)

# --- scband reference (transcript-rebuilt; emitter-appended) ---
"""Pipeline reference for scband-attention-30897994727716 (READ-ONLY COPY).

The authoritative reference and input builder live on the scoring server;
editing this copy changes nothing except your own understanding.
"""

import jax, jax.numpy as jnp
import numpy as np

IN_FEATURES = 32768
OUT_FEATURES = 1024

def setup_inputs(seed: int = 0) -> dict:
    key = jax.random.key(seed)
    k1, k2 = jax.random.split(key)
    x = jax.random.normal(k1, (128, IN_FEATURES), dtype=jnp.float32)
    # learned parameter: params ~ Normal(0, 1), shape [in_features]
    params = jax.random.normal(k2, (IN_FEATURES,), dtype=jnp.float32)
    return {"x": x, "params": params}

def reference(x, params):
    # x = self.params * x  (broadcast over batch dim)
    y = params * x
    # torch.topk(y, out_features, dim=1, sorted=False)[0]
    # (sorted=False leaves order unspecified; lax.top_k returns the same
    #  value set in descending order, which is a valid instantiation)
    vals, _ = jax.lax.top_k(y, OUT_FEATURES)
    return vals

if __name__ == "__main__":
    import jax
    _d = setup_inputs()
    print(jax.jit(kernel)(*tuple(_d.values())))

</pallas_src>

<mosaic_0001>
#map = affine_map<(d0, d1) -> (0, 0)>
#map1 = affine_map<(d0, d1) -> (0)>
module attributes {stable_mosaic.version = 14 : i64} {
  func.func @_topk_sc(%arg0: i32, %arg1: i32, %arg2: memref<128x32768xf32, #tpu.memory_space<hbm>>, %arg3: memref<32768xf32, #tpu.memory_space<hbm>>, %arg4: memref<128x1024xf32, #tpu.memory_space<hbm>>, %arg5: memref<32768xf32, #tpu.memory_space<vmem>>, %arg6: memref<2x32768xf32, #tpu.memory_space<vmem>>, %arg7: memref<16x1024xi32, #tpu.memory_space<vmem>>, %arg8: memref<2048xi32, #tpu.memory_space<vmem>>, %arg9: memref<1024xf32, #tpu.memory_space<vmem>>, %arg10: memref<!tpu.dma_semaphore, #tpu.memory_space<semaphore_mem>>) attributes {dimension_semantics = [#tpu.dimension_semantics<core_parallel>, #tpu.dimension_semantics<subcore_parallel>], iteration_bounds = array<i64: 2, 16>, scalar_prefetch = 0 : i64, scratch_operands = 6 : i64, tpu.core_type = #tpu.core_type<sc_vector_subcore>, window_params = [{transform_indices = #map}, {transform_indices = #map1}, {transform_indices = #map}]} {
    %mul3A = arith.constant 2 : i32
    %mul3A_0 = arith.muli %arg1, %mul3A : i32
    %add3A = arith.addi %mul3A_0, %arg0 : i32
    %iota3A = tpu.iota {dimensions = array<i32: 0>} : vector<16xi32>
    %broadcast_in_dim3A = arith.constant 1 : i32
    %broadcast_in_dim3A_1 = vector.broadcast %broadcast_in_dim3A : i32 to vector<16xi32>
    %mul3A_2 = arith.constant 4 : i32
    %mul3A_3 = arith.muli %add3A, %mul3A_2 : i32
    %dma_start3A = arith.constant 0 : i32
    %dma_start3A_4 = arith.constant 0 : i32
    %dma_start3A_5 = tpu.memref_slice %arg6[%dma_start3A, %dma_start3A_4] : memref<2x32768xf32, #tpu.memory_space<vmem>> -> memref<1x32768xf32, #tpu.memory_space<vmem>>
    %dma_start3A_6 = arith.constant 0 : i32
    %dma_start3A_7 = tpu.memref_slice %arg2[%mul3A_3, %dma_start3A_6] : memref<128x32768xf32, #tpu.memory_space<hbm>> -> memref<1x32768xf32, #tpu.memory_space<hbm>>
    %dma_start3A_8 = arith.constant 0 : i32
    %dma_start3A_9 = arith.constant 0 : i32
    %dma_start3A_10 = tpu.memref_slice %arg6[%dma_start3A_8, %dma_start3A_9] : memref<2x32768xf32, #tpu.memory_space<vmem>> -> memref<1x32768xf32, #tpu.memory_space<vmem>>
    %dma_start3A_11 = arith.constant 0 : i32
    %dma_start3A_12 = tpu.memref_slice %arg2[%mul3A_3, %dma_start3A_11] : memref<128x32768xf32, #tpu.memory_space<hbm>> -> memref<1x32768xf32, #tpu.memory_space<hbm>>
    tpu.enqueue_dma source(%dma_start3A_12 : memref<1x32768xf32, #tpu.memory_space<hbm>>) target(%dma_start3A_10 : memref<1x32768xf32, #tpu.memory_space<vmem>>) target_semaphore(%arg10 : memref<!tpu.dma_semaphore, #tpu.memory_space<semaphore_mem>>)
    "tpu.region"() ({
      %run_scoped3A = tpu.sem_alloc : memref<!tpu.dma_semaphore, #tpu.memory_space<semaphore_mem>>
      tpu.enqueue_dma source(%arg3 : memref<32768xf32, #tpu.memory_space<hbm>>) target(%arg5 : memref<32768xf32, #tpu.memory_space<vmem>>) target_semaphore(%run_scoped3A : memref<!tpu.dma_semaphore, #tpu.memory_space<semaphore_mem>>)
      tpu.wait_dma2 semaphore(%run_scoped3A : memref<!tpu.dma_semaphore, #tpu.memory_space<semaphore_mem>>) src(%arg3 : memref<32768xf32, #tpu.memory_space<hbm>>) dst(%arg5 : memref<32768xf32, #tpu.memory_space<vmem>>)
      tpu.yield
    }) : () -> ()
    %scan3A = arith.constant 0 : i32
    %scan3A_13 = arith.constant 0 : i32
    %scan3A_14 = arith.constant 4 : i32
    %scan3A_15 = arith.addi %scan3A_13, %scan3A_14 : i32
    %scan3A_16 = arith.constant 1 : i32
    scf.for %scan3A_18 = %scan3A_13 to %scan3A_15 step %scan3A_16  : i32 {
      %add3A_19 = arith.addi %mul3A_3, %scan3A_18 : i32
      %and3A = arith.constant 1 : i32
      %and3A_20 = arith.andi %scan3A_18, %and3A : i32
      %dma_wait3A = arith.constant 0 : i32
      %dma_wait3A_21 = tpu.memref_slice %arg6[%and3A_20, %dma_wait3A] : memref<2x32768xf32, #tpu.memory_space<vmem>> -> memref<1x32768xf32, #tpu.memory_space<vmem>>
      %dma_wait3A_22 = arith.constant 0 : i32
      %dma_wait3A_23 = tpu.memref_slice %arg2[%add3A_19, %dma_wait3A_22] : memref<128x32768xf32, #tpu.memory_space<hbm>> -> memref<1x32768xf32, #tpu.memory_space<hbm>>
      %dma_wait3A_24 = arith.constant 0 : i32
      %dma_wait3A_25 = tpu.memref_slice %arg6[%and3A_20, %dma_wait3A_24] : memref<2x32768xf32, #tpu.memory_space<vmem>> -> memref<1x32768xf32, #tpu.memory_space<vmem>>
      %dma_wait3A_26 = arith.constant 0 : i32
      %dma_wait3A_27 = tpu.memref_slice %arg2[%add3A_19, %dma_wait3A_26] : memref<128x32768xf32, #tpu.memory_space<hbm>> -> memref<1x32768xf32, #tpu.memory_space<hbm>>
      tpu.wait_dma2 semaphore(%arg10 : memref<!tpu.dma_semaphore, #tpu.memory_space<semaphore_mem>>) src(%dma_wait3A_27 : memref<1x32768xf32, #tpu.memory_space<hbm>>) dst(%dma_wait3A_25 : memref<1x32768xf32, #tpu.memory_space<vmem>>)
      %add3A_28 = arith.constant 1 : i32
      %add3A_29 = arith.addi %scan3A_18, %add3A_28 : i32
      %lt3A = arith.constant 4 : i32
      %lt3A_30 = arith.cmpi slt, %add3A_29, %lt3A : i32
      %convert_element_type3A = arith.extui %lt3A_30 : i1 to i32
      %cond3A = arith.constant 0 : i32
      %cond3A_31 = arith.cmpi ne, %convert_element_type3A, %cond3A : i32
      scf.if %cond3A_31 {
        %add3A_164 = arith.constant 1 : i32
        %add3A_165 = arith.addi %add3A_19, %add3A_164 : i32
        %sub3A = arith.constant 1 : i32
        %sub3A_166 = arith.subi %sub3A, %and3A_20 : i32
        %dma_start3A_167 = arith.constant 0 : i32
        %dma_start3A_168 = tpu.memref_slice %arg6[%sub3A_166, %dma_start3A_167] : memref<2x32768xf32, #tpu.memory_space<vmem>> -> memref<1x32768xf32, #tpu.memory_space<vmem>>
        %dma_start3A_169 = arith.constant 0 : i32
        %dma_start3A_170 = tpu.memref_slice %arg2[%add3A_165, %dma_start3A_169] : memref<128x32768xf32, #tpu.memory_space<hbm>> -> memref<1x32768xf32, #tpu.memory_space<hbm>>
        %dma_start3A_171 = arith.constant 0 : i32
        %dma_start3A_172 = tpu.memref_slice %arg6[%sub3A_166, %dma_start3A_171] : memref<2x32768xf32, #tpu.memory_space<vmem>> -> memref<1x32768xf32, #tpu.memory_space<vmem>>
        %dma_start3A_173 = arith.constant 0 : i32
        %dma_start3A_174 = tpu.memref_slice %arg2[%add3A_165, %dma_start3A_173] : memref<128x32768xf32, #tpu.memory_space<hbm>> -> memref<1x32768xf32, #tpu.memory_space<hbm>>
        tpu.enqueue_dma source(%dma_start3A_174 : memref<1x32768xf32, #tpu.memory_space<hbm>>) target(%dma_start3A_172 : memref<1x32768xf32, #tpu.memory_space<vmem>>) target_semaphore(%arg10 : memref<!tpu.dma_semaphore, #tpu.memory_space<semaphore_mem>>)
      } else {
      }
      %broadcast_in_dim3A_32 = arith.constant 0 : i32
      %broadcast_in_dim3A_33 = vector.broadcast %broadcast_in_dim3A_32 : i32 to vector<16xi32>
      %parallel_loop3A = arith.constant 0 : i32
      %parallel_loop3A_34 = arith.constant 64 : i32
      %parallel_loop3A_35 = arith.constant 1 : i32
      scf.for %parallel_loop3A_164 = %parallel_loop3A to %parallel_loop3A_34 step %parallel_loop3A_35  : i32 {
        %parallel_loop3A_165 = arith.constant 16 : i32
        %parallel_loop3A_166 = arith.muli %parallel_loop3A_164, %parallel_loop3A_165 : i32
        %parallel_loop3A_167 = arith.constant 0 : i32
        %parallel_loop3A_168 = arith.index_cast %parallel_loop3A_167 : i32 to index
        %parallel_loop3A_169 = arith.index_cast %parallel_loop3A_166 : i32 to index
        %parallel_loop3A_170 = tpu.vector_load %arg7[%parallel_loop3A_168, %parallel_loop3A_169] {strides = array<i32>} : memref<16x1024xi32, #tpu.memory_space<vmem>>, vector<16xi32>,
        tpu.vector_store %arg7[%parallel_loop3A_168, %parallel_loop3A_169], %broadcast_in_dim3A_33 {strides = array<i32>} : memref<16x1024xi32, #tpu.memory_space<vmem>>, vector<16xi32>,
        %parallel_loop3A_171 = arith.constant 16 : i32
        %parallel_loop3A_172 = arith.muli %parallel_loop3A_164, %parallel_loop3A_171 : i32
        %parallel_loop3A_173 = arith.constant 1 : i32
        %parallel_loop3A_174 = arith.index_cast %parallel_loop3A_173 : i32 to index
        %parallel_loop3A_175 = arith.index_cast %parallel_loop3A_172 : i32 to index
        %parallel_loop3A_176 = tpu.vector_load %arg7[%parallel_loop3A_174, %parallel_loop3A_175] {strides = array<i32>} : memref<16x1024xi32, #tpu.memory_space<vmem>>, vector<16xi32>,
        tpu.vector_store %arg7[%parallel_loop3A_174, %parallel_loop3A_175], %broadcast_in_dim3A_33 {strides = array<i32>} : memref<16x1024xi32, #tpu.memory_space<vmem>>, vector<16xi32>,
        %parallel_loop3A_177 = arith.constant 16 : i32
        %parallel_loop3A_178 = arith.muli %parallel_loop3A_164, %parallel_loop3A_177 : i32
        %parallel_loop3A_179 = arith.constant 2 : i32
        %parallel_loop3A_180 = arith.index_cast %parallel_loop3A_179 : i32 to index
        %parallel_loop3A_181 = arith.index_cast %parallel_loop3A_178 : i32 to index
        %parallel_loop3A_182 = tpu.vector_load %arg7[%parallel_loop3A_180, %parallel_loop3A_181] {strides = array<i32>} : memref<16x1024xi32, #tpu.memory_space<vmem>>, vector<16xi32>,
        tpu.vector_store %arg7[%parallel_loop3A_180, %parallel_loop3A_181], %broadcast_in_dim3A_33 {strides = array<i32>} : memref<16x1024xi32, #tpu.memory_space<vmem>>, vector<16xi32>,
        %parallel_loop3A_183 = arith.constant 16 : i32
        %parallel_loop3A_184 = arith.muli %parallel_loop3A_164, %parallel_loop3A_183 : i32
        %parallel_loop3A_185 = arith.constant 3 : i32
        %parallel_loop3A_186 = arith.index_cast %parallel_loop3A_185 : i32 to index
        %parallel_loop3A_187 = arith.index_cast %parallel_loop3A_184 : i32 to index
        %parallel_loop3A_188 = tpu.vector_load %arg7[%parallel_loop3A_186, %parallel_loop3A_187] {strides = array<i32>} : memref<16x1024xi32, #tpu.memory_space<vmem>>, vector<16xi32>,
        tpu.vector_store %arg7[%parallel_loop3A_186, %parallel_loop3A_187], %broadcast_in_dim3A_33 {strides = array<i32>} : memref<16x1024xi32, #tpu.memory_space<vmem>>, vector<16xi32>,
        %parallel_loop3A_189 = arith.constant 16 : i32
        %parallel_loop3A_190 = arith.muli %parallel_loop3A_164, %parallel_loop3A_189 : i32
        %parallel_loop3A_191 = arith.constant 4 : i32
        %parallel_loop3A_192 = arith.index_cast %parallel_loop3A_191 : i32 to index
        %parallel_loop3A_193 = arith.index_cast %parallel_loop3A_190 : i32 to index
        %parallel_loop3A_194 = tpu.vector_load %arg7[%parallel_loop3A_192, %parallel_loop3A_193] {strides = array<i32>} : memref<16x1024xi32, #tpu.memory_space<vmem>>, vector<16xi32>,
        tpu.vector_store %arg7[%parallel_loop3A_192, %parallel_loop3A_193], %broadcast_in_dim3A_33 {strides = array<i32>} : memref<16x1024xi32, #tpu.memory_space<vmem>>, vector<16xi32>,
        %parallel_loop3A_195 = arith.constant 16 : i32
        %parallel_loop3A_196 = arith.muli %parallel_loop3A_164, %parallel_loop3A_195 : i32
        %parallel_loop3A_197 = arith.constant 5 : i32
        %parallel_loop3A_198 = arith.index_cast %parallel_loop3A_197 : i32 to index
        %parallel_loop3A_199 = arith.index_cast %parallel_loop3A_196 : i32 to index
        %parallel_loop3A_200 = tpu.vector_load %arg7[%parallel_loop3A_198, %parallel_loop3A_199] {strides = array<i32>} : memref<16x1024xi32, #tpu.memory_space<vmem>>, vector<16xi32>,
        tpu.vector_store %arg7[%parallel_loop3A_198, %parallel_loop3A_199], %broadcast_in_dim3A_33 {strides = array<i32>} : memref<16x1024xi32, #tpu.memory_space<vmem>>, vector<16xi32>,
        %parallel_loop3A_201 = arith.constant 16 : i32
        %parallel_loop3A_202 = arith.muli %parallel_loop3A_164, %parallel_loop3A_201 : i32
        %parallel_loop3A_203 = arith.constant 6 : i32
        %parallel_loop3A_204 = arith.index_cast %parallel_loop3A_203 : i32 to index
        %parallel_loop3A_205 = arith.index_cast %parallel_loop3A_202 : i32 to index
        %parallel_loop3A_206 = tpu.vector_load %arg7[%parallel_loop3A_204, %parallel_loop3A_205] {strides = array<i32>} : memref<16x1024xi32, #tpu.memory_space<vmem>>, vector<16xi32>,
        tpu.vector_store %arg7[%parallel_loop3A_204, %parallel_loop3A_205], %broadcast_in_dim3A_33 {strides = array<i32>} : memref<16x1024xi32, #tpu.memory_space<vmem>>, vector<16xi32>,
        %parallel_loop3A_207 = arith.constant 16 : i32
        %parallel_loop3A_208 = arith.muli %parallel_loop3A_164, %parallel_loop3A_207 : i32
        %parallel_loop3A_209 = arith.constant 7 : i32
        %parallel_loop3A_210 = arith.index_cast %parallel_loop3A_209 : i32 to index
        %parallel_loop3A_211 = arith.index_cast %parallel_loop3A_208 : i32 to index
        %parallel_loop3A_212 = tpu.vector_load %arg7[%parallel_loop3A_210, %parallel_loop3A_211] {strides = array<i32>} : memref<16x1024xi32, #tpu.memory_space<vmem>>, vector<16xi32>,
        tpu.vector_store %arg7[%parallel_loop3A_210, %parallel_loop3A_211], %broadcast_in_dim3A_33 {strides = array<i32>} : memref<16x1024xi32, #tpu.memory_space<vmem>>, vector<16xi32>,
        %parallel_loop3A_213 = arith.constant 16 : i32
        %parallel_loop3A_214 = arith.muli %parallel_loop3A_164, %parallel_loop3A_213 : i32
        %parallel_loop3A_215 = arith.constant 8 : i32
        %parallel_loop3A_216 = arith.index_cast %parallel_loop3A_215 : i32 to index
        %parallel_loop3A_217 = arith.index_cast %parallel_loop3A_214 : i32 to index
        %parallel_loop3A_218 = tpu.vector_load %arg7[%parallel_loop3A_216, %parallel_loop3A_217] {strides = array<i32>} : memref<16x1024xi32, #tpu.memory_space<vmem>>, vector<16xi32>,
        tpu.vector_store %arg7[%parallel_loop3A_216, %parallel_loop3A_217], %broadcast_in_dim3A_33 {strides = array<i32>} : memref<16x1024xi32, #tpu.memory_space<vmem>>, vector<16xi32>,
        %parallel_loop3A_219 = arith.constant 16 : i32
        %parallel_loop3A_220 = arith.muli %parallel_loop3A_164, %parallel_loop3A_219 : i32
        %parallel_loop3A_221 = arith.constant 9 : i32
        %parallel_loop3A_222 = arith.index_cast %parallel_loop3A_221 : i32 to index
        %parallel_loop3A_223 = arith.index_cast %parallel_loop3A_220 : i32 to index
        %parallel_loop3A_224 = tpu.vector_load %arg7[%parallel_loop3A_222, %parallel_loop3A_223] {strides = array<i32>} : memref<16x1024xi32, #tpu.memory_space<vmem>>, vector<16xi32>,
        tpu.vector_store %arg7[%parallel_loop3A_222, %parallel_loop3A_223], %broadcast_in_dim3A_33 {strides = array<i32>} : memref<16x1024xi32, #tpu.memory_space<vmem>>, vector<16xi32>,
        %parallel_loop3A_225 = arith.constant 16 : i32
        %parallel_loop3A_226 = arith.muli %parallel_loop3A_164, %parallel_loop3A_225 : i32
        %parallel_loop3A_227 = arith.constant 10 : i32
        %parallel_loop3A_228 = arith.index_cast %parallel_loop3A_227 : i32 to index
        %parallel_loop3A_229 = arith.index_cast %parallel_loop3A_226 : i32 to index
        %parallel_loop3A_230 = tpu.vector_load %arg7[%parallel_loop3A_228, %parallel_loop3A_229] {strides = array<i32>} : memref<16x1024xi32, #tpu.memory_space<vmem>>, vector<16xi32>,
        tpu.vector_store %arg7[%parallel_loop3A_228, %parallel_loop3A_229], %broadcast_in_dim3A_33 {strides = array<i32>} : memref<16x1024xi32, #tpu.memory_space<vmem>>, vector<16xi32>,
        %parallel_loop3A_231 = arith.constant 16 : i32
        %parallel_loop3A_232 = arith.muli %parallel_loop3A_164, %parallel_loop3A_231 : i32
        %parallel_loop3A_233 = arith.constant 11 : i32
        %parallel_loop3A_234 = arith.index_cast %parallel_loop3A_233 : i32 to index
        %parallel_loop3A_235 = arith.index_cast %parallel_loop3A_232 : i32 to index
        %parallel_loop3A_236 = tpu.vector_load %arg7[%parallel_loop3A_234, %parallel_loop3A_235] {strides = array<i32>} : memref<16x1024xi32, #tpu.memory_space<vmem>>, vector<16xi32>,
        tpu.vector_store %arg7[%parallel_loop3A_234, %parallel_loop3A_235], %broadcast_in_dim3A_33 {strides = array<i32>} : memref<16x1024xi32, #tpu.memory_space<vmem>>, vector<16xi32>,
        %parallel_loop3A_237 = arith.constant 16 : i32
        %parallel_loop3A_238 = arith.muli %parallel_loop3A_164, %parallel_loop3A_237 : i32
        %parallel_loop3A_239 = arith.constant 12 : i32
        %parallel_loop3A_240 = arith.index_cast %parallel_loop3A_239 : i32 to index
        %parallel_loop3A_241 = arith.index_cast %parallel_loop3A_238 : i32 to index
        %parallel_loop3A_242 = tpu.vector_load %arg7[%parallel_loop3A_240, %parallel_loop3A_241] {strides = array<i32>} : memref<16x1024xi32, #tpu.memory_space<vmem>>, vector<16xi32>,
        tpu.vector_store %arg7[%parallel_loop3A_240, %parallel_loop3A_241], %broadcast_in_dim3A_33 {strides = array<i32>} : memref<16x1024xi32, #tpu.memory_space<vmem>>, vector<16xi32>,
        %parallel_loop3A_243 = arith.constant 16 : i32
        %parallel_loop3A_244 = arith.muli %parallel_loop3A_164, %parallel_loop3A_243 : i32
        %parallel_loop3A_245 = arith.constant 13 : i32
        %parallel_loop3A_246 = arith.index_cast %parallel_loop3A_245 : i32 to index
        %parallel_loop3A_247 = arith.index_cast %parallel_loop3A_244 : i32 to index
        %parallel_loop3A_248 = tpu.vector_load %arg7[%parallel_loop3A_246, %parallel_loop3A_247] {strides = array<i32>} : memref<16x1024xi32, #tpu.memory_space<vmem>>, vector<16xi32>,
        tpu.vector_store %arg7[%parallel_loop3A_246, %parallel_loop3A_247], %broadcast_in_dim3A_33 {strides = array<i32>} : memref<16x1024xi32, #tpu.memory_space<vmem>>, vector<16xi32>,
        %parallel_loop3A_249 = arith.constant 16 : i32
        %parallel_loop3A_250 = arith.muli %parallel_loop3A_164, %parallel_loop3A_249 : i32
        %parallel_loop3A_251 = arith.constant 14 : i32
        %parallel_loop3A_252 = arith.index_cast %parallel_loop3A_251 : i32 to index
        %parallel_loop3A_253 = arith.index_cast %parallel_loop3A_250 : i32 to index
        %parallel_loop3A_254 = tpu.vector_load %arg7[%parallel_loop3A_252, %parallel_loop3A_253] {strides = array<i32>} : memref<16x1024xi32, #tpu.memory_space<vmem>>, vector<16xi32>,
        tpu.vector_store %arg7[%parallel_loop3A_252, %parallel_loop3A_253], %broadcast_in_dim3A_33 {strides = array<i32>} : memref<16x1024xi32, #tpu.memory_space<vmem>>, vector<16xi32>,
        %parallel_loop3A_255 = arith.constant 16 : i32
        %parallel_loop3A_256 = arith.muli %parallel_loop3A_164, %parallel_loop3A_255 : i32
        %parallel_loop3A_257 = arith.constant 15 : i32
        %parallel_loop3A_258 = arith.index_cast %parallel_loop3A_257 : i32 to index
        %parallel_loop3A_259 = arith.index_cast %parallel_loop3A_256 : i32 to index
        %parallel_loop3A_260 = tpu.vector_load %arg7[%parallel_loop3A_258, %parallel_loop3A_259] {strides = array<i32>} : memref<16x1024xi32, #tpu.memory_space<vmem>>, vector<16xi32>,
        tpu.vector_store %arg7[%parallel_loop3A_258, %parallel_loop3A_259], %broadcast_in_dim3A_33 {strides = array<i32>} : memref<16x1024xi32, #tpu.memory_space<vmem>>, vector<16xi32>,
      } {sc.loop_unroll_factor = 2 : i64, sc.parallel_access}
      %parallel_loop3A_36 = arith.constant 0 : i32
      %parallel_loop3A_37 = arith.constant 2048 : i32
      %parallel_loop3A_38 = arith.constant 1 : i32
      scf.for %parallel_loop3A_164 = %parallel_loop3A_36 to %parallel_loop3A_37 step %parallel_loop3A_38  : i32 {
        %parallel_loop3A_165 = arith.constant 16 : i32
        %parallel_loop3A_166 = arith.muli %parallel_loop3A_164, %parallel_loop3A_165 : i32
        %parallel_loop3A_167 = arith.index_cast %and3A_20 : i32 to index
        %parallel_loop3A_168 = arith.index_cast %parallel_loop3A_166 : i32 to index
        %parallel_loop3A_169 = tpu.vector_load %arg6[%parallel_loop3A_167, %parallel_loop3A_168] {strides = array<i32>} : memref<2x32768xf32, #tpu.memory_space<vmem>>, vector<16xf32>,
        %parallel_loop3A_170 = arith.constant 16 : i32
        %parallel_loop3A_171 = arith.muli %parallel_loop3A_164, %parallel_loop3A_170 : i32
        %parallel_loop3A_172 = arith.index_cast %parallel_loop3A_171 : i32 to index
        %parallel_loop3A_173 = tpu.vector_load %arg5[%parallel_loop3A_172] {strides = array<i32>} : memref<32768xf32, #tpu.memory_space<vmem>>, vector<16xf32>,
        %parallel_loop3A_174 = arith.mulf %parallel_loop3A_169, %parallel_loop3A_173 : vector<16xf32>
        %parallel_loop3A_175 = vector.bitcast %parallel_loop3A_174 : vector<16xf32> to vector<16xi32>
        %parallel_loop3A_176 = arith.constant 0 : i32
        %parallel_loop3A_177 = vector.broadcast %parallel_loop3A_176 : i32 to vector<16xi32>
        %parallel_loop3A_178 = arith.cmpi slt, %parallel_loop3A_175, %parallel_loop3A_177 : vector<16xi32>
        %parallel_loop3A_179 = arith.constant 2147483647 : i32
        %parallel_loop3A_180 = vector.broadcast %parallel_loop3A_179 : i32 to vector<16xi32>
        %parallel_loop3A_181 = arith.xori %parallel_loop3A_175, %parallel_loop3A_180 : vector<16xi32>
        %parallel_loop3A_182 = arith.select %parallel_loop3A_178, %parallel_loop3A_181, %parallel_loop3A_175 : vector<16xi1>, vector<16xi32>
        %parallel_loop3A_183 = vector.bitcast %parallel_loop3A_182 : vector<16xi32> to vector<16xf32>
        %parallel_loop3A_184 = arith.constant 16 : i32
        %parallel_loop3A_185 = arith.muli %parallel_loop3A_164, %parallel_loop3A_184 : i32
        %parallel_loop3A_186 = arith.index_cast %and3A_20 : i32 to index
        %parallel_loop3A_187 = arith.index_cast %parallel_loop3A_185 : i32 to index
        %parallel_loop3A_188 = tpu.vector_load %arg6[%parallel_loop3A_186, %parallel_loop3A_187] {strides = array<i32>} : memref<2x32768xf32, #tpu.memory_space<vmem>>, vector<16xf32>,
        tpu.vector_store %arg6[%parallel_loop3A_186, %parallel_loop3A_187], %parallel_loop3A_183 {strides = array<i32>} : memref<2x32768xf32, #tpu.memory_space<vmem>>, vector<16xf32>,
        %parallel_loop3A_189 = arith.constant 22 : i32
        %parallel_loop3A_190 = vector.broadcast %parallel_loop3A_189 : i32 to vector<16xi32>
        %parallel_loop3A_191 = arith.shrsi %parallel_loop3A_182, %parallel_loop3A_190 : vector<16xi32>
        %parallel_loop3A_192 = arith.constant 512 : i32
        %parallel_loop3A_193 = vector.broadcast %parallel_loop3A_192 : i32 to vector<16xi32>
        %parallel_loop3A_194 = arith.addi %parallel_loop3A_191, %parallel_loop3A_193 : vector<16xi32>
        tpu.vector_store_idx %arg7[%iota3A, %parallel_loop3A_194], %broadcast_in_dim3A_1 {add = true} : memref<16x1024xi32, #tpu.memory_space<vmem>>[vector<16xi32>, vector<16xi32>], vector<16xi32>,
      } {sc.loop_unroll_factor = 8 : i64, sc.parallel_access}
      %parallel_loop3A_39 = arith.constant 0 : i32
      %parallel_loop3A_40 = arith.constant 64 : i32
      %parallel_loop3A_41 = arith.constant 1 : i32
      %parallel_loop3A_42 = arith.constant 0 : i32
      %parallel_loop3A_43 = arith.constant -1 : i32
      %parallel_loop3A_44:2 = scf.for %parallel_loop3A_164 = %parallel_loop3A_39 to %parallel_loop3A_40 step %parallel_loop3A_41 iter_args(%parallel_loop3A_165 = %parallel_loop3A_42, %parallel_loop3A_166 = %parallel_loop3A_43) -> (i32, i32)  : i32 {
        %parallel_loop3A_167 = arith.constant 63 : i32
        %parallel_loop3A_168 = arith.subi %parallel_loop3A_167, %parallel_loop3A_164 : i32
        %parallel_loop3A_169 = arith.constant 16 : i32
        %parallel_loop3A_170 = arith.muli %parallel_loop3A_168, %parallel_loop3A_169 : i32
        %parallel_loop3A_171 = arith.constant 0 : i32
        %parallel_loop3A_172 = arith.index_cast %parallel_loop3A_171 : i32 to index
        %parallel_loop3A_173 = arith.index_cast %parallel_loop3A_170 : i32 to index
        %parallel_loop3A_174 = tpu.vector_load %arg7[%parallel_loop3A_172, %parallel_loop3A_173] {strides = array<i32>} : memref<16x1024xi32, #tpu.memory_space<vmem>>, vector<16xi32>,
        %parallel_loop3A_175 = arith.constant 1 : i32
        %parallel_loop3A_176 = arith.index_cast %parallel_loop3A_175 : i32 to index
        %parallel_loop3A_177 = arith.index_cast %parallel_loop3A_170 : i32 to index
        %parallel_loop3A_178 = tpu.vector_load %arg7[%parallel_loop3A_176, %parallel_loop3A_177] {strides = array<i32>} : memref<16x1024xi32, #tpu.memory_space<vmem>>, vector<16xi32>,
        %parallel_loop3A_179 = arith.addi %parallel_loop3A_174, %parallel_loop3A_178 : vector<16xi32>
        %parallel_loop3A_180 = arith.constant 2 : i32
        %parallel_loop3A_181 = arith.index_cast %parallel_loop3A_180 : i32 to index
        %parallel_loop3A_182 = arith.index_cast %parallel_loop3A_170 : i32 to index
        %parallel_loop3A_183 = tpu.vector_load %arg7[%parallel_loop3A_181, %parallel_loop3A_182] {strides = array<i32>} : memref<16x1024xi32, #tpu.memory_space<vmem>>, vector<16xi32>,
        %parallel_loop3A_184 = arith.addi %parallel_loop3A_179, %parallel_loop3A_183 : vector<16xi32>
        %parallel_loop3A_185 = arith.constant 3 : i32
        %parallel_loop3A_186 = arith.index_cast %parallel_loop3A_185 : i32 to index
        %parallel_loop3A_187 = arith.index_cast %parallel_loop3A_170 : i32 to index
        %parallel_loop3A_188 = tpu.vector_load %arg7[%parallel_loop3A_186, %parallel_loop3A_187] {strides = array<i32>} : memref<16x1024xi32, #tpu.memory_space<vmem>>, vector<16xi32>,
        %parallel_loop3A_189 = arith.addi %parallel_loop3A_184, %parallel_loop3A_188 : vector<16xi32>
        %parallel_loop3A_190 = arith.constant 4 : i32
        %parallel_loop3A_191 = arith.index_cast %parallel_loop3A_190 : i32 to index
        %parallel_loop3A_192 = arith.index_cast %parallel_loop3A_170 : i32 to index
        %parallel_loop3A_193 = tpu.vector_load %arg7[%parallel_loop3A_191, %parallel_loop3A_192] {strides = array<i32>} : memref<16x1024xi32, #tpu.memory_space<vmem>>, vector<16xi32>,
        %parallel_loop3A_194 = arith.addi %parallel_loop3A_189, %parallel_loop3A_193 : vector<16xi32>
        %parallel_loop3A_195 = arith.constant 5 : i32
        %parallel_loop3A_196 = arith.index_cast %parallel_loop3A_195 : i32 to index
        %parallel_loop3A_197 = arith.index_cast %parallel_loop3A_170 : i32 to index
        %parallel_loop3A_198 = tpu.vector_load %arg7[%parallel_loop3A_196, %parallel_loop3A_197] {strides = array<i32>} : memref<16x1024xi32, #tpu.memory_space<vmem>>, vector<16xi32>,
        %parallel_loop3A_199 = arith.addi %parallel_loop3A_194, %parallel_loop3A_198 : vector<16xi32>
        %parallel_loop3A_200 = arith.constant 6 : i32
        %parallel_loop3A_201 = arith.index_cast %parallel_loop3A_200 : i32 to index
        %parallel_loop3A_202 = arith.index_cast %parallel_loop3A_170 : i32 to index
        %parallel_loop3A_203 = tpu.vector_load %arg7[%parallel_loop3A_201, %parallel_loop3A_202] {strides = array<i32>} : memref<16x1024xi32, #tpu.memory_space<vmem>>, vector<16xi32>,
        %parallel_loop3A_204 = arith.addi %parallel_loop3A_199, %parallel_loop3A_203 : vector<16xi32>
        %parallel_loop3A_205 = arith.constant 7 : i32
        %parallel_loop3A_206 = arith.index_cast %parallel_loop3A_205 : i32 to index
        %parallel_loop3A_207 = arith.index_cast %parallel_loop3A_170 : i32 to index
        %parallel_loop3A_208 = tpu.vector_load %arg7[%parallel_loop3A_206, %parallel_loop3A_207] {strides = array<i32>} : memref<16x1024xi32, #tpu.memory_space<vmem>>, vector<16xi32>,
        %parallel_loop3A_209 = arith.addi %parallel_loop3A_204, %parallel_loop3A_208 : vector<16xi32>
        %parallel_loop3A_210 = arith.constant 8 : i32
        %parallel_loop3A_211 = arith.index_cast %parallel_loop3A_210 : i32 to index
        %parallel_loop3A_212 = arith.index_cast %parallel_loop3A_170 : i32 to index
        %parallel_loop3A_213 = tpu.vector_load %arg7[%parallel_loop3A_211, %parallel_loop3A_212] {strides = array<i32>} : memref<16x1024xi32, #tpu.memory_space<vmem>>, vector<16xi32>,
        %parallel_loop3A_214 = arith.addi %parallel_loop3A_209, %parallel_loop3A_213 : vector<16xi32>
        %parallel_loop3A_215 = arith.constant 9 : i32
        %parallel_loop3A_216 = arith.index_cast %parallel_loop3A_215 : i32 to index
        %parallel_loop3A_217 = arith.index_cast %parallel_loop3A_170 : i32 to index
        %parallel_loop3A_218 = tpu.vector_load %arg7[%parallel_loop3A_216, %parallel_loop3A_217] {strides = array<i32>} : memref<16x1024xi32, #tpu.memory_space<vmem>>, vector<16xi32>,
        %parallel_loop3A_219 = arith.addi %parallel_loop3A_214, %parallel_loop3A_218 : vector<16xi32>
        %parallel_loop3A_220 = arith.constant 10 : i32
        %parallel_loop3A_221 = arith.index_cast %parallel_loop3A_220 : i32 to index
        %parallel_loop3A_222 = arith.index_cast %parallel_loop3A_170 : i32 to index
        %parallel_loop3A_223 = tpu.vector_load %arg7[%parallel_loop3A_221, %parallel_loop3A_222] {strides = array<i32>} : memref<16x1024xi32, #tpu.memory_space<vmem>>, vector<16xi32>,
        %parallel_loop3A_224 = arith.addi %parallel_loop3A_219, %parallel_loop3A_223 : vector<16xi32>
        %parallel_loop3A_225 = arith.constant 11 : i32
        %parallel_loop3A_226 = arith.index_cast %parallel_loop3A_225 : i32 to index
        %parallel_loop3A_227 = arith.index_cast %parallel_loop3A_170 : i32 to index
        %parallel_loop3A_228 = tpu.vector_load %arg7[%parallel_loop3A_226, %parallel_loop3A_227] {strides = array<i32>} : memref<16x1024xi32, #tpu.memory_space<vmem>>, vector<16xi32>,
        %parallel_loop3A_229 = arith.addi %parallel_loop3A_224, %parallel_loop3A_228 : vector<16xi32>
        %parallel_loop3A_230 = arith.constant 12 : i32
        %parallel_loop3A_231 = arith.index_cast %parallel_loop3A_230 : i32 to index
        %parallel_loop3A_232 = arith.index_cast %parallel_loop3A_170 : i32 to index
        %parallel_loop3A_233 = tpu.vector_load %arg7[%parallel_loop3A_231, %parallel_loop3A_232] {strides = array<i32>} : memref<16x1024xi32, #tpu.memory_space<vmem>>, vector<16xi32>,
        %parallel_loop3A_234 = arith.addi %parallel_loop3A_229, %parallel_loop3A_233 : vector<16xi32>
        %parallel_loop3A_235 = arith.constant 13 : i32
        %parallel_loop3A_236 = arith.index_cast %parallel_loop3A_235 : i32 to index
        %parallel_loop3A_237 = arith.index_cast %parallel_loop3A_170 : i32 to index
        %parallel_loop3A_238 = tpu.vector_load %arg7[%parallel_loop3A_236, %parallel_loop3A_237] {strides = array<i32>} : memref<16x1024xi32, #tpu.memory_space<vmem>>, vector<16xi32>,
        %parallel_loop3A_239 = arith.addi %parallel_loop3A_234, %parallel_loop3A_238 : vector<16xi32>
        %parallel_loop3A_240 = arith.constant 14 : i32
        %parallel_loop3A_241 = arith.index_cast %parallel_loop3A_240 : i32 to index
        %parallel_loop3A_242 = arith.index_cast %parallel_loop3A_170 : i32 to index
        %parallel_loop3A_243 = tpu.vector_load %arg7[%parallel_loop3A_241, %parallel_loop3A_242] {strides = array<i32>} : memref<16x1024xi32, #tpu.memory_space<vmem>>, vector<16xi32>,
        %parallel_loop3A_244 = arith.addi %parallel_loop3A_239, %parallel_loop3A_243 : vector<16xi32>
        %parallel_loop3A_245 = arith.constant 15 : i32
        %parallel_loop3A_246 = arith.index_cast %parallel_loop3A_245 : i32 to index
        %parallel_loop3A_247 = arith.index_cast %parallel_loop3A_170 : i32 to index
        %parallel_loop3A_248 = tpu.vector_load %arg7[%parallel_loop3A_246, %parallel_loop3A_247] {strides = array<i32>} : memref<16x1024xi32, #tpu.memory_space<vmem>>, vector<16xi32>,
        %parallel_loop3A_249 = arith.addi %parallel_loop3A_244, %parallel_loop3A_248 : vector<16xi32>
        %parallel_loop3A_250 = arith.constant 15 : i32
        %parallel_loop3A_251 = vector.broadcast %parallel_loop3A_250 : i32 to vector<16xi32>
        %parallel_loop3A_252 = tpu.iota {dimensions = array<i32: 0>} : vector<16xi32>
        %parallel_loop3A_253 = arith.subi %parallel_loop3A_251, %parallel_loop3A_252 : vector<16xi32>
        %parallel_loop3A_254 = tpu.dynamic_gather %parallel_loop3A_249[%parallel_loop3A_253] in [0] : vector<16xi32>, vector<16xi32> -> vector<16xi32>
        %parallel_loop3A_255 = arith.constant true
        %parallel_loop3A_256 = vector.broadcast %parallel_loop3A_255 : i1 to vector<16xi1>
        %parallel_loop3A_257 = tpu.scan <sum>, %parallel_loop3A_254 masked %parallel_loop3A_256 : vector<16xi32>, vector<16xi1> -> vector<16xi32>
        %parallel_loop3A_258 = arith.constant 15 : i32
        %parallel_loop3A_259 = vector.broadcast %parallel_loop3A_258 : i32 to vector<16xi32>
        %parallel_loop3A_260 = tpu.iota {dimensions = array<i32: 0>} : vector<16xi32>
        %parallel_loop3A_261 = arith.subi %parallel_loop3A_259, %parallel_loop3A_260 : vector<16xi32>
        %parallel_loop3A_262 = tpu.dynamic_gather %parallel_loop3A_257[%parallel_loop3A_261] in [0] : vector<16xi32>, vector<16xi32> -> vector<16xi32>
        %parallel_loop3A_263 = vector.broadcast %parallel_loop3A_165 : i32 to vector<16xi32>
        %parallel_loop3A_264 = arith.addi %parallel_loop3A_263, %parallel_loop3A_262 : vector<16xi32>
        %parallel_loop3A_265 = arith.constant 1024 : i32
        %parallel_loop3A_266 = vector.broadcast %parallel_loop3A_265 : i32 to vector<16xi32>
        %parallel_loop3A_267 = arith.cmpi sge, %parallel_loop3A_264, %parallel_loop3A_266 : vector<16xi32>
        %parallel_loop3A_268 = arith.extui %parallel_loop3A_267 : vector<16xi1> to vector<16xi32>
        %parallel_loop3A_269 = arith.constant true
        %parallel_loop3A_270 = vector.broadcast %parallel_loop3A_269 : i1 to vector<16xi1>
        %parallel_loop3A_271 = tpu.scan <sum>, %parallel_loop3A_268 masked %parallel_loop3A_270 : vector<16xi32>, vector<16xi1> -> vector<16xi32>
        %parallel_loop3A_272 = vector.extract %parallel_loop3A_271[15] : i32 from vector<16xi32>
        %parallel_loop3A_273 = arith.addi %parallel_loop3A_170, %parallel_loop3A_272 : i32
        %parallel_loop3A_274 = arith.constant 1 : i32
        %parallel_loop3A_275 = arith.subi %parallel_loop3A_273, %parallel_loop3A_274 : i32
        %parallel_loop3A_276 = arith.constant 0 : i32
        %parallel_loop3A_277 = arith.cmpi slt, %parallel_loop3A_166, %parallel_loop3A_276 : i32
        %parallel_loop3A_278 = arith.constant 0 : i32
        %parallel_loop3A_279 = arith.cmpi sgt, %parallel_loop3A_272, %parallel_loop3A_278 : i32
        %parallel_loop3A_280 = arith.andi %parallel_loop3A_277, %parallel_loop3A_279 : i1
        %parallel_loop3A_281 = arith.select %parallel_loop3A_280, %parallel_loop3A_275, %parallel_loop3A_166 : i32
        %parallel_loop3A_282 = arith.constant true
        %parallel_loop3A_283 = vector.broadcast %parallel_loop3A_282 : i1 to vector<16xi1>
        %parallel_loop3A_284 = tpu.scan <sum>, %parallel_loop3A_249 masked %parallel_loop3A_283 : vector<16xi32>, vector<16xi1> -> vector<16xi32>
        %parallel_loop3A_285 = vector.extract %parallel_loop3A_284[15] : i32 from vector<16xi32>
        %parallel_loop3A_286 = arith.addi %parallel_loop3A_165, %parallel_loop3A_285 : i32
        scf.yield %parallel_loop3A_286, %parallel_loop3A_281 : i32, i32
      } {sc.loop_unroll_factor = 1 : i64, sc.parallel_access}
      %parallel_loop3A_45 = arith.constant 0 : i32
      %parallel_loop3A_46 = arith.constant 128 : i32
      %parallel_loop3A_47 = arith.constant 1 : i32
      scf.for %parallel_loop3A_164 = %parallel_loop3A_45 to %parallel_loop3A_46 step %parallel_loop3A_47  : i32 {
        %parallel_loop3A_165 = arith.constant -2147483648 : i32
        %parallel_loop3A_166 = vector.broadcast %parallel_loop3A_165 : i32 to vector<16xi32>
        %parallel_loop3A_167 = arith.constant 16 : i32
        %parallel_loop3A_168 = arith.muli %parallel_loop3A_164, %parallel_loop3A_167 : i32
        %parallel_loop3A_169 = arith.index_cast %parallel_loop3A_168 : i32 to index
        %parallel_loop3A_170 = tpu.vector_load %arg8[%parallel_loop3A_169] {strides = array<i32>} : memref<2048xi32, #tpu.memory_space<vmem>>, vector<16xi32>,
        tpu.vector_store %arg8[%parallel_loop3A_169], %parallel_loop3A_166 {strides = array<i32>} : memref<2048xi32, #tpu.memory_space<vmem>>, vector<16xi32>,
      } {sc.loop_unroll_factor = 4 : i64, sc.parallel_access}
      %parallel_loop3A_48 = arith.constant 0 : i32
      %parallel_loop3A_49 = arith.constant 2048 : i32
      %parallel_loop3A_50 = arith.constant 1 : i32
      %parallel_loop3A_51 = arith.constant 0 : i32
      %parallel_loop3A_52 = scf.for %parallel_loop3A_164 = %parallel_loop3A_48 to %parallel_loop3A_49 step %parallel_loop3A_50 iter_args(%parallel_loop3A_165 = %parallel_loop3A_51) -> (i32)  : i32 {
        %parallel_loop3A_166 = arith.constant 16 : i32
        %parallel_loop3A_167 = arith.muli %parallel_loop3A_164, %parallel_loop3A_166 : i32
        %parallel_loop3A_168 = arith.index_cast %and3A_20 : i32 to index
        %parallel_loop3A_169 = arith.index_cast %parallel_loop3A_167 : i32 to index
        %parallel_loop3A_170 = tpu.vector_load %arg6[%parallel_loop3A_168, %parallel_loop3A_169] {strides = array<i32>} : memref<2x32768xf32, #tpu.memory_space<vmem>>, vector<16xf32>,
        %parallel_loop3A_171 = vector.bitcast %parallel_loop3A_170 : vector<16xf32> to vector<16xi32>
        %parallel_loop3A_172 = arith.constant 22 : i32
        %parallel_loop3A_173 = vector.broadcast %parallel_loop3A_172 : i32 to vector<16xi32>
        %parallel_loop3A_174 = arith.shrsi %parallel_loop3A_171, %parallel_loop3A_173 : vector<16xi32>
        %parallel_loop3A_175 = arith.constant 512 : i32
        %parallel_loop3A_176 = vector.broadcast %parallel_loop3A_175 : i32 to vector<16xi32>
        %parallel_loop3A_177 = arith.addi %parallel_loop3A_174, %parallel_loop3A_176 : vector<16xi32>
        %parallel_loop3A_178 = vector.broadcast %parallel_loop3A_44#1 : i32 to vector<16xi32>
        %parallel_loop3A_179 = arith.cmpi sge, %parallel_loop3A_177, %parallel_loop3A_178 : vector<16xi32>
        %parallel_loop3A_180 = arith.extui %parallel_loop3A_179 : vector<16xi1> to vector<16xi32>
        %parallel_loop3A_181 = arith.constant true
        %parallel_loop3A_182 = vector.broadcast %parallel_loop3A_181 : i1 to vector<16xi1>
        %parallel_loop3A_183 = tpu.scan <sum>, %parallel_loop3A_180 masked %parallel_loop3A_182 : vector<16xi32>, vector<16xi1> -> vector<16xi32>
        %parallel_loop3A_184 = vector.broadcast %parallel_loop3A_165 : i32 to vector<16xi32>
        %parallel_loop3A_185 = arith.addi %parallel_loop3A_184, %parallel_loop3A_183 : vector<16xi32>
        %parallel_loop3A_186 = arith.subi %parallel_loop3A_185, %parallel_loop3A_180 : vector<16xi32>
        %parallel_loop3A_187 = arith.constant 2048 : i32
        %parallel_loop3A_188 = vector.broadcast %parallel_loop3A_187 : i32 to vector<16xi32>
        %parallel_loop3A_189 = arith.cmpi slt, %parallel_loop3A_186, %parallel_loop3A_188 : vector<16xi32>
        %parallel_loop3A_190 = arith.andi %parallel_loop3A_179, %parallel_loop3A_189 : vector<16xi1>
        %parallel_loop3A_191 = arith.constant 2047 : i32
        %parallel_loop3A_192 = vector.broadcast %parallel_loop3A_191 : i32 to vector<16xi32>
        %parallel_loop3A_193 = arith.minsi %parallel_loop3A_186, %parallel_loop3A_192 : vector<16xi32>
        tpu.vector_store_idx %arg8[%parallel_loop3A_193], %parallel_loop3A_171 masked %parallel_loop3A_190 : memref<2048xi32, #tpu.memory_space<vmem>>[vector<16xi32>], vector<16xi32>, vector<16xi1>
        %parallel_loop3A_194 = arith.constant true
        %parallel_loop3A_195 = vector.broadcast %parallel_loop3A_194 : i1 to vector<16xi1>
        %parallel_loop3A_196 = arith.constant -2147483648 : i32
        %parallel_loop3A_197 = vector.broadcast %parallel_loop3A_196 : i32 to vector<16xi32>
        %parallel_loop3A_198 = arith.xori %parallel_loop3A_183, %parallel_loop3A_197 : vector<16xi32>
        %parallel_loop3A_199 = tpu.scan <max>, %parallel_loop3A_198 masked %parallel_loop3A_195 : vector<16xi32>, vector<16xi1> -> vector<16xi32>
        %parallel_loop3A_200 = arith.xori %parallel_loop3A_199, %parallel_loop3A_197 : vector<16xi32>
        %parallel_loop3A_201 = vector.extract %parallel_loop3A_200[15] : i32 from vector<16xi32>
        %parallel_loop3A_202 = arith.addi %parallel_loop3A_165, %parallel_loop3A_201 : i32
        scf.yield %parallel_loop3A_202 : i32
      } {sc.loop_unroll_factor = 8 : i64, sc.parallel_access}
      %parallel_loop3A_53 = arith.constant 0 : i32
      %parallel_loop3A_54 = arith.constant 128 : i32
      %parallel_loop3A_55 = arith.constant 1 : i32
      scf.for %parallel_loop3A_164 = %parallel_loop3A_53 to %parallel_loop3A_54 step %parallel_loop3A_55  : i32 {
        %parallel_loop3A_165 = arith.constant 16 : i32
        %parallel_loop3A_166 = arith.muli %parallel_loop3A_164, %parallel_loop3A_165 : i32
        %parallel_loop3A_167 = arith.index_cast %parallel_loop3A_166 : i32 to index
        %parallel_loop3A_168 = tpu.vector_load %arg8[%parallel_loop3A_167] {strides = array<i32>} : memref<2048xi32, #tpu.memory_space<vmem>>, vector<16xi32>,
        %parallel_loop3A_169 = arith.constant 1 : i32
        %parallel_loop3A_170 = arith.andi %parallel_loop3A_164, %parallel_loop3A_169 : i32
        %parallel_loop3A_171 = arith.constant 0 : i32
        %parallel_loop3A_172 = arith.cmpi eq, %parallel_loop3A_170, %parallel_loop3A_171 : i32
        %parallel_loop3A_173 = arith.constant -2147483648 : i32
        %parallel_loop3A_174 = vector.broadcast %parallel_loop3A_173 : i32 to vector<16xi32>
        %parallel_loop3A_175 = arith.xori %parallel_loop3A_168, %parallel_loop3A_174 : vector<16xi32>
        %parallel_loop3A_176 = arith.constant dense<true> : vector<16xi1>
        %parallel_loop3A_177, %parallel_loop3A_178, %parallel_loop3A_179 = tpu.sort %parallel_loop3A_175, %parallel_loop3A_175 masked %parallel_loop3A_176 : (vector<16xi32>, vector<16xi32>, vector<16xi1>) -> (vector<16xi1>, vector<16xi32>, vector<16xi32>)
        %parallel_loop3A_180 = arith.constant -2147483648 : i32
        %parallel_loop3A_181 = vector.broadcast %parallel_loop3A_180 : i32 to vector<16xi32>
        %parallel_loop3A_182 = arith.xori %parallel_loop3A_178, %parallel_loop3A_181 : vector<16xi32>
        %parallel_loop3A_183 = arith.constant 15 : i32
        %parallel_loop3A_184 = vector.broadcast %parallel_loop3A_183 : i32 to vector<16xi32>
        %parallel_loop3A_185 = tpu.iota {dimensions = array<i32: 0>} : vector<16xi32>
        %parallel_loop3A_186 = arith.subi %parallel_loop3A_184, %parallel_loop3A_185 : vector<16xi32>
        %parallel_loop3A_187 = tpu.dynamic_gather %parallel_loop3A_182[%parallel_loop3A_186] in [0] : vector<16xi32>, vector<16xi32> -> vector<16xi32>
        %parallel_loop3A_188 = vector.broadcast %parallel_loop3A_172 : i1 to vector<16xi1>
        %parallel_loop3A_189 = arith.select %parallel_loop3A_188, %parallel_loop3A_187, %parallel_loop3A_182 : vector<16xi1>, vector<16xi32>
        %parallel_loop3A_190 = arith.constant 16 : i32
        %parallel_loop3A_191 = arith.muli %parallel_loop3A_164, %parallel_loop3A_190 : i32
        %parallel_loop3A_192 = arith.index_cast %parallel_loop3A_191 : i32 to index
        %parallel_loop3A_193 = tpu.vector_load %arg8[%parallel_loop3A_192] {strides = array<i32>} : memref<2048xi32, #tpu.memory_space<vmem>>, vector<16xi32>,
        tpu.vector_store %arg8[%parallel_loop3A_192], %parallel_loop3A_189 {strides = array<i32>} : memref<2048xi32, #tpu.memory_space<vmem>>, vector<16xi32>,
      } {sc.loop_unroll_factor = 4 : i64, sc.parallel_access}
      %parallel_loop3A_56 = arith.constant 0 : i32
      %parallel_loop3A_57 = arith.constant 64 : i32
      %parallel_loop3A_58 = arith.constant 1 : i32
      scf.for %parallel_loop3A_164 = %parallel_loop3A_56 to %parallel_loop3A_57 step %parallel_loop3A_58  : i32 {
        %parallel_loop3A_165 = arith.constant 0 : i32
        %parallel_loop3A_166 = arith.andi %parallel_loop3A_164, %parallel_loop3A_165 : i32
        %parallel_loop3A_167 = arith.constant 0 : i32
        %parallel_loop3A_168 = arith.shrsi %parallel_loop3A_164, %parallel_loop3A_167 : i32
        %parallel_loop3A_169 = arith.constant 1 : i32
        %parallel_loop3A_170 = arith.shli %parallel_loop3A_168, %parallel_loop3A_169 : i32
        %parallel_loop3A_171 = arith.ori %parallel_loop3A_170, %parallel_loop3A_166 : i32
        %parallel_loop3A_172 = arith.constant 1 : i32
        %parallel_loop3A_173 = arith.addi %parallel_loop3A_171, %parallel_loop3A_172 : i32
        %parallel_loop3A_174 = arith.constant 16 : i32
        %parallel_loop3A_175 = arith.muli %parallel_loop3A_171, %parallel_loop3A_174 : i32
        %parallel_loop3A_176 = arith.index_cast %parallel_loop3A_175 : i32 to index
        %parallel_loop3A_177 = tpu.vector_load %arg8[%parallel_loop3A_176] {strides = array<i32>} : memref<2048xi32, #tpu.memory_space<vmem>>, vector<16xi32>,
        %parallel_loop3A_178 = arith.constant 16 : i32
        %parallel_loop3A_179 = arith.muli %parallel_loop3A_173, %parallel_loop3A_178 : i32
        %parallel_loop3A_180 = arith.index_cast %parallel_loop3A_179 : i32 to index
        %parallel_loop3A_181 = tpu.vector_load %arg8[%parallel_loop3A_180] {strides = array<i32>} : memref<2048xi32, #tpu.memory_space<vmem>>, vector<16xi32>,
        %parallel_loop3A_182 = arith.minsi %parallel_loop3A_177, %parallel_loop3A_181 : vector<16xi32>
        %parallel_loop3A_183 = arith.maxsi %parallel_loop3A_177, %parallel_loop3A_181 : vector<16xi32>
        %parallel_loop3A_184 = arith.constant 2 : i32
        %parallel_loop3A_185 = arith.andi %parallel_loop3A_171, %parallel_loop3A_184 : i32
        %parallel_loop3A_186 = arith.constant 0 : i32
        %parallel_loop3A_187 = arith.cmpi eq, %parallel_loop3A_185, %parallel_loop3A_186 : i32
        %parallel_loop3A_188 = vector.broadcast %parallel_loop3A_187 : i1 to vector<16xi1>
        %parallel_loop3A_189 = arith.select %parallel_loop3A_188, %parallel_loop3A_183, %parallel_loop3A_182 : vector<16xi1>, vector<16xi32>
        %parallel_loop3A_190 = arith.constant 16 : i32
        %parallel_loop3A_191 = arith.muli %parallel_loop3A_171, %parallel_loop3A_190 : i32
        %parallel_loop3A_192 = arith.index_cast %parallel_loop3A_191 : i32 to index
        %parallel_loop3A_193 = tpu.vector_load %arg8[%parallel_loop3A_192] {strides = array<i32>} : memref<2048xi32, #tpu.memory_space<vmem>>, vector<16xi32>,
        tpu.vector_store %arg8[%parallel_loop3A_192], %parallel_loop3A_189 {strides = array<i32>} : memref<2048xi32, #tpu.memory_space<vmem>>, vector<16xi32>,
        %parallel_loop3A_194 = arith.select %parallel_loop3A_188, %parallel_loop3A_182, %parallel_loop3A_183 : vector<16xi1>, vector<16xi32>
        %parallel_loop3A_195 = arith.constant 16 : i32
        %parallel_loop3A_196 = arith.muli %parallel_loop3A_173, %parallel_loop3A_195 : i32
        %parallel_loop3A_197 = arith.index_cast %parallel_loop3A_196 : i32 to index
        %parallel_loop3A_198 = tpu.vector_load %arg8[%parallel_loop3A_197] {strides = array<i32>} : memref<2048xi32, #tpu.memory_space<vmem>>, vector<16xi32>,
        tpu.vector_store %arg8[%parallel_loop3A_197], %parallel_loop3A_194 {strides = array<i32>} : memref<2048xi32, #tpu.memory_space<vmem>>, vector<16xi32>,
      } {sc.loop_unroll_factor = 4 : i64, sc.parallel_access}
      %parallel_loop3A_59 = arith.constant 0 : i32
      %parallel_loop3A_60 = arith.constant 128 : i32
      %parallel_loop3A_61 = arith.constant 1 : i32
      scf.for %parallel_loop3A_164 = %parallel_loop3A_59 to %parallel_loop3A_60 step %parallel_loop3A_61  : i32 {
        %parallel_loop3A_165 = arith.constant 16 : i32
        %parallel_loop3A_166 = arith.muli %parallel_loop3A_164, %parallel_loop3A_165 : i32
        %parallel_loop3A_167 = arith.index_cast %parallel_loop3A_166 : i32 to index
        %parallel_loop3A_168 = tpu.vector_load %arg8[%parallel_loop3A_167] {strides = array<i32>} : memref<2048xi32, #tpu.memory_space<vmem>>, vector<16xi32>,
        %parallel_loop3A_169 = arith.constant 2 : i32
        %parallel_loop3A_170 = arith.andi %parallel_loop3A_164, %parallel_loop3A_169 : i32
        %parallel_loop3A_171 = arith.constant 0 : i32
        %parallel_loop3A_172 = arith.cmpi eq, %parallel_loop3A_170, %parallel_loop3A_171 : i32
        %parallel_loop3A_173 = arith.constant -2147483648 : i32
        %parallel_loop3A_174 = vector.broadcast %parallel_loop3A_173 : i32 to vector<16xi32>
        %parallel_loop3A_175 = arith.xori %parallel_loop3A_168, %parallel_loop3A_174 : vector<16xi32>
        %parallel_loop3A_176 = arith.constant dense<true> : vector<16xi1>
        %parallel_loop3A_177, %parallel_loop3A_178, %parallel_loop3A_179 = tpu.sort %parallel_loop3A_175, %parallel_loop3A_175 masked %parallel_loop3A_176 : (vector<16xi32>, vector<16xi32>, vector<16xi1>) -> (vector<16xi1>, vector<16xi32>, vector<16xi32>)
        %parallel_loop3A_180 = arith.constant -2147483648 : i32
        %parallel_loop3A_181 = vector.broadcast %parallel_loop3A_180 : i32 to vector<16xi32>
        %parallel_loop3A_182 = arith.xori %parallel_loop3A_178, %parallel_loop3A_181 : vector<16xi32>
        %parallel_loop3A_183 = arith.constant 15 : i32
        %parallel_loop3A_184 = vector.broadcast %parallel_loop3A_183 : i32 to vector<16xi32>
        %parallel_loop3A_185 = tpu.iota {dimensions = array<i32: 0>} : vector<16xi32>
        %parallel_loop3A_186 = arith.subi %parallel_loop3A_184, %parallel_loop3A_185 : vector<16xi32>
        %parallel_loop3A_187 = tpu.dynamic_gather %parallel_loop3A_182[%parallel_loop3A_186] in [0] : vector<16xi32>, vector<16xi32> -> vector<16xi32>
        %parallel_loop3A_188 = vector.broadcast %parallel_loop3A_172 : i1 to vector<16xi1>
        %parallel_loop3A_189 = arith.select %parallel_loop3A_188, %parallel_loop3A_187, %parallel_loop3A_182 : vector<16xi1>, vector<16xi32>
        %parallel_loop3A_190 = arith.constant 16 : i32
        %parallel_loop3A_191 = arith.muli %parallel_loop3A_164, %parallel_loop3A_190 : i32
        %parallel_loop3A_192 = arith.index_cast %parallel_loop3A_191 : i32 to index
        %parallel_loop3A_193 = tpu.vector_load %arg8[%parallel_loop3A_192] {strides = array<i32>} : memref<2048xi32, #tpu.memory_space<vmem>>, vector<16xi32>,
        tpu.vector_store %arg8[%parallel_loop3A_192], %parallel_loop3A_189 {strides = array<i32>} : memref<2048xi32, #tpu.memory_space<vmem>>, vector<16xi32>,
      } {sc.loop_unroll_factor = 4 : i64, sc.parallel_access}
      %parallel_loop3A_62 = arith.constant 0 : i32
      %parallel_loop3A_63 = arith.constant 64 : i32
      %parallel_loop3A_64 = arith.constant 1 : i32
      scf.for %parallel_loop3A_164 = %parallel_loop3A_62 to %parallel_loop3A_63 step %parallel_loop3A_64  : i32 {
        %parallel_loop3A_165 = arith.constant 1 : i32
        %parallel_loop3A_166 = arith.andi %parallel_loop3A_164, %parallel_loop3A_165 : i32
        %parallel_loop3A_167 = arith.constant 1 : i32
        %parallel_loop3A_168 = arith.shrsi %parallel_loop3A_164, %parallel_loop3A_167 : i32
        %parallel_loop3A_169 = arith.constant 2 : i32
        %parallel_loop3A_170 = arith.shli %parallel_loop3A_168, %parallel_loop3A_169 : i32
        %parallel_loop3A_171 = arith.ori %parallel_loop3A_170, %parallel_loop3A_166 : i32
        %parallel_loop3A_172 = arith.constant 2 : i32
        %parallel_loop3A_173 = arith.addi %parallel_loop3A_171, %parallel_loop3A_172 : i32
        %parallel_loop3A_174 = arith.constant 16 : i32
        %parallel_loop3A_175 = arith.muli %parallel_loop3A_171, %parallel_loop3A_174 : i32
        %parallel_loop3A_176 = arith.index_cast %parallel_loop3A_175 : i32 to index
        %parallel_loop3A_177 = tpu.vector_load %arg8[%parallel_loop3A_176] {strides = array<i32>} : memref<2048xi32, #tpu.memory_space<vmem>>, vector<16xi32>,
        %parallel_loop3A_178 = arith.constant 16 : i32
        %parallel_loop3A_179 = arith.muli %parallel_loop3A_173, %parallel_loop3A_178 : i32
        %parallel_loop3A_180 = arith.index_cast %parallel_loop3A_179 : i32 to index
        %parallel_loop3A_181 = tpu.vector_load %arg8[%parallel_loop3A_180] {strides = array<i32>} : memref<2048xi32, #tpu.memory_space<vmem>>, vector<16xi32>,
        %parallel_loop3A_182 = arith.minsi %parallel_loop3A_177, %parallel_loop3A_181 : vector<16xi32>
        %parallel_loop3A_183 = arith.maxsi %parallel_loop3A_177, %parallel_loop3A_181 : vector<16xi32>
        %parallel_loop3A_184 = arith.constant 4 : i32
        %parallel_loop3A_185 = arith.andi %parallel_loop3A_171, %parallel_loop3A_184 : i32
        %parallel_loop3A_186 = arith.constant 0 : i32
        %parallel_loop3A_187 = arith.cmpi eq, %parallel_loop3A_185, %parallel_loop3A_186 : i32
        %parallel_loop3A_188 = vector.broadcast %parallel_loop3A_187 : i1 to vector<16xi1>
        %parallel_loop3A_189 = arith.select %parallel_loop3A_188, %parallel_loop3A_183, %parallel_loop3A_182 : vector<16xi1>, vector<16xi32>
        %parallel_loop3A_190 = arith.constant 16 : i32
        %parallel_loop3A_191 = arith.muli %parallel_loop3A_171, %parallel_loop3A_190 : i32
        %parallel_loop3A_192 = arith.index_cast %parallel_loop3A_191 : i32 to index
        %parallel_loop3A_193 = tpu.vector_load %arg8[%parallel_loop3A_192] {strides = array<i32>} : memref<2048xi32, #tpu.memory_space<vmem>>, vector<16xi32>,
        tpu.vector_store %arg8[%parallel_loop3A_192], %parallel_loop3A_189 {strides = array<i32>} : memref<2048xi32, #tpu.memory_space<vmem>>, vector<16xi32>,
        %parallel_loop3A_194 = arith.select %parallel_loop3A_188, %parallel_loop3A_182, %parallel_loop3A_183 : vector<16xi1>, vector<16xi32>
        %parallel_loop3A_195 = arith.constant 16 : i32
        %parallel_loop3A_196 = arith.muli %parallel_loop3A_173, %parallel_loop3A_195 : i32
        %parallel_loop3A_197 = arith.index_cast %parallel_loop3A_196 : i32 to index
        %parallel_loop3A_198 = tpu.vector_load %arg8[%parallel_loop3A_197] {strides = array<i32>} : memref<2048xi32, #tpu.memory_space<vmem>>, vector<16xi32>,
        tpu.vector_store %arg8[%parallel_loop3A_197], %parallel_loop3A_194 {strides = array<i32>} : memref<2048xi32, #tpu.memory_space<vmem>>, vector<16xi32>,
      } {sc.loop_unroll_factor = 4 : i64, sc.parallel_access}
      %parallel_loop3A_65 = arith.constant 0 : i32
      %parallel_loop3A_66 = arith.constant 64 : i32
      %parallel_loop3A_67 = arith.constant 1 : i32
      scf.for %parallel_loop3A_164 = %parallel_loop3A_65 to %parallel_loop3A_66 step %parallel_loop3A_67  : i32 {
        %parallel_loop3A_165 = arith.constant 0 : i32
        %parallel_loop3A_166 = arith.andi %parallel_loop3A_164, %parallel_loop3A_165 : i32
        %parallel_loop3A_167 = arith.constant 0 : i32
        %parallel_loop3A_168 = arith.shrsi %parallel_loop3A_164, %parallel_loop3A_167 : i32
        %parallel_loop3A_169 = arith.constant 1 : i32
        %parallel_loop3A_170 = arith.shli %parallel_loop3A_168, %parallel_loop3A_169 : i32
        %parallel_loop3A_171 = arith.ori %parallel_loop3A_170, %parallel_loop3A_166 : i32
        %parallel_loop3A_172 = arith.constant 1 : i32
        %parallel_loop3A_173 = arith.addi %parallel_loop3A_171, %parallel_loop3A_172 : i32
        %parallel_loop3A_174 = arith.constant 16 : i32
        %parallel_loop3A_175 = arith.muli %parallel_loop3A_171, %parallel_loop3A_174 : i32
        %parallel_loop3A_176 = arith.index_cast %parallel_loop3A_175 : i32 to index
        %parallel_loop3A_177 = tpu.vector_load %arg8[%parallel_loop3A_176] {strides = array<i32>} : memref<2048xi32, #tpu.memory_space<vmem>>, vector<16xi32>,
        %parallel_loop3A_178 = arith.constant 16 : i32
        %parallel_loop3A_179 = arith.muli %parallel_loop3A_173, %parallel_loop3A_178 : i32
        %parallel_loop3A_180 = arith.index_cast %parallel_loop3A_179 : i32 to index
        %parallel_loop3A_181 = tpu.vector_load %arg8[%parallel_loop3A_180] {strides = array<i32>} : memref<2048xi32, #tpu.memory_space<vmem>>, vector<16xi32>,
        %parallel_loop3A_182 = arith.minsi %parallel_loop3A_177, %parallel_loop3A_181 : vector<16xi32>
        %parallel_loop3A_183 = arith.maxsi %parallel_loop3A_177, %parallel_loop3A_181 : vector<16xi32>
        %parallel_loop3A_184 = arith.constant 4 : i32
        %parallel_loop3A_185 = arith.andi %parallel_loop3A_171, %parallel_loop3A_184 : i32
        %parallel_loop3A_186 = arith.constant 0 : i32
        %parallel_loop3A_187 = arith.cmpi eq, %parallel_loop3A_185, %parallel_loop3A_186 : i32
        %parallel_loop3A_188 = vector.broadcast %parallel_loop3A_187 : i1 to vector<16xi1>
        %parallel_loop3A_189 = arith.select %parallel_loop3A_188, %parallel_loop3A_183, %parallel_loop3A_182 : vector<16xi1>, vector<16xi32>
        %parallel_loop3A_190 = arith.constant 16 : i32
        %parallel_loop3A_191 = arith.muli %parallel_loop3A_171, %parallel_loop3A_190 : i32
        %parallel_loop3A_192 = arith.index_cast %parallel_loop3A_191 : i32 to index
        %parallel_loop3A_193 = tpu.vector_load %arg8[%parallel_loop3A_192] {strides = array<i32>} : memref<2048xi32, #tpu.memory_space<vmem>>, vector<16xi32>,
        tpu.vector_store %arg8[%parallel_loop3A_192], %parallel_loop3A_189 {strides = array<i32>} : memref<2048xi32, #tpu.memory_space<vmem>>, vector<16xi32>,
        %parallel_loop3A_194 = arith.select %parallel_loop3A_188, %parallel_loop3A_182, %parallel_loop3A_183 : vector<16xi1>, vector<16xi32>
        %parallel_loop3A_195 = arith.constant 16 : i32
        %parallel_loop3A_196 = arith.muli %parallel_loop3A_173, %parallel_loop3A_195 : i32
        %parallel_loop3A_197 = arith.index_cast %parallel_loop3A_196 : i32 to index
        %parallel_loop3A_198 = tpu.vector_load %arg8[%parallel_loop3A_197] {strides = array<i32>} : memref<2048xi32, #tpu.memory_space<vmem>>, vector<16xi32>,
        tpu.vector_store %arg8[%parallel_loop3A_197], %parallel_loop3A_194 {strides = array<i32>} : memref<2048xi32, #tpu.memory_space<vmem>>, vector<16xi32>,
      } {sc.loop_unroll_factor = 4 : i64, sc.parallel_access}
      %parallel_loop3A_68 = arith.constant 0 : i32
      %parallel_loop3A_69 = arith.constant 128 : i32
      %parallel_loop3A_70 = arith.constant 1 : i32
      scf.for %parallel_loop3A_164 = %parallel_loop3A_68 to %parallel_loop3A_69 step %parallel_loop3A_70  : i32 {
        %parallel_loop3A_165 = arith.constant 16 : i32
        %parallel_loop3A_166 = arith.muli %parallel_loop3A_164, %parallel_loop3A_165 : i32
        %parallel_loop3A_167 = arith.index_cast %parallel_loop3A_166 : i32 to index
        %parallel_loop3A_168 = tpu.vector_load %arg8[%parallel_loop3A_167] {strides = array<i32>} : memref<2048xi32, #tpu.memory_space<vmem>>, vector<16xi32>,
        %parallel_loop3A_169 = arith.constant 4 : i32
        %parallel_loop3A_170 = arith.andi %parallel_loop3A_164, %parallel_loop3A_169 : i32
        %parallel_loop3A_171 = arith.constant 0 : i32
        %parallel_loop3A_172 = arith.cmpi eq, %parallel_loop3A_170, %parallel_loop3A_171 : i32
        %parallel_loop3A_173 = arith.constant -2147483648 : i32
        %parallel_loop3A_174 = vector.broadcast %parallel_loop3A_173 : i32 to vector<16xi32>
        %parallel_loop3A_175 = arith.xori %parallel_loop3A_168, %parallel_loop3A_174 : vector<16xi32>
        %parallel_loop3A_176 = arith.constant dense<true> : vector<16xi1>
        %parallel_loop3A_177, %parallel_loop3A_178, %parallel_loop3A_179 = tpu.sort %parallel_loop3A_175, %parallel_loop3A_175 masked %parallel_loop3A_176 : (vector<16xi32>, vector<16xi32>, vector<16xi1>) -> (vector<16xi1>, vector<16xi32>, vector<16xi32>)
        %parallel_loop3A_180 = arith.constant -2147483648 : i32
        %parallel_loop3A_181 = vector.broadcast %parallel_loop3A_180 : i32 to vector<16xi32>
        %parallel_loop3A_182 = arith.xori %parallel_loop3A_178, %parallel_loop3A_181 : vector<16xi32>
        %parallel_loop3A_183 = arith.constant 15 : i32
        %parallel_loop3A_184 = vector.broadcast %parallel_loop3A_183 : i32 to vector<16xi32>
        %parallel_loop3A_185 = tpu.iota {dimensions = array<i32: 0>} : vector<16xi32>
        %parallel_loop3A_186 = arith.subi %parallel_loop3A_184, %parallel_loop3A_185 : vector<16xi32>
        %parallel_loop3A_187 = tpu.dynamic_gather %parallel_loop3A_182[%parallel_loop3A_186] in [0] : vector<16xi32>, vector<16xi32> -> vector<16xi32>
        %parallel_loop3A_188 = vector.broadcast %parallel_loop3A_172 : i1 to vector<16xi1>
        %parallel_loop3A_189 = arith.select %parallel_loop3A_188, %parallel_loop3A_187, %parallel_loop3A_182 : vector<16xi1>, vector<16xi32>
        %parallel_loop3A_190 = arith.constant 16 : i32
        %parallel_loop3A_191 = arith.muli %parallel_loop3A_164, %parallel_loop3A_190 : i32
        %parallel_loop3A_192 = arith.index_cast %parallel_loop3A_191 : i32 to index
        %parallel_loop3A_193 = tpu.vector_load %arg8[%parallel_loop3A_192] {strides = array<i32>} : memref<2048xi32, #tpu.memory_space<vmem>>, vector<16xi32>,
        tpu.vector_store %arg8[%parallel_loop3A_192], %parallel_loop3A_189 {strides = array<i32>} : memref<2048xi32, #tpu.memory_space<vmem>>, vector<16xi32>,
      } {sc.loop_unroll_factor = 4 : i64, sc.parallel_access}
      %parallel_loop3A_71 = arith.constant 0 : i32
      %parallel_loop3A_72 = arith.constant 64 : i32
      %parallel_loop3A_73 = arith.constant 1 : i32
      scf.for %parallel_loop3A_164 = %parallel_loop3A_71 to %parallel_loop3A_72 step %parallel_loop3A_73  : i32 {
        %parallel_loop3A_165 = arith.constant 3 : i32
        %parallel_loop3A_166 = arith.andi %parallel_loop3A_164, %parallel_loop3A_165 : i32
        %parallel_loop3A_167 = arith.constant 2 : i32
        %parallel_loop3A_168 = arith.shrsi %parallel_loop3A_164, %parallel_loop3A_167 : i32
        %parallel_loop3A_169 = arith.constant 3 : i32
        %parallel_loop3A_170 = arith.shli %parallel_loop3A_168, %parallel_loop3A_169 : i32
        %parallel_loop3A_171 = arith.ori %parallel_loop3A_170, %parallel_loop3A_166 : i32
        %parallel_loop3A_172 = arith.constant 4 : i32
        %parallel_loop3A_173 = arith.addi %parallel_loop3A_171, %parallel_loop3A_172 : i32
        %parallel_loop3A_174 = arith.constant 16 : i32
        %parallel_loop3A_175 = arith.muli %parallel_loop3A_171, %parallel_loop3A_174 : i32
        %parallel_loop3A_176 = arith.index_cast %parallel_loop3A_175 : i32 to index
        %parallel_loop3A_177 = tpu.vector_load %arg8[%parallel_loop3A_176] {strides = array<i32>} : memref<2048xi32, #tpu.memory_space<vmem>>, vector<16xi32>,
        %parallel_loop3A_178 = arith.constant 16 : i32
        %parallel_loop3A_179 = arith.muli %parallel_loop3A_173, %parallel_loop3A_178 : i32
        %parallel_loop3A_180 = arith.index_cast %parallel_loop3A_179 : i32 to index
        %parallel_loop3A_181 = tpu.vector_load %arg8[%parallel_loop3A_180] {strides = array<i32>} : memref<2048xi32, #tpu.memory_space<vmem>>, vector<16xi32>,
        %parallel_loop3A_182 = arith.minsi %parallel_loop3A_177, %parallel_loop3A_181 : vector<16xi32>
        %parallel_loop3A_183 = arith.maxsi %parallel_loop3A_177, %parallel_loop3A_181 : vector<16xi32>
        %parallel_loop3A_184 = arith.constant 8 : i32
        %parallel_loop3A_185 = arith.andi %parallel_loop3A_171, %parallel_loop3A_184 : i32
        %parallel_loop3A_186 = arith.constant 0 : i32
        %parallel_loop3A_187 = arith.cmpi eq, %parallel_loop3A_185, %parallel_loop3A_186 : i32
        %parallel_loop3A_188 = vector.broadcast %parallel_loop3A_187 : i1 to vector<16xi1>
        %parallel_loop3A_189 = arith.select %parallel_loop3A_188, %parallel_loop3A_183, %parallel_loop3A_182 : vector<16xi1>, vector<16xi32>
        %parallel_loop3A_190 = arith.constant 16 : i32
        %parallel_loop3A_191 = arith.muli %parallel_loop3A_171, %parallel_loop3A_190 : i32
        %parallel_loop3A_192 = arith.index_cast %parallel_loop3A_191 : i32 to index
        %parallel_loop3A_193 = tpu.vector_load %arg8[%parallel_loop3A_192] {strides = array<i32>} : memref<2048xi32, #tpu.memory_space<vmem>>, vector<16xi32>,
        tpu.vector_store %arg8[%parallel_loop3A_192], %parallel_loop3A_189 {strides = array<i32>} : memref<2048xi32, #tpu.memory_space<vmem>>, vector<16xi32>,
        %parallel_loop3A_194 = arith.select %parallel_loop3A_188, %parallel_loop3A_182, %parallel_loop3A_183 : vector<16xi1>, vector<16xi32>
        %parallel_loop3A_195 = arith.constant 16 : i32
        %parallel_loop3A_196 = arith.muli %parallel_loop3A_173, %parallel_loop3A_195 : i32
        %parallel_loop3A_197 = arith.index_cast %parallel_loop3A_196 : i32 to index
        %parallel_loop3A_198 = tpu.vector_load %arg8[%parallel_loop3A_197] {strides = array<i32>} : memref<2048xi32, #tpu.memory_space<vmem>>, vector<16xi32>,
        tpu.vector_store %arg8[%parallel_loop3A_197], %parallel_loop3A_194 {strides = array<i32>} : memref<2048xi32, #tpu.memory_space<vmem>>, vector<16xi32>,
      } {sc.loop_unroll_factor = 4 : i64, sc.parallel_access}
      %parallel_loop3A_74 = arith.constant 0 : i32
      %parallel_loop3A_75 = arith.constant 64 : i32
      %parallel_loop3A_76 = arith.constant 1 : i32
      scf.for %parallel_loop3A_164 = %parallel_loop3A_74 to %parallel_loop3A_75 step %parallel_loop3A_76  : i32 {
        %parallel_loop3A_165 = arith.constant 1 : i32
        %parallel_loop3A_166 = arith.andi %parallel_loop3A_164, %parallel_loop3A_165 : i32
        %parallel_loop3A_167 = arith.constant 1 : i32
        %parallel_loop3A_168 = arith.shrsi %parallel_loop3A_164, %parallel_loop3A_167 : i32
        %parallel_loop3A_169 = arith.constant 2 : i32
        %parallel_loop3A_170 = arith.shli %parallel_loop3A_168, %parallel_loop3A_169 : i32
        %parallel_loop3A_171 = arith.ori %parallel_loop3A_170, %parallel_loop3A_166 : i32
        %parallel_loop3A_172 = arith.constant 2 : i32
        %parallel_loop3A_173 = arith.addi %parallel_loop3A_171, %parallel_loop3A_172 : i32
        %parallel_loop3A_174 = arith.constant 16 : i32
        %parallel_loop3A_175 = arith.muli %parallel_loop3A_171, %parallel_loop3A_174 : i32
        %parallel_loop3A_176 = arith.index_cast %parallel_loop3A_175 : i32 to index
        %parallel_loop3A_177 = tpu.vector_load %arg8[%parallel_loop3A_176] {strides = array<i32>} : memref<2048xi32, #tpu.memory_space<vmem>>, vector<16xi32>,
        %parallel_loop3A_178 = arith.constant 16 : i32
        %parallel_loop3A_179 = arith.muli %parallel_loop3A_173, %parallel_loop3A_178 : i32
        %parallel_loop3A_180 = arith.index_cast %parallel_loop3A_179 : i32 to index
        %parallel_loop3A_181 = tpu.vector_load %arg8[%parallel_loop3A_180] {strides = array<i32>} : memref<2048xi32, #tpu.memory_space<vmem>>, vector<16xi32>,
        %parallel_loop3A_182 = arith.minsi %parallel_loop3A_177, %parallel_loop3A_181 : vector<16xi32>
        %parallel_loop3A_183 = arith.maxsi %parallel_loop3A_177, %parallel_loop3A_181 : vector<16xi32>
        %parallel_loop3A_184 = arith.constant 8 : i32
        %parallel_loop3A_185 = arith.andi %parallel_loop3A_171, %parallel_loop3A_184 : i32
        %parallel_loop3A_186 = arith.constant 0 : i32
        %parallel_loop3A_187 = arith.cmpi eq, %parallel_loop3A_185, %parallel_loop3A_186 : i32
        %parallel_loop3A_188 = vector.broadcast %parallel_loop3A_187 : i1 to vector<16xi1>
        %parallel_loop3A_189 = arith.select %parallel_loop3A_188, %parallel_loop3A_183, %parallel_loop3A_182 : vector<16xi1>, vector<16xi32>
        %parallel_loop3A_190 = arith.constant 16 : i32
        %parallel_loop3A_191 = arith.muli %parallel_loop3A_171, %parallel_loop3A_190 : i32
        %parallel_loop3A_192 = arith.index_cast %parallel_loop3A_191 : i32 to index
        %parallel_loop3A_193 = tpu.vector_load %arg8[%parallel_loop3A_192] {strides = array<i32>} : memref<2048xi32, #tpu.memory_space<vmem>>, vector<16xi32>,
        tpu.vector_store %arg8[%parallel_loop3A_192], %parallel_loop3A_189 {strides = array<i32>} : memref<2048xi32, #tpu.memory_space<vmem>>, vector<16xi32>,
        %parallel_loop3A_194 = arith.select %parallel_loop3A_188, %parallel_loop3A_182, %parallel_loop3A_183 : vector<16xi1>, vector<16xi32>
        %parallel_loop3A_195 = arith.constant 16 : i32
        %parallel_loop3A_196 = arith.muli %parallel_loop3A_173, %parallel_loop3A_195 : i32
        %parallel_loop3A_197 = arith.index_cast %parallel_loop3A_196 : i32 to index
        %parallel_loop3A_198 = tpu.vector_load %arg8[%parallel_loop3A_197] {strides = array<i32>} : memref<2048xi32, #tpu.memory_space<vmem>>, vector<16xi32>,
        tpu.vector_store %arg8[%parallel_loop3A_197], %parallel_loop3A_194 {strides = array<i32>} : memref<2048xi32, #tpu.memory_space<vmem>>, vector<16xi32>,
      } {sc.loop_unroll_factor = 4 : i64, sc.parallel_access}
      %parallel_loop3A_77 = arith.constant 0 : i32
      %parallel_loop3A_78 = arith.constant 64 : i32
      %parallel_loop3A_79 = arith.constant 1 : i32
      scf.for %parallel_loop3A_164 = %parallel_loop3A_77 to %parallel_loop3A_78 step %parallel_loop3A_79  : i32 {
        %parallel_loop3A_165 = arith.constant 0 : i32
        %parallel_loop3A_166 = arith.andi %parallel_loop3A_164, %parallel_loop3A_165 : i32
        %parallel_loop3A_167 = arith.constant 0 : i32
        %parallel_loop3A_168 = arith.shrsi %parallel_loop3A_164, %parallel_loop3A_167 : i32
        %parallel_loop3A_169 = arith.constant 1 : i32
        %parallel_loop3A_170 = arith.shli %parallel_loop3A_168, %parallel_loop3A_169 : i32
        %parallel_loop3A_171 = arith.ori %parallel_loop3A_170, %parallel_loop3A_166 : i32
        %parallel_loop3A_172 = arith.constant 1 : i32
        %parallel_loop3A_173 = arith.addi %parallel_loop3A_171, %parallel_loop3A_172 : i32
        %parallel_loop3A_174 = arith.constant 16 : i32
        %parallel_loop3A_175 = arith.muli %parallel_loop3A_171, %parallel_loop3A_174 : i32
        %parallel_loop3A_176 = arith.index_cast %parallel_loop3A_175 : i32 to index
        %parallel_loop3A_177 = tpu.vector_load %arg8[%parallel_loop3A_176] {strides = array<i32>} : memref<2048xi32, #tpu.memory_space<vmem>>, vector<16xi32>,
        %parallel_loop3A_178 = arith.constant 16 : i32
        %parallel_loop3A_179 = arith.muli %parallel_loop3A_173, %parallel_loop3A_178 : i32
        %parallel_loop3A_180 = arith.index_cast %parallel_loop3A_179 : i32 to index
        %parallel_loop3A_181 = tpu.vector_load %arg8[%parallel_loop3A_180] {strides = array<i32>} : memref<2048xi32, #tpu.memory_space<vmem>>, vector<16xi32>,
        %parallel_loop3A_182 = arith.minsi %parallel_loop3A_177, %parallel_loop3A_181 : vector<16xi32>
        %parallel_loop3A_183 = arith.maxsi %parallel_loop3A_177, %parallel_loop3A_181 : vector<16xi32>
        %parallel_loop3A_184 = arith.constant 8 : i32
        %parallel_loop3A_185 = arith.andi %parallel_loop3A_171, %parallel_loop3A_184 : i32
        %parallel_loop3A_186 = arith.constant 0 : i32
        %parallel_loop3A_187 = arith.cmpi eq, %parallel_loop3A_185, %parallel_loop3A_186 : i32
        %parallel_loop3A_188 = vector.broadcast %parallel_loop3A_187 : i1 to vector<16xi1>
        %parallel_loop3A_189 = arith.select %parallel_loop3A_188, %parallel_loop3A_183, %parallel_loop3A_182 : vector<16xi1>, vector<16xi32>
        %parallel_loop3A_190 = arith.constant 16 : i32
        %parallel_loop3A_191 = arith.muli %parallel_loop3A_171, %parallel_loop3A_190 : i32
        %parallel_loop3A_192 = arith.index_cast %parallel_loop3A_191 : i32 to index
        %parallel_loop3A_193 = tpu.vector_load %arg8[%parallel_loop3A_192] {strides = array<i32>} : memref<2048xi32, #tpu.memory_space<vmem>>, vector<16xi32>,
        tpu.vector_store %arg8[%parallel_loop3A_192], %parallel_loop3A_189 {strides = array<i32>} : memref<2048xi32, #tpu.memory_space<vmem>>, vector<16xi32>,
        %parallel_loop3A_194 = arith.select %parallel_loop3A_188, %parallel_loop3A_182, %parallel_loop3A_183 : vector<16xi1>, vector<16xi32>
        %parallel_loop3A_195 = arith.constant 16 : i32
        %parallel_loop3A_196 = arith.muli %parallel_loop3A_173, %parallel_loop3A_195 : i32
        %parallel_loop3A_197 = arith.index_cast %parallel_loop3A_196 : i32 to index
        %parallel_loop3A_198 = tpu.vector_load %arg8[%parallel_loop3A_197] {strides = array<i32>} : memref<2048xi32, #tpu.memory_space<vmem>>, vector<16xi32>,
        tpu.vector_store %arg8[%parallel_loop3A_197], %parallel_loop3A_194 {strides = array<i32>} : memref<2048xi32, #tpu.memory_space<vmem>>, vector<16xi32>,
      } {sc.loop_unroll_factor = 4 : i64, sc.parallel_access}
      %parallel_loop3A_80 = arith.constant 0 : i32
      %parallel_loop3A_81 = arith.constant 128 : i32
      %parallel_loop3A_82 = arith.constant 1 : i32
      scf.for %parallel_loop3A_164 = %parallel_loop3A_80 to %parallel_loop3A_81 step %parallel_loop3A_82  : i32 {
        %parallel_loop3A_165 = arith.constant 16 : i32
        %parallel_loop3A_166 = arith.muli %parallel_loop3A_164, %parallel_loop3A_165 : i32
        %parallel_loop3A_167 = arith.index_cast %parallel_loop3A_166 : i32 to index
        %parallel_loop3A_168 = tpu.vector_load %arg8[%parallel_loop3A_167] {strides = array<i32>} : memref<2048xi32, #tpu.memory_space<vmem>>, vector<16xi32>,
        %parallel_loop3A_169 = arith.constant 8 : i32
        %parallel_loop3A_170 = arith.andi %parallel_loop3A_164, %parallel_loop3A_169 : i32
        %parallel_loop3A_171 = arith.constant 0 : i32
        %parallel_loop3A_172 = arith.cmpi eq, %parallel_loop3A_170, %parallel_loop3A_171 : i32
        %parallel_loop3A_173 = arith.constant -2147483648 : i32
        %parallel_loop3A_174 = vector.broadcast %parallel_loop3A_173 : i32 to vector<16xi32>
        %parallel_loop3A_175 = arith.xori %parallel_loop3A_168, %parallel_loop3A_174 : vector<16xi32>
        %parallel_loop3A_176 = arith.constant dense<true> : vector<16xi1>
        %parallel_loop3A_177, %parallel_loop3A_178, %parallel_loop3A_179 = tpu.sort %parallel_loop3A_175, %parallel_loop3A_175 masked %parallel_loop3A_176 : (vector<16xi32>, vector<16xi32>, vector<16xi1>) -> (vector<16xi1>, vector<16xi32>, vector<16xi32>)
        %parallel_loop3A_180 = arith.constant -2147483648 : i32
        %parallel_loop3A_181 = vector.broadcast %parallel_loop3A_180 : i32 to vector<16xi32>
        %parallel_loop3A_182 = arith.xori %parallel_loop3A_178, %parallel_loop3A_181 : vector<16xi32>
        %parallel_loop3A_183 = arith.constant 15 : i32
        %parallel_loop3A_184 = vector.broadcast %parallel_loop3A_183 : i32 to vector<16xi32>
        %parallel_loop3A_185 = tpu.iota {dimensions = array<i32: 0>} : vector<16xi32>
        %parallel_loop3A_186 = arith.subi %parallel_loop3A_184, %parallel_loop3A_185 : vector<16xi32>
        %parallel_loop3A_187 = tpu.dynamic_gather %parallel_loop3A_182[%parallel_loop3A_186] in [0] : vector<16xi32>, vector<16xi32> -> vector<16xi32>
        %parallel_loop3A_188 = vector.broadcast %parallel_loop3A_172 : i1 to vector<16xi1>
        %parallel_loop3A_189 = arith.select %parallel_loop3A_188, %parallel_loop3A_187, %parallel_loop3A_182 : vector<16xi1>, vector<16xi32>
        %parallel_loop3A_190 = arith.constant 16 : i32
        %parallel_loop3A_191 = arith.muli %parallel_loop3A_164, %parallel_loop3A_190 : i32
        %parallel_loop3A_192 = arith.index_cast %parallel_loop3A_191 : i32 to index
        %parallel_loop3A_193 = tpu.vector_load %arg8[%parallel_loop3A_192] {strides = array<i32>} : memref<2048xi32, #tpu.memory_space<vmem>>, vector<16xi32>,
        tpu.vector_store %arg8[%parallel_loop3A_192], %parallel_loop3A_189 {strides = array<i32>} : memref<2048xi32, #tpu.memory_space<vmem>>, vector<16xi32>,
      } {sc.loop_unroll_factor = 4 : i64, sc.parallel_access}
      %parallel_loop3A_83 = arith.constant 0 : i32
      %parallel_loop3A_84 = arith.constant 64 : i32
      %parallel_loop3A_85 = arith.constant 1 : i32
      scf.for %parallel_loop3A_164 = %parallel_loop3A_83 to %parallel_loop3A_84 step %parallel_loop3A_85  : i32 {
        %parallel_loop3A_165 = arith.constant 7 : i32
        %parallel_loop3A_166 = arith.andi %parallel_loop3A_164, %parallel_loop3A_165 : i32
        %parallel_loop3A_167 = arith.constant 3 : i32
        %parallel_loop3A_168 = arith.shrsi %parallel_loop3A_164, %parallel_loop3A_167 : i32
        %parallel_loop3A_169 = arith.constant 4 : i32
        %parallel_loop3A_170 = arith.shli %parallel_loop3A_168, %parallel_loop3A_169 : i32
        %parallel_loop3A_171 = arith.ori %parallel_loop3A_170, %parallel_loop3A_166 : i32
        %parallel_loop3A_172 = arith.constant 8 : i32
        %parallel_loop3A_173 = arith.addi %parallel_loop3A_171, %parallel_loop3A_172 : i32
        %parallel_loop3A_174 = arith.constant 16 : i32
        %parallel_loop3A_175 = arith.muli %parallel_loop3A_171, %parallel_loop3A_174 : i32
        %parallel_loop3A_176 = arith.index_cast %parallel_loop3A_175 : i32 to index
        %parallel_loop3A_177 = tpu.vector_load %arg8[%parallel_loop3A_176] {strides = array<i32>} : memref<2048xi32, #tpu.memory_space<vmem>>, vector<16xi32>,
        %parallel_loop3A_178 = arith.constant 16 : i32
        %parallel_loop3A_179 = arith.muli %parallel_loop3A_173, %parallel_loop3A_178 : i32
        %parallel_loop3A_180 = arith.index_cast %parallel_loop3A_179 : i32 to index
        %parallel_loop3A_181 = tpu.vector_load %arg8[%parallel_loop3A_180] {strides = array<i32>} : memref<2048xi32, #tpu.memory_space<vmem>>, vector<16xi32>,
        %parallel_loop3A_182 = arith.minsi %parallel_loop3A_177, %parallel_loop3A_181 : vector<16xi32>
        %parallel_loop3A_183 = arith.maxsi %parallel_loop3A_177, %parallel_loop3A_181 : vector<16xi32>
        %parallel_loop3A_184 = arith.constant 16 : i32
        %parallel_loop3A_185 = arith.andi %parallel_loop3A_171, %parallel_loop3A_184 : i32
        %parallel_loop3A_186 = arith.constant 0 : i32
        %parallel_loop3A_187 = arith.cmpi eq, %parallel_loop3A_185, %parallel_loop3A_186 : i32
        %parallel_loop3A_188 = vector.broadcast %parallel_loop3A_187 : i1 to vector<16xi1>
        %parallel_loop3A_189 = arith.select %parallel_loop3A_188, %parallel_loop3A_183, %parallel_loop3A_182 : vector<16xi1>, vector<16xi32>
        %parallel_loop3A_190 = arith.constant 16 : i32
        %parallel_loop3A_191 = arith.muli %parallel_loop3A_171, %parallel_loop3A_190 : i32
        %parallel_loop3A_192 = arith.index_cast %parallel_loop3A_191 : i32 to index
        %parallel_loop3A_193 = tpu.vector_load %arg8[%parallel_loop3A_192] {strides = array<i32>} : memref<2048xi32, #tpu.memory_space<vmem>>, vector<16xi32>,
        tpu.vector_store %arg8[%parallel_loop3A_192], %parallel_loop3A_189 {strides = array<i32>} : memref<2048xi32, #tpu.memory_space<vmem>>, vector<16xi32>,
        %parallel_loop3A_194 = arith.select %parallel_loop3A_188, %parallel_loop3A_182, %parallel_loop3A_183 : vector<16xi1>, vector<16xi32>
        %parallel_loop3A_195 = arith.constant 16 : i32
        %parallel_loop3A_196 = arith.muli %parallel_loop3A_173, %parallel_loop3A_195 : i32
        %parallel_loop3A_197 = arith.index_cast %parallel_loop3A_196 : i32 to index
        %parallel_loop3A_198 = tpu.vector_load %arg8[%parallel_loop3A_197] {strides = array<i32>} : memref<2048xi32, #tpu.memory_space<vmem>>, vector<16xi32>,
        tpu.vector_store %arg8[%parallel_loop3A_197], %parallel_loop3A_194 {strides = array<i32>} : memref<2048xi32, #tpu.memory_space<vmem>>, vector<16xi32>,
      } {sc.loop_unroll_factor = 4 : i64, sc.parallel_access}
      %parallel_loop3A_86 = arith.constant 0 : i32
      %parallel_loop3A_87 = arith.constant 64 : i32
      %parallel_loop3A_88 = arith.constant 1 : i32
      scf.for %parallel_loop3A_164 = %parallel_loop3A_86 to %parallel_loop3A_87 step %parallel_loop3A_88  : i32 {
        %parallel_loop3A_165 = arith.constant 3 : i32
        %parallel_loop3A_166 = arith.andi %parallel_loop3A_164, %parallel_loop3A_165 : i32
        %parallel_loop3A_167 = arith.constant 2 : i32
        %parallel_loop3A_168 = arith.shrsi %parallel_loop3A_164, %parallel_loop3A_167 : i32
        %parallel_loop3A_169 = arith.constant 3 : i32
        %parallel_loop3A_170 = arith.shli %parallel_loop3A_168, %parallel_loop3A_169 : i32
        %parallel_loop3A_171 = arith.ori %parallel_loop3A_170, %parallel_loop3A_166 : i32
        %parallel_loop3A_172 = arith.constant 4 : i32
        %parallel_loop3A_173 = arith.addi %parallel_loop3A_171, %parallel_loop3A_172 : i32
        %parallel_loop3A_174 = arith.constant 16 : i32
        %parallel_loop3A_175 = arith.muli %parallel_loop3A_171, %parallel_loop3A_174 : i32
        %parallel_loop3A_176 = arith.index_cast %parallel_loop3A_175 : i32 to index
        %parallel_loop3A_177 = tpu.vector_load %arg8[%parallel_loop3A_176] {strides = array<i32>} : memref<2048xi32, #tpu.memory_space<vmem>>, vector<16xi32>,
        %parallel_loop3A_178 = arith.constant 16 : i32
        %parallel_loop3A_179 = arith.muli %parallel_loop3A_173, %parallel_loop3A_178 : i32
        %parallel_loop3A_180 = arith.index_cast %parallel_loop3A_179 : i32 to index
        %parallel_loop3A_181 = tpu.vector_load %arg8[%parallel_loop3A_180] {strides = array<i32>} : memref<2048xi32, #tpu.memory_space<vmem>>, vector<16xi32>,
        %parallel_loop3A_182 = arith.minsi %parallel_loop3A_177, %parallel_loop3A_181 : vector<16xi32>
        %parallel_loop3A_183 = arith.maxsi %parallel_loop3A_177, %parallel_loop3A_181 : vector<16xi32>
        %parallel_loop3A_184 = arith.constant 16 : i32
        %parallel_loop3A_185 = arith.andi %parallel_loop3A_171, %parallel_loop3A_184 : i32
        %parallel_loop3A_186 = arith.constant 0 : i32
        %parallel_loop3A_187 = arith.cmpi eq, %parallel_loop3A_185, %parallel_loop3A_186 : i32
        %parallel_loop3A_188 = vector.broadcast %parallel_loop3A_187 : i1 to vector<16xi1>
        %parallel_loop3A_189 = arith.select %parallel_loop3A_188, %parallel_loop3A_183, %parallel_loop3A_182 : vector<16xi1>, vector<16xi32>
        %parallel_loop3A_190 = arith.constant 16 : i32
        %parallel_loop3A_191 = arith.muli %parallel_loop3A_171, %parallel_loop3A_190 : i32
        %parallel_loop3A_192 = arith.index_cast %parallel_loop3A_191 : i32 to index
        %parallel_loop3A_193 = tpu.vector_load %arg8[%parallel_loop3A_192] {strides = array<i32>} : memref<2048xi32, #tpu.memory_space<vmem>>, vector<16xi32>,
        tpu.vector_store %arg8[%parallel_loop3A_192], %parallel_loop3A_189 {strides = array<i32>} : memref<2048xi32, #tpu.memory_space<vmem>>, vector<16xi32>,
        %parallel_loop3A_194 = arith.select %parallel_loop3A_188, %parallel_loop3A_182, %parallel_loop3A_183 : vector<16xi1>, vector<16xi32>
        %parallel_loop3A_195 = arith.constant 16 : i32
        %parallel_loop3A_196 = arith.muli %parallel_loop3A_173, %parallel_loop3A_195 : i32
        %parallel_loop3A_197 = arith.index_cast %parallel_loop3A_196 : i32 to index
        %parallel_loop3A_198 = tpu.vector_load %arg8[%parallel_loop3A_197] {strides = array<i32>} : memref<2048xi32, #tpu.memory_space<vmem>>, vector<16xi32>,
        tpu.vector_store %arg8[%parallel_loop3A_197], %parallel_loop3A_194 {strides = array<i32>} : memref<2048xi32, #tpu.memory_space<vmem>>, vector<16xi32>,
      } {sc.loop_unroll_factor = 4 : i64, sc.parallel_access}
      %parallel_loop3A_89 = arith.constant 0 : i32
      %parallel_loop3A_90 = arith.constant 64 : i32
      %parallel_loop3A_91 = arith.constant 1 : i32
      scf.for %parallel_loop3A_164 = %parallel_loop3A_89 to %parallel_loop3A_90 step %parallel_loop3A_91  : i32 {
        %parallel_loop3A_165 = arith.constant 1 : i32
        %parallel_loop3A_166 = arith.andi %parallel_loop3A_164, %parallel_loop3A_165 : i32
        %parallel_loop3A_167 = arith.constant 1 : i32
        %parallel_loop3A_168 = arith.shrsi %parallel_loop3A_164, %parallel_loop3A_167 : i32
        %parallel_loop3A_169 = arith.constant 2 : i32
        %parallel_loop3A_170 = arith.shli %parallel_loop3A_168, %parallel_loop3A_169 : i32
        %parallel_loop3A_171 = arith.ori %parallel_loop3A_170, %parallel_loop3A_166 : i32
        %parallel_loop3A_172 = arith.constant 2 : i32
        %parallel_loop3A_173 = arith.addi %parallel_loop3A_171, %parallel_loop3A_172 : i32
        %parallel_loop3A_174 = arith.constant 16 : i32
        %parallel_loop3A_175 = arith.muli %parallel_loop3A_171, %parallel_loop3A_174 : i32
        %parallel_loop3A_176 = arith.index_cast %parallel_loop3A_175 : i32 to index
        %parallel_loop3A_177 = tpu.vector_load %arg8[%parallel_loop3A_176] {strides = array<i32>} : memref<2048xi32, #tpu.memory_space<vmem>>, vector<16xi32>,
        %parallel_loop3A_178 = arith.constant 16 : i32
        %parallel_loop3A_179 = arith.muli %parallel_loop3A_173, %parallel_loop3A_178 : i32
        %parallel_loop3A_180 = arith.index_cast %parallel_loop3A_179 : i32 to index
        %parallel_loop3A_181 = tpu.vector_load %arg8[%parallel_loop3A_180] {strides = array<i32>} : memref<2048xi32, #tpu.memory_space<vmem>>, vector<16xi32>,
        %parallel_loop3A_182 = arith.minsi %parallel_loop3A_177, %parallel_loop3A_181 : vector<16xi32>
        %parallel_loop3A_183 = arith.maxsi %parallel_loop3A_177, %parallel_loop3A_181 : vector<16xi32>
        %parallel_loop3A_184 = arith.constant 16 : i32
        %parallel_loop3A_185 = arith.andi %parallel_loop3A_171, %parallel_loop3A_184 : i32
        %parallel_loop3A_186 = arith.constant 0 : i32
        %parallel_loop3A_187 = arith.cmpi eq, %parallel_loop3A_185, %parallel_loop3A_186 : i32
        %parallel_loop3A_188 = vector.broadcast %parallel_loop3A_187 : i1 to vector<16xi1>
        %parallel_loop3A_189 = arith.select %parallel_loop3A_188, %parallel_loop3A_183, %parallel_loop3A_182 : vector<16xi1>, vector<16xi32>
        %parallel_loop3A_190 = arith.constant 16 : i32
        %parallel_loop3A_191 = arith.muli %parallel_loop3A_171, %parallel_loop3A_190 : i32
        %parallel_loop3A_192 = arith.index_cast %parallel_loop3A_191 : i32 to index
        %parallel_loop3A_193 = tpu.vector_load %arg8[%parallel_loop3A_192] {strides = array<i32>} : memref<2048xi32, #tpu.memory_space<vmem>>, vector<16xi32>,
        tpu.vector_store %arg8[%parallel_loop3A_192], %parallel_loop3A_189 {strides = array<i32>} : memref<2048xi32, #tpu.memory_space<vmem>>, vector<16xi32>,
        %parallel_loop3A_194 = arith.select %parallel_loop3A_188, %parallel_loop3A_182, %parallel_loop3A_183 : vector<16xi1>, vector<16xi32>
        %parallel_loop3A_195 = arith.constant 16 : i32
        %parallel_loop3A_196 = arith.muli %parallel_loop3A_173, %parallel_loop3A_195 : i32
        %parallel_loop3A_197 = arith.index_cast %parallel_loop3A_196 : i32 to index
        %parallel_loop3A_198 = tpu.vector_load %arg8[%parallel_loop3A_197] {strides = array<i32>} : memref<2048xi32, #tpu.memory_space<vmem>>, vector<16xi32>,
        tpu.vector_store %arg8[%parallel_loop3A_197], %parallel_loop3A_194 {strides = array<i32>} : memref<2048xi32, #tpu.memory_space<vmem>>, vector<16xi32>,
      } {sc.loop_unroll_factor = 4 : i64, sc.parallel_access}
      %parallel_loop3A_92 = arith.constant 0 : i32
      %parallel_loop3A_93 = arith.constant 64 : i32
      %parallel_loop3A_94 = arith.constant 1 : i32
      scf.for %parallel_loop3A_164 = %parallel_loop3A_92 to %parallel_loop3A_93 step %parallel_loop3A_94  : i32 {
        %parallel_loop3A_165 = arith.constant 0 : i32
        %parallel_loop3A_166 = arith.andi %parallel_loop3A_164, %parallel_loop3A_165 : i32
        %parallel_loop3A_167 = arith.constant 0 : i32
        %parallel_loop3A_168 = arith.shrsi %parallel_loop3A_164, %parallel_loop3A_167 : i32
        %parallel_loop3A_169 = arith.constant 1 : i32
        %parallel_loop3A_170 = arith.shli %parallel_loop3A_168, %parallel_loop3A_169 : i32
        %parallel_loop3A_171 = arith.ori %parallel_loop3A_170, %parallel_loop3A_166 : i32
        %parallel_loop3A_172 = arith.constant 1 : i32
        %parallel_loop3A_173 = arith.addi %parallel_loop3A_171, %parallel_loop3A_172 : i32
        %parallel_loop3A_174 = arith.constant 16 : i32
        %parallel_loop3A_175 = arith.muli %parallel_loop3A_171, %parallel_loop3A_174 : i32
        %parallel_loop3A_176 = arith.index_cast %parallel_loop3A_175 : i32 to index
        %parallel_loop3A_177 = tpu.vector_load %arg8[%parallel_loop3A_176] {strides = array<i32>} : memref<2048xi32, #tpu.memory_space<vmem>>, vector<16xi32>,
        %parallel_loop3A_178 = arith.constant 16 : i32
        %parallel_loop3A_179 = arith.muli %parallel_loop3A_173, %parallel_loop3A_178 : i32
        %parallel_loop3A_180 = arith.index_cast %parallel_loop3A_179 : i32 to index
        %parallel_loop3A_181 = tpu.vector_load %arg8[%parallel_loop3A_180] {strides = array<i32>} : memref<2048xi32, #tpu.memory_space<vmem>>, vector<16xi32>,
        %parallel_loop3A_182 = arith.minsi %parallel_loop3A_177, %parallel_loop3A_181 : vector<16xi32>
        %parallel_loop3A_183 = arith.maxsi %parallel_loop3A_177, %parallel_loop3A_181 : vector<16xi32>
        %parallel_loop3A_184 = arith.constant 16 : i32
        %parallel_loop3A_185 = arith.andi %parallel_loop3A_171, %parallel_loop3A_184 : i32
        %parallel_loop3A_186 = arith.constant 0 : i32
        %parallel_loop3A_187 = arith.cmpi eq, %parallel_loop3A_185, %parallel_loop3A_186 : i32
        %parallel_loop3A_188 = vector.broadcast %parallel_loop3A_187 : i1 to vector<16xi1>
        %parallel_loop3A_189 = arith.select %parallel_loop3A_188, %parallel_loop3A_183, %parallel_loop3A_182 : vector<16xi1>, vector<16xi32>
        %parallel_loop3A_190 = arith.constant 16 : i32
        %parallel_loop3A_191 = arith.muli %parallel_loop3A_171, %parallel_loop3A_190 : i32
        %parallel_loop3A_192 = arith.index_cast %parallel_loop3A_191 : i32 to index
        %parallel_loop3A_193 = tpu.vector_load %arg8[%parallel_loop3A_192] {strides = array<i32>} : memref<2048xi32, #tpu.memory_space<vmem>>, vector<16xi32>,
        tpu.vector_store %arg8[%parallel_loop3A_192], %parallel_loop3A_189 {strides = array<i32>} : memref<2048xi32, #tpu.memory_space<vmem>>, vector<16xi32>,
        %parallel_loop3A_194 = arith.select %parallel_loop3A_188, %parallel_loop3A_182, %parallel_loop3A_183 : vector<16xi1>, vector<16xi32>
        %parallel_loop3A_195 = arith.constant 16 : i32
        %parallel_loop3A_196 = arith.muli %parallel_loop3A_173, %parallel_loop3A_195 : i32
        %parallel_loop3A_197 = arith.index_cast %parallel_loop3A_196 : i32 to index
        %parallel_loop3A_198 = tpu.vector_load %arg8[%parallel_loop3A_197] {strides = array<i32>} : memref<2048xi32, #tpu.memory_space<vmem>>, vector<16xi32>,
        tpu.vector_store %arg8[%parallel_loop3A_197], %parallel_loop3A_194 {strides = array<i32>} : memref<2048xi32, #tpu.memory_space<vmem>>, vector<16xi32>,
      } {sc.loop_unroll_factor = 4 : i64, sc.parallel_access}
      %parallel_loop3A_95 = arith.constant 0 : i32
      %parallel_loop3A_96 = arith.constant 128 : i32
      %parallel_loop3A_97 = arith.constant 1 : i32
      scf.for %parallel_loop3A_164 = %parallel_loop3A_95 to %parallel_loop3A_96 step %parallel_loop3A_97  : i32 {
        %parallel_loop3A_165 = arith.constant 16 : i32
        %parallel_loop3A_166 = arith.muli %parallel_loop3A_164, %parallel_loop3A_165 : i32
        %parallel_loop3A_167 = arith.index_cast %parallel_loop3A_166 : i32 to index
        %parallel_loop3A_168 = tpu.vector_load %arg8[%parallel_loop3A_167] {strides = array<i32>} : memref<2048xi32, #tpu.memory_space<vmem>>, vector<16xi32>,
        %parallel_loop3A_169 = arith.constant 16 : i32
        %parallel_loop3A_170 = arith.andi %parallel_loop3A_164, %parallel_loop3A_169 : i32
        %parallel_loop3A_171 = arith.constant 0 : i32
        %parallel_loop3A_172 = arith.cmpi eq, %parallel_loop3A_170, %parallel_loop3A_171 : i32
        %parallel_loop3A_173 = arith.constant -2147483648 : i32
        %parallel_loop3A_174 = vector.broadcast %parallel_loop3A_173 : i32 to vector<16xi32>
        %parallel_loop3A_175 = arith.xori %parallel_loop3A_168, %parallel_loop3A_174 : vector<16xi32>
        %parallel_loop3A_176 = arith.constant dense<true> : vector<16xi1>
        %parallel_loop3A_177, %parallel_loop3A_178, %parallel_loop3A_179 = tpu.sort %parallel_loop3A_175, %parallel_loop3A_175 masked %parallel_loop3A_176 : (vector<16xi32>, vector<16xi32>, vector<16xi1>) -> (vector<16xi1>, vector<16xi32>, vector<16xi32>)
        %parallel_loop3A_180 = arith.constant -2147483648 : i32
        %parallel_loop3A_181 = vector.broadcast %parallel_loop3A_180 : i32 to vector<16xi32>
        %parallel_loop3A_182 = arith.xori %parallel_loop3A_178, %parallel_loop3A_181 : vector<16xi32>
        %parallel_loop3A_183 = arith.constant 15 : i32
        %parallel_loop3A_184 = vector.broadcast %parallel_loop3A_183 : i32 to vector<16xi32>
        %parallel_loop3A_185 = tpu.iota {dimensions = array<i32: 0>} : vector<16xi32>
        %parallel_loop3A_186 = arith.subi %parallel_loop3A_184, %parallel_loop3A_185 : vector<16xi32>
        %parallel_loop3A_187 = tpu.dynamic_gather %parallel_loop3A_182[%parallel_loop3A_186] in [0] : vector<16xi32>, vector<16xi32> -> vector<16xi32>
        %parallel_loop3A_188 = vector.broadcast %parallel_loop3A_172 : i1 to vector<16xi1>
        %parallel_loop3A_189 = arith.select %parallel_loop3A_188, %parallel_loop3A_187, %parallel_loop3A_182 : vector<16xi1>, vector<16xi32>
        %parallel_loop3A_190 = arith.constant 16 : i32
        %parallel_loop3A_191 = arith.muli %parallel_loop3A_164, %parallel_loop3A_190 : i32
        %parallel_loop3A_192 = arith.index_cast %parallel_loop3A_191 : i32 to index
        %parallel_loop3A_193 = tpu.vector_load %arg8[%parallel_loop3A_192] {strides = array<i32>} : memref<2048xi32, #tpu.memory_space<vmem>>, vector<16xi32>,
        tpu.vector_store %arg8[%parallel_loop3A_192], %parallel_loop3A_189 {strides = array<i32>} : memref<2048xi32, #tpu.memory_space<vmem>>, vector<16xi32>,
      } {sc.loop_unroll_factor = 4 : i64, sc.parallel_access}
      %parallel_loop3A_98 = arith.constant 0 : i32
      %parallel_loop3A_99 = arith.constant 64 : i32
      %parallel_loop3A_100 = arith.constant 1 : i32
      scf.for %parallel_loop3A_164 = %parallel_loop3A_98 to %parallel_loop3A_99 step %parallel_loop3A_100  : i32 {
        %parallel_loop3A_165 = arith.constant 15 : i32
        %parallel_loop3A_166 = arith.andi %parallel_loop3A_164, %parallel_loop3A_165 : i32
        %parallel_loop3A_167 = arith.constant 4 : i32
        %parallel_loop3A_168 = arith.shrsi %parallel_loop3A_164, %parallel_loop3A_167 : i32
        %parallel_loop3A_169 = arith.constant 5 : i32
        %parallel_loop3A_170 = arith.shli %parallel_loop3A_168, %parallel_loop3A_169 : i32
        %parallel_loop3A_171 = arith.ori %parallel_loop3A_170, %parallel_loop3A_166 : i32
        %parallel_loop3A_172 = arith.constant 16 : i32
        %parallel_loop3A_173 = arith.addi %parallel_loop3A_171, %parallel_loop3A_172 : i32
        %parallel_loop3A_174 = arith.constant 16 : i32
        %parallel_loop3A_175 = arith.muli %parallel_loop3A_171, %parallel_loop3A_174 : i32
        %parallel_loop3A_176 = arith.index_cast %parallel_loop3A_175 : i32 to index
        %parallel_loop3A_177 = tpu.vector_load %arg8[%parallel_loop3A_176] {strides = array<i32>} : memref<2048xi32, #tpu.memory_space<vmem>>, vector<16xi32>,
        %parallel_loop3A_178 = arith.constant 16 : i32
        %parallel_loop3A_179 = arith.muli %parallel_loop3A_173, %parallel_loop3A_178 : i32
        %parallel_loop3A_180 = arith.index_cast %parallel_loop3A_179 : i32 to index
        %parallel_loop3A_181 = tpu.vector_load %arg8[%parallel_loop3A_180] {strides = array<i32>} : memref<2048xi32, #tpu.memory_space<vmem>>, vector<16xi32>,
        %parallel_loop3A_182 = arith.minsi %parallel_loop3A_177, %parallel_loop3A_181 : vector<16xi32>
        %parallel_loop3A_183 = arith.maxsi %parallel_loop3A_177, %parallel_loop3A_181 : vector<16xi32>
        %parallel_loop3A_184 = arith.constant 32 : i32
        %parallel_loop3A_185 = arith.andi %parallel_loop3A_171, %parallel_loop3A_184 : i32
        %parallel_loop3A_186 = arith.constant 0 : i32
        %parallel_loop3A_187 = arith.cmpi eq, %parallel_loop3A_185, %parallel_loop3A_186 : i32
        %parallel_loop3A_188 = vector.broadcast %parallel_loop3A_187 : i1 to vector<16xi1>
        %parallel_loop3A_189 = arith.select %parallel_loop3A_188, %parallel_loop3A_183, %parallel_loop3A_182 : vector<16xi1>, vector<16xi32>
        %parallel_loop3A_190 = arith.constant 16 : i32
        %parallel_loop3A_191 = arith.muli %parallel_loop3A_171, %parallel_loop3A_190 : i32
        %parallel_loop3A_192 = arith.index_cast %parallel_loop3A_191 : i32 to index
        %parallel_loop3A_193 = tpu.vector_load %arg8[%parallel_loop3A_192] {strides = array<i32>} : memref<2048xi32, #tpu.memory_space<vmem>>, vector<16xi32>,
        tpu.vector_store %arg8[%parallel_loop3A_192], %parallel_loop3A_189 {strides = array<i32>} : memref<2048xi32, #tpu.memory_space<vmem>>, vector<16xi32>,
        %parallel_loop3A_194 = arith.select %parallel_loop3A_188, %parallel_loop3A_182, %parallel_loop3A_183 : vector<16xi1>, vector<16xi32>
        %parallel_loop3A_195 = arith.constant 16 : i32
        %parallel_loop3A_196 = arith.muli %parallel_loop3A_173, %parallel_loop3A_195 : i32
        %parallel_loop3A_197 = arith.index_cast %parallel_loop3A_196 : i32 to index
        %parallel_loop3A_198 = tpu.vector_load %arg8[%parallel_loop3A_197] {strides = array<i32>} : memref<2048xi32, #tpu.memory_space<vmem>>, vector<16xi32>,
        tpu.vector_store %arg8[%parallel_loop3A_197], %parallel_loop3A_194 {strides = array<i32>} : memref<2048xi32, #tpu.memory_space<vmem>>, vector<16xi32>,
      } {sc.loop_unroll_factor = 4 : i64, sc.parallel_access}
      %parallel_loop3A_101 = arith.constant 0 : i32
      %parallel_loop3A_102 = arith.constant 64 : i32
      %parallel_loop3A_103 = arith.constant 1 : i32
      scf.for %parallel_loop3A_164 = %parallel_loop3A_101 to %parallel_loop3A_102 step %parallel_loop3A_103  : i32 {
        %parallel_loop3A_165 = arith.constant 7 : i32
        %parallel_loop3A_166 = arith.andi %parallel_loop3A_164, %parallel_loop3A_165 : i32
        %parallel_loop3A_167 = arith.constant 3 : i32
        %parallel_loop3A_168 = arith.shrsi %parallel_loop3A_164, %parallel_loop3A_167 : i32
        %parallel_loop3A_169 = arith.constant 4 : i32
        %parallel_loop3A_170 = arith.shli %parallel_loop3A_168, %parallel_loop3A_169 : i32
        %parallel_loop3A_171 = arith.ori %parallel_loop3A_170, %parallel_loop3A_166 : i32
        %parallel_loop3A_172 = arith.constant 8 : i32
        %parallel_loop3A_173 = arith.addi %parallel_loop3A_171, %parallel_loop3A_172 : i32
        %parallel_loop3A_174 = arith.constant 16 : i32
        %parallel_loop3A_175 = arith.muli %parallel_loop3A_171, %parallel_loop3A_174 : i32
        %parallel_loop3A_176 = arith.index_cast %parallel_loop3A_175 : i32 to index
        %parallel_loop3A_177 = tpu.vector_load %arg8[%parallel_loop3A_176] {strides = array<i32>} : memref<2048xi32, #tpu.memory_space<vmem>>, vector<16xi32>,
        %parallel_loop3A_178 = arith.constant 16 : i32
        %parallel_loop3A_179 = arith.muli %parallel_loop3A_173, %parallel_loop3A_178 : i32
        %parallel_loop3A_180 = arith.index_cast %parallel_loop3A_179 : i32 to index
        %parallel_loop3A_181 = tpu.vector_load %arg8[%parallel_loop3A_180] {strides = array<i32>} : memref<2048xi32, #tpu.memory_space<vmem>>, vector<16xi32>,
        %parallel_loop3A_182 = arith.minsi %parallel_loop3A_177, %parallel_loop3A_181 : vector<16xi32>
        %parallel_loop3A_183 = arith.maxsi %parallel_loop3A_177, %parallel_loop3A_181 : vector<16xi32>
        %parallel_loop3A_184 = arith.constant 32 : i32
        %parallel_loop3A_185 = arith.andi %parallel_loop3A_171, %parallel_loop3A_184 : i32
        %parallel_loop3A_186 = arith.constant 0 : i32
        %parallel_loop3A_187 = arith.cmpi eq, %parallel_loop3A_185, %parallel_loop3A_186 : i32
        %parallel_loop3A_188 = vector.broadcast %parallel_loop3A_187 : i1 to vector<16xi1>
        %parallel_loop3A_189 = arith.select %parallel_loop3A_188, %parallel_loop3A_183, %parallel_loop3A_182 : vector<16xi1>, vector<16xi32>
        %parallel_loop3A_190 = arith.constant 16 : i32
        %parallel_loop3A_191 = arith.muli %parallel_loop3A_171, %parallel_loop3A_190 : i32
        %parallel_loop3A_192 = arith.index_cast %parallel_loop3A_191 : i32 to index
        %parallel_loop3A_193 = tpu.vector_load %arg8[%parallel_loop3A_192] {strides = array<i32>} : memref<2048xi32, #tpu.memory_space<vmem>>, vector<16xi32>,
        tpu.vector_store %arg8[%parallel_loop3A_192], %parallel_loop3A_189 {strides = array<i32>} : memref<2048xi32, #tpu.memory_space<vmem>>, vector<16xi32>,
        %parallel_loop3A_194 = arith.select %parallel_loop3A_188, %parallel_loop3A_182, %parallel_loop3A_183 : vector<16xi1>, vector<16xi32>
        %parallel_loop3A_195 = arith.constant 16 : i32
        %parallel_loop3A_196 = arith.muli %parallel_loop3A_173, %parallel_loop3A_195 : i32
        %parallel_loop3A_197 = arith.index_cast %parallel_loop3A_196 : i32 to index
        %parallel_loop3A_198 = tpu.vector_load %arg8[%parallel_loop3A_197] {strides = array<i32>} : memref<2048xi32, #tpu.memory_space<vmem>>, vector<16xi32>,
        tpu.vector_store %arg8[%parallel_loop3A_197], %parallel_loop3A_194 {strides = array<i32>} : memref<2048xi32, #tpu.memory_space<vmem>>, vector<16xi32>,
      } {sc.loop_unroll_factor = 4 : i64, sc.parallel_access}
      %parallel_loop3A_104 = arith.constant 0 : i32
      %parallel_loop3A_105 = arith.constant 64 : i32
      %parallel_loop3A_106 = arith.constant 1 : i32
      scf.for %parallel_loop3A_164 = %parallel_loop3A_104 to %parallel_loop3A_105 step %parallel_loop3A_106  : i32 {
        %parallel_loop3A_165 = arith.constant 3 : i32
        %parallel_loop3A_166 = arith.andi %parallel_loop3A_164, %parallel_loop3A_165 : i32
        %parallel_loop3A_167 = arith.constant 2 : i32
        %parallel_loop3A_168 = arith.shrsi %parallel_loop3A_164, %parallel_loop3A_167 : i32
        %parallel_loop3A_169 = arith.constant 3 : i32
        %parallel_loop3A_170 = arith.shli %parallel_loop3A_168, %parallel_loop3A_169 : i32
        %parallel_loop3A_171 = arith.ori %parallel_loop3A_170, %parallel_loop3A_166 : i32
        %parallel_loop3A_172 = arith.constant 4 : i32
        %parallel_loop3A_173 = arith.addi %parallel_loop3A_171, %parallel_loop3A_172 : i32
        %parallel_loop3A_174 = arith.constant 16 : i32
        %parallel_loop3A_175 = arith.muli %parallel_loop3A_171, %parallel_loop3A_174 : i32
        %parallel_loop3A_176 = arith.index_cast %parallel_loop3A_175 : i32 to index
        %parallel_loop3A_177 = tpu.vector_load %arg8[%parallel_loop3A_176] {strides = array<i32>} : memref<2048xi32, #tpu.memory_space<vmem>>, vector<16xi32>,
        %parallel_loop3A_178 = arith.constant 16 : i32
        %parallel_loop3A_179 = arith.muli %parallel_loop3A_173, %parallel_loop3A_178 : i32
        %parallel_loop3A_180 = arith.index_cast %parallel_loop3A_179 : i32 to index
        %parallel_loop3A_181 = tpu.vector_load %arg8[%parallel_loop3A_180] {strides = array<i32>} : memref<2048xi32, #tpu.memory_space<vmem>>, vector<16xi32>,
        %parallel_loop3A_182 = arith.minsi %parallel_loop3A_177, %parallel_loop3A_181 : vector<16xi32>
        %parallel_loop3A_183 = arith.maxsi %parallel_loop3A_177, %parallel_loop3A_181 : vector<16xi32>
        %parallel_loop3A_184 = arith.constant 32 : i32
        %parallel_loop3A_185 = arith.andi %parallel_loop3A_171, %parallel_loop3A_184 : i32
        %parallel_loop3A_186 = arith.constant 0 : i32
        %parallel_loop3A_187 = arith.cmpi eq, %parallel_loop3A_185, %parallel_loop3A_186 : i32
        %parallel_loop3A_188 = vector.broadcast %parallel_loop3A_187 : i1 to vector<16xi1>
        %parallel_loop3A_189 = arith.select %parallel_loop3A_188, %parallel_loop3A_183, %parallel_loop3A_182 : vector<16xi1>, vector<16xi32>
        %parallel_loop3A_190 = arith.constant 16 : i32
        %parallel_loop3A_191 = arith.muli %parallel_loop3A_171, %parallel_loop3A_190 : i32
        %parallel_loop3A_192 = arith.index_cast %parallel_loop3A_191 : i32 to index
        %parallel_loop3A_193 = tpu.vector_load %arg8[%parallel_loop3A_192] {strides = array<i32>} : memref<2048xi32, #tpu.memory_space<vmem>>, vector<16xi32>,
        tpu.vector_store %arg8[%parallel_loop3A_192], %parallel_loop3A_189 {strides = array<i32>} : memref<2048xi32, #tpu.memory_space<vmem>>, vector<16xi32>,
        %parallel_loop3A_194 = arith.select %parallel_loop3A_188, %parallel_loop3A_182, %parallel_loop3A_183 : vector<16xi1>, vector<16xi32>
        %parallel_loop3A_195 = arith.constant 16 : i32
        %parallel_loop3A_196 = arith.muli %parallel_loop3A_173, %parallel_loop3A_195 : i32
        %parallel_loop3A_197 = arith.index_cast %parallel_loop3A_196 : i32 to index
        %parallel_loop3A_198 = tpu.vector_load %arg8[%parallel_loop3A_197] {strides = array<i32>} : memref<2048xi32, #tpu.memory_space<vmem>>, vector<16xi32>,
        tpu.vector_store %arg8[%parallel_loop3A_197], %parallel_loop3A_194 {strides = array<i32>} : memref<2048xi32, #tpu.memory_space<vmem>>, vector<16xi32>,
      } {sc.loop_unroll_factor = 4 : i64, sc.parallel_access}
      %parallel_loop3A_107 = arith.constant 0 : i32
      %parallel_loop3A_108 = arith.constant 64 : i32
      %parallel_loop3A_109 = arith.constant 1 : i32
      scf.for %parallel_loop3A_164 = %parallel_loop3A_107 to %parallel_loop3A_108 step %parallel_loop3A_109  : i32 {
        %parallel_loop3A_165 = arith.constant 1 : i32
        %parallel_loop3A_166 = arith.andi %parallel_loop3A_164, %parallel_loop3A_165 : i32
        %parallel_loop3A_167 = arith.constant 1 : i32
        %parallel_loop3A_168 = arith.shrsi %parallel_loop3A_164, %parallel_loop3A_167 : i32
        %parallel_loop3A_169 = arith.constant 2 : i32
        %parallel_loop3A_170 = arith.shli %parallel_loop3A_168, %parallel_loop3A_169 : i32
        %parallel_loop3A_171 = arith.ori %parallel_loop3A_170, %parallel_loop3A_166 : i32
        %parallel_loop3A_172 = arith.constant 2 : i32
        %parallel_loop3A_173 = arith.addi %parallel_loop3A_171, %parallel_loop3A_172 : i32
        %parallel_loop3A_174 = arith.constant 16 : i32
        %parallel_loop3A_175 = arith.muli %parallel_loop3A_171, %parallel_loop3A_174 : i32
        %parallel_loop3A_176 = arith.index_cast %parallel_loop3A_175 : i32 to index
        %parallel_loop3A_177 = tpu.vector_load %arg8[%parallel_loop3A_176] {strides = array<i32>} : memref<2048xi32, #tpu.memory_space<vmem>>, vector<16xi32>,
        %parallel_loop3A_178 = arith.constant 16 : i32
        %parallel_loop3A_179 = arith.muli %parallel_loop3A_173, %parallel_loop3A_178 : i32
        %parallel_loop3A_180 = arith.index_cast %parallel_loop3A_179 : i32 to index
        %parallel_loop3A_181 = tpu.vector_load %arg8[%parallel_loop3A_180] {strides = array<i32>} : memref<2048xi32, #tpu.memory_space<vmem>>, vector<16xi32>,
        %parallel_loop3A_182 = arith.minsi %parallel_loop3A_177, %parallel_loop3A_181 : vector<16xi32>
        %parallel_loop3A_183 = arith.maxsi %parallel_loop3A_177, %parallel_loop3A_181 : vector<16xi32>
        %parallel_loop3A_184 = arith.constant 32 : i32
        %parallel_loop3A_185 = arith.andi %parallel_loop3A_171, %parallel_loop3A_184 : i32
        %parallel_loop3A_186 = arith.constant 0 : i32
        %parallel_loop3A_187 = arith.cmpi eq, %parallel_loop3A_185, %parallel_loop3A_186 : i32
        %parallel_loop3A_188 = vector.broadcast %parallel_loop3A_187 : i1 to vector<16xi1>
        %parallel_loop3A_189 = arith.select %parallel_loop3A_188, %parallel_loop3A_183, %parallel_loop3A_182 : vector<16xi1>, vector<16xi32>
        %parallel_loop3A_190 = arith.constant 16 : i32
        %parallel_loop3A_191 = arith.muli %parallel_loop3A_171, %parallel_loop3A_190 : i32
        %parallel_loop3A_192 = arith.index_cast %parallel_loop3A_191 : i32 to index
        %parallel_loop3A_193 = tpu.vector_load %arg8[%parallel_loop3A_192] {strides = array<i32>} : memref<2048xi32, #tpu.memory_space<vmem>>, vector<16xi32>,
        tpu.vector_store %arg8[%parallel_loop3A_192], %parallel_loop3A_189 {strides = array<i32>} : memref<2048xi32, #tpu.memory_space<vmem>>, vector<16xi32>,
        %parallel_loop3A_194 = arith.select %parallel_loop3A_188, %parallel_loop3A_182, %parallel_loop3A_183 : vector<16xi1>, vector<16xi32>
        %parallel_loop3A_195 = arith.constant 16 : i32
        %parallel_loop3A_196 = arith.muli %parallel_loop3A_173, %parallel_loop3A_195 : i32
        %parallel_loop3A_197 = arith.index_cast %parallel_loop3A_196 : i32 to index
        %parallel_loop3A_198 = tpu.vector_load %arg8[%parallel_loop3A_197] {strides = array<i32>} : memref<2048xi32, #tpu.memory_space<vmem>>, vector<16xi32>,
        tpu.vector_store %arg8[%parallel_loop3A_197], %parallel_loop3A_194 {strides = array<i32>} : memref<2048xi32, #tpu.memory_space<vmem>>, vector<16xi32>,
      } {sc.loop_unroll_factor = 4 : i64, sc.parallel_access}
      %parallel_loop3A_110 = arith.constant 0 : i32
      %parallel_loop3A_111 = arith.constant 64 : i32
      %parallel_loop3A_112 = arith.constant 1 : i32
      scf.for %parallel_loop3A_164 = %parallel_loop3A_110 to %parallel_loop3A_111 step %parallel_loop3A_112  : i32 {
        %parallel_loop3A_165 = arith.constant 0 : i32
        %parallel_loop3A_166 = arith.andi %parallel_loop3A_164, %parallel_loop3A_165 : i32
        %parallel_loop3A_167 = arith.constant 0 : i32
        %parallel_loop3A_168 = arith.shrsi %parallel_loop3A_164, %parallel_loop3A_167 : i32
        %parallel_loop3A_169 = arith.constant 1 : i32
        %parallel_loop3A_170 = arith.shli %parallel_loop3A_168, %parallel_loop3A_169 : i32
        %parallel_loop3A_171 = arith.ori %parallel_loop3A_170, %parallel_loop3A_166 : i32
        %parallel_loop3A_172 = arith.constant 1 : i32
        %parallel_loop3A_173 = arith.addi %parallel_loop3A_171, %parallel_loop3A_172 : i32
        %parallel_loop3A_174 = arith.constant 16 : i32
        %parallel_loop3A_175 = arith.muli %parallel_loop3A_171, %parallel_loop3A_174 : i32
        %parallel_loop3A_176 = arith.index_cast %parallel_loop3A_175 : i32 to index
        %parallel_loop3A_177 = tpu.vector_load %arg8[%parallel_loop3A_176] {strides = array<i32>} : memref<2048xi32, #tpu.memory_space<vmem>>, vector<16xi32>,
        %parallel_loop3A_178 = arith.constant 16 : i32
        %parallel_loop3A_179 = arith.muli %parallel_loop3A_173, %parallel_loop3A_178 : i32
        %parallel_loop3A_180 = arith.index_cast %parallel_loop3A_179 : i32 to index
        %parallel_loop3A_181 = tpu.vector_load %arg8[%parallel_loop3A_180] {strides = array<i32>} : memref<2048xi32, #tpu.memory_space<vmem>>, vector<16xi32>,
        %parallel_loop3A_182 = arith.minsi %parallel_loop3A_177, %parallel_loop3A_181 : vector<16xi32>
        %parallel_loop3A_183 = arith.maxsi %parallel_loop3A_177, %parallel_loop3A_181 : vector<16xi32>
        %parallel_loop3A_184 = arith.constant 32 : i32
        %parallel_loop3A_185 = arith.andi %parallel_loop3A_171, %parallel_loop3A_184 : i32
        %parallel_loop3A_186 = arith.constant 0 : i32
        %parallel_loop3A_187 = arith.cmpi eq, %parallel_loop3A_185, %parallel_loop3A_186 : i32
        %parallel_loop3A_188 = vector.broadcast %parallel_loop3A_187 : i1 to vector<16xi1>
        %parallel_loop3A_189 = arith.select %parallel_loop3A_188, %parallel_loop3A_183, %parallel_loop3A_182 : vector<16xi1>, vector<16xi32>
        %parallel_loop3A_190 = arith.constant 16 : i32
        %parallel_loop3A_191 = arith.muli %parallel_loop3A_171, %parallel_loop3A_190 : i32
        %parallel_loop3A_192 = arith.index_cast %parallel_loop3A_191 : i32 to index
        %parallel_loop3A_193 = tpu.vector_load %arg8[%parallel_loop3A_192] {strides = array<i32>} : memref<2048xi32, #tpu.memory_space<vmem>>, vector<16xi32>,
        tpu.vector_store %arg8[%parallel_loop3A_192], %parallel_loop3A_189 {strides = array<i32>} : memref<2048xi32, #tpu.memory_space<vmem>>, vector<16xi32>,
        %parallel_loop3A_194 = arith.select %parallel_loop3A_188, %parallel_loop3A_182, %parallel_loop3A_183 : vector<16xi1>, vector<16xi32>
        %parallel_loop3A_195 = arith.constant 16 : i32
        %parallel_loop3A_196 = arith.muli %parallel_loop3A_173, %parallel_loop3A_195 : i32
        %parallel_loop3A_197 = arith.index_cast %parallel_loop3A_196 : i32 to index
        %parallel_loop3A_198 = tpu.vector_load %arg8[%parallel_loop3A_197] {strides = array<i32>} : memref<2048xi32, #tpu.memory_space<vmem>>, vector<16xi32>,
        tpu.vector_store %arg8[%parallel_loop3A_197], %parallel_loop3A_194 {strides = array<i32>} : memref<2048xi32, #tpu.memory_space<vmem>>, vector<16xi32>,
      } {sc.loop_unroll_factor = 4 : i64, sc.parallel_access}
      %parallel_loop3A_113 = arith.constant 0 : i32
      %parallel_loop3A_114 = arith.constant 128 : i32
      %parallel_loop3A_115 = arith.constant 1 : i32
      scf.for %parallel_loop3A_164 = %parallel_loop3A_113 to %parallel_loop3A_114 step %parallel_loop3A_115  : i32 {
        %parallel_loop3A_165 = arith.constant 16 : i32
        %parallel_loop3A_166 = arith.muli %parallel_loop3A_164, %parallel_loop3A_165 : i32
        %parallel_loop3A_167 = arith.index_cast %parallel_loop3A_166 : i32 to index
        %parallel_loop3A_168 = tpu.vector_load %arg8[%parallel_loop3A_167] {strides = array<i32>} : memref<2048xi32, #tpu.memory_space<vmem>>, vector<16xi32>,
        %parallel_loop3A_169 = arith.constant 32 : i32
        %parallel_loop3A_170 = arith.andi %parallel_loop3A_164, %parallel_loop3A_169 : i32
        %parallel_loop3A_171 = arith.constant 0 : i32
        %parallel_loop3A_172 = arith.cmpi eq, %parallel_loop3A_170, %parallel_loop3A_171 : i32
        %parallel_loop3A_173 = arith.constant -2147483648 : i32
        %parallel_loop3A_174 = vector.broadcast %parallel_loop3A_173 : i32 to vector<16xi32>
        %parallel_loop3A_175 = arith.xori %parallel_loop3A_168, %parallel_loop3A_174 : vector<16xi32>
        %parallel_loop3A_176 = arith.constant dense<true> : vector<16xi1>
        %parallel_loop3A_177, %parallel_loop3A_178, %parallel_loop3A_179 = tpu.sort %parallel_loop3A_175, %parallel_loop3A_175 masked %parallel_loop3A_176 : (vector<16xi32>, vector<16xi32>, vector<16xi1>) -> (vector<16xi1>, vector<16xi32>, vector<16xi32>)
        %parallel_loop3A_180 = arith.constant -2147483648 : i32
        %parallel_loop3A_181 = vector.broadcast %parallel_loop3A_180 : i32 to vector<16xi32>
        %parallel_loop3A_182 = arith.xori %parallel_loop3A_178, %parallel_loop3A_181 : vector<16xi32>
        %parallel_loop3A_183 = arith.constant 15 : i32
        %parallel_loop3A_184 = vector.broadcast %parallel_loop3A_183 : i32 to vector<16xi32>
        %parallel_loop3A_185 = tpu.iota {dimensions = array<i32: 0>} : vector<16xi32>
        %parallel_loop3A_186 = arith.subi %parallel_loop3A_184, %parallel_loop3A_185 : vector<16xi32>
        %parallel_loop3A_187 = tpu.dynamic_gather %parallel_loop3A_182[%parallel_loop3A_186] in [0] : vector<16xi32>, vector<16xi32> -> vector<16xi32>
        %parallel_loop3A_188 = vector.broadcast %parallel_loop3A_172 : i1 to vector<16xi1>
        %parallel_loop3A_189 = arith.select %parallel_loop3A_188, %parallel_loop3A_187, %parallel_loop3A_182 : vector<16xi1>, vector<16xi32>
        %parallel_loop3A_190 = arith.constant 16 : i32
        %parallel_loop3A_191 = arith.muli %parallel_loop3A_164, %parallel_loop3A_190 : i32
        %parallel_loop3A_192 = arith.index_cast %parallel_loop3A_191 : i32 to index
        %parallel_loop3A_193 = tpu.vector_load %arg8[%parallel_loop3A_192] {strides = array<i32>} : memref<2048xi32, #tpu.memory_space<vmem>>, vector<16xi32>,
        tpu.vector_store %arg8[%parallel_loop3A_192], %parallel_loop3A_189 {strides = array<i32>} : memref<2048xi32, #tpu.memory_space<vmem>>, vector<16xi32>,
      } {sc.loop_unroll_factor = 4 : i64, sc.parallel_access}
      %parallel_loop3A_116 = arith.constant 0 : i32
      %parallel_loop3A_117 = arith.constant 64 : i32
      %parallel_loop3A_118 = arith.constant 1 : i32
      scf.for %parallel_loop3A_164 = %parallel_loop3A_116 to %parallel_loop3A_117 step %parallel_loop3A_118  : i32 {
        %parallel_loop3A_165 = arith.constant 31 : i32
        %parallel_loop3A_166 = arith.andi %parallel_loop3A_164, %parallel_loop3A_165 : i32
        %parallel_loop3A_167 = arith.constant 5 : i32
        %parallel_loop3A_168 = arith.shrsi %parallel_loop3A_164, %parallel_loop3A_167 : i32
        %parallel_loop3A_169 = arith.constant 6 : i32
        %parallel_loop3A_170 = arith.shli %parallel_loop3A_168, %parallel_loop3A_169 : i32
        %parallel_loop3A_171 = arith.ori %parallel_loop3A_170, %parallel_loop3A_166 : i32
        %parallel_loop3A_172 = arith.constant 32 : i32
        %parallel_loop3A_173 = arith.addi %parallel_loop3A_171, %parallel_loop3A_172 : i32
        %parallel_loop3A_174 = arith.constant 16 : i32
        %parallel_loop3A_175 = arith.muli %parallel_loop3A_171, %parallel_loop3A_174 : i32
        %parallel_loop3A_176 = arith.index_cast %parallel_loop3A_175 : i32 to index
        %parallel_loop3A_177 = tpu.vector_load %arg8[%parallel_loop3A_176] {strides = array<i32>} : memref<2048xi32, #tpu.memory_space<vmem>>, vector<16xi32>,
        %parallel_loop3A_178 = arith.constant 16 : i32
        %parallel_loop3A_179 = arith.muli %parallel_loop3A_173, %parallel_loop3A_178 : i32
        %parallel_loop3A_180 = arith.index_cast %parallel_loop3A_179 : i32 to index
        %parallel_loop3A_181 = tpu.vector_load %arg8[%parallel_loop3A_180] {strides = array<i32>} : memref<2048xi32, #tpu.memory_space<vmem>>, vector<16xi32>,
        %parallel_loop3A_182 = arith.minsi %parallel_loop3A_177, %parallel_loop3A_181 : vector<16xi32>
        %parallel_loop3A_183 = arith.maxsi %parallel_loop3A_177, %parallel_loop3A_181 : vector<16xi32>
        %parallel_loop3A_184 = arith.constant 64 : i32
        %parallel_loop3A_185 = arith.andi %parallel_loop3A_171, %parallel_loop3A_184 : i32
        %parallel_loop3A_186 = arith.constant 0 : i32
        %parallel_loop3A_187 = arith.cmpi eq, %parallel_loop3A_185, %parallel_loop3A_186 : i32
        %parallel_loop3A_188 = vector.broadcast %parallel_loop3A_187 : i1 to vector<16xi1>
        %parallel_loop3A_189 = arith.select %parallel_loop3A_188, %parallel_loop3A_183, %parallel_loop3A_182 : vector<16xi1>, vector<16xi32>
        %parallel_loop3A_190 = arith.constant 16 : i32
        %parallel_loop3A_191 = arith.muli %parallel_loop3A_171, %parallel_loop3A_190 : i32
        %parallel_loop3A_192 = arith.index_cast %parallel_loop3A_191 : i32 to index
        %parallel_loop3A_193 = tpu.vector_load %arg8[%parallel_loop3A_192] {strides = array<i32>} : memref<2048xi32, #tpu.memory_space<vmem>>, vector<16xi32>,
        tpu.vector_store %arg8[%parallel_loop3A_192], %parallel_loop3A_189 {strides = array<i32>} : memref<2048xi32, #tpu.memory_space<vmem>>, vector<16xi32>,
        %parallel_loop3A_194 = arith.select %parallel_loop3A_188, %parallel_loop3A_182, %parallel_loop3A_183 : vector<16xi1>, vector<16xi32>
        %parallel_loop3A_195 = arith.constant 16 : i32
        %parallel_loop3A_196 = arith.muli %parallel_loop3A_173, %parallel_loop3A_195 : i32
        %parallel_loop3A_197 = arith.index_cast %parallel_loop3A_196 : i32 to index
        %parallel_loop3A_198 = tpu.vector_load %arg8[%parallel_loop3A_197] {strides = array<i32>} : memref<2048xi32, #tpu.memory_space<vmem>>, vector<16xi32>,
        tpu.vector_store %arg8[%parallel_loop3A_197], %parallel_loop3A_194 {strides = array<i32>} : memref<2048xi32, #tpu.memory_space<vmem>>, vector<16xi32>,
      } {sc.loop_unroll_factor = 4 : i64, sc.parallel_access}
      %parallel_loop3A_119 = arith.constant 0 : i32
      %parallel_loop3A_120 = arith.constant 64 : i32
      %parallel_loop3A_121 = arith.constant 1 : i32
      scf.for %parallel_loop3A_164 = %parallel_loop3A_119 to %parallel_loop3A_120 step %parallel_loop3A_121  : i32 {
        %parallel_loop3A_165 = arith.constant 15 : i32
        %parallel_loop3A_166 = arith.andi %parallel_loop3A_164, %parallel_loop3A_165 : i32
        %parallel_loop3A_167 = arith.constant 4 : i32
        %parallel_loop3A_168 = arith.shrsi %parallel_loop3A_164, %parallel_loop3A_167 : i32
        %parallel_loop3A_169 = arith.constant 5 : i32
        %parallel_loop3A_170 = arith.shli %parallel_loop3A_168, %parallel_loop3A_169 : i32
        %parallel_loop3A_171 = arith.ori %parallel_loop3A_170, %parallel_loop3A_166 : i32
        %parallel_loop3A_172 = arith.constant 16 : i32
        %parallel_loop3A_173 = arith.addi %parallel_loop3A_171, %parallel_loop3A_172 : i32
        %parallel_loop3A_174 = arith.constant 16 : i32
        %parallel_loop3A_175 = arith.muli %parallel_loop3A_171, %parallel_loop3A_174 : i32
        %parallel_loop3A_176 = arith.index_cast %parallel_loop3A_175 : i32 to index
        %parallel_loop3A_177 = tpu.vector_load %arg8[%parallel_loop3A_176] {strides = array<i32>} : memref<2048xi32, #tpu.memory_space<vmem>>, vector<16xi32>,
        %parallel_loop3A_178 = arith.constant 16 : i32
        %parallel_loop3A_179 = arith.muli %parallel_loop3A_173, %parallel_loop3A_178 : i32
        %parallel_loop3A_180 = arith.index_cast %parallel_loop3A_179 : i32 to index
        %parallel_loop3A_181 = tpu.vector_load %arg8[%parallel_loop3A_180] {strides = array<i32>} : memref<2048xi32, #tpu.memory_space<vmem>>, vector<16xi32>,
        %parallel_loop3A_182 = arith.minsi %parallel_loop3A_177, %parallel_loop3A_181 : vector<16xi32>
        %parallel_loop3A_183 = arith.maxsi %parallel_loop3A_177, %parallel_loop3A_181 : vector<16xi32>
        %parallel_loop3A_184 = arith.constant 64 : i32
        %parallel_loop3A_185 = arith.andi %parallel_loop3A_171, %parallel_loop3A_184 : i32
        %parallel_loop3A_186 = arith.constant 0 : i32
        %parallel_loop3A_187 = arith.cmpi eq, %parallel_loop3A_185, %parallel_loop3A_186 : i32
        %parallel_loop3A_188 = vector.broadcast %parallel_loop3A_187 : i1 to vector<16xi1>
        %parallel_loop3A_189 = arith.select %parallel_loop3A_188, %parallel_loop3A_183, %parallel_loop3A_182 : vector<16xi1>, vector<16xi32>
        %parallel_loop3A_190 = arith.constant 16 : i32
        %parallel_loop3A_191 = arith.muli %parallel_loop3A_171, %parallel_loop3A_190 : i32
        %parallel_loop3A_192 = arith.index_cast %parallel_loop3A_191 : i32 to index
        %parallel_loop3A_193 = tpu.vector_load %arg8[%parallel_loop3A_192] {strides = array<i32>} : memref<2048xi32, #tpu.memory_space<vmem>>, vector<16xi32>,
        tpu.vector_store %arg8[%parallel_loop3A_192], %parallel_loop3A_189 {strides = array<i32>} : memref<2048xi32, #tpu.memory_space<vmem>>, vector<16xi32>,
        %parallel_loop3A_194 = arith.select %parallel_loop3A_188, %parallel_loop3A_182, %parallel_loop3A_183 : vector<16xi1>, vector<16xi32>
        %parallel_loop3A_195 = arith.constant 16 : i32
        %parallel_loop3A_196 = arith.muli %parallel_loop3A_173, %parallel_loop3A_195 : i32
        %parallel_loop3A_197 = arith.index_cast %parallel_loop3A_196 : i32 to index
        %parallel_loop3A_198 = tpu.vector_load %arg8[%parallel_loop3A_197] {strides = array<i32>} : memref<2048xi32, #tpu.memory_space<vmem>>, vector<16xi32>,
        tpu.vector_store %arg8[%parallel_loop3A_197], %parallel_loop3A_194 {strides = array<i32>} : memref<2048xi32, #tpu.memory_space<vmem>>, vector<16xi32>,
      } {sc.loop_unroll_factor = 4 : i64, sc.parallel_access}
      %parallel_loop3A_122 = arith.constant 0 : i32
      %parallel_loop3A_123 = arith.constant 64 : i32
      %parallel_loop3A_124 = arith.constant 1 : i32
      scf.for %parallel_loop3A_164 = %parallel_loop3A_122 to %parallel_loop3A_123 step %parallel_loop3A_124  : i32 {
        %parallel_loop3A_165 = arith.constant 7 : i32
        %parallel_loop3A_166 = arith.andi %parallel_loop3A_164, %parallel_loop3A_165 : i32
        %parallel_loop3A_167 = arith.constant 3 : i32
        %parallel_loop3A_168 = arith.shrsi %parallel_loop3A_164, %parallel_loop3A_167 : i32
        %parallel_loop3A_169 = arith.constant 4 : i32
        %parallel_loop3A_170 = arith.shli %parallel_loop3A_168, %parallel_loop3A_169 : i32
        %parallel_loop3A_171 = arith.ori %parallel_loop3A_170, %parallel_loop3A_166 : i32
        %parallel_loop3A_172 = arith.constant 8 : i32
        %parallel_loop3A_173 = arith.addi %parallel_loop3A_171, %parallel_loop3A_172 : i32
        %parallel_loop3A_174 = arith.constant 16 : i32
        %parallel_loop3A_175 = arith.muli %parallel_loop3A_171, %parallel_loop3A_174 : i32
        %parallel_loop3A_176 = arith.index_cast %parallel_loop3A_175 : i32 to index
        %parallel_loop3A_177 = tpu.vector_load %arg8[%parallel_loop3A_176] {strides = array<i32>} : memref<2048xi32, #tpu.memory_space<vmem>>, vector<16xi32>,
        %parallel_loop3A_178 = arith.constant 16 : i32
        %parallel_loop3A_179 = arith.muli %parallel_loop3A_173, %parallel_loop3A_178 : i32
        %parallel_loop3A_180 = arith.index_cast %parallel_loop3A_179 : i32 to index
        %parallel_loop3A_181 = tpu.vector_load %arg8[%parallel_loop3A_180] {strides = array<i32>} : memref<2048xi32, #tpu.memory_space<vmem>>, vector<16xi32>,
        %parallel_loop3A_182 = arith.minsi %parallel_loop3A_177, %parallel_loop3A_181 : vector<16xi32>
        %parallel_loop3A_183 = arith.maxsi %parallel_loop3A_177, %parallel_loop3A_181 : vector<16xi32>
        %parallel_loop3A_184 = arith.constant 64 : i32
        %parallel_loop3A_185 = arith.andi %parallel_loop3A_171, %parallel_loop3A_184 : i32
        %parallel_loop3A_186 = arith.constant 0 : i32
        %parallel_loop3A_187 = arith.cmpi eq, %parallel_loop3A_185, %parallel_loop3A_186 : i32
        %parallel_loop3A_188 = vector.broadcast %parallel_loop3A_187 : i1 to vector<16xi1>
        %parallel_loop3A_189 = arith.select %parallel_loop3A_188, %parallel_loop3A_183, %parallel_loop3A_182 : vector<16xi1>, vector<16xi32>
        %parallel_loop3A_190 = arith.constant 16 : i32
        %parallel_loop3A_191 = arith.muli %parallel_loop3A_171, %parallel_loop3A_190 : i32
        %parallel_loop3A_192 = arith.index_cast %parallel_loop3A_191 : i32 to index
        %parallel_loop3A_193 = tpu.vector_load %arg8[%parallel_loop3A_192] {strides = array<i32>} : memref<2048xi32, #tpu.memory_space<vmem>>, vector<16xi32>,
        tpu.vector_store %arg8[%parallel_loop3A_192], %parallel_loop3A_189 {strides = array<i32>} : memref<2048xi32, #tpu.memory_space<vmem>>, vector<16xi32>,
        %parallel_loop3A_194 = arith.select %parallel_loop3A_188, %parallel_loop3A_182, %parallel_loop3A_183 : vector<16xi1>, vector<16xi32>
        %parallel_loop3A_195 = arith.constant 16 : i32
        %parallel_loop3A_196 = arith.muli %parallel_loop3A_173, %parallel_loop3A_195 : i32
        %parallel_loop3A_197 = arith.index_cast %parallel_loop3A_196 : i32 to index
        %parallel_loop3A_198 = tpu.vector_load %arg8[%parallel_loop3A_197] {strides = array<i32>} : memref<2048xi32, #tpu.memory_space<vmem>>, vector<16xi32>,
        tpu.vector_store %arg8[%parallel_loop3A_197], %parallel_loop3A_194 {strides = array<i32>} : memref<2048xi32, #tpu.memory_space<vmem>>, vector<16xi32>,
      } {sc.loop_unroll_factor = 4 : i64, sc.parallel_access}
      %parallel_loop3A_125 = arith.constant 0 : i32
      %parallel_loop3A_126 = arith.constant 64 : i32
      %parallel_loop3A_127 = arith.constant 1 : i32
      scf.for %parallel_loop3A_164 = %parallel_loop3A_125 to %parallel_loop3A_126 step %parallel_loop3A_127  : i32 {
        %parallel_loop3A_165 = arith.constant 3 : i32
        %parallel_loop3A_166 = arith.andi %parallel_loop3A_164, %parallel_loop3A_165 : i32
        %parallel_loop3A_167 = arith.constant 2 : i32
        %parallel_loop3A_168 = arith.shrsi %parallel_loop3A_164, %parallel_loop3A_167 : i32
        %parallel_loop3A_169 = arith.constant 3 : i32
        %parallel_loop3A_170 = arith.shli %parallel_loop3A_168, %parallel_loop3A_169 : i32
        %parallel_loop3A_171 = arith.ori %parallel_loop3A_170, %parallel_loop3A_166 : i32
        %parallel_loop3A_172 = arith.constant 4 : i32
        %parallel_loop3A_173 = arith.addi %parallel_loop3A_171, %parallel_loop3A_172 : i32
        %parallel_loop3A_174 = arith.constant 16 : i32
        %parallel_loop3A_175 = arith.muli %parallel_loop3A_171, %parallel_loop3A_174 : i32
        %parallel_loop3A_176 = arith.index_cast %parallel_loop3A_175 : i32 to index
        %parallel_loop3A_177 = tpu.vector_load %arg8[%parallel_loop3A_176] {strides = array<i32>} : memref<2048xi32, #tpu.memory_space<vmem>>, vector<16xi32>,
        %parallel_loop3A_178 = arith.constant 16 : i32
        %parallel_loop3A_179 = arith.muli %parallel_loop3A_173, %parallel_loop3A_178 : i32
        %parallel_loop3A_180 = arith.index_cast %parallel_loop3A_179 : i32 to index
        %parallel_loop3A_181 = tpu.vector_load %arg8[%parallel_loop3A_180] {strides = array<i32>} : memref<2048xi32, #tpu.memory_space<vmem>>, vector<16xi32>,
        %parallel_loop3A_182 = arith.minsi %parallel_loop3A_177, %parallel_loop3A_181 : vector<16xi32>
        %parallel_loop3A_183 = arith.maxsi %parallel_loop3A_177, %parallel_loop3A_181 : vector<16xi32>
        %parallel_loop3A_184 = arith.constant 64 : i32
        %parallel_loop3A_185 = arith.andi %parallel_loop3A_171, %parallel_loop3A_184 : i32
        %parallel_loop3A_186 = arith.constant 0 : i32
        %parallel_loop3A_187 = arith.cmpi eq, %parallel_loop3A_185, %parallel_loop3A_186 : i32
        %parallel_loop3A_188 = vector.broadcast %parallel_loop3A_187 : i1 to vector<16xi1>
        %parallel_loop3A_189 = arith.select %parallel_loop3A_188, %parallel_loop3A_183, %parallel_loop3A_182 : vector<16xi1>, vector<16xi32>
        %parallel_loop3A_190 = arith.constant 16 : i32
        %parallel_loop3A_191 = arith.muli %parallel_loop3A_171, %parallel_loop3A_190 : i32
        %parallel_loop3A_192 = arith.index_cast %parallel_loop3A_191 : i32 to index
        %parallel_loop3A_193 = tpu.vector_load %arg8[%parallel_loop3A_192] {strides = array<i32>} : memref<2048xi32, #tpu.memory_space<vmem>>, vector<16xi32>,
        tpu.vector_store %arg8[%parallel_loop3A_192], %parallel_loop3A_189 {strides = array<i32>} : memref<2048xi32, #tpu.memory_space<vmem>>, vector<16xi32>,
        %parallel_loop3A_194 = arith.select %parallel_loop3A_188, %parallel_loop3A_182, %parallel_loop3A_183 : vector<16xi1>, vector<16xi32>
        %parallel_loop3A_195 = arith.constant 16 : i32
        %parallel_loop3A_196 = arith.muli %parallel_loop3A_173, %parallel_loop3A_195 : i32
        %parallel_loop3A_197 = arith.index_cast %parallel_loop3A_196 : i32 to index
        %parallel_loop3A_198 = tpu.vector_load %arg8[%parallel_loop3A_197] {strides = array<i32>} : memref<2048xi32, #tpu.memory_space<vmem>>, vector<16xi32>,
        tpu.vector_store %arg8[%parallel_loop3A_197], %parallel_loop3A_194 {strides = array<i32>} : memref<2048xi32, #tpu.memory_space<vmem>>, vector<16xi32>,
      } {sc.loop_unroll_factor = 4 : i64, sc.parallel_access}
      %parallel_loop3A_128 = arith.constant 0 : i32
      %parallel_loop3A_129 = arith.constant 64 : i32
      %parallel_loop3A_130 = arith.constant 1 : i32
      scf.for %parallel_loop3A_164 = %parallel_loop3A_128 to %parallel_loop3A_129 step %parallel_loop3A_130  : i32 {
        %parallel_loop3A_165 = arith.constant 1 : i32
        %parallel_loop3A_166 = arith.andi %parallel_loop3A_164, %parallel_loop3A_165 : i32
        %parallel_loop3A_167 = arith.constant 1 : i32
        %parallel_loop3A_168 = arith.shrsi %parallel_loop3A_164, %parallel_loop3A_167 : i32
        %parallel_loop3A_169 = arith.constant 2 : i32
        %parallel_loop3A_170 = arith.shli %parallel_loop3A_168, %parallel_loop3A_169 : i32
        %parallel_loop3A_171 = arith.ori %parallel_loop3A_170, %parallel_loop3A_166 : i32
        %parallel_loop3A_172 = arith.constant 2 : i32
        %parallel_loop3A_173 = arith.addi %parallel_loop3A_171, %parallel_loop3A_172 : i32
        %parallel_loop3A_174 = arith.constant 16 : i32
        %parallel_loop3A_175 = arith.muli %parallel_loop3A_171, %parallel_loop3A_174 : i32
        %parallel_loop3A_176 = arith.index_cast %parallel_loop3A_175 : i32 to index
        %parallel_loop3A_177 = tpu.vector_load %arg8[%parallel_loop3A_176] {strides = array<i32>} : memref<2048xi32, #tpu.memory_space<vmem>>, vector<16xi32>,
        %parallel_loop3A_178 = arith.constant 16 : i32
        %parallel_loop3A_179 = arith.muli %parallel_loop3A_173, %parallel_loop3A_178 : i32
        %parallel_loop3A_180 = arith.index_cast %parallel_loop3A_179 : i32 to index
        %parallel_loop3A_181 = tpu.vector_load %arg8[%parallel_loop3A_180] {strides = array<i32>} : memref<2048xi32, #tpu.memory_space<vmem>>, vector<16xi32>,
        %parallel_loop3A_182 = arith.minsi %parallel_loop3A_177, %parallel_loop3A_181 : vector<16xi32>
        %parallel_loop3A_183 = arith.maxsi %parallel_loop3A_177, %parallel_loop3A_181 : vector<16xi32>
        %parallel_loop3A_184 = arith.constant 64 : i32
        %parallel_loop3A_185 = arith.andi %parallel_loop3A_171, %parallel_loop3A_184 : i32
        %parallel_loop3A_186 = arith.constant 0 : i32
        %parallel_loop3A_187 = arith.cmpi eq, %parallel_loop3A_185, %parallel_loop3A_186 : i32
        %parallel_loop3A_188 = vector.broadcast %parallel_loop3A_187 : i1 to vector<16xi1>
        %parallel_loop3A_189 = arith.select %parallel_loop3A_188, %parallel_loop3A_183, %parallel_loop3A_182 : vector<16xi1>, vector<16xi32>
        %parallel_loop3A_190 = arith.constant 16 : i32
        %parallel_loop3A_191 = arith.muli %parallel_loop3A_171, %parallel_loop3A_190 : i32
        %parallel_loop3A_192 = arith.index_cast %parallel_loop3A_191 : i32 to index
        %parallel_loop3A_193 = tpu.vector_load %arg8[%parallel_loop3A_192] {strides = array<i32>} : memref<2048xi32, #tpu.memory_space<vmem>>, vector<16xi32>,
        tpu.vector_store %arg8[%parallel_loop3A_192], %parallel_loop3A_189 {strides = array<i32>} : memref<2048xi32, #tpu.memory_space<vmem>>, vector<16xi32>,
        %parallel_loop3A_194 = arith.select %parallel_loop3A_188, %parallel_loop3A_182, %parallel_loop3A_183 : vector<16xi1>, vector<16xi32>
        %parallel_loop3A_195 = arith.constant 16 : i32
        %parallel_loop3A_196 = arith.muli %parallel_loop3A_173, %parallel_loop3A_195 : i32
        %parallel_loop3A_197 = arith.index_cast %parallel_loop3A_196 : i32 to index
        %parallel_loop3A_198 = tpu.vector_load %arg8[%parallel_loop3A_197] {strides = array<i32>} : memref<2048xi32, #tpu.memory_space<vmem>>, vector<16xi32>,
        tpu.vector_store %arg8[%parallel_loop3A_197], %parallel_loop3A_194 {strides = array<i32>} : memref<2048xi32, #tpu.memory_space<vmem>>, vector<16xi32>,
      } {sc.loop_unroll_factor = 4 : i64, sc.parallel_access}
      %parallel_loop3A_131 = arith.constant 0 : i32
      %parallel_loop3A_132 = arith.constant 64 : i32
      %parallel_loop3A_133 = arith.constant 1 : i32
      scf.for %parallel_loop3A_164 = %parallel_loop3A_131 to %parallel_loop3A_132 step %parallel_loop3A_133  : i32 {
        %parallel_loop3A_165 = arith.constant 0 : i32
        %parallel_loop3A_166 = arith.andi %parallel_loop3A_164, %parallel_loop3A_165 : i32
        %parallel_loop3A_167 = arith.constant 0 : i32
        %parallel_loop3A_168 = arith.shrsi %parallel_loop3A_164, %parallel_loop3A_167 : i32
        %parallel_loop3A_169 = arith.constant 1 : i32
        %parallel_loop3A_170 = arith.shli %parallel_loop3A_168, %parallel_loop3A_169 : i32
        %parallel_loop3A_171 = arith.ori %parallel_loop3A_170, %parallel_loop3A_166 : i32
        %parallel_loop3A_172 = arith.constant 1 : i32
        %parallel_loop3A_173 = arith.addi %parallel_loop3A_171, %parallel_loop3A_172 : i32
        %parallel_loop3A_174 = arith.constant 16 : i32
        %parallel_loop3A_175 = arith.muli %parallel_loop3A_171, %parallel_loop3A_174 : i32
        %parallel_loop3A_176 = arith.index_cast %parallel_loop3A_175 : i32 to index
        %parallel_loop3A_177 = tpu.vector_load %arg8[%parallel_loop3A_176] {strides = array<i32>} : memref<2048xi32, #tpu.memory_space<vmem>>, vector<16xi32>,
        %parallel_loop3A_178 = arith.constant 16 : i32
        %parallel_loop3A_179 = arith.muli %parallel_loop3A_173, %parallel_loop3A_178 : i32
        %parallel_loop3A_180 = arith.index_cast %parallel_loop3A_179 : i32 to index
        %parallel_loop3A_181 = tpu.vector_load %arg8[%parallel_loop3A_180] {strides = array<i32>} : memref<2048xi32, #tpu.memory_space<vmem>>, vector<16xi32>,
        %parallel_loop3A_182 = arith.minsi %parallel_loop3A_177, %parallel_loop3A_181 : vector<16xi32>
        %parallel_loop3A_183 = arith.maxsi %parallel_loop3A_177, %parallel_loop3A_181 : vector<16xi32>
        %parallel_loop3A_184 = arith.constant 64 : i32
        %parallel_loop3A_185 = arith.andi %parallel_loop3A_171, %parallel_loop3A_184 : i32
        %parallel_loop3A_186 = arith.constant 0 : i32
        %parallel_loop3A_187 = arith.cmpi eq, %parallel_loop3A_185, %parallel_loop3A_186 : i32
        %parallel_loop3A_188 = vector.broadcast %parallel_loop3A_187 : i1 to vector<16xi1>
        %parallel_loop3A_189 = arith.select %parallel_loop3A_188, %parallel_loop3A_183, %parallel_loop3A_182 : vector<16xi1>, vector<16xi32>
        %parallel_loop3A_190 = arith.constant 16 : i32
        %parallel_loop3A_191 = arith.muli %parallel_loop3A_171, %parallel_loop3A_190 : i32
        %parallel_loop3A_192 = arith.index_cast %parallel_loop3A_191 : i32 to index
        %parallel_loop3A_193 = tpu.vector_load %arg8[%parallel_loop3A_192] {strides = array<i32>} : memref<2048xi32, #tpu.memory_space<vmem>>, vector<16xi32>,
        tpu.vector_store %arg8[%parallel_loop3A_192], %parallel_loop3A_189 {strides = array<i32>} : memref<2048xi32, #tpu.memory_space<vmem>>, vector<16xi32>,
        %parallel_loop3A_194 = arith.select %parallel_loop3A_188, %parallel_loop3A_182, %parallel_loop3A_183 : vector<16xi1>, vector<16xi32>
        %parallel_loop3A_195 = arith.constant 16 : i32
        %parallel_loop3A_196 = arith.muli %parallel_loop3A_173, %parallel_loop3A_195 : i32
        %parallel_loop3A_197 = arith.index_cast %parallel_loop3A_196 : i32 to index
        %parallel_loop3A_198 = tpu.vector_load %arg8[%parallel_loop3A_197] {strides = array<i32>} : memref<2048xi32, #tpu.memory_space<vmem>>, vector<16xi32>,
        tpu.vector_store %arg8[%parallel_loop3A_197], %parallel_loop3A_194 {strides = array<i32>} : memref<2048xi32, #tpu.memory_space<vmem>>, vector<16xi32>,
      } {sc.loop_unroll_factor = 4 : i64, sc.parallel_access}
      %parallel_loop3A_134 = arith.constant 0 : i32
      %parallel_loop3A_135 = arith.constant 128 : i32
      %parallel_loop3A_136 = arith.constant 1 : i32
      scf.for %parallel_loop3A_164 = %parallel_loop3A_134 to %parallel_loop3A_135 step %parallel_loop3A_136  : i32 {
        %parallel_loop3A_165 = arith.constant 16 : i32
        %parallel_loop3A_166 = arith.muli %parallel_loop3A_164, %parallel_loop3A_165 : i32
        %parallel_loop3A_167 = arith.index_cast %parallel_loop3A_166 : i32 to index
        %parallel_loop3A_168 = tpu.vector_load %arg8[%parallel_loop3A_167] {strides = array<i32>} : memref<2048xi32, #tpu.memory_space<vmem>>, vector<16xi32>,
        %parallel_loop3A_169 = arith.constant 64 : i32
        %parallel_loop3A_170 = arith.andi %parallel_loop3A_164, %parallel_loop3A_169 : i32
        %parallel_loop3A_171 = arith.constant 0 : i32
        %parallel_loop3A_172 = arith.cmpi eq, %parallel_loop3A_170, %parallel_loop3A_171 : i32
        %parallel_loop3A_173 = arith.constant -2147483648 : i32
        %parallel_loop3A_174 = vector.broadcast %parallel_loop3A_173 : i32 to vector<16xi32>
        %parallel_loop3A_175 = arith.xori %parallel_loop3A_168, %parallel_loop3A_174 : vector<16xi32>
        %parallel_loop3A_176 = arith.constant dense<true> : vector<16xi1>
        %parallel_loop3A_177, %parallel_loop3A_178, %parallel_loop3A_179 = tpu.sort %parallel_loop3A_175, %parallel_loop3A_175 masked %parallel_loop3A_176 : (vector<16xi32>, vector<16xi32>, vector<16xi1>) -> (vector<16xi1>, vector<16xi32>, vector<16xi32>)
        %parallel_loop3A_180 = arith.constant -2147483648 : i32
        %parallel_loop3A_181 = vector.broadcast %parallel_loop3A_180 : i32 to vector<16xi32>
        %parallel_loop3A_182 = arith.xori %parallel_loop3A_178, %parallel_loop3A_181 : vector<16xi32>
        %parallel_loop3A_183 = arith.constant 15 : i32
        %parallel_loop3A_184 = vector.broadcast %parallel_loop3A_183 : i32 to vector<16xi32>
        %parallel_loop3A_185 = tpu.iota {dimensions = array<i32: 0>} : vector<16xi32>
        %parallel_loop3A_186 = arith.subi %parallel_loop3A_184, %parallel_loop3A_185 : vector<16xi32>
        %parallel_loop3A_187 = tpu.dynamic_gather %parallel_loop3A_182[%parallel_loop3A_186] in [0] : vector<16xi32>, vector<16xi32> -> vector<16xi32>
        %parallel_loop3A_188 = vector.broadcast %parallel_loop3A_172 : i1 to vector<16xi1>
        %parallel_loop3A_189 = arith.select %parallel_loop3A_188, %parallel_loop3A_187, %parallel_loop3A_182 : vector<16xi1>, vector<16xi32>
        %parallel_loop3A_190 = arith.constant 16 : i32
        %parallel_loop3A_191 = arith.muli %parallel_loop3A_164, %parallel_loop3A_190 : i32
        %parallel_loop3A_192 = arith.index_cast %parallel_loop3A_191 : i32 to index
        %parallel_loop3A_193 = tpu.vector_load %arg8[%parallel_loop3A_192] {strides = array<i32>} : memref<2048xi32, #tpu.memory_space<vmem>>, vector<16xi32>,
        tpu.vector_store %arg8[%parallel_loop3A_192], %parallel_loop3A_189 {strides = array<i32>} : memref<2048xi32, #tpu.memory_space<vmem>>, vector<16xi32>,
      } {sc.loop_unroll_factor = 4 : i64, sc.parallel_access}
      %parallel_loop3A_137 = arith.constant 0 : i32
      %parallel_loop3A_138 = arith.constant 64 : i32
      %parallel_loop3A_139 = arith.constant 1 : i32
      scf.for %parallel_loop3A_164 = %parallel_loop3A_137 to %parallel_loop3A_138 step %parallel_loop3A_139  : i32 {
        %parallel_loop3A_165 = arith.constant 63 : i32
        %parallel_loop3A_166 = arith.andi %parallel_loop3A_164, %parallel_loop3A_165 : i32
        %parallel_loop3A_167 = arith.constant 6 : i32
        %parallel_loop3A_168 = arith.shrsi %parallel_loop3A_164, %parallel_loop3A_167 : i32
        %parallel_loop3A_169 = arith.constant 7 : i32
        %parallel_loop3A_170 = arith.shli %parallel_loop3A_168, %parallel_loop3A_169 : i32
        %parallel_loop3A_171 = arith.ori %parallel_loop3A_170, %parallel_loop3A_166 : i32
        %parallel_loop3A_172 = arith.constant 64 : i32
        %parallel_loop3A_173 = arith.addi %parallel_loop3A_171, %parallel_loop3A_172 : i32
        %parallel_loop3A_174 = arith.constant 16 : i32
        %parallel_loop3A_175 = arith.muli %parallel_loop3A_171, %parallel_loop3A_174 : i32
        %parallel_loop3A_176 = arith.index_cast %parallel_loop3A_175 : i32 to index
        %parallel_loop3A_177 = tpu.vector_load %arg8[%parallel_loop3A_176] {strides = array<i32>} : memref<2048xi32, #tpu.memory_space<vmem>>, vector<16xi32>,
        %parallel_loop3A_178 = arith.constant 16 : i32
        %parallel_loop3A_179 = arith.muli %parallel_loop3A_173, %parallel_loop3A_178 : i32
        %parallel_loop3A_180 = arith.index_cast %parallel_loop3A_179 : i32 to index
        %parallel_loop3A_181 = tpu.vector_load %arg8[%parallel_loop3A_180] {strides = array<i32>} : memref<2048xi32, #tpu.memory_space<vmem>>, vector<16xi32>,
        %parallel_loop3A_182 = arith.minsi %parallel_loop3A_177, %parallel_loop3A_181 : vector<16xi32>
        %parallel_loop3A_183 = arith.maxsi %parallel_loop3A_177, %parallel_loop3A_181 : vector<16xi32>
        %parallel_loop3A_184 = arith.constant 128 : i32
        %parallel_loop3A_185 = arith.andi %parallel_loop3A_171, %parallel_loop3A_184 : i32
        %parallel_loop3A_186 = arith.constant 0 : i32
        %parallel_loop3A_187 = arith.cmpi eq, %parallel_loop3A_185, %parallel_loop3A_186 : i32
        %parallel_loop3A_188 = vector.broadcast %parallel_loop3A_187 : i1 to vector<16xi1>
        %parallel_loop3A_189 = arith.select %parallel_loop3A_188, %parallel_loop3A_183, %parallel_loop3A_182 : vector<16xi1>, vector<16xi32>
        %parallel_loop3A_190 = arith.constant 16 : i32
        %parallel_loop3A_191 = arith.muli %parallel_loop3A_171, %parallel_loop3A_190 : i32
        %parallel_loop3A_192 = arith.index_cast %parallel_loop3A_191 : i32 to index
        %parallel_loop3A_193 = tpu.vector_load %arg8[%parallel_loop3A_192] {strides = array<i32>} : memref<2048xi32, #tpu.memory_space<vmem>>, vector<16xi32>,
        tpu.vector_store %arg8[%parallel_loop3A_192], %parallel_loop3A_189 {strides = array<i32>} : memref<2048xi32, #tpu.memory_space<vmem>>, vector<16xi32>,
        %parallel_loop3A_194 = arith.select %parallel_loop3A_188, %parallel_loop3A_182, %parallel_loop3A_183 : vector<16xi1>, vector<16xi32>
        %parallel_loop3A_195 = arith.constant 16 : i32
        %parallel_loop3A_196 = arith.muli %parallel_loop3A_173, %parallel_loop3A_195 : i32
        %parallel_loop3A_197 = arith.index_cast %parallel_loop3A_196 : i32 to index
        %parallel_loop3A_198 = tpu.vector_load %arg8[%parallel_loop3A_197] {strides = array<i32>} : memref<2048xi32, #tpu.memory_space<vmem>>, vector<16xi32>,
        tpu.vector_store %arg8[%parallel_loop3A_197], %parallel_loop3A_194 {strides = array<i32>} : memref<2048xi32, #tpu.memory_space<vmem>>, vector<16xi32>,
      } {sc.loop_unroll_factor = 4 : i64, sc.parallel_access}
      %parallel_loop3A_140 = arith.constant 0 : i32
      %parallel_loop3A_141 = arith.constant 64 : i32
      %parallel_loop3A_142 = arith.constant 1 : i32
      scf.for %parallel_loop3A_164 = %parallel_loop3A_140 to %parallel_loop3A_141 step %parallel_loop3A_142  : i32 {
        %parallel_loop3A_165 = arith.constant 31 : i32
        %parallel_loop3A_166 = arith.andi %parallel_loop3A_164, %parallel_loop3A_165 : i32
        %parallel_loop3A_167 = arith.constant 5 : i32
        %parallel_loop3A_168 = arith.shrsi %parallel_loop3A_164, %parallel_loop3A_167 : i32
        %parallel_loop3A_169 = arith.constant 6 : i32
        %parallel_loop3A_170 = arith.shli %parallel_loop3A_168, %parallel_loop3A_169 : i32
        %parallel_loop3A_171 = arith.ori %parallel_loop3A_170, %parallel_loop3A_166 : i32
        %parallel_loop3A_172 = arith.constant 32 : i32
        %parallel_loop3A_173 = arith.addi %parallel_loop3A_171, %parallel_loop3A_172 : i32
        %parallel_loop3A_174 = arith.constant 16 : i32
        %parallel_loop3A_175 = arith.muli %parallel_loop3A_171, %parallel_loop3A_174 : i32
        %parallel_loop3A_176 = arith.index_cast %parallel_loop3A_175 : i32 to index
        %parallel_loop3A_177 = tpu.vector_load %arg8[%parallel_loop3A_176] {strides = array<i32>} : memref<2048xi32, #tpu.memory_space<vmem>>, vector<16xi32>,
        %parallel_loop3A_178 = arith.constant 16 : i32
        %parallel_loop3A_179 = arith.muli %parallel_loop3A_173, %parallel_loop3A_178 : i32
        %parallel_loop3A_180 = arith.index_cast %parallel_loop3A_179 : i32 to index
        %parallel_loop3A_181 = tpu.vector_load %arg8[%parallel_loop3A_180] {strides = array<i32>} : memref<2048xi32, #tpu.memory_space<vmem>>, vector<16xi32>,
        %parallel_loop3A_182 = arith.minsi %parallel_loop3A_177, %parallel_loop3A_181 : vector<16xi32>
        %parallel_loop3A_183 = arith.maxsi %parallel_loop3A_177, %parallel_loop3A_181 : vector<16xi32>
        %parallel_loop3A_184 = arith.constant 128 : i32
        %parallel_loop3A_185 = arith.andi %parallel_loop3A_171, %parallel_loop3A_184 : i32
        %parallel_loop3A_186 = arith.constant 0 : i32
        %parallel_loop3A_187 = arith.cmpi eq, %parallel_loop3A_185, %parallel_loop3A_186 : i32
        %parallel_loop3A_188 = vector.broadcast %parallel_loop3A_187 : i1 to vector<16xi1>
        %parallel_loop3A_189 = arith.select %parallel_loop3A_188, %parallel_loop3A_183, %parallel_loop3A_182 : vector<16xi1>, vector<16xi32>
        %parallel_loop3A_190 = arith.constant 16 : i32
        %parallel_loop3A_191 = arith.muli %parallel_loop3A_171, %parallel_loop3A_190 : i32
        %parallel_loop3A_192 = arith.index_cast %parallel_loop3A_191 : i32 to index
        %parallel_loop3A_193 = tpu.vector_load %arg8[%parallel_loop3A_192] {strides = array<i32>} : memref<2048xi32, #tpu.memory_space<vmem>>, vector<16xi32>,
        tpu.vector_store %arg8[%parallel_loop3A_192], %parallel_loop3A_189 {strides = array<i32>} : memref<2048xi32, #tpu.memory_space<vmem>>, vector<16xi32>,
        %parallel_loop3A_194 = arith.select %parallel_loop3A_188, %parallel_loop3A_182, %parallel_loop3A_183 : vector<16xi1>, vector<16xi32>
        %parallel_loop3A_195 = arith.constant 16 : i32
        %parallel_loop3A_196 = arith.muli %parallel_loop3A_173, %parallel_loop3A_195 : i32
        %parallel_loop3A_197 = arith.index_cast %parallel_loop3A_196 : i32 to index
        %parallel_loop3A_198 = tpu.vector_load %arg8[%parallel_loop3A_197] {strides = array<i32>} : memref<2048xi32, #tpu.memory_space<vmem>>, vector<16xi32>,
        tpu.vector_store %arg8[%parallel_loop3A_197], %parallel_loop3A_194 {strides = array<i32>} : memref<2048xi32, #tpu.memory_space<vmem>>, vector<16xi32>,
      } {sc.loop_unroll_factor = 4 : i64, sc.parallel_access}
      %parallel_loop3A_143 = arith.constant 0 : i32
      %parallel_loop3A_144 = arith.constant 64 : i32
      %parallel_loop3A_145 = arith.constant 1 : i32
      scf.for %parallel_loop3A_164 = %parallel_loop3A_143 to %parallel_loop3A_144 step %parallel_loop3A_145  : i32 {
        %parallel_loop3A_165 = arith.constant 15 : i32
        %parallel_loop3A_166 = arith.andi %parallel_loop3A_164, %parallel_loop3A_165 : i32
        %parallel_loop3A_167 = arith.constant 4 : i32
        %parallel_loop3A_168 = arith.shrsi %parallel_loop3A_164, %parallel_loop3A_167 : i32
        %parallel_loop3A_169 = arith.constant 5 : i32
        %parallel_loop3A_170 = arith.shli %parallel_loop3A_168, %parallel_loop3A_169 : i32
        %parallel_loop3A_171 = arith.ori %parallel_loop3A_170, %parallel_loop3A_166 : i32
        %parallel_loop3A_172 = arith.constant 16 : i32
        %parallel_loop3A_173 = arith.addi %parallel_loop3A_171, %parallel_loop3A_172 : i32
        %parallel_loop3A_174 = arith.constant 16 : i32
        %parallel_loop3A_175 = arith.muli %parallel_loop3A_171, %parallel_loop3A_174 : i32
        %parallel_loop3A_176 = arith.index_cast %parallel_loop3A_175 : i32 to index
        %parallel_loop3A_177 = tpu.vector_load %arg8[%parallel_loop3A_176] {strides = array<i32>} : memref<2048xi32, #tpu.memory_space<vmem>>, vector<16xi32>,
        %parallel_loop3A_178 = arith.constant 16 : i32
        %parallel_loop3A_179 = arith.muli %parallel_loop3A_173, %parallel_loop3A_178 : i32
        %parallel_loop3A_180 = arith.index_cast %parallel_loop3A_179 : i32 to index
        %parallel_loop3A_181 = tpu.vector_load %arg8[%parallel_loop3A_180] {strides = array<i32>} : memref<2048xi32, #tpu.memory_space<vmem>>, vector<16xi32>,
        %parallel_loop3A_182 = arith.minsi %parallel_loop3A_177, %parallel_loop3A_181 : vector<16xi32>
        %parallel_loop3A_183 = arith.maxsi %parallel_loop3A_177, %parallel_loop3A_181 : vector<16xi32>
        %parallel_loop3A_184 = arith.constant 128 : i32
        %parallel_loop3A_185 = arith.andi %parallel_loop3A_171, %parallel_loop3A_184 : i32
        %parallel_loop3A_186 = arith.constant 0 : i32
        %parallel_loop3A_187 = arith.cmpi eq, %parallel_loop3A_185, %parallel_loop3A_186 : i32
        %parallel_loop3A_188 = vector.broadcast %parallel_loop3A_187 : i1 to vector<16xi1>
        %parallel_loop3A_189 = arith.select %parallel_loop3A_188, %parallel_loop3A_183, %parallel_loop3A_182 : vector<16xi1>, vector<16xi32>
        %parallel_loop3A_190 = arith.constant 16 : i32
        %parallel_loop3A_191 = arith.muli %parallel_loop3A_171, %parallel_loop3A_190 : i32
        %parallel_loop3A_192 = arith.index_cast %parallel_loop3A_191 : i32 to index
        %parallel_loop3A_193 = tpu.vector_load %arg8[%parallel_loop3A_192] {strides = array<i32>} : memref<2048xi32, #tpu.memory_space<vmem>>, vector<16xi32>,
        tpu.vector_store %arg8[%parallel_loop3A_192], %parallel_loop3A_189 {strides = array<i32>} : memref<2048xi32, #tpu.memory_space<vmem>>, vector<16xi32>,
        %parallel_loop3A_194 = arith.select %parallel_loop3A_188, %parallel_loop3A_182, %parallel_loop3A_183 : vector<16xi1>, vector<16xi32>
        %parallel_loop3A_195 = arith.constant 16 : i32
        %parallel_loop3A_196 = arith.muli %parallel_loop3A_173, %parallel_loop3A_195 : i32
        %parallel_loop3A_197 = arith.index_cast %parallel_loop3A_196 : i32 to index
        %parallel_loop3A_198 = tpu.vector_load %arg8[%parallel_loop3A_197] {strides = array<i32>} : memref<2048xi32, #tpu.memory_space<vmem>>, vector<16xi32>,
        tpu.vector_store %arg8[%parallel_loop3A_197], %parallel_loop3A_194 {strides = array<i32>} : memref<2048xi32, #tpu.memory_space<vmem>>, vector<16xi32>,
      } {sc.loop_unroll_factor = 4 : i64, sc.parallel_access}
      %parallel_loop3A_146 = arith.constant 0 : i32
      %parallel_loop3A_147 = arith.constant 64 : i32
      %parallel_loop3A_148 = arith.constant 1 : i32
      scf.for %parallel_loop3A_164 = %parallel_loop3A_146 to %parallel_loop3A_147 step %parallel_loop3A_148  : i32 {
        %parallel_loop3A_165 = arith.constant 7 : i32
        %parallel_loop3A_166 = arith.andi %parallel_loop3A_164, %parallel_loop3A_165 : i32
        %parallel_loop3A_167 = arith.constant 3 : i32
        %parallel_loop3A_168 = arith.shrsi %parallel_loop3A_164, %parallel_loop3A_167 : i32
        %parallel_loop3A_169 = arith.constant 4 : i32
        %parallel_loop3A_170 = arith.shli %parallel_loop3A_168, %parallel_loop3A_169 : i32
        %parallel_loop3A_171 = arith.ori %parallel_loop3A_170, %parallel_loop3A_166 : i32
        %parallel_loop3A_172 = arith.constant 8 : i32
        %parallel_loop3A_173 = arith.addi %parallel_loop3A_171, %parallel_loop3A_172 : i32
        %parallel_loop3A_174 = arith.constant 16 : i32
        %parallel_loop3A_175 = arith.muli %parallel_loop3A_171, %parallel_loop3A_174 : i32
        %parallel_loop3A_176 = arith.index_cast %parallel_loop3A_175 : i32 to index
        %parallel_loop3A_177 = tpu.vector_load %arg8[%parallel_loop3A_176] {strides = array<i32>} : memref<2048xi32, #tpu.memory_space<vmem>>, vector<16xi32>,
        %parallel_loop3A_178 = arith.constant 16 : i32
        %parallel_loop3A_179 = arith.muli %parallel_loop3A_173, %parallel_loop3A_178 : i32
        %parallel_loop3A_180 = arith.index_cast %parallel_loop3A_179 : i32 to index
        %parallel_loop3A_181 = tpu.vector_load %arg8[%parallel_loop3A_180] {strides = array<i32>} : memref<2048xi32, #tpu.memory_space<vmem>>, vector<16xi32>,
        %parallel_loop3A_182 = arith.minsi %parallel_loop3A_177, %parallel_loop3A_181 : vector<16xi32>
        %parallel_loop3A_183 = arith.maxsi %parallel_loop3A_177, %parallel_loop3A_181 : vector<16xi32>
        %parallel_loop3A_184 = arith.constant 128 : i32
        %parallel_loop3A_185 = arith.andi %parallel_loop3A_171, %parallel_loop3A_184 : i32
        %parallel_loop3A_186 = arith.constant 0 : i32
        %parallel_loop3A_187 = arith.cmpi eq, %parallel_loop3A_185, %parallel_loop3A_186 : i32
        %parallel_loop3A_188 = vector.broadcast %parallel_loop3A_187 : i1 to vector<16xi1>
        %parallel_loop3A_189 = arith.select %parallel_loop3A_188, %parallel_loop3A_183, %parallel_loop3A_182 : vector<16xi1>, vector<16xi32>
        %parallel_loop3A_190 = arith.constant 16 : i32
        %parallel_loop3A_191 = arith.muli %parallel_loop3A_171, %parallel_loop3A_190 : i32
        %parallel_loop3A_192 = arith.index_cast %parallel_loop3A_191 : i32 to index
        %parallel_loop3A_193 = tpu.vector_load %arg8[%parallel_loop3A_192] {strides = array<i32>} : memref<2048xi32, #tpu.memory_space<vmem>>, vector<16xi32>,
        tpu.vector_store %arg8[%parallel_loop3A_192], %parallel_loop3A_189 {strides = array<i32>} : memref<2048xi32, #tpu.memory_space<vmem>>, vector<16xi32>,
        %parallel_loop3A_194 = arith.select %parallel_loop3A_188, %parallel_loop3A_182, %parallel_loop3A_183 : vector<16xi1>, vector<16xi32>
        %parallel_loop3A_195 = arith.constant 16 : i32
        %parallel_loop3A_196 = arith.muli %parallel_loop3A_173, %parallel_loop3A_195 : i32
        %parallel_loop3A_197 = arith.index_cast %parallel_loop3A_196 : i32 to index
        %parallel_loop3A_198 = tpu.vector_load %arg8[%parallel_loop3A_197] {strides = array<i32>} : memref<2048xi32, #tpu.memory_space<vmem>>, vector<16xi32>,
        tpu.vector_store %arg8[%parallel_loop3A_197], %parallel_loop3A_194 {strides = array<i32>} : memref<2048xi32, #tpu.memory_space<vmem>>, vector<16xi32>,
      } {sc.loop_unroll_factor = 4 : i64, sc.parallel_access}
      %parallel_loop3A_149 = arith.constant 0 : i32
      %parallel_loop3A_150 = arith.constant 64 : i32
      %parallel_loop3A_151 = arith.constant 1 : i32
      scf.for %parallel_loop3A_164 = %parallel_loop3A_149 to %parallel_loop3A_150 step %parallel_loop3A_151  : i32 {
        %parallel_loop3A_165 = arith.constant 3 : i32
        %parallel_loop3A_166 = arith.andi %parallel_loop3A_164, %parallel_loop3A_165 : i32
        %parallel_loop3A_167 = arith.constant 2 : i32
        %parallel_loop3A_168 = arith.shrsi %parallel_loop3A_164, %parallel_loop3A_167 : i32
        %parallel_loop3A_169 = arith.constant 3 : i32
        %parallel_loop3A_170 = arith.shli %parallel_loop3A_168, %parallel_loop3A_169 : i32
        %parallel_loop3A_171 = arith.ori %parallel_loop3A_170, %parallel_loop3A_166 : i32
        %parallel_loop3A_172 = arith.constant 4 : i32
        %parallel_loop3A_173 = arith.addi %parallel_loop3A_171, %parallel_loop3A_172 : i32
        %parallel_loop3A_174 = arith.constant 16 : i32
        %parallel_loop3A_175 = arith.muli %parallel_loop3A_171, %parallel_loop3A_174 : i32
        %parallel_loop3A_176 = arith.index_cast %parallel_loop3A_175 : i32 to index
        %parallel_loop3A_177 = tpu.vector_load %arg8[%parallel_loop3A_176] {strides = array<i32>} : memref<2048xi32, #tpu.memory_space<vmem>>, vector<16xi32>,
        %parallel_loop3A_178 = arith.constant 16 : i32
        %parallel_loop3A_179 = arith.muli %parallel_loop3A_173, %parallel_loop3A_178 : i32
        %parallel_loop3A_180 = arith.index_cast %parallel_loop3A_179 : i32 to index
        %parallel_loop3A_181 = tpu.vector_load %arg8[%parallel_loop3A_180] {strides = array<i32>} : memref<2048xi32, #tpu.memory_space<vmem>>, vector<16xi32>,
        %parallel_loop3A_182 = arith.minsi %parallel_loop3A_177, %parallel_loop3A_181 : vector<16xi32>
        %parallel_loop3A_183 = arith.maxsi %parallel_loop3A_177, %parallel_loop3A_181 : vector<16xi32>
        %parallel_loop3A_184 = arith.constant 128 : i32
        %parallel_loop3A_185 = arith.andi %parallel_loop3A_171, %parallel_loop3A_184 : i32
        %parallel_loop3A_186 = arith.constant 0 : i32
        %parallel_loop3A_187 = arith.cmpi eq, %parallel_loop3A_185, %parallel_loop3A_186 : i32
        %parallel_loop3A_188 = vector.broadcast %parallel_loop3A_187 : i1 to vector<16xi1>
        %parallel_loop3A_189 = arith.select %parallel_loop3A_188, %parallel_loop3A_183, %parallel_loop3A_182 : vector<16xi1>, vector<16xi32>
        %parallel_loop3A_190 = arith.constant 16 : i32
        %parallel_loop3A_191 = arith.muli %parallel_loop3A_171, %parallel_loop3A_190 : i32
        %parallel_loop3A_192 = arith.index_cast %parallel_loop3A_191 : i32 to index
        %parallel_loop3A_193 = tpu.vector_load %arg8[%parallel_loop3A_192] {strides = array<i32>} : memref<2048xi32, #tpu.memory_space<vmem>>, vector<16xi32>,
        tpu.vector_store %arg8[%parallel_loop3A_192], %parallel_loop3A_189 {strides = array<i32>} : memref<2048xi32, #tpu.memory_space<vmem>>, vector<16xi32>,
        %parallel_loop3A_194 = arith.select %parallel_loop3A_188, %parallel_loop3A_182, %parallel_loop3A_183 : vector<16xi1>, vector<16xi32>
        %parallel_loop3A_195 = arith.constant 16 : i32
        %parallel_loop3A_196 = arith.muli %parallel_loop3A_173, %parallel_loop3A_195 : i32
        %parallel_loop3A_197 = arith.index_cast %parallel_loop3A_196 : i32 to index
        %parallel_loop3A_198 = tpu.vector_load %arg8[%parallel_loop3A_197] {strides = array<i32>} : memref<2048xi32, #tpu.memory_space<vmem>>, vector<16xi32>,
        tpu.vector_store %arg8[%parallel_loop3A_197], %parallel_loop3A_194 {strides = array<i32>} : memref<2048xi32, #tpu.memory_space<vmem>>, vector<16xi32>,
      } {sc.loop_unroll_factor = 4 : i64, sc.parallel_access}
      %parallel_loop3A_152 = arith.constant 0 : i32
      %parallel_loop3A_153 = arith.constant 64 : i32
      %parallel_loop3A_154 = arith.constant 1 : i32
      scf.for %parallel_loop3A_164 = %parallel_loop3A_152 to %parallel_loop3A_153 step %parallel_loop3A_154  : i32 {
        %parallel_loop3A_165 = arith.constant 1 : i32
        %parallel_loop3A_166 = arith.andi %parallel_loop3A_164, %parallel_loop3A_165 : i32
        %parallel_loop3A_167 = arith.constant 1 : i32
        %parallel_loop3A_168 = arith.shrsi %parallel_loop3A_164, %parallel_loop3A_167 : i32
        %parallel_loop3A_169 = arith.constant 2 : i32
        %parallel_loop3A_170 = arith.shli %parallel_loop3A_168, %parallel_loop3A_169 : i32
        %parallel_loop3A_171 = arith.ori %parallel_loop3A_170, %parallel_loop3A_166 : i32
        %parallel_loop3A_172 = arith.constant 2 : i32
        %parallel_loop3A_173 = arith.addi %parallel_loop3A_171, %parallel_loop3A_172 : i32
        %parallel_loop3A_174 = arith.constant 16 : i32
        %parallel_loop3A_175 = arith.muli %parallel_loop3A_171, %parallel_loop3A_174 : i32
        %parallel_loop3A_176 = arith.index_cast %parallel_loop3A_175 : i32 to index
        %parallel_loop3A_177 = tpu.vector_load %arg8[%parallel_loop3A_176] {strides = array<i32>} : memref<2048xi32, #tpu.memory_space<vmem>>, vector<16xi32>,
        %parallel_loop3A_178 = arith.constant 16 : i32
        %parallel_loop3A_179 = arith.muli %parallel_loop3A_173, %parallel_loop3A_178 : i32
        %parallel_loop3A_180 = arith.index_cast %parallel_loop3A_179 : i32 to index
        %parallel_loop3A_181 = tpu.vector_load %arg8[%parallel_loop3A_180] {strides = array<i32>} : memref<2048xi32, #tpu.memory_space<vmem>>, vector<16xi32>,
        %parallel_loop3A_182 = arith.minsi %parallel_loop3A_177, %parallel_loop3A_181 : vector<16xi32>
        %parallel_loop3A_183 = arith.maxsi %parallel_loop3A_177, %parallel_loop3A_181 : vector<16xi32>
        %parallel_loop3A_184 = arith.constant 128 : i32
        %parallel_loop3A_185 = arith.andi %parallel_loop3A_171, %parallel_loop3A_184 : i32
        %parallel_loop3A_186 = arith.constant 0 : i32
        %parallel_loop3A_187 = arith.cmpi eq, %parallel_loop3A_185, %parallel_loop3A_186 : i32
        %parallel_loop3A_188 = vector.broadcast %parallel_loop3A_187 : i1 to vector<16xi1>
        %parallel_loop3A_189 = arith.select %parallel_loop3A_188, %parallel_loop3A_183, %parallel_loop3A_182 : vector<16xi1>, vector<16xi32>
        %parallel_loop3A_190 = arith.constant 16 : i32
        %parallel_loop3A_191 = arith.muli %parallel_loop3A_171, %parallel_loop3A_190 : i32
        %parallel_loop3A_192 = arith.index_cast %parallel_loop3A_191 : i32 to index
        %parallel_loop3A_193 = tpu.vector_load %arg8[%parallel_loop3A_192] {strides = array<i32>} : memref<2048xi32, #tpu.memory_space<vmem>>, vector<16xi32>,
        tpu.vector_store %arg8[%parallel_loop3A_192], %parallel_loop3A_189 {strides = array<i32>} : memref<2048xi32, #tpu.memory_space<vmem>>, vector<16xi32>,
        %parallel_loop3A_194 = arith.select %parallel_loop3A_188, %parallel_loop3A_182, %parallel_loop3A_183 : vector<16xi1>, vector<16xi32>
        %parallel_loop3A_195 = arith.constant 16 : i32
        %parallel_loop3A_196 = arith.muli %parallel_loop3A_173, %parallel_loop3A_195 : i32
        %parallel_loop3A_197 = arith.index_cast %parallel_loop3A_196 : i32 to index
        %parallel_loop3A_198 = tpu.vector_load %arg8[%parallel_loop3A_197] {strides = array<i32>} : memref<2048xi32, #tpu.memory_space<vmem>>, vector<16xi32>,
        tpu.vector_store %arg8[%parallel_loop3A_197], %parallel_loop3A_194 {strides = array<i32>} : memref<2048xi32, #tpu.memory_space<vmem>>, vector<16xi32>,
      } {sc.loop_unroll_factor = 4 : i64, sc.parallel_access}
      %parallel_loop3A_155 = arith.constant 0 : i32
      %parallel_loop3A_156 = arith.constant 64 : i32
      %parallel_loop3A_157 = arith.constant 1 : i32
      scf.for %parallel_loop3A_164 = %parallel_loop3A_155 to %parallel_loop3A_156 step %parallel_loop3A_157  : i32 {
        %parallel_loop3A_165 = arith.constant 0 : i32
        %parallel_loop3A_166 = arith.andi %parallel_loop3A_164, %parallel_loop3A_165 : i32
        %parallel_loop3A_167 = arith.constant 0 : i32
        %parallel_loop3A_168 = arith.shrsi %parallel_loop3A_164, %parallel_loop3A_167 : i32
        %parallel_loop3A_169 = arith.constant 1 : i32
        %parallel_loop3A_170 = arith.shli %parallel_loop3A_168, %parallel_loop3A_169 : i32
        %parallel_loop3A_171 = arith.ori %parallel_loop3A_170, %parallel_loop3A_166 : i32
        %parallel_loop3A_172 = arith.constant 1 : i32
        %parallel_loop3A_173 = arith.addi %parallel_loop3A_171, %parallel_loop3A_172 : i32
        %parallel_loop3A_174 = arith.constant 16 : i32
        %parallel_loop3A_175 = arith.muli %parallel_loop3A_171, %parallel_loop3A_174 : i32
        %parallel_loop3A_176 = arith.index_cast %parallel_loop3A_175 : i32 to index
        %parallel_loop3A_177 = tpu.vector_load %arg8[%parallel_loop3A_176] {strides = array<i32>} : memref<2048xi32, #tpu.memory_space<vmem>>, vector<16xi32>,
        %parallel_loop3A_178 = arith.constant 16 : i32
        %parallel_loop3A_179 = arith.muli %parallel_loop3A_173, %parallel_loop3A_178 : i32
        %parallel_loop3A_180 = arith.index_cast %parallel_loop3A_179 : i32 to index
        %parallel_loop3A_181 = tpu.vector_load %arg8[%parallel_loop3A_180] {strides = array<i32>} : memref<2048xi32, #tpu.memory_space<vmem>>, vector<16xi32>,
        %parallel_loop3A_182 = arith.minsi %parallel_loop3A_177, %parallel_loop3A_181 : vector<16xi32>
        %parallel_loop3A_183 = arith.maxsi %parallel_loop3A_177, %parallel_loop3A_181 : vector<16xi32>
        %parallel_loop3A_184 = arith.constant 128 : i32
        %parallel_loop3A_185 = arith.andi %parallel_loop3A_171, %parallel_loop3A_184 : i32
        %parallel_loop3A_186 = arith.constant 0 : i32
        %parallel_loop3A_187 = arith.cmpi eq, %parallel_loop3A_185, %parallel_loop3A_186 : i32
        %parallel_loop3A_188 = vector.broadcast %parallel_loop3A_187 : i1 to vector<16xi1>
        %parallel_loop3A_189 = arith.select %parallel_loop3A_188, %parallel_loop3A_183, %parallel_loop3A_182 : vector<16xi1>, vector<16xi32>
        %parallel_loop3A_190 = arith.constant 16 : i32
        %parallel_loop3A_191 = arith.muli %parallel_loop3A_171, %parallel_loop3A_190 : i32
        %parallel_loop3A_192 = arith.index_cast %parallel_loop3A_191 : i32 to index
        %parallel_loop3A_193 = tpu.vector_load %arg8[%parallel_loop3A_192] {strides = array<i32>} : memref<2048xi32, #tpu.memory_space<vmem>>, vector<16xi32>,
        tpu.vector_store %arg8[%parallel_loop3A_192], %parallel_loop3A_189 {strides = array<i32>} : memref<2048xi32, #tpu.memory_space<vmem>>, vector<16xi32>,
        %parallel_loop3A_194 = arith.select %parallel_loop3A_188, %parallel_loop3A_182, %parallel_loop3A_183 : vector<16xi1>, vector<16xi32>
        %parallel_loop3A_195 = arith.constant 16 : i32
        %parallel_loop3A_196 = arith.muli %parallel_loop3A_173, %parallel_loop3A_195 : i32
        %parallel_loop3A_197 = arith.index_cast %parallel_loop3A_196 : i32 to index
        %parallel_loop3A_198 = tpu.vector_load %arg8[%parallel_loop3A_197] {strides = array<i32>} : memref<2048xi32, #tpu.memory_space<vmem>>, vector<16xi32>,
        tpu.vector_store %arg8[%parallel_loop3A_197], %parallel_loop3A_194 {strides = array<i32>} : memref<2048xi32, #tpu.memory_space<vmem>>, vector<16xi32>,
      } {sc.loop_unroll_factor = 4 : i64, sc.parallel_access}
      %parallel_loop3A_158 = arith.constant 0 : i32
      %parallel_loop3A_159 = arith.constant 128 : i32
      %parallel_loop3A_160 = arith.constant 1 : i32
      scf.for %parallel_loop3A_164 = %parallel_loop3A_158 to %parallel_loop3A_159 step %parallel_loop3A_160  : i32 {
        %parallel_loop3A_165 = arith.constant 16 : i32
        %parallel_loop3A_166 = arith.muli %parallel_loop3A_164, %parallel_loop3A_165 : i32
        %parallel_loop3A_167 = arith.index_cast %parallel_loop3A_166 : i32 to index
        %parallel_loop3A_168 = tpu.vector_load %arg8[%parallel_loop3A_167] {strides = array<i32>} : memref<2048xi32, #tpu.memory_space<vmem>>, vector<16xi32>,
        %parallel_loop3A_169 = arith.constant 128 : i32
        %parallel_loop3A_170 = arith.andi %parallel_loop3A_164, %parallel_loop3A_169 : i32
        %parallel_loop3A_171 = arith.constant 0 : i32
        %parallel_loop3A_172 = arith.cmpi eq, %parallel_loop3A_170, %parallel_loop3A_171 : i32
        %parallel_loop3A_173 = arith.constant -2147483648 : i32
        %parallel_loop3A_174 = vector.broadcast %parallel_loop3A_173 : i32 to vector<16xi32>
        %parallel_loop3A_175 = arith.xori %parallel_loop3A_168, %parallel_loop3A_174 : vector<16xi32>
        %parallel_loop3A_176 = arith.constant dense<true> : vector<16xi1>
        %parallel_loop3A_177, %parallel_loop3A_178, %parallel_loop3A_179 = tpu.sort %parallel_loop3A_175, %parallel_loop3A_175 masked %parallel_loop3A_176 : (vector<16xi32>, vector<16xi32>, vector<16xi1>) -> (vector<16xi1>, vector<16xi32>, vector<16xi32>)
        %parallel_loop3A_180 = arith.constant -2147483648 : i32
        %parallel_loop3A_181 = vector.broadcast %parallel_loop3A_180 : i32 to vector<16xi32>
        %parallel_loop3A_182 = arith.xori %parallel_loop3A_178, %parallel_loop3A_181 : vector<16xi32>
        %parallel_loop3A_183 = arith.constant 15 : i32
        %parallel_loop3A_184 = vector.broadcast %parallel_loop3A_183 : i32 to vector<16xi32>
        %parallel_loop3A_185 = tpu.iota {dimensions = array<i32: 0>} : vector<16xi32>
        %parallel_loop3A_186 = arith.subi %parallel_loop3A_184, %parallel_loop3A_185 : vector<16xi32>
        %parallel_loop3A_187 = tpu.dynamic_gather %parallel_loop3A_182[%parallel_loop3A_186] in [0] : vector<16xi32>, vector<16xi32> -> vector<16xi32>
        %parallel_loop3A_188 = vector.broadcast %parallel_loop3A_172 : i1 to vector<16xi1>
        %parallel_loop3A_189 = arith.select %parallel_loop3A_188, %parallel_loop3A_187, %parallel_loop3A_182 : vector<16xi1>, vector<16xi32>
        %parallel_loop3A_190 = arith.constant 16 : i32
        %parallel_loop3A_191 = arith.muli %parallel_loop3A_164, %parallel_loop3A_190 : i32
        %parallel_loop3A_192 = arith.index_cast %parallel_loop3A_191 : i32 to index
        %parallel_loop3A_193 = tpu.vector_load %arg8[%parallel_loop3A_192] {strides = array<i32>} : memref<2048xi32, #tpu.memory_space<vmem>>, vector<16xi32>,
        tpu.vector_store %arg8[%parallel_loop3A_192], %parallel_loop3A_189 {strides = array<i32>} : memref<2048xi32, #tpu.memory_space<vmem>>, vector<16xi32>,
      } {sc.loop_unroll_factor = 4 : i64, sc.parallel_access}
      %parallel_loop3A_161 = arith.constant 0 : i32
      %parallel_loop3A_162 = arith.constant 64 : i32
      %parallel_loop3A_163 = arith.constant 1 : i32
      scf.for %parallel_loop3A_164 = %parallel_loop3A_161 to %parallel_loop3A_162 step %parallel_loop3A_163  : i32 {
        %parallel_loop3A_165 = arith.constant 16 : i32
        %parallel_loop3A_166 = arith.muli %parallel_loop3A_164, %parallel_loop3A_165 : i32
        %parallel_loop3A_167 = arith.index_cast %parallel_loop3A_166 : i32 to index
        %parallel_loop3A_168 = tpu.vector_load %arg8[%parallel_loop3A_167] {strides = array<i32>} : memref<2048xi32, #tpu.memory_space<vmem>>, vector<16xi32>,
        %parallel_loop3A_169 = arith.constant 0 : i32
        %parallel_loop3A_170 = vector.broadcast %parallel_loop3A_169 : i32 to vector<16xi32>
        %parallel_loop3A_171 = arith.cmpi slt, %parallel_loop3A_168, %parallel_loop3A_170 : vector<16xi32>
        %parallel_loop3A_172 = arith.constant 2147483647 : i32
        %parallel_loop3A_173 = vector.broadcast %parallel_loop3A_172 : i32 to vector<16xi32>
        %parallel_loop3A_174 = arith.xori %parallel_loop3A_168, %parallel_loop3A_173 : vector<16xi32>
        %parallel_loop3A_175 = arith.select %parallel_loop3A_171, %parallel_loop3A_174, %parallel_loop3A_168 : vector<16xi1>, vector<16xi32>
        %parallel_loop3A_176 = vector.bitcast %parallel_loop3A_175 : vector<16xi32> to vector<16xf32>
        %parallel_loop3A_177 = arith.constant 16 : i32
        %parallel_loop3A_178 = arith.muli %parallel_loop3A_164, %parallel_loop3A_177 : i32
        %parallel_loop3A_179 = arith.index_cast %parallel_loop3A_178 : i32 to index
        %parallel_loop3A_180 = tpu.vector_load %arg9[%parallel_loop3A_179] {strides = array<i32>} : memref<1024xf32, #tpu.memory_space<vmem>>, vector<16xf32>,
        tpu.vector_store %arg9[%parallel_loop3A_179], %parallel_loop3A_176 {strides = array<i32>} : memref<1024xf32, #tpu.memory_space<vmem>>, vector<16xf32>,
      } {sc.loop_unroll_factor = 2 : i64, sc.parallel_access}
      "tpu.region"() ({
        %run_scoped3A = tpu.sem_alloc : memref<!tpu.dma_semaphore, #tpu.memory_space<semaphore_mem>>
        %dma_start3A_164 = arith.constant 0 : i32
        %dma_start3A_165 = tpu.memref_slice %arg4[%add3A_19, %dma_start3A_164] : memref<128x1024xf32, #tpu.memory_space<hbm>> -> memref<1x1024xf32, #tpu.memory_space<hbm>>
        %dma_start3A_166 = tpu.memref_squeeze %dma_start3A_165 : memref<1x1024xf32, #tpu.memory_space<hbm>> -> memref<1024xf32, #tpu.memory_space<hbm>>
        %dma_start3A_167 = arith.constant 0 : i32
        %dma_start3A_168 = tpu.memref_slice %arg4[%add3A_19, %dma_start3A_167] : memref<128x1024xf32, #tpu.memory_space<hbm>> -> memref<1x1024xf32, #tpu.memory_space<hbm>>
        %dma_start3A_169 = tpu.memref_squeeze %dma_start3A_168 : memref<1x1024xf32, #tpu.memory_space<hbm>> -> memref<1024xf32, #tpu.memory_space<hbm>>
        tpu.enqueue_dma source(%arg9 : memref<1024xf32, #tpu.memory_space<vmem>>) target(%dma_start3A_169 : memref<1024xf32, #tpu.memory_space<hbm>>) target_semaphore(%run_scoped3A : memref<!tpu.dma_semaphore, #tpu.memory_space<semaphore_mem>>)
        %dma_wait3A_170 = arith.constant 0 : i32
        %dma_wait3A_171 = tpu.memref_slice %arg4[%add3A_19, %dma_wait3A_170] : memref<128x1024xf32, #tpu.memory_space<hbm>> -> memref<1x1024xf32, #tpu.memory_space<hbm>>
        %dma_wait3A_172 = tpu.memref_squeeze %dma_wait3A_171 : memref<1x1024xf32, #tpu.memory_space<hbm>> -> memref<1024xf32, #tpu.memory_space<hbm>>
        %dma_wait3A_173 = arith.constant 0 : i32
        %dma_wait3A_174 = tpu.memref_slice %arg4[%add3A_19, %dma_wait3A_173] : memref<128x1024xf32, #tpu.memory_space<hbm>> -> memref<1x1024xf32, #tpu.memory_space<hbm>>
        %dma_wait3A_175 = tpu.memref_squeeze %dma_wait3A_174 : memref<1x1024xf32, #tpu.memory_space<hbm>> -> memref<1024xf32, #tpu.memory_space<hbm>>
        tpu.wait_dma2 semaphore(%run_scoped3A : memref<!tpu.dma_semaphore, #tpu.memory_space<semaphore_mem>>) src(%arg9 : memref<1024xf32, #tpu.memory_space<vmem>>) dst(%dma_wait3A_175 : memref<1024xf32, #tpu.memory_space<hbm>>)
        tpu.yield
      }) : () -> ()
    }
    %scan3A_17 = arith.constant 4 : i32
    return
  }
}

</mosaic_0001>

<sc_bundles>
// kernel: kernel.3.cloned.1.call-start
scs
__scs_entry_jumppad:
0x0: {  	(pc) =	sbr.rel $0x88, $3  }
0x1: {  	(tag) =	ssettag $0x0;
	lr =	simm.s32 $0x1  }
0x2: {  	[smem:$0x3F9F] =	sst lr;
	_ =	strace $0xD0000000  }
0x3: {  	_ = 	snop  }
0x4: {  	_ = 	snop  }
0x5: {  	_ = 	snop  }
0x6: {  	_ = 	snop  }
0x7: {  	_ = 	snop  }
__scs_overlays_trampoline_lowered:
0x8: {  	[smem:$0x3FAE] =	sst s0  }
0x9: {  	[smem:$0x3FAF] =	sst s1  }
0xa: {  	[smem:$0x3FB0] =	sst s2  }
0xb: {  	[smem:$0x3FB1] =	sst s3  }
0xc: {  	[smem:$0x3FB2] =	sst s4  }
0xd: {  	[smem:$0x3FB3] =	sst s5  }
0xe: {  	[smem:$0x3FB4] =	sst s6  }
0xf: {  	[smem:$0x3FB5] =	sst s7  }
0x10: {  	[smem:$0x3FB6] =	sst s8  }
0x11: {  	[smem:$0x3FB7] =	sst s9;
	s0 =	simm.s32 @!p0 $0x0  }
0x12: {  	s1 =	sld [smem:$0x3F9D];
	s0 =	simm.s32 @p0 $0x1  }
0x13: {  	[smem:$0x3FB8] =	sst s0;
	s0 =	simm.s32 @!p1 $0x0  }
0x14: {  	s2 =	sld [smem:$0x3F9C];
	s0 =	simm.s32 @p1 $0x1  }
0x15: {  	[smem:$0x3FB9] =	sst s0;
	s0 =	simm.s32 @!p2 $0x0  }
0x16: {  	s3 =	sld [smem:$0x3FDB];
	s0 =	simm.s32 @p2 $0x1  }
0x17: {  	s4 =	simm.s32 $0x1BF5;
	[smem:$0x3FBB] =	sst s0  }
0x18: {  	s0 =	sld [smem:$0x3F9E];
	_ =	swait.ge [sflag:s4], $0x0  }
0x19: {  	s7 =	sld [smem:$0x3F9F]  }
0x1a: {  	s8 =	sadd.s32 $0xFFFFE003, lr  }
0x1b: {  	s9 =	sadd.s32 $0xFFFFFEF7, lr;
	s5 =	simm.s32 $0xFFFFFFFF;
	p2 =	slt.u32 s8, $0xFFFFF086  }
0x1c: {  	p1 =	slt.u32 s9, $0xF7A;
	s5 =	simm.s32 @!p2 $0x0  }
0x1d: {  	s5 =	simm.s32 @p1 $0x1;
	p0 =	seq.s32 s7, s2  }
0x1e: {  	s7 =	smul.u32 @!p0 $0xF7A, s2;
	p2 =	seq.s32 @!p0 s5, $0x0  }
0x1f: {  	s9 =	smul.u32 $0xF7A, s1;
	s8 =	simm.s32 @!p0 $0x1BF5;
	p2 =	por !p2, p0  }
0x20: {  	[sflag:s8] =	ssyncset.s32 @!p0 $0xFFFFF086;
	s6 =	sadd.s32 @!p0 s3, s7;
	s7 =	simm.s32 @!p0 $0x108  }
0x21: {  	s3 =	sadd.s32 s3, s9;
	s6 =	sadd.s32 @!p0 $0x88, s6;
	s7 =	simm.s32 @p2 $0x1082  }
0x22: {  	[simem:s7], [sflag:s8] =	dma.local @!p0 [hbm:s6], $0xF7A  }
0x23: {  	s9 =	sor.u32 $0xD0000000, s2;
	s6 =	simm.s32 $0x108;
	_ =	swait.ge @!p0 [sflag:s8], $0x0  }
0x24: {  	s3 =	sadd.s32 $0x88, s3;
	s6 =	simm.s32 @!p1 $0x1082;
	[sflag:s4] =	ssyncset.s32 $0xFFFFF086  }
0x25: {  	[simem:s6], [sflag:s4] =	dma.local [hbm:s3], $0xF7A  }
0x26: {  	[smem:$0x3F9F] =	sst s1;
	(tag) =	ssettag s2;
	_ =	strace s9  }
0x27: {  	s1 =	sld [smem:$0x3FAF]  }
0x28: {  	s2 =	sld [smem:$0x3FB0]  }
0x29: {  	s4 =	sld [smem:$0x3FB2]  }
0x2a: {  	p0 =	seq.s32 s5, $0x0;
	s5 =	sld [smem:$0x3FB3]  }
0x2b: {  	s6 =	sld [smem:$0x3FB4]  }
0x2c: {  	s7 =	sld [smem:$0x3FB5]  }
0x2d: {  	s3 =	simm.s32 $0x108;
	s8 =	sld [smem:$0x3FB6]  }
0x2e: {  	s3 =	simm.s32 @!p0 $0x1082;
	s9 =	sld [smem:$0x3FB7]  }
0x2f: {  	lr =	sadd.s32 s0, s3;
	s0 =	sld [smem:$0x3FAE]  }
0x30: {  	s3 =	sld [smem:$0x3FB1]  }
0x31: {  	[smem:$0x3FBA] =	sst s10  }
0x32: {  	s10 =	sld [smem:$0x3FB8];
	_ =	sdelay $0x3  }
0x33: {  	p0 =	seq.s32 s10, $0x1;
	s10 =	sld [smem:$0x3FBA];
	_ =	sdelay $0x3  }
0x34: {  	[smem:$0x3FBA] =	sst s10  }
0x35: {  	s10 =	sld [smem:$0x3FB9];
	_ =	sdelay $0x3  }
0x36: {  	p1 =	seq.s32 s10, $0x1;
	s10 =	sld [smem:$0x3FBA];
	_ =	sdelay $0x3  }
0x37: {  	[smem:$0x3FBA] =	sst s10  }
0x38: {  	s10 =	sld [smem:$0x3FBB]  }
0x39: {  	_ = 	snop;
	(pc) =	sbr.ind lr, $3  }
0x3a: {  	_ = 	snop  }
0x3b: {  	_ = 	snop  }
0x3c: {  	p2 =	seq.s32 s10, $0x1;
	s10 =	sld [smem:$0x3FBA]  }
0x3d: {  	_ =	shalt  }
0x3e: {  	_ =	shalt  }
0x3f: {  	_ =	shalt  }
0x40: {  	_ =	shalt  }
0x41: {  	_ =	shalt  }
0x42: {  	_ =	shalt  }
0x43: {  	_ =	shalt  }
0x44: {  	_ =	shalt  }
0x45: {  	_ =	shalt  }
0x46: {  	_ =	shalt  }
0x47: {  	_ =	shalt  }
0x48: {  	_ =	shalt  }
0x49: {  	_ =	shalt  }
0x4a: {  	_ =	shalt  }
0x4b: {  	_ =	shalt  }
0x4c: {  	_ =	shalt  }
0x4d: {  	_ =	shalt  }
0x4e: {  	_ =	shalt  }
0x4f: {  	_ =	shalt  }
0x50: {  	_ =	shalt  }
0x51: {  	_ =	shalt  }
0x52: {  	_ =	shalt  }
0x53: {  	_ =	shalt  }
0x54: {  	_ =	shalt  }
0x55: {  	_ =	shalt  }
0x56: {  	_ =	shalt  }
0x57: {  	_ =	shalt  }
0x58: {  	_ =	shalt  }
0x59: {  	_ =	shalt  }
0x5a: {  	_ =	shalt  }
0x5b: {  	_ =	shalt  }
0x5c: {  	_ =	shalt  }
0x5d: {  	_ =	shalt  }
0x5e: {  	_ =	shalt  }
0x5f: {  	_ =	shalt  }
0x60: {  	_ =	shalt  }
0x61: {  	_ =	shalt  }
0x62: {  	_ =	shalt  }
0x63: {  	_ =	shalt  }
0x64: {  	_ =	shalt  }
0x65: {  	_ =	shalt  }
0x66: {  	_ =	shalt  }
0x67: {  	_ =	shalt  }
0x68: {  	_ =	shalt  }
0x69: {  	_ =	shalt  }
0x6a: {  	_ =	shalt  }
0x6b: {  	_ =	shalt  }
0x6c: {  	_ =	shalt  }
0x6d: {  	_ =	shalt  }
0x6e: {  	_ =	shalt  }
0x6f: {  	_ =	shalt  }
0x70: {  	_ =	shalt  }
0x71: {  	_ =	shalt  }
0x72: {  	_ =	shalt  }
0x73: {  	_ =	shalt  }
0x74: {  	_ =	shalt  }
0x75: {  	_ =	shalt  }
0x76: {  	_ =	shalt  }
0x77: {  	_ =	shalt  }
0x78: {  	_ =	shalt  }
0x79: {  	_ =	shalt  }
0x7a: {  	_ =	shalt  }
0x7b: {  	_ =	shalt  }
0x7c: {  	_ =	shalt  }
0x7d: {  	_ =	shalt  }
0x7e: {  	_ =	shalt  }
0x7f: {  	_ =	shalt  }
0x80: {  	_ =	shalt  }
0x81: {  	_ =	shalt  }
0x82: {  	_ =	shalt  }
0x83: {  	_ =	shalt  }
0x84: {  	_ =	shalt  }
0x85: {  	_ =	shalt  }
0x86: {  	_ =	shalt  }
0x87: {  	_ =	shalt  }
.Lfunc_end0:
.L_simem_size_0:
called_computation_lowered:
.L_overlay_start_0:
0x88: {  	s2 =	sld [smem:$0x3FD9]  }
0x89: {  	s3 =	sld [smem:$0x3FFE];
	_ =	sdelay $0x1  }
0x8a: {  	s1 =	srdreg.scid  }
0x8b: {  	s0 =	sand.u32 $0x1, s1  }
0x8c: {  	s18 =	sshll.u32 s0, $0xA;
	s2 =	sadd.s32 s3, s2  }
0x8d: {  	s2 =	sadd.s32 s2, s18  }
0x8e: {  	[smem:$0x3FC6] =	sst s2  }
0x8f: {  	_ = 	snop  }
0x90: {  	s2 =	sld [smem:$0x3FC9]  }
0x91: {  	s19 =	sld [smem:$0x3FC8]  }
0x92: {  	s4 =	sld [smem:$0x3FD0];
	(tm) =	ssettm $0x1  }
0x93: {  	s5 =	sld [smem:$0x3FFB];
	_ =	sdelay $0x3  }
0x94: {  	_ =	strace s5  }
0x95: {  	s5 =	sld [smem:$0x3FFC];
	_ =	sdelay $0x3  }
0x96: {  	_ =	strace s5  }
0x97: {  	s5 =	sld [smem:$0x3FFD];
	_ =	sdelay $0x3  }
0x98: {  	_ =	strace s5  }
0x99: {  	_ =	strace $0x8FFFFFFF  }
0x9a: {  	s20 =	sld [smem:$0x3FDB];
	_ =	sdelay $0x1  }
0x9b: {  	s6 =	simm.s32 $_scs_section_size  }
0x9c: {  	s7 =	simm.s32 $_size__tile_overlayer_lowered;
	s8 =	simm.s32 $_tile_overlayer_lowered  }
0x9d: {  	s23 =	simm.s32 $0x1BFF;
	s22 =	sshll.u32 s8, $0x1;
	s5 =	sadd.s32 s6, s20  }
0x9e: {  	s9 =	simm.s32 $0x0;
	s21 =	sshll.u32 s7, $0x1;
	s7 =	sadd.s32 s22, s5  }
0x9f: {  	[timem:s9], [sflag:s23] =	dma.local [hbm:s7], s21  }
0xa0: {  	_ =	swait.ge [sflag:s23], s21  }
0xa1: {  	s6 =	ssub.s32 $0x0, s21;
	[sflag:s23] =	ssyncset.done $0x0  }
0xa2: {  	[sflag:s23] =	ssyncadd.s32 s6;
	_ =	sdelay $0x1  }
0xa3: {  	s24 =	simm.s32 $0x1B8B  }
0xa4: {  	_ =	swait.ge [sflag:s24], $0x1  }
0xa5: {  	[sflag:s24] =	ssyncset.done $0x0  }
0xa6: {  	s25 =	simm.s32 $0x1B8E;
	[sflag:s24] =	ssyncadd.s32 $0xFFFFFFFF  }
0xa7: {  	s26 =	simm.s32 $execute0_lowered;
	[smem:$0x3FD2] =	sst s25  }
0xa8: {  	s6 =	sshll.u32 s26, $0x1;
	_ =	strace $0x80000046;
	[dreg:$0x1] =	wrdreg $0xFFFFFFFF  }
0xa9: {  	s28 =	simm.s32 $_size_execute0_lowered;
	s5 =	sadd.s32 s5, s6;
	[dreg:$0x0] =	wrdreg $0x0  }
0xaa: {  	s6 =	sshll.u32 s28, $0x1;
	[dreg:$0x2] =	wrdreg s5  }
0xab: {  	[dreg:$0x3] =	wrdreg s6  }
0xac: {  	[dreg:$0x4] =	wrdreg $0xC0  }
0xad: {  	_ =	task [dreg:s9], $0x5FFFF  }
0xae: {  	[dreg:$0x1] =	wrdreg $0xFFFFFFFF  }
0xaf: {  	[dreg:$0x0] =	wrdreg $0x60  }
0xb0: {  	[dreg:$0x2] =	wrdreg s2  }
0xb1: {  	[dreg:$0x3] =	wrdreg s19  }
0xb2: {  	[dreg:$0x4] =	wrdreg s4  }
0xb3: {  	[dreg:$0x5] =	wrdreg $0x9  }
0xb4: {  	_ =	task.clear_ibuf [dreg:s9], $0x6FFFF;
	_ =	strace $0x90000046  }
0xb5: {  	s29 =	simm.s32 $0x9;
	_ =	strace $0x80000048  }
0xb6: {  	_ =	swait.ge [sflag:s29], $0x1  }
0xb7: {  	[sflag:s29] =	ssyncadd.s32 $0xFFFFFFFF  }
0xb8: {  	_ =	strace $0x90000048  }
0xb9: {  	_ =	sfence  }
0xba: {  	s30 =	sld [smem:$0x0];
	_ =	sdelay $0x2  }
0xbb: {  	s31 =	sshll.u32 s1, $0xD;
	s1 =	sshrl.u32 s1, $0x2  }
0xbc: {  	s3 =	sand.u32 $0x4000, s31;
	s1 =	sadd.s32 s1, s30  }
0xbd: {  	s0 =	sor.u32 s3, s0;
	s1 =	sshll.u32 s1, $0x11  }
0xbe: {  	s0 =	sor.u32 s1, s0  }
0xbf: {  	s0 =	sadd.s32 $0x8F2B, s0  }
0xc0: {  	[sflag:s0] =	ssyncadd.remote.s32 $0x1  }
0xc1: {  	_ =	sfence.sel $0xFFFF  }
0xc2: {  	[dreg:$0x0] =	wrdreg $0xFFFFFFFF;
	(pc) =	sbr.abs _section_cstart, $3  }
0xc3: {  	[dreg:$0x1] =	wrdreg $0xFFFFFFFF  }
0xc4: {  	_ =	task.clear_ibuf [dreg:s9], $0x2FFFF;
	_ =	strace $0x9FFFFFFF  }
0xc5: {  	(tm) =	ssettm $0x7FFFFFFF  }
tec
execute0_lowered:
.L_overlay_start_1:
0x0: {  	(tag) =	ssettag $0x1  }
0x1: {  	v0 =	vimm.s32 $0x3380;
	vm0 =	vcmask $0x300  }
0x2: {  	vm14 =	vcmask $0x704;
	v0 =	vsel vm0, $0x1000, v0  }
0x3: {  	vm15 =	vcmask $0xB08;
	v0 =	vsel vm14, $0x1080, v0  }
0x4: {  	vm4 =	vcmask $0xF0C;
	v0 =	vsel vm15, $0x1100, v0  }
0x5: {  	vm5 =	vcmask $0x1310;
	v0 =	vsel vm4, $0x1180, v0  }
0x6: {  	vm6 =	vcmask $0x1714;
	v0 =	vsel vm5, $0x1200, v0  }
0x7: {  	s7 =	rddreg [dreg:$0x0];
	s0 =	srdreg.scid;
	vm7 =	vcmask $0x1B18;
	v0 =	vsel vm6, $0x1280, v0  }
0x8: {  	s1 =	rddreg [dreg:$0x2];
	vm8 =	vcmask $0x1F1C;
	s3 =	simm.s32 $0x0;
	s8 =	stileid.u32;
	v0 =	vsel vm7, $0x1300, v0  }
0x9: {  	vm9 =	vcmask $0x2320;
	s9 =	simm.s32 $0x2;
	s10 =	simm.s32 $0x1;
	s11 =	simm.s32 $0x18000;
	v0 =	vsel vm8, $0x1380, v0  }
0xa: {  	vm10 =	vcmask $0x2724;
	s12 =	simm.s32 $0x1C000;
	s0 =	sand.u32 $0x1, s0;
	[smem:$0x7FF] =	sst s3;
	v0 =	vsel vm9, $0x3000, v0  }
0xb: {  	vm11 =	vcmask $0x2B28;
	s29 =	sshll.u32 s8, $0x3;
	s6 =	sshll.u32 s8, $0xF;
	s30 =	sshll.u32 s8, $0xA;
	v0 =	vsel vm10, $0x3080, v0  }
.Ltmp0:
0xc: {  	vm12 =	vcmask $0x2F2C;
	v1 =	vlaneseq.u32;
	s2 =	ssub.s32 $0x2, s0;
	_ =	strace $0x80000047;
	v0 =	vsel vm11, $0x3100, v0;
	(pc) =	sbr.rel .LBB2_1-.Ltmp0, $4  }
0xd: {  	vm13 =	vcmask $0x3330;
	v3 =	vmul.u32 $0xFFFFFFFF, v1;
	s5 =	sshll.u32 s0, $0x2;
	s0 =	sshll.u32 s0, $0x6;
	s4 =	sshrl.u32 s2, $0x1;
	v0 =	vsel vm12, $0x3180, v0  }
0xe: {  	v4 =	vimm.s32 $0x80000000;
	vm14 =	vcmask $0x3734;
	s0 =	sadd.s32 s7, s0;
	s2 =	ssub.s32 s2, s4;
	s4 =	sor.u32 s5, s29;
	v0 =	vsel vm13, $0x3200, v0  }
0xf: {  	s7 =	sadd.s32 s1, s30;
	vm15 =	vcmask $0x3B38;
	v3 =	vadd.s32 $0xF, v3;
	[dreg:$0x4] =	wrdreg s4;
	s31 =	smax.u32 s2, $0x1;
	v2 =	vsel vm14, $0x3280, v0  }
0x10: {  	s1 =	simm.s32 $0x0;
	s6 =	sadd.s32 s6, s0;
	[dreg:$0x5] =	wrdreg s31;
	v0 =	vimm.s32 $0x0;
	v1 =	vsel vm15, $0x3300, v2;
	v2 =	vimm.s32 $0x1  }
.LBB2_183:
0x11: {  	s1 =	rddreg [dreg:$0x6]  }
0x12: {  	s0 =	rddreg [dreg:$0x5];
	s1 =	sadd.s32 $0x1, s1  }
0x13: {  	p0 =	sne.s32 s1, s0  }
.Ltmp1:
0x14: {  	_ = 	snop;
	(pc) =	sbr.rel @!p0 .LBB2_184-.Ltmp1, $1  }
0x15: {  	_ =	sdelay $0x3  }
.LBB2_1:
0x16: {  	[dreg:$0x6] =	wrdreg s1;
	s0 =	simm.s32 $0x8000  }
0x17: {  	s1 =	simm.s32 $0x80;
	s4 =	sadd.s32 $0x0, s6;
	s2 =	simm.s32 $0x8100  }
.LBB2_2:
0x18: {  	[tilespmem:s0], [sflag:$0x1] =	stream.linear.gather [hbm4b:s4+s3], $0x80, $0x38;
	[tilespmem:$0x1CC00] =	vst v63  }
0x19: {  	s4 =	smov.u32 s1;
	s0 =	smov.u32 s2;
	p0 =	sne.s32 s1, $0x7F80  }
.Ltmp2:
0x1a: {  	s1 =	sadd.s32 $0x80, s1;
	(pc) =	sbr.rel @p0 .LBB2_2-.Ltmp2, $2  }
0x1b: {  	_ =	sdelay $0x2  }
0x1c: {  	s2 =	sadd.s32 $0x100, s2;
	s4 =	sadd.s32 s4, s6  }
0x1d: {  	[tilespmem:s0], [sflag:$0x1] =	stream.linear.gather [hbm4b:s4+s3], $0x80, $0x38;
	[tilespmem:$0x1CC00] =	vst v63  }
0x1e: {  	s17 =	simm.s32 $0x0;
	s31 =	rddreg [dreg:$0x1]  }
0x1f: {  	[tilespmem:s17], [sflag:$0x2] =	stream.linear.gather [hbm4b:s31+s17], $0x8000, $0x38;
	[tilespmem:$0x1CC00] =	vst v63  }
0x20: {  	_ =	swait.ge [sflag:s9], $0x8000  }
0x21: {  	[sflag:s9] =	ssyncset.done $0x0  }
0x22: {  	p4 =	por $0x0, $0x0;
	[sflag:s9] =	ssyncadd.s32 $0xFFFF8000  }
.LBB2_4:
0x23: {  	p0 =	sne.s32 s17, $0x3  }
.Ltmp3:
0x24: {  	_ = 	snop;
	(pc) =	sbr.rel @!p0 .LBB2_5-.Ltmp3, $4  }
0x25: {  	_ = 	snop  }
0x26: {  	_ =	swait.ge [sflag:s10], $0x8000  }
0x27: {  	[sflag:s10] =	ssyncset.done $0x0;
	s0 =	rddreg [dreg:$0x4]  }
0x28: {  	s0 =	sadd.s32 s0, s17;
	[sflag:s10] =	ssyncadd.s32 $0xFFFF8000  }
0x29: {  	s1 =	sadd.s32 $0x1, s0  }
0x2a: {  	s2 =	sand.u32 $0x1, s17;
	s5 =	rddreg [dreg:$0x0];
	s4 =	sshll.u32 s1, $0x4  }
0x2b: {  	s1 =	sshll.u32 s1, $0xC;
	s2 =	sshll.u32 s2, $0x7;
	s4 =	sand.u32 $0x70, s4  }
0x2c: {  	s1 =	sand.u32 $0xFFF8000, s1;
	s2 =	sxor.u32 $0x80, s2;
	s4 =	sadd.s32 s5, s4  }
0x2d: {  	s2 =	sor.u32 $0x8000, s2;
	s1 =	sadd.s32 s1, s4  }
0x2e: {  	s4 =	simm.s32 $0x80;
	s8 =	sadd.s32 $0x100, s2;
	s16 =	sadd.s32 $0x0, s1  }
.LBB2_12:
0x2f: {  	[tilespmem:s2], [sflag:$0x1] =	stream.linear.gather [hbm4b:s16+s3], $0x80, $0x38;
	[tilespmem:$0x1CC00] =	vst v63  }
0x30: {  	s16 =	smov.u32 s4;
	s2 =	smov.u32 s8;
	p0 =	seq.s32 s4, $0x7F80  }
.Ltmp4:
0x31: {  	s4 =	sadd.s32 $0x80, s4;
	(pc) =	sbr.rel @!p0 .LBB2_12-.Ltmp4, $2  }
0x32: {  	_ =	sdelay $0x2  }
0x33: {  	s8 =	sadd.s32 $0x100, s8;
	s16 =	sadd.s32 s16, s1  }
0x34: {  	[tilespmem:s2], [sflag:$0x1] =	stream.linear.gather [hbm4b:s16+s3], $0x80, $0x38;
	[tilespmem:$0x1CC00] =	vst v63  }
.LBB2_5:
0x35: {  	s0 =	sshll.u32 s0, $0x4;
	s20 =	simm.s32 $0x0  }
0x36: {  	s18 =	sand.u32 $0x70, s0;
	s0 =	sand.u32 $0x60, s20;
	s15 =	sand.u32 $0x1C00, s20  }
0x37: {  	s2 =	sor.u32 $0x18000, s15;
	s4 =	sor.u32 $0x10, s0  }
0x38: {  	s8 =	sor.u32 s4, s2  }
0x39: {  	[tilespmem:s8+$0x0] =	vst v0  }
0x3a: {  	[tilespmem:s8+$0x80] =	vst v0  }
0x3b: {  	[tilespmem:s8+$0x100] =	vst v0  }
0x3c: {  	[tilespmem:s8+$0x180] =	vst v0  }
0x3d: {  	[tilespmem:s8+$0x200] =	vst v0  }
0x3e: {  	s2 =	sor.u32 s0, s2;
	[tilespmem:s8+$0x280] =	vst v0  }
0x3f: {  	[tilespmem:s2+$0x0] =	vst v0  }
0x40: {  	s16 =	sand.u32 $0x3, s20;
	[tilespmem:s2+$0x80] =	vst v0  }
0x41: {  	s16 =	sshll.u32 s16, $0x5;
	[tilespmem:s2+$0x100] =	vst v0  }
0x42: {  	s16 =	sadd.s32 $0x0, s16;
	[tilespmem:s2+$0x180] =	vst v0  }
0x43: {  	s21 =	sadd.s32 $0x10, s16;
	[tilespmem:s2+$0x200] =	vst v0  }
0x44: {  	[tilespmem:s2+$0x280] =	vst v0;
	s23 =	sor.u32 $0x300, s21  }
0x45: {  	s22 =	sor.u32 $0x1A000, s15;
	s24 =	sor.u32 $0x380, s21;
	[tilespmem:s23+$0x18000] =	vst v0  }
0x46: {  	s25 =	sor.u32 s4, s22;
	s21 =	sor.u32 $0x1A080, s15;
	[tilespmem:s24+$0x18000] =	vst v0  }
0x47: {  	s23 =	sor.u32 $0x1A100, s15;
	s26 =	sor.u32 s4, s21;
	[tilespmem:s25+$0x0] =	vst v0  }
0x48: {  	s24 =	sor.u32 $0x1A180, s15;
	s29 =	sor.u32 s4, s23;
	[tilespmem:s26+$0x0] =	vst v0  }
0x49: {  	s1 =	simm.s32 $0x1;
	s25 =	sor.u32 $0x1A200, s15;
	s30 =	sor.u32 s4, s24;
	[tilespmem:s29+$0x0] =	vst v0  }
0x4a: {  	s1 =	simm.s32 @!p4 $0x0;
	s26 =	sor.u32 $0x1A280, s15;
	s31 =	sor.u32 s4, s25;
	[tilespmem:s30+$0x0] =	vst v0  }
0x4b: {  	s29 =	sor.u32 $0x1A300, s15;
	s30 =	sor.u32 $0x1A380, s15;
	s15 =	sor.u32 $0x300, s16;
	[tilespmem:s31+$0x0] =	vst v0  }
0x4c: {  	s14 =	sor.u32 s20, s20;
	s1 =	sshll.u32 s1, $0x7;
	s5 =	sor.u32 s4, s26;
	[tilespmem:s15+$0x18000] =	vst v0  }
0x4d: {  	s19 =	sor.u32 $0x8040, s1;
	s1 =	sor.u32 $0x380, s14;
	[tilespmem:s5+$0x0] =	vst v0  }
0x4e: {  	s8 =	sor.u32 s4, s29;
	[tilespmem:s1+$0x18000] =	vst v0  }
0x4f: {  	s16 =	sor.u32 s0, s22;
	[tilespmem:s8+$0x0] =	vst v0  }
0x50: {  	s13 =	sor.u32 s4, s30;
	[tilespmem:s16+$0x0] =	vst v0  }
0x51: {  	s22 =	sor.u32 s0, s21;
	[tilespmem:s13+$0x0] =	vst v0  }
0x52: {  	s17 =	sadd.s32 $0x1, s17;
	s23 =	sor.u32 s0, s23;
	[tilespmem:s22+$0x0] =	vst v0  }
0x53: {  	s2 =	simm.s32 $0x40;
	s24 =	sor.u32 s0, s24;
	s28 =	sor.u32 s0, s26;
	[tilespmem:s23+$0x0] =	vst v0  }
0x54: {  	s31 =	sor.u32 s0, s25;
	s25 =	sor.u32 s0, s29;
	s26 =	sor.u32 s0, s30;
	[tilespmem:s24+$0x0] =	vst v0  }
0x55: {  	s4 =	simm.s32 $0x100;
	s1 =	simm.s32 $0x0;
	s8 =	simm.s32 $0x20;
	[tilespmem:s31+$0x0] =	vst v0  }
.LBB2_6:
0x56: {  	s22 =	sand.u32 $0x60, s8;
	s23 =	sand.u32 $0x1C00, s4;
	s0 =	sor.u32 s4, s8;
	[tilespmem:s28+$0x0] =	vst v0  }
0x57: {  	s24 =	sor.u32 $0x18000, s23;
	s16 =	sor.u32 $0x380, s0;
	s0 =	sor.u32 $0x10, s22;
	[tilespmem:s25+$0x0] =	vst v0  }
0x58: {  	s21 =	sor.u32 s22, s24;
	s25 =	sor.u32 s0, s24;
	[tilespmem:s26+$0x0] =	vst v0  }
0x59: {  	s20 =	sadd.s32 $0x1, s20;
	[tilespmem:s25+$0x0] =	vst v0  }
0x5a: {  	s24 =	sand.u32 $0x3, s20;
	[tilespmem:s25+$0x80] =	vst v0  }
0x5b: {  	s24 =	sshll.u32 s24, $0x5;
	[tilespmem:s25+$0x100] =	vst v0  }
0x5c: {  	s26 =	sadd.s32 s24, s4;
	[tilespmem:s25+$0x180] =	vst v0  }
0x5d: {  	s24 =	sor.u32 $0x300, s26;
	s26 =	sadd.s32 $0x10, s26;
	[tilespmem:s25+$0x200] =	vst v0  }
0x5e: {  	[tilespmem:s25+$0x280] =	vst v0;
	s25 =	sor.u32 $0x300, s26  }
0x5f: {  	s28 =	sor.u32 $0x1A000, s23;
	[tilespmem:s25+$0x18000] =	vst v0;
	s25 =	sor.u32 $0x380, s26  }
0x60: {  	s29 =	sor.u32 s22, s28;
	s26 =	sor.u32 $0x1A080, s23;
	[tilespmem:s25+$0x18000] =	vst v0;
	s25 =	sor.u32 s0, s28  }
0x61: {  	s30 =	sor.u32 s22, s26;
	s28 =	sor.u32 $0x1A100, s23;
	[tilespmem:s25+$0x0] =	vst v0;
	s25 =	sor.u32 s0, s26  }
0x62: {  	s31 =	sor.u32 s22, s28;
	s26 =	sor.u32 $0x1A180, s23;
	[tilespmem:s25+$0x0] =	vst v0;
	s25 =	sor.u32 s0, s28  }
0x63: {  	s1 =	sadd.s32 $0x2, s1;
	s28 =	sor.u32 $0x1A200, s23;
	[tilespmem:s25+$0x0] =	vst v0;
	s25 =	sor.u32 s0, s26  }
0x64: {  	s13 =	sor.u32 $0x1A280, s23;
	p1 =	slt.u32 s1, $0x3E;
	[tilespmem:s25+$0x0] =	vst v0;
	s25 =	sor.u32 s0, s28  }
0x65: {  	s14 =	sor.u32 s22, s26;
	s26 =	sor.u32 $0x1A300, s23;
	[tilespmem:s25+$0x0] =	vst v0;
	s25 =	sor.u32 s0, s13  }
0x66: {  	s15 =	sor.u32 s22, s28;
	s23 =	sor.u32 $0x1A380, s23;
	s5 =	sor.u32 s0, s26;
	[tilespmem:s25+$0x0] =	vst v0  }
0x67: {  	s28 =	sor.u32 s22, s13;
	s0 =	sor.u32 s0, s23;
	s25 =	sor.u32 s22, s26;
	[tilespmem:s5+$0x0] =	vst v0  }
0x68: {  	s26 =	sor.u32 s22, s23;
	[tilespmem:s0+$0x0] =	vst v0  }
0x69: {  	[tilespmem:s21+$0x0] =	vst v0  }
0x6a: {  	[tilespmem:s21+$0x80] =	vst v0  }
0x6b: {  	[tilespmem:s21+$0x100] =	vst v0  }
0x6c: {  	[tilespmem:s21+$0x180] =	vst v0  }
0x6d: {  	[tilespmem:s21+$0x200] =	vst v0  }
0x6e: {  	[tilespmem:s21+$0x280] =	vst v0  }
0x6f: {  	[tilespmem:s24+$0x18000] =	vst v0  }
0x70: {  	[tilespmem:s16+$0x18000] =	vst v0  }
.Ltmp5:
0x71: {  	[tilespmem:s29+$0x0] =	vst v0;
	(pc) =	sbr.rel @p1 .LBB2_6-.Ltmp5, $4  }
0x72: {  	[tilespmem:s30+$0x0] =	vst v0  }
0x73: {  	[tilespmem:s31+$0x0] =	vst v0  }
0x74: {  	[tilespmem:s14+$0x0] =	vst v0  }
0x75: {  	s8 =	sadd.s32 $0x20, s8;
	s4 =	sadd.s32 $0x100, s4;
	[tilespmem:s15+$0x0] =	vst v0  }
0x76: {  	[tilespmem:s28+$0x0] =	vst v0  }
0x77: {  	[tilespmem:s25+$0x0] =	vst v0  }
0x78: {  	[tilespmem:s26+$0x0] =	vst v0  }
0x79: {  	v5 =	vld [tilespmem:s2+$0xFFFFFFC0]  }
0x7a: {  	v6 =	vld [tilespmem:s19+$0xFFFFFFF0]  }
0x7b: {  	v8 =	vld [tilespmem:s2+$0xFFFFFFE0]  }
0x7c: {  	v7 =	vld [tilespmem:s2+$0xFFFFFFF0]  }
0x7d: {  	v10 =	vld [tilespmem:s19+$0xFFFFFFD0]  }
0x7e: {  	v11 =	vld [tilespmem:s19+$0xFFFFFFC0]  }
0x7f: {  	v12 =	vld [tilespmem:s2+$0x20]  }
0x80: {  	v13 =	vld [tilespmem:s19+$0x20]  }
0x81: {  	v14 =	vld [tilespmem:s2+$0x30]  }
0x82: {  	v15 =	vld [tilespmem:s19+$0x30]  }
0x83: {  	v17 =	vld [tilespmem:s19+$0xFFFFFFE0]  }
0x84: {  	v6 =	vmul.f32 v7, v6;
	v7 =	vld [tilespmem:s2+$0xFFFFFFD0];
	_ =	sdelay $0x1  }
0x85: {  	v9 =	vld [tilespmem:s2+$0x0];
	v5 =	vmul.f32 v5, v11;
	vm0 =	vlt.s32 v6, $0x0;
	v11 =	vxor.u32 $0x7FFFFFFF, v6  }
0x86: {  	v16 =	vld [tilespmem:s19+$0x10];
	v12 =	vmul.f32 v12, v13;
	v15 =	vmul.f32 v14, v15;
	v11 =	vsel vm0, v11, v6  }
0x87: {  	v18 =	vld [tilespmem:s2+$0x10];
	v8 =	vmul.f32 v8, v17;
	v19 =	vxor.u32 $0x7FFFFFFF, v5;
	v6 =	vshra.s32 v11, $0x16  }
0x88: {  	v13 =	vld [tilespmem:s19+$0x0];
	vm2 =	vlt.s32 v12, $0x0;
	v7 =	vmul.f32 v7, v10;
	v10 =	vshll.u32 v6, $0x3  }
0x89: {  	vm3 =	vlt.s32 v15, $0x0;
	v6 =	vand.u32 $0x7F, v6;
	v10 =	vand.u32 $0xFFFFFC00, v10  }
0x8a: {  	vm0 =	vlt.s32 v5, $0x0;
	[tilespmem:s19+$0xFFFFFFF0] =	vst v11;
	v11 =	vxor.u32 $0x7FFFFFFF, v15;
	v10 =	vor.u32 v6, v10  }
0x8b: {  	v6 =	vsel vm0, v19, v5;
	v5 =	vxor.u32 $0x7FFFFFFF, v12;
	v62 =	vadd.s32 v1, v10  }
0x8c: {  	vm1 =	vlt.s32 v7, $0x0;
	v14 =	vsel vm2, v5, v12;
	v5 =	vmul.f32 v18, v16  }
0x8d: {  	[tilespmem:s19+$0xFFFFFFC0] =	vst v6;
	vm2 =	vlt.s32 v8, $0x0;
	v10 =	vmul.f32 v9, v13;
	v9 =	vxor.u32 $0x7FFFFFFF, v8  }
0x8e: {  	v12 =	vxor.u32 $0x7FFFFFFF, v7;
	v63 =	vshra.s32 v14, $0x16;
	[tilespmem:s19+$0x20] =	vst v14;
	v14 =	vsel vm2, v9, v8  }
0x8f: {  	s24 =	simm.s32 $0x0;
	s21 =	simm.s32 $0x3EF;
	s23 =	sadd.s32 $0x100, s19;
	v9 =	vsel vm3, v11, v15;
	vm0 =	vlt.s32 v5, $0x0;
	vm2 =	vlt.s32 v10, $0x0;
	[tilespmem:s19+$0xFFFFFFE0] =	vst v14  }
0x90: {  	s22 =	smov.u32 s19;
	s25 =	simm.s32 $0xC0;
	s2 =	simm.s32 $0x1F80;
	v8 =	vxor.u32 $0x7FFFFFFF, v5;
	v11 =	vand.u32 $0x7F, v63;
	v13 =	vshll.u32 v63, $0x3;
	[tilespmem:v62+s11+$0x0] =	vst.idx.add.s32.msk $0xffff, v2  }
.LBB2_8:
0x91: {  	v15 =	vld [tilespmem:s25+$0xFFFFFFC0];
	s24 =	sadd.s32 $0x8, s24;
	v7 =	vsel vm1, v12, v7;
	v12 =	vshra.s32 v14, $0x16;
	v14 =	vxor.u32 $0x7FFFFFFF, v10;
	[tilespmem:s22+$0x30] =	vst v9;
	s20 =	simm.s32 $0xFFFFFFFF  }
0x92: {  	v16 =	vld [tilespmem:s23+$0xFFFFFFF0];
	p1 =	slt.u32 s24, $0x7F8;
	[tilespmem:s22+$0xFFFFFFD0] =	vst v7;
	v7 =	vshra.s32 v7, $0x16;
	v17 =	vand.u32 $0x7F, v12;
	v12 =	vshll.u32 v12, $0x3  }
0x93: {  	v9 =	vshra.s32 v9, $0x16;
	v10 =	vsel vm2, v14, v10;
	v18 =	vld [tilespmem:s25+$0xFFFFFFE0];
	v19 =	vshll.u32 v7, $0x3  }
0x94: {  	v13 =	vand.u32 $0xFFFFFC00, v13;
	v20 =	vshll.u32 v9, $0x3;
	v12 =	vand.u32 $0xFFFFFC00, v12;
	v14 =	vld [tilespmem:s25+$0xFFFFFFF0];
	[tilespmem:s22+$0x0] =	vst v10  }
0x95: {  	v6 =	vshra.s32 v6, $0x16;
	v11 =	vor.u32 v11, v13;
	v10 =	vshra.s32 v10, $0x16;
	v21 =	vld [tilespmem:s25+$0x0]  }
0x96: {  	v7 =	vand.u32 $0x7F, v7;
	v11 =	vadd.s32 v1, v11;
	v22 =	vshll.u32 v10, $0x3;
	v13 =	vld [tilespmem:s23+$0xFFFFFFD0]  }
0x97: {  	v24 =	vshll.u32 v6, $0x3;
	v10 =	vand.u32 $0x7F, v10;
	v22 =	vand.u32 $0xFFFFFC00, v22;
	v23 =	vld [tilespmem:s23+$0xFFFFFFC0]  }
0x98: {  	v24 =	vand.u32 $0xFFFFFC00, v24;
	v19 =	vand.u32 $0xFFFFFC00, v19;
	v10 =	vor.u32 v10, v22;
	v25 =	vld [tilespmem:s25+$0x30]  }
0x99: {  	v7 =	vor.u32 v7, v19;
	v19 =	vand.u32 $0xFFFFFC00, v20;
	v10 =	vadd.s32 v1, v10;
	v22 =	vld [tilespmem:s25+$0x20]  }
0x9a: {  	v5 =	vsel vm0, v8, v5;
	v6 =	vand.u32 $0x7F, v6;
	v14 =	vmul.f32 v14, v16;
	v16 =	vld [tilespmem:s23+$0x10]  }
0x9b: {  	v9 =	vand.u32 $0x7F, v9;
	v12 =	vor.u32 v17, v12;
	v8 =	vld [tilespmem:s23+$0x20];
	[tilespmem:s22+$0x10] =	vst v5;
	v5 =	vshra.s32 v5, $0x16;
	s22 =	smov.u32 s23  }
0x9c: {  	v12 =	vadd.s32 v1, v12;
	v15 =	vmul.f32 v15, v23;
	v17 =	vld [tilespmem:s25+$0xFFFFFFD0];
	v20 =	vand.u32 $0x7F, v5  }
0x9d: {  	v9 =	vor.u32 v9, v19;
	vm1 =	vlt.s32 v14, $0x0;
	v23 =	vxor.u32 $0x7FFFFFFF, v14;
	v26 =	vld [tilespmem:s23+$0x0]  }
0x9e: {  	v28 =	vadd.s32 v1, v7;
	vm0 =	vlt.s32 v15, $0x0;
	v19 =	vxor.u32 $0x7FFFFFFF, v15;
	v27 =	vld [tilespmem:s23+$0x30]  }
0x9f: {  	v9 =	vadd.s32 v1, v9;
	v5 =	vshll.u32 v5, $0x3;
	v7 =	vsel vm1, v23, v14;
	v14 =	vld [tilespmem:s25+$0x10]  }
0xa0: {  	v6 =	vor.u32 v6, v24;
	v29 =	vshra.s32 v7, $0x16;
	v23 =	vld [tilespmem:s23+$0xFFFFFFE0];
	[tilespmem:s23+$0xFFFFFFF0] =	vst v7;
	v8 =	vmul.f32 v22, v8  }
0xa1: {  	v5 =	vand.u32 $0xFFFFFC00, v5;
	v7 =	vmul.f32 v17, v13;
	v13 =	vshll.u32 v29, $0x3;
	[tilespmem:v12+s11+$0x0] =	vst.idx.add.s32.msk $0xffff, v2  }
0xa2: {  	v5 =	vor.u32 v20, v5;
	v12 =	vand.u32 $0x7F, v29;
	v13 =	vand.u32 $0xFFFFFC00, v13;
	[tilespmem:v10+s11+$0x0] =	vst.idx.add.s32.msk $0xffff, v2  }
0xa3: {  	vm1 =	vlt.s32 v7, $0x0;
	v10 =	vor.u32 v12, v13;
	v13 =	vadd.s32 v1, v6;
	[tilespmem:v11+s11+$0x0] =	vst.idx.add.s32.msk $0xffff, v2  }
0xa4: {  	v17 =	vadd.s32 v1, v5;
	vm2 =	vlt.s32 v8, $0x0;
	v11 =	vmul.f32 v25, v27;
	[tilespmem:v9+s11+$0x0] =	vst.idx.add.s32.msk $0xffff, v2  }
0xa5: {  	v5 =	vxor.u32 $0x7FFFFFFF, v8;
	v6 =	vsel vm0, v19, v15;
	v9 =	vadd.s32 v1, v10;
	[tilespmem:v28+s11+$0x0] =	vst.idx.add.s32.msk $0xffff, v2  }
0xa6: {  	v8 =	vsel vm2, v5, v8;
	v15 =	vmul.f32 v18, v23;
	[tilespmem:s23+$0xFFFFFFC0] =	vst v6  }
.Ltmp6:
0xa7: {  	v5 =	vmul.f32 v14, v16;
	v16 =	vshra.s32 v8, $0x16;
	vm3 =	vlt.s32 v11, $0x0;
	[tilespmem:s23+$0x20] =	vst v8;
	(pc) =	sbr.rel @p1 .LBB2_8-.Ltmp6, $4  }
0xa8: {  	v12 =	vxor.u32 $0x7FFFFFFF, v7;
	v10 =	vmul.f32 v21, v26;
	vm2 =	vlt.s32 v15, $0x0;
	[tilespmem:v13+s11+$0x0] =	vst.idx.add.s32.msk $0xffff, v2  }
0xa9: {  	vm0 =	vlt.s32 v5, $0x0;
	v8 =	vxor.u32 $0x7FFFFFFF, v15;
	v13 =	vxor.u32 $0x7FFFFFFF, v11;
	[tilespmem:v17+s11+$0x0] =	vst.idx.add.s32.msk $0xffff, v2  }
0xaa: {  	v14 =	vsel vm2, v8, v15;
	vm2 =	vlt.s32 v10, $0x0;
	[tilespmem:v9+s11+$0x0] =	vst.idx.add.s32.msk $0xffff, v2;
	v9 =	vsel vm3, v13, v11  }
0xab: {  	s25 =	sadd.s32 $0x80, s25;
	s23 =	sadd.s32 $0x100, s23;
	v8 =	vxor.u32 $0x7FFFFFFF, v5;
	v11 =	vand.u32 $0x7F, v16;
	v13 =	vshll.u32 v16, $0x3;
	[tilespmem:s22+$0xFFFFFFE0] =	vst v14  }
0xac: {  	v15 =	vxor.u32 $0x7FFFFFFF, v10  }
0xad: {  	v7 =	vsel vm1, v12, v7;
	v52 =	vshra.s32 v14, $0x16;
	v13 =	vand.u32 $0xFFFFFC00, v13  }
0xae: {  	v58 =	vshra.s32 v9, $0x16;
	v6 =	vshra.s32 v6, $0x16;
	v5 =	vsel vm0, v8, v5  }
0xaf: {  	v10 =	vsel vm2, v15, v10;
	v53 =	vshra.s32 v7, $0x16;
	v54 =	vand.u32 $0x7F, v52  }
0xb0: {  	v12 =	vshll.u32 v52, $0x3;
	v11 =	vor.u32 v11, v13;
	v59 =	vshll.u32 v58, $0x3  }
0xb1: {  	v60 =	vshll.u32 v6, $0x3;
	v62 =	vand.u32 $0x7F, v58;
	v6 =	vand.u32 $0x7F, v6  }
0xb2: {  	[tilespmem:s22+$0xFFFFFFD0] =	vst v7;
	v7 =	vshra.s32 v5, $0x16;
	v16 =	vshra.s32 v10, $0x16;
	v57 =	vshll.u32 v53, $0x3  }
0xb3: {  	v12 =	vand.u32 $0xFFFFFC00, v12;
	v14 =	vand.u32 $0x7F, v53;
	v11 =	vadd.s32 v1, v11  }
0xb4: {  	v15 =	vand.u32 $0xFFFFFC00, v60;
	v61 =	vand.u32 $0xFFFFFC00, v59;
	v63 =	vand.u32 $0x7F, v7  }
0xb5: {  	v7 =	vshll.u32 v7, $0x3;
	v17 =	vshll.u32 v16, $0x3;
	v12 =	vor.u32 v54, v12  }
0xb6: {  	v55 =	vand.u32 $0x7F, v16;
	v8 =	vor.u32 v62, v61;
	v12 =	vadd.s32 v1, v12  }
0xb7: {  	[tilespmem:s22+$0x30] =	vst v9;
	v6 =	vor.u32 v6, v15;
	v7 =	vand.u32 $0xFFFFFC00, v7;
	v8 =	vadd.s32 v1, v8  }
0xb8: {  	[tilespmem:s22+$0x10] =	vst v5;
	v56 =	vand.u32 $0xFFFFFC00, v17;
	v7 =	vor.u32 v63, v7;
	v6 =	vadd.s32 v1, v6  }
0xb9: {  	[tilespmem:s22+$0x0] =	vst v10;
	v17 =	vand.u32 $0xFFFFFC00, v57;
	v13 =	vor.u32 v55, v56;
	v7 =	vadd.s32 v1, v7  }
0xba: {  	v14 =	vor.u32 v14, v17;
	v13 =	vadd.s32 v1, v13;
	[tilespmem:v11+s11+$0x0] =	vst.idx.add.s32.msk $0xffff, v2  }
0xbb: {  	v5 =	vadd.s32 v1, v14;
	[tilespmem:v12+s11+$0x0] =	vst.idx.add.s32.msk $0xffff, v2  }
0xbc: {  	p0 =	por $0x0, $0x0;
	[tilespmem:v8+s11+$0x0] =	vst.idx.add.s32.msk $0xffff, v2  }
.Ltmp7:
0xbd: {  	[tilespmem:v6+s11+$0x0] =	vst.idx.add.s32.msk $0xffff, v2;
	(pc) =	sbr.rel @p0 .LBB2_10-.Ltmp7, $4  }
0xbe: {  	s28 =	simm.s32 $0x3F0;
	s1 =	sand.u32 $0x1C00, s2;
	[tilespmem:v7+s11+$0x0] =	vst.idx.add.s32.msk $0xffff, v2  }
0xbf: {  	s0 =	simm.s32 $0x1F00;
	p1 =	por $0x0, $0x0;
	s4 =	simm.s32 @!p4 $0x0;
	[tilespmem:v13+s11+$0x0] =	vst.idx.add.s32.msk $0xffff, v2  }
0xc0: {  	p2 =	por $0x0, $0x0;
	p3 =	por $0x0, $0x0;
	s4 =	simm.s32 @p4 $0x1;
	[tilespmem:v5+s11+$0x0] =	vst.idx.add.s32.msk $0xffff, v2  }
0xc1: {  	s8 =	sand.u32 $0x70, s28;
	s22 =	simm.s32 $0x0;
	[smem:$0x7FD] =	sst s4  }
0xc2: {  	s26 =	sor.u32 s8, s1  }
0xc3: {  	v5 =	vld [tilespmem:s26+$0x18000]  }
0xc4: {  	v6 =	vld [tilespmem:s26+$0x18080]  }
0xc5: {  	v7 =	vld [tilespmem:s26+$0x18100]  }
0xc6: {  	v8 =	vld [tilespmem:s26+$0x18180]  }
0xc7: {  	v9 =	vld [tilespmem:s26+$0x18200]  }
0xc8: {  	s31 =	sor.u32 s2, s28;
	v10 =	vld [tilespmem:s26+$0x18280]  }
0xc9: {  	s1 =	sor.u32 $0x380, s31;
	v5 =	vadd.s32 v5, v6;
	v6 =	vld [tilespmem:s26+$0x18300]  }
0xca: {  	v11 =	vld [tilespmem:s1+$0x18000];
	v5 =	vadd.s32 v7, v5  }
0xcb: {  	v12 =	vld [tilespmem:s26+$0x1A000];
	v5 =	vadd.s32 v8, v5  }
0xcc: {  	p0 =	por $0x0, $0x0;
	v13 =	vld [tilespmem:s26+$0x1A080];
	v5 =	vadd.s32 v9, v5  }
.Ltmp8:
0xcd: {  	v7 =	vld [tilespmem:s26+$0x1A100];
	v5 =	vadd.s32 v10, v5;
	(pc) =	sbr.rel @p0 .LBB2_15-.Ltmp8, $4  }
0xce: {  	v8 =	vld [tilespmem:s26+$0x1A180];
	v5 =	vadd.s32 v6, v5  }
0xcf: {  	v9 =	vld [tilespmem:s26+$0x1A200];
	v5 =	vadd.s32 v11, v5  }
0xd0: {  	s24 =	simm.s32 $0x3DF;
	s28 =	simm.s32 $0x3E0;
	s2 =	simm.s32 $0x1E80;
	v10 =	vld [tilespmem:s26+$0x1A280];
	v5 =	vadd.s32 v12, v5  }
0xd1: {  	p1 =	por $0x1, $0x1;
	s8 =	sand.u32 $0x70, s28;
	s1 =	sand.u32 $0x1C00, s0;
	v11 =	vld [tilespmem:s26+$0x1A300];
	v12 =	vadd.s32 v13, v5  }
0xd2: {  	s16 =	sor.u32 s8, s1;
	v5 =	vadd.s32 v7, v12;
	v6 =	vld [tilespmem:s26+$0x1A380]  }
0xd3: {  	v7 =	vld [tilespmem:s16+$0x18000];
	v5 =	vadd.s32 v8, v5  }
0xd4: {  	v8 =	vld [tilespmem:s16+$0x18080];
	v5 =	vadd.s32 v9, v5  }
0xd5: {  	v9 =	vld [tilespmem:s16+$0x18100];
	v5 =	vadd.s32 v10, v5  }
0xd6: {  	v10 =	vld [tilespmem:s16+$0x18180];
	v5 =	vadd.s32 v11, v5  }
0xd7: {  	v11 =	vld [tilespmem:s16+$0x18200];
	v5 =	vadd.s32 v6, v5  }
0xd8: {  	s0 =	sor.u32 s0, s28;
	v6 =	vld [tilespmem:s16+$0x18280];
	v12 =	vperm.xlane v5, v3  }
0xd9: {  	s0 =	sor.u32 $0x380, s0;
	v7 =	vadd.s32 v7, v8;
	v8 =	vld [tilespmem:s16+$0x18300]  }
0xda: {  	v7 =	vadd.s32 v9, v7;
	v9 =	vld [tilespmem:s0+$0x18000];
	(xrf0) =	vadd.scan.msk.s32 $0xffff, v12  }
0xdb: {  	v7 =	vadd.s32 v10, v7;
	v10 =	vld [tilespmem:s16+$0x1A000];
	(xrf0) =	vadd.scan.msk.s32 $0xffff, v5  }
0xdc: {  	p0 =	por $0x0, $0x0;
	v5 =	vadd.s32 v11, v7;
	v11 =	vld [tilespmem:s16+$0x1A080]  }
.Ltmp9:
0xdd: {  	v7 =	vld [tilespmem:s16+$0x1A100];
	v5 =	vadd.s32 v6, v5;
	(pc) =	sbr.rel @p0 .LBB2_17-.Ltmp9, $4  }
0xde: {  	v5 =	vadd.s32 v8, v5;
	v8 =	vld [tilespmem:s16+$0x1A180]  }
0xdf: {  	v5 =	vadd.s32 v9, v5;
	v9 =	vld [tilespmem:s16+$0x1A200]  }
0xe0: {  	s31 =	simm.s32 $0x3CF;
	s28 =	simm.s32 $0x3D0;
	s1 =	sand.u32 $0x1C00, s2;
	v5 =	vadd.s32 v10, v5;
	v10 =	vld [tilespmem:s16+$0x1A280];
	v6, _, _ =	vpop (xrf0)  }
0xe1: {  	s23 =	simm.s32 $0x1E00;
	p2 =	por $0x1, $0x1;
	s8 =	sand.u32 $0x70, s28;
	v12 =	vadd.s32 v11, v5;
	v11 =	vld [tilespmem:s16+$0x1A300];
	v5 =	vperm.xlane v6, v3;
	v6, _, _ =	vpop (xrf0)  }
0xe2: {  	(v2sf) =	vpush v6, $0xF;
	_ =	sdelay $0x1  }
0xe3: {  	s26 =	sor.u32 s8, s1;
	v7 =	vadd.s32 v7, v12;
	v12 =	vld [tilespmem:s16+$0x1A380]  }
0xe4: {  	v13 =	vld [tilespmem:s26+$0x18000];
	v7 =	vadd.s32 v8, v7  }
0xe5: {  	v8 =	vld [tilespmem:s26+$0x18080];
	v7 =	vadd.s32 v9, v7  }
0xe6: {  	v9 =	vld [tilespmem:s26+$0x18100];
	v7 =	vadd.s32 v10, v7;
	v10 =	vadd.s32 s22, v5  }
0xe7: {  	v14 =	vld [tilespmem:s26+$0x18180];
	vm0 =	vgt.s32 v10, $0x3FF  }
0xe8: {  	v7 =	vadd.s32 v11, v7;
	v10 =	vld [tilespmem:s26+$0x18200];
	v11 =	vsel vm0, $0x1, v0  }
0xe9: {  	v7 =	vadd.s32 v12, v7;
	v12 =	vld [tilespmem:s26+$0x18280];
	(xrf0) =	vadd.scan.msk.s32 $0xffff, v11  }
0xea: {  	v15 =	vperm.xlane v7, v3;
	v8 =	vadd.s32 v13, v8;
	v11 =	vld [tilespmem:s26+$0x18300]  }
0xeb: {  	s0 =	sor.u32 s2, s28;
	v8 =	vadd.s32 v9, v8  }
0xec: {  	s0 =	sor.u32 $0x380, s0;
	(xrf0) =	vadd.scan.msk.s32 $0xffff, v15;
	v8 =	vadd.s32 v14, v8  }
0xed: {  	v9 =	vld [tilespmem:s0+$0x18000];
	(xrf0) =	vadd.scan.msk.s32 $0xffff, v7;
	v7 =	vadd.s32 v10, v8  }
0xee: {  	v13 =	vld [tilespmem:s26+$0x1A000];
	v8 =	vadd.s32 v12, v7  }
0xef: {  	p0 =	por $0x0, $0x0;
	v14 =	vld [tilespmem:s26+$0x1A080];
	v10 =	vadd.s32 v11, v8;
	v11, _, _ =	vpop (xrf0)  }
.Ltmp10:
0xf0: {  	v7 =	vld [tilespmem:s26+$0x1A100];
	s0 =	spop (v2sf);
	(v2sf) =	vpush v11, $0xF;
	(pc) =	sbr.rel @p0 .LBB2_19-.Ltmp10, $4  }
0xf1: {  	v8 =	vld [tilespmem:s26+$0x1A180]  }
0xf2: {  	s28 =	simm.s32 $0x3C0;
	s25 =	simm.s32 $0x3BF;
	s1 =	sand.u32 $0x1C00, s23;
	v10 =	vadd.s32 v9, v10;
	v9 =	vld [tilespmem:s26+$0x1A200]  }
0xf3: {  	s2 =	simm.s32 $0x1D80;
	p3 =	por $0x1, $0x1;
	s4 =	simm.s32 $0x0;
	v12 =	vadd.s32 v13, v10;
	v10 =	vld [tilespmem:s26+$0x1A280];
	v13, _, _ =	vpop (xrf0)  }
0xf4: {  	s30 =	simm.s32 $0x3EF;
	s29 =	simm.s32 $0xFFFFFFFF;
	s8 =	sand.u32 $0x70, s28;
	v12 =	vadd.s32 v14, v12;
	v11 =	vld [tilespmem:s26+$0x1A300];
	v13 =	vperm.xlane v13, v3;
	v14, _, _ =	vpop (xrf0)  }
.LBB2_20:
0xf5: {  	p4 =	seq.s32 s2, $0x0;
	v7 =	vadd.s32 v7, v12;
	v12 =	vld [tilespmem:s26+$0x1A380];
	s26 =	sor.u32 s8, s1;
	(v2sf) =	vpush v14, $0xF;
	s4 =	sadd.s32 s4, s0  }
0xf6: {  	s0 =	smov.u32 s25;
	v14 =	vld [tilespmem:s26+$0x18000];
	v7 =	vadd.s32 v8, v7;
	v8 =	vadd.s32 s4, v13  }
0xf7: {  	v13 =	vld [tilespmem:s26+$0x18080];
	v7 =	vadd.s32 v9, v7;
	vm0 =	vgt.s32 v8, $0x3FF  }
0xf8: {  	v8 =	vld [tilespmem:s26+$0x18100];
	v7 =	vadd.s32 v10, v7;
	v9 =	vsel vm0, $0x1, v0  }
0xf9: {  	v10 =	vld [tilespmem:s26+$0x18180];
	v7 =	vadd.s32 v11, v7;
	(xrf0) =	vadd.scan.msk.s32 $0xffff, v9  }
0xfa: {  	v9 =	vld [tilespmem:s26+$0x18200];
	v7 =	vadd.s32 v12, v7  }
0xfb: {  	s1 =	sor.u32 s23, s28;
	s23 =	smov.u32 s2;
	v11 =	vld [tilespmem:s26+$0x18280];
	v12 =	vperm.xlane v7, v3  }
0xfc: {  	s1 =	sor.u32 $0x380, s1;
	v13 =	vadd.s32 v14, v13;
	v14 =	vld [tilespmem:s26+$0x18300]  }
0xfd: {  	v16 =	vadd.s32 v8, v13;
	v13 =	vld [tilespmem:s1+$0x18000];
	(xrf0) =	vadd.scan.msk.s32 $0xffff, v12  }
0xfe: {  	v15 =	vadd.s32 v10, v16;
	v10 =	vld [tilespmem:s26+$0x1A000];
	(xrf0) =	vadd.scan.msk.s32 $0xffff, v7  }
0xff: {  	s1 =	spop (v2sf)  }
0x100: {  	v7 =	vadd.s32 v9, v15;
	v12 =	vld [tilespmem:s26+$0x1A080];
	v8, _, _ =	vpop (xrf0);
	s5 =	sadd.s32 s30, s1  }
.Ltmp11:
0x101: {  	v9 =	vadd.s32 v11, v7;
	v7 =	vld [tilespmem:s26+$0x1A100];
	(v2sf) =	vpush v8, $0xF;
	p0 =	sgt.s32 s1, $0x0;
	s1 =	smov.u32 s29;
	(pc) =	sbr.rel @!p4 .LBB2_20-.Ltmp11, $4  }
0x102: {  	p5 =	slt.s32 s29, $0x0;
	s30 =	smov.u32 s24;
	v9 =	vadd.s32 v14, v9;
	v8 =	vld [tilespmem:s26+$0x1A180];
	s1 =	smov.u32 @p0 s5  }
0x103: {  	s25 =	sadd.s32 $0xFFFFFFF0, s25;
	s24 =	smov.u32 s31;
	v11 =	vadd.s32 v13, v9;
	v9 =	vld [tilespmem:s26+$0x1A200];
	s29 =	smov.u32 @p5 s1  }
0x104: {  	s28 =	sadd.s32 $0x1, s25;
	s31 =	smov.u32 s0;
	s1 =	sand.u32 $0x1C00, s2;
	v11 =	vadd.s32 v10, v11;
	v10 =	vld [tilespmem:s26+$0x1A280];
	v13, _, _ =	vpop (xrf0)  }
0x105: {  	s8 =	sand.u32 $0x70, s28;
	s2 =	sadd.s32 $0xFFFFFF80, s2;
	v12 =	vadd.s32 v12, v11;
	v11 =	vld [tilespmem:s26+$0x1A300];
	v13 =	vperm.xlane v13, v3;
	v14, _, _ =	vpop (xrf0);
	s0 =	spop (v2sf)  }
0x106: {  	s16 =	smov.u32 s24;
	s2 =	smov.u32 s23;
	s24 =	smov.u32 s31  }
.LBB2_22:
0x107: {  	v7 =	vadd.s32 @p1 v7, v12;
	v12 =	vld @p1 [tilespmem:s26+$0x1A380]  }
0x108: {  	v7 =	vadd.s32 @p1 v8, v7  }
0x109: {  	s0 =	sadd.s32 @p3 s4, s0;
	s4 =	simm.s32 $0x0;
	v7 =	vadd.s32 @p1 v9, v7  }
0x10a: {  	s1 =	sor.u32 s8, s1;
	s4 =	smov.u32 @p3 s0;
	v7 =	vadd.s32 @p1 v10, v7  }
0x10b: {  	(v2sf) =	vpush @p2 v14, $0xF;
	v49 =	vld [tilespmem:s1+$0x18000];
	v9 =	vadd.s32 @p2 s4, v13;
	v7 =	vadd.s32 @p1 v11, v7  }
0x10c: {  	v50 =	vld [tilespmem:s1+$0x18080];
	vm0 =	vgt.s32 @p2 v9, $0x3FF;
	v7 =	vadd.s32 @p1 v12, v7  }
0x10d: {  	v51 =	vld [tilespmem:s1+$0x18100];
	v11 =	vsel @p2 vm0, $0x1, v0;
	v12 =	vperm.xlane @p1 v7, v3  }
0x10e: {  	v52 =	vld [tilespmem:s1+$0x18180];
	(xrf0) =	vadd.scan.msk.s32 @p2 $0xffff, v11  }
0x10f: {  	v53 =	vld [tilespmem:s1+$0x18200];
	(xrf0) =	vadd.scan.msk.s32 @p1 $0xffff, v12  }
0x110: {  	s28 =	sor.u32 s2, s28;
	v54 =	vld [tilespmem:s1+$0x18280];
	(xrf0) =	vadd.scan.msk.s32 @p1 $0xffff, v7  }
0x111: {  	v55 =	vld [tilespmem:s1+$0x18300];
	s0 =	sor.u32 $0x380, s28;
	v7 =	vadd.s32 v49, v50  }
0x112: {  	v56 =	vld [tilespmem:s0+$0x18000];
	v7 =	vadd.s32 v51, v7  }
0x113: {  	v57 =	vld [tilespmem:s1+$0x1A000];
	v7 =	vadd.s32 v52, v7  }
0x114: {  	v58 =	vld [tilespmem:s1+$0x1A080];
	v13, _, _ =	vpop @p2 (xrf0);
	v7 =	vadd.s32 v53, v7  }
0x115: {  	v59 =	vld [tilespmem:s1+$0x1A100];
	v7 =	vadd.s32 v54, v7;
	v14, _, _ =	vpop @p1 (xrf0)  }
0x116: {  	v60 =	vld [tilespmem:s1+$0x1A180];
	v7 =	vadd.s32 v55, v7;
	v15, _, _ =	vpop @p1 (xrf0)  }
0x117: {  	v61 =	vld [tilespmem:s1+$0x1A200];
	(v2sf) =	vpush @p2 v13, $0xF;
	v7 =	vadd.s32 v56, v7;
	v6 =	vpsel p1, v15, v6  }
0x118: {  	v62 =	vld [tilespmem:s1+$0x1A280];
	v7 =	vadd.s32 v57, v7;
	(v2sf) =	vpush @p1 v6, $0xF  }
0x119: {  	s0 =	spop @p3 (v2sf);
	v6 =	vadd.s32 v58, v7;
	v7 =	vld [tilespmem:s1+$0x1A300]  }
0x11a: {  	v63 =	vld [tilespmem:s1+$0x1A380];
	s2 =	spop @p2 (v2sf);
	v6 =	vadd.s32 v59, v6  }
0x11b: {  	v12 =	vperm.xlane @p1 v14, v3;
	s1 =	smov.u32 @p2 s2;
	v6 =	vadd.s32 v60, v6  }
0x11c: {  	s2 =	simm.s32 $0x0;
	s1 =	sadd.s32 @p2 s4, s1;
	v6 =	vadd.s32 v61, v6  }
0x11d: {  	v5 =	vpsel p1, v12, v5;
	s2 =	smov.u32 @p2 s1;
	v6 =	vadd.s32 v62, v6  }
0x11e: {  	v5 =	vadd.s32 @p1 s2, v5;
	v6 =	vadd.s32 v7, v6  }
0x11f: {  	vm0 =	vgt.s32 @p1 v5, $0x3FF;
	v5 =	vadd.s32 v63, v6  }
0x120: {  	v6 =	vsel @p1 vm0, $0x1, v0;
	v7 =	vperm.xlane v5, v3  }
0x121: {  	(xrf0) =	vadd.scan.msk.s32 @p1 $0xffff, v6  }
0x122: {  	(xrf0) =	vadd.scan.msk.s32 $0xffff, v7;
	_ =	sdelay $0x3  }
0x123: {  	s1 =	spop @p2 (v2sf)  }
0x124: {  	v6, _, _ =	vpop @p1 (xrf0);
	s4 =	spop @p1 (v2sf)  }
0x125: {  	v7, _, _ =	vpop (xrf0);
	s4 =	smov.u32 @p1 s4  }
0x126: {  	(v2sf) =	vpush @p1 v6, $0xF;
	v6 =	vperm.xlane v7, v3;
	s2 =	sadd.s32 @p1 s2, s4  }
0x127: {  	s22 =	smov.u32 @p1 s2  }
0x128: {  	v6 =	vadd.s32 s22, v6  }
0x129: {  	vm15 =	vgt.s32 v6, $0x3FF  }
0x12a: {  	(xrf0) =	vadd.scan.msk.s32 $0xffff, v5;
	v5 =	vsel vm15, $0x1, v0  }
0x12b: {  	(xrf0) =	vadd.scan.msk.s32 $0xffff, v5;
	_ =	sdelay $0x4  }
0x12c: {  	v5, _, _ =	vpop (xrf0)  }
0x12d: {  	(v2sf) =	vpush v5, $0xF;
	v5, _, _ =	vpop (xrf0)  }
0x12e: {  	(v2sf) =	vpush v5, $0xF;
	_ =	sdelay $0x2  }
0x12f: {  	p4 =	slt.s32 @p3 s29, $0x0;
	p0 =	sgt.s32 @p3 s0, $0x0  }
0x130: {  	s5 =	smov.u32 @p1 s24;
	s0 =	sadd.s32 @p3 s30, s0;
	p0 =	por !p0, !p3  }
0x131: {  	s8 =	simm.s32 $0xFFFFFFFF;
	s0 =	smov.u32 @p0 s29;
	p0 =	por !p4, !p3  }
0x132: {  	s21 =	smov.u32 @p1 s5;
	s0 =	smov.u32 @p0 s29;
	s4 =	smov.u32 @p2 s16  }
0x133: {  	s8 =	smov.u32 @p3 s0;
	p0 =	sgt.s32 @p2 s1, $0x0;
	s4 =	smov.u32 @p2 s4  }
0x134: {  	p3 =	slt.s32 @p2 s8, $0x0;
	p0 =	por !p0, !p2;
	s0 =	sadd.s32 @p2 s4, s1  }
0x135: {  	s1 =	smov.u32 @p1 s21;
	s0 =	smov.u32 @p0 s8;
	p0 =	por !p3, !p2  }
0x136: {  	s4 =	simm.s32 $0xFFFFFFFF;
	s0 =	smov.u32 @p0 s8;
	s2 =	spop @p1 (v2sf)  }
0x137: {  	s1 =	smov.u32 @p1 s1;
	s4 =	smov.u32 @p2 s0;
	p0 =	sgt.s32 @p1 s2, $0x0  }
0x138: {  	p2 =	slt.s32 @p1 s4, $0x0;
	s0 =	sadd.s32 @p1 s1, s2;
	p0 =	por !p0, !p1  }
0x139: {  	s0 =	smov.u32 @p0 s4;
	p0 =	por !p2, !p1  }
0x13a: {  	s0 =	smov.u32 @p0 s4;
	s30 =	spop (v2sf)  }
0x13b: {  	s20 =	smov.u32 @p1 s0;
	s31 =	spop (v2sf)  }
0x13c: {  	s0 =	smov.u32 s20;
	s1 =	sadd.s32 s25, s31;
	p0 =	sgt.s32 s31, $0x0  }
0x13d: {  	p1 =	slt.s32 s20, $0x0;
	s0 =	smov.u32 @p0 s1  }
0x13e: {  	s20 =	smov.u32 @p1 s0;
	s0 =	simm.s32 $0x1C020  }
0x13f: {  	[tilespmem:s0+$0xFFFFFFE0] =	vst v4  }
0x140: {  	[tilespmem:s0+$0x10] =	vst v4  }
0x141: {  	s1 =	simm.s32 $0x0;
	[tilespmem:s0+$0x0] =	vst v4  }
.LBB2_23:
0x142: {  	s1 =	sadd.s32 $0x4, s1  }
0x143: {  	[tilespmem:s0+$0xFFFFFFF0] =	vst v4;
	s0 =	sadd.s32 $0x40, s0;
	p0 =	slt.u32 s1, $0x7C  }
.Ltmp12:
0x144: {  	[tilespmem:s0+$0xFFFFFFE0] =	vst v4;
	(pc) =	sbr.rel @p0 .LBB2_23-.Ltmp12, $3  }
0x145: {  	_ =	sdelay $0x1  }
0x146: {  	[tilespmem:s0+$0x10] =	vst v4  }
0x147: {  	[tilespmem:s0+$0x0] =	vst v4  }
0x148: {  	[tilespmem:s0+$0xFFFFFFF0] =	vst v4  }
0x149: {  	v25 =	vld [tilespmem:s19+$0xFFFFFFC0];
	_ =	sdelay $0x3  }
0x14a: {  	v5 =	vld [tilespmem:s19+$0xFFFFFFD0]  }
0x14b: {  	v7 =	vshra.s32 v25, $0x16  }
0x14c: {  	v13 =	vmov s20;
	v6 =	vld [tilespmem:s19+$0xFFFFFFE0];
	v8 =	vadd.s32 $0x200, v7  }
0x14d: {  	v7 =	vld [tilespmem:s19+$0xFFFFFFF0];
	vm0 =	vge.s32 v8, v13  }
0x14e: {  	v10 =	vsel vm0, $0x1, v0  }
0x14f: {  	v9 =	vshra.s32 v5, $0x16;
	v8 =	vld [tilespmem:s19+$0x0];
	(xrf0) =	vadd.scan.msk.s32 $0xffff, v10  }
0x150: {  	v9 =	vadd.s32 $0x200, v9  }
0x151: {  	v11 =	vshra.s32 v6, $0x16;
	vm1 =	vge.s32 v9, v13  }
0x152: {  	v12 =	vsel vm1, $0x1, v0;
	v10 =	vadd.s32 $0x200, v11;
	v11 =	vshra.s32 v7, $0x16  }
0x153: {  	v9 =	vld [tilespmem:s19+$0x10];
	vm2 =	vge.s32 v10, v13;
	(xrf0) =	vadd.scan.msk.s32 $0xffff, v12;
	v11 =	vadd.s32 $0x200, v11  }
0x154: {  	v12 =	vsel vm2, $0x1, v0;
	v14 =	vshra.s32 v8, $0x16;
	vm3 =	vge.s32 v11, v13  }
0x155: {  	v10 =	vld [tilespmem:s19+$0x20];
	(xrf0) =	vadd.scan.msk.s32 $0xffff, v12;
	v14 =	vadd.s32 $0x200, v14;
	v12 =	vsel vm3, $0x1, v0;
	v16, _, _ =	vpop (xrf0)  }
0x156: {  	vm4 =	vge.s32 v14, v13;
	(xrf0) =	vadd.scan.msk.s32 $0xffff, v12;
	v12 =	vxor.u32 $0x80000000, v16  }
0x157: {  	v15 =	vsel vm4, $0x1, v0  }
0x158: {  	v11 =	vld [tilespmem:s19+$0x30];
	v14 =	vshra.s32 v9, $0x16;
	(xrf0) =	vadd.scan.msk.s32 $0xffff, v15  }
0x159: {  	v14 =	vadd.s32 $0x200, v14;
	(xrf0) =	vmax.scan.msk.u32 $0xffff, v12;
	v12, _, _ =	vpop (xrf0)  }
0x15a: {  	vm6 =	vge.s32 v14, v13;
	v14 =	vshra.s32 v10, $0x16;
	v17 =	vxor.u32 $0x80000000, v12  }
0x15b: {  	v15 =	vsel vm6, $0x1, v0;
	v14 =	vadd.s32 $0x200, v14  }
0x15c: {  	vm9 =	vge.s32 v14, v13;
	(xrf0) =	vadd.scan.msk.s32 $0xffff, v15  }
0x15d: {  	v14 =	vshra.s32 v11, $0x16;
	v15 =	vsel vm9, $0x1, v0;
	(xrf0) =	vmax.scan.msk.u32 $0xffff, v17;
	v17, _, _ =	vpop (xrf0)  }
0x15e: {  	v14 =	vadd.s32 $0x200, v14;
	v18 =	vxor.u32 $0x80000000, v17  }
0x15f: {  	vm7 =	vge.s32 v14, v13;
	(xrf0) =	vadd.scan.msk.s32 $0xffff, v15  }
0x160: {  	v14 =	vsel vm7, $0x1, v0;
	v15, _, _ =	vpop (xrf0);
	(xrf0) =	vmax.scan.msk.u32 $0xffff, v18  }
0x161: {  	(xrf0) =	vadd.scan.msk.s32 $0xffff, v14;
	v18, _, _ =	vpop (xrf0)  }
0x162: {  	v37 =	vimm.s32 $0x0;
	v19, _, _ =	vpop (xrf0)  }
0x163: {  	v63 =	vimm.s32 $0x0;
	v14 =	vxor.u32 $0x80000000, v15;
	(v2sf) =	vpush v19, $0xF;
	v19, _, _ =	vpop (xrf0)  }
0x164: {  	v22 =	vsel vm0, $0xFFFFFFFF, v0;
	v24 =	vsel vm1, $0xFFFFFFFF, v0;
	(xrf0) =	vmax.scan.msk.u32 $0xffff, v14;
	v14 =	vxor.u32 $0x80000000, v18;
	v20, _, _ =	vpop (xrf0)  }
0x165: {  	vm10 =	vmmov vm1;
	vm12 =	vmmov vm2;
	(xrf0) =	vmax.scan.msk.u32 $0xffff, v14;
	(v2sf) =	vpush v20, $0xF;
	v20, _, _ =	vpop (xrf0)  }
0x166: {  	v26 =	vsel vm3, $0xFFFFFFFF, v0;
	vm14 =	vmmov vm3;
	v14 =	vxor.u32 $0x80000000, v19;
	v21, _, _ =	vpop (xrf0)  }
0x167: {  	v27 =	vsel vm4, $0xFFFFFFFF, v0;
	vm4 =	vmmov vm4;
	(xrf0) =	vmax.scan.msk.u32 $0xffff, v14;
	v14 =	vxor.u32 $0x80000000, v20;
	v23, _, _ =	vpop (xrf0)  }
0x168: {  	v29 =	vsel vm6, $0xFFFFFFFF, v0;
	v30 =	vsel vm9, $0xFFFFFFFF, v0;
	(xrf0) =	vmax.scan.msk.u32 $0xffff, v14;
	v14 =	vxor.u32 $0x80000000, v23  }
0x169: {  	s1 =	simm.s32 $0x0;
	v24 =	vadd.s32 v24, v12;
	v12 =	vsel vm7, $0xFFFFFFFF, v0;
	(v2sf) =	vpush v21, $0xF;
	(xrf0) =	vmax.scan.msk.u32 $0xffff, v14  }
0x16a: {  	vm1 =	vmmov vm7;
	v26 =	vadd.s32 v26, v15;
	v15 =	vadd.s32 s1, v22;
	v28, _, _ =	vpop (xrf0)  }
0x16b: {  	s19 =	sadd.s32 $0x100, s19;
	v15 =	vadd.s32 v16, v15;
	v27 =	vadd.s32 v27, v18;
	(v2sf) =	vpush v28, $0xF;
	v14, _, _ =	vpop (xrf0)  }
0x16c: {  	vm5 =	vlt.s32 v15, $0x800;
	vm8 =	vlt.s32 v15, $0x7FF;
	(v2sf) =	vpush v14, $0xF;
	v14 =	vld [tilespmem:s19+$0xFFFFFFC0]  }
0x16d: {  	v18 =	vimm.s32 $0x0;
	vm13 =	vmand vm0, vm5;
	v23 =	vadd.s32 v12, v23;
	v12 =	vld [tilespmem:s19+$0xFFFFFFD0];
	v16, _, _ =	vpop (xrf0)  }
0x16e: {  	v36 =	vnsel vm8, $0x7FF, v15;
	vm0 =	vmmov vm6;
	(v2sf) =	vpush v16, $0xF;
	v16, _, _ =	vpop (xrf0)  }
0x16f: {  	v18 =	vsel vm0, $0xFFFFFFFF, v18;
	vm0 =	vmmov vm9;
	(v2sf) =	vpush v16, $0xF;
	v16, _, _ =	vpop (xrf0)  }
0x170: {  	v32 =	vadd.s32 v30, v20;
	v21 =	vsel vm2, $0xFFFFFFFF, v0;
	(v2sf) =	vpush v16, $0xF;
	v16 =	vld [tilespmem:s19+$0xFFFFFFE0]  }
0x171: {  	v21 =	vadd.s32 v21, v17;
	v28 =	vadd.s32 v29, v19;
	v15 =	vshra.s32 v14, $0x16  }
0x172: {  	v19 =	vimm.s32 $0x0;
	s23 =	spop (v2sf);
	v17 =	vadd.s32 $0x200, v15;
	v15 =	vld [tilespmem:s19+$0xFFFFFFF0];
	[tilespmem:$0x1FF70] =	vst v18;
	v18 =	vshra.s32 v12, $0x16  }
0x173: {  	v19 =	vsel vm0, $0xFFFFFFFF, v19;
	s0 =	sadd.s32 $0x0, s23;
	vm15 =	vge.s32 v17, v13;
	v17 =	vld [tilespmem:s19+$0x0];
	v18 =	vadd.s32 $0x200, v18  }
0x174: {  	[tilespmem:$0x1FF80] =	vst v19;
	s0 =	sadd.s32 $0x80000000, s0;
	s24 =	spop (v2sf);
	v20 =	vsel vm15, $0x1, v0;
	vm0 =	vge.s32 v18, v13;
	v33 =	vsel vm15, $0xFFFFFFFF, v0  }
0x175: {  	v19 =	vadd.s32 s0, v24;
	s0 =	sadd.s32 s24, s0;
	v22 =	vshra.s32 v16, $0x16;
	(xrf0) =	vadd.scan.msk.s32 $0xffff, v20;
	v20 =	vimm.s32 $0x0  }
0x176: {  	v18 =	vld [tilespmem:s19+$0x10];
	vm7 =	vmmov vm0;
	v24 =	vsel vm0, $0x1, v0;
	v20 =	vsel vm1, $0xFFFFFFFF, v20;
	s0 =	sadd.s32 $0x80000000, s0  }
0x177: {  	[tilespmem:$0x1FF90] =	vst v20;
	v20 =	vadd.s32 $0x200, v22;
	v22 =	vadd.s32 s0, v21;
	v21 =	vshra.s32 v15, $0x16  }
0x178: {  	s25 =	spop (v2sf);
	vm0 =	vge.s32 v20, v13;
	v20 =	vld [tilespmem:s19+$0x20];
	v21 =	vadd.s32 $0x200, v21;
	v29 =	vshra.s32 v17, $0x16  }
0x179: {  	(xrf0) =	vadd.scan.msk.s32 $0xffff, v24;
	s0 =	sadd.s32 s25, s0;
	v24 =	vsel vm0, $0x1, v0;
	vm1 =	vge.s32 v21, v13;
	v29 =	vadd.s32 $0x200, v29  }
0x17a: {  	s0 =	sadd.s32 $0x80000000, s0;
	v37 =	vsel vm0, $0xFFFFFFFF, v37;
	v54 =	vsel vm0, $0xFFFFFFFF, v0;
	(xrf0) =	vadd.scan.msk.s32 $0xffff, v24;
	v30 =	vsel vm1, $0x1, v0  }
0x17b: {  	s26 =	spop (v2sf);
	v21 =	vld [tilespmem:s19+$0x30];
	vm2 =	vge.s32 v29, v13;
	v29 =	vshra.s32 v18, $0x16;
	v24 =	vadd.s32 s0, v26;
	v35, _, _ =	vpop (xrf0)  }
0x17c: {  	s1 =	sadd.s32 s26, s0;
	v26 =	vsel vm2, $0x1, v0;
	v29 =	vadd.s32 $0x200, v29;
	(xrf0) =	vadd.scan.msk.s32 $0xffff, v30;
	v30 =	vxor.u32 $0x80000000, v35  }
0x17d: {  	s28 =	sadd.s32 $0x80000000, s1;
	s29 =	spop (v2sf);
	v39 =	vsel vm2, $0xFFFFFFFF, v0;
	vm3 =	vge.s32 v29, v13;
	(xrf0) =	vadd.scan.msk.s32 $0xffff, v26;
	v29 =	vshra.s32 v20, $0x16  }
0x17e: {  	s1 =	sadd.s32 s29, s28;
	v26 =	vsel vm7, $0xFFFFFFFF, v0;
	v31 =	vsel vm3, $0x1, v0;
	(xrf0) =	vmax.scan.msk.u32 $0xffff, v30;
	v29 =	vadd.s32 $0x200, v29  }
0x17f: {  	s2 =	spop (v2sf);
	s1 =	sadd.s32 $0x80000000, s1;
	v41 =	vsel vm3, $0xFFFFFFFF, v0;
	(xrf0) =	vadd.scan.msk.s32 $0xffff, v31;
	v31 =	vadd.s32 s28, v27;
	v30, _, _ =	vpop (xrf0);
	vm6 =	vge.s32 v29, v13  }
0x180: {  	s2 =	sadd.s32 s2, s1;
	v29 =	vshra.s32 v21, $0x16;
	v34 =	vxor.u32 $0x80000000, v30;
	v27 =	vsel vm6, $0x1, v0;
	v53, _, _ =	vpop (xrf0)  }
0x181: {  	s31 =	spop (v2sf);
	s30 =	sadd.s32 $0x80000000, s2;
	v29 =	vadd.s32 $0x200, v29;
	v42 =	vsel vm6, $0xFFFFFFFF, v0;
	(xrf0) =	vmax.scan.msk.u32 $0xffff, v34;
	v38 =	vxor.u32 $0x80000000, v53  }
0x182: {  	s2 =	sadd.s32 s31, s30;
	vm0 =	vge.s32 v29, v13;
	v29 =	vimm.s32 $0x0;
	(xrf0) =	vadd.scan.msk.s32 $0xffff, v27;
	v27 =	vimm.s32 $0x0  }
0x183: {  	s4 =	spop (v2sf);
	s2 =	sadd.s32 $0x80000000, s2;
	v55, _, _ =	vpop (xrf0);
	v29 =	vsel vm2, $0xFFFFFFFF, v29;
	v40 =	vsel vm0, $0x1, v0;
	v56 =	vsel vm0, $0xFFFFFFFF, v0  }
0x184: {  	s4 =	sadd.s32 s4, s2;
	v58 =	vxor.u32 $0x80000000, v55;
	v34 =	vadd.s32 s2, v23;
	v27 =	vsel vm1, $0xFFFFFFFF, v27;
	[tilespmem:$0x1FFC0] =	vst v29  }
0x185: {  	v43, _, _ =	vpop (xrf0);
	(xrf0) =	vmax.scan.msk.u32 $0xffff, v38;
	v29 =	vimm.s32 $0x0;
	s21 =	sadd.s32 $0x80000000, s4;
	vm2 =	vlt.s32 v34, $0x800;
	vm8 =	vlt.s32 v34, $0x7FF  }
0x186: {  	v57, _, _ =	vpop (xrf0);
	[tilespmem:$0x1FFB0] =	vst v27;
	v27 =	vsel vm1, $0xFFFFFFFF, v0;
	v29 =	vsel vm3, $0xFFFFFFFF, v29;
	v59 =	vadd.s32 s21, v33  }
0x187: {  	(v2sf) =	vpush v57, $0xF;
	v33 =	vadd.s32 s30, v32;
	[tilespmem:$0x1FFD0] =	vst v29;
	v29 =	vadd.s32 v26, v30  }
0x188: {  	(xrf0) =	vadd.scan.msk.s32 $0xffff, v40;
	v60, _, _ =	vpop (xrf0);
	v26 =	vimm.s32 $0x0;
	v30 =	vadd.s32 v54, v53;
	v32 =	vadd.s32 v35, v59  }
0x189: {  	(xrf0) =	vmax.scan.msk.u32 $0xffff, v58;
	v23 =	vadd.s32 v41, v60;
	v35 =	vadd.s32 s1, v28;
	vm5 =	vlt.s32 v33, $0x800  }
0x18a: {  	vm1 =	vlt.s32 v33, $0x7FF;
	v26 =	vsel vm0, $0xFFFFFFFF, v26;
	vm0 =	vlt.s32 v19, $0x800  }
0x18b: {  	vm9 =	vlt.s32 v35, $0x800;
	vm11 =	vlt.s32 v35, $0x7FF;
	[tilespmem:$0x1FFE0] =	vst v26;
	v26 =	vadd.s32 v27, v55;
	v61, _, _ =	vpop (xrf0)  }
0x18c: {  	[tilespmem:$0x1FFA0] =	vst v37;
	v27 =	vadd.s32 v39, v43;
	v43 =	vxor.u32 $0x80000000, v43;
	v41 =	vsel vm0, $0xFFFFFFFF, v63;
	v62, _, _ =	vpop (xrf0)  }
0x18d: {  	v39 =	vxor.u32 $0x80000000, v60;
	[tilespmem:$0x1FFF0] =	vst v41;
	(v2sf) =	vpush v61, $0xF;
	(xrf0) =	vmax.scan.msk.u32 $0xffff, v43;
	v28, _, _ =	vpop (xrf0)  }
0x18e: {  	[tilespmem:v36+s12+$0x0] =	vst.idx.msk vm13, v25;
	v25 =	vadd.s32 v42, v62;
	v38 =	vxor.u32 $0x80000000, v62;
	v36, _, _ =	vpop (xrf0);
	(xrf0) =	vmax.scan.msk.u32 $0xffff, v39  }
0x18f: {  	s20 =	simm.s32 $0x8;
	vm13 =	vlt.s32 v19, $0x7FF;
	(v2sf) =	vpush v28, $0xF;
	v28 =	vadd.s32 v56, v36;
	v37, _, _ =	vpop (xrf0);
	(xrf0) =	vmax.scan.msk.u32 $0xffff, v38  }
.LBB2_25:
0x190: {  	v38 =	vimm.s32 $0x0;
	v60 =	vimm.s32 $0x0  }
0x191: {  	v61 =	vimm.s32 $0x0;
	vm0 =	vlt.s32 v24, $0x800;
	v38 =	vsel vm13, $0xFFFFFFFF, v38  }
0x192: {  	v42 =	vimm.s32 $0x0;
	v40 =	vimm.s32 $0x0;
	[tilespmem:$0x1FF30] =	vst v38;
	v38 =	vsel vm7, $0xFFFFFFFF, v60  }
0x193: {  	v41 =	vsel vm0, $0xFFFFFFFF, v42;
	vm0 =	vlt.s32 v24, $0x7FF;
	[tilespmem:$0x1FF50] =	vst v38;
	v38 =	vsel vm15, $0xFFFFFFFF, v61  }
0x194: {  	v39 =	vsel vm0, $0xFFFFFFFF, v40;
	vm0 =	vlt.s32 v22, $0x7FF;
	[tilespmem:$0x1FF10] =	vst v38  }
0x195: {  	vm7 =	vlt.s32 v22, $0x800;
	v55 =	vnsel vm0, $0x7FF, v22;
	v22 =	vld [tilespmem:$0x1FF10]  }
0x196: {  	v45 =	vld [tilespmem:$0x1FF90];
	[tilespmem:$0x1FEF0] =	vst v41  }
0x197: {  	vm3 =	vlt.s32 v32, $0x7FF;
	v42 =	vimm.s32 $0x0;
	[tilespmem:$0x1FF00] =	vst v39;
	v52 =	vld [tilespmem:$0x1FEF0]  }
0x198: {  	v43 =	vsel vm3, $0xFFFFFFFF, v42;
	v53 =	vld [tilespmem:$0x1FF00]  }
0x199: {  	v62 =	vimm.s32 $0x0;
	v54 =	vld [tilespmem:$0x1FFF0];
	[tilespmem:$0x1FF20] =	vst v43  }
0x19a: {  	v33 =	vnsel vm1, $0x7FF, v33;
	vm13 =	vlt.s32 v32, $0x800;
	vm0 =	vnez.u8 v22;
	v22 =	vld [tilespmem:$0x1FF20]  }
0x19b: {  	vm15 =	vlt.s32 v31, $0x800;
	v38 =	vsel vm6, $0xFFFFFFFF, v62;
	vm6 =	vlt.s32 v31, $0x7FF  }
0x19c: {  	vm3 =	vnez.u8 v45;
	v31 =	vnsel vm6, $0x7FF, v31;
	vm1 =	vnez.u8 v52  }
0x19d: {  	vm6 =	vmand vm12, vm7;
	vm7 =	vmand vm14, vm1;
	vm1 =	vnez.u8 v53  }
0x19e: {  	vm2 =	vmand vm3, vm2;
	v24 =	vnsel vm1, $0x7FF, v24;
	vm1 =	vnez.u8 v54  }
0x19f: {  	vm3 =	vmand vm10, vm1;
	vm1 =	vmand vm0, vm13;
	vm0 =	vnez.u8 v22;
	v22 =	vld [tilespmem:$0x1FF30];
	_ =	sdelay $0x2  }
0x1a0: {  	v46 =	vimm.s32 $0x0  }
0x1a1: {  	(v2sf) =	vpush v37, $0xF;
	v37 =	vsel vm2, $0xFFFFFFFF, v46  }
0x1a2: {  	[tilespmem:$0x1FF40] =	vst v37;
	v57 =	vnsel vm0, $0x7FF, v32;
	vm0 =	vnez.u8 v22  }
0x1a3: {  	v58 =	vnsel vm0, $0x7FF, v19;
	v19 =	vld [tilespmem:$0x1FF40];
	_ =	sdelay $0x4  }
0x1a4: {  	v49 =	vld [tilespmem:$0x1FF70];
	vm0 =	vnez.u8 v19  }
0x1a5: {  	v34 =	vnsel vm8, $0x7FF, v34;
	v19 =	vld [tilespmem:$0x1FF50];
	_ =	sdelay $0x3  }
0x1a6: {  	vm8 =	vnez.u8 v49  }
0x1a7: {  	vm8 =	vmand vm8, vm9;
	[tilespmem:v34+s12+$0x0] =	vst.idx.msk vm0, v11;
	vm0 =	vnez.u8 v19;
	v19 =	vld [tilespmem:$0x1FFA0]  }
0x1a8: {  	v35 =	vnsel vm11, $0x7FF, v35;
	_ =	sdelay $0x1  }
0x1a9: {  	v47 =	vld [tilespmem:$0x1FF80];
	_ =	sdelay $0x1  }
0x1aa: {  	vm10 =	vmmov vm0;
	vm0 =	vnez.u8 v19;
	v19 =	vld [tilespmem:$0x1FFB0]  }
0x1ab: {  	[tilespmem:v35+s12+$0x0] =	vst.idx.msk vm8, v9;
	v9 =	vmov v18;
	v18 =	vld [tilespmem:$0x1FFC0];
	_ =	sdelay $0x1  }
0x1ac: {  	v36 =	vxor.u32 $0x80000000, v36;
	v63, _, _ =	vpop (xrf0);
	vm2 =	vnez.u8 v47  }
0x1ad: {  	(xrf0) =	vmax.scan.msk.u32 $0xffff, v36;
	(v2sf) =	vpush v63, $0xF;
	vm5 =	vmand vm2, vm5  }
0x1ae: {  	vm12 =	vmmov vm0;
	vm0 =	vnez.u8 v19  }
0x1af: {  	vm14 =	vmmov vm0;
	vm0 =	vnez.u8 v18;
	v18 =	vld [tilespmem:$0x1FFD0]  }
0x1b0: {  	v44, _, _ =	vpop (xrf0)  }
0x1b1: {  	(v2sf) =	vpush v44, $0xF  }
0x1b2: {  	v48, _, _ =	vpop (xrf0);
	vm9 =	vmand vm4, vm15  }
0x1b3: {  	s19 =	sadd.s32 $0x100, s19;
	(v2sf) =	vpush v48, $0xF;
	v51, _, _ =	vpop (xrf0);
	s0 =	spop (v2sf);
	[tilespmem:v33+s12+$0x0] =	vst.idx.msk vm5, v10  }
0x1b4: {  	(v2sf) =	vpush v51, $0xF;
	s0 =	sadd.s32 s0, s21;
	v10 =	vmov v20;
	v20 =	vld [tilespmem:s19+$0xFFFFFFE0];
	[tilespmem:v24+s12+$0x0] =	vst.idx.msk vm7, v7;
	vm2 =	vnez.u8 v18  }
0x1b5: {  	s1 =	spop (v2sf);
	s0 =	sadd.s32 $0x80000000, s0;
	v7 =	vmovc v15;
	v15 =	vld [tilespmem:s19+$0xFFFFFFF0];
	vm4 =	vmmov vm0;
	v18 =	vimm.s32 $0x0;
	vm0 =	vmmov vm2  }
0x1b6: {  	[tilespmem:$0x1FF60] =	vst v38;
	v19 =	vadd.s32 s0, v29;
	s0 =	sadd.s32 s1, s0;
	v18 =	vsel vm0, $0xFFFFFFFF, v18  }
0x1b7: {  	s28 =	spop (v2sf);
	s0 =	sadd.s32 $0x80000000, s0;
	[tilespmem:$0x1FF70] =	vst v18;
	v18 =	vld [tilespmem:$0x1FF60]  }
0x1b8: {  	[tilespmem:v31+s12+$0x0] =	vst.idx.msk vm9, v8;
	v8 =	vmov v17;
	v17 =	vld [tilespmem:$0x1FFE0];
	v22 =	vadd.s32 s0, v30;
	s0 =	sadd.s32 s28, s0  }
0x1b9: {  	v60 =	vimm.s32 $0x0;
	s29 =	spop (v2sf);
	v11 =	vmov v21;
	v21 =	vshra.s32 v20, $0x16;
	s0 =	sadd.s32 $0x80000000, s0  }
0x1ba: {  	v50 =	vld [tilespmem:s19+$0xFFFFFFC0];
	[tilespmem:v55+s12+$0x0] =	vst.idx.msk vm6, v6;
	v6 =	vmovc v16;
	v16 =	vmovc v20;
	v20 =	vadd.s32 $0x200, v21;
	v21 =	vshra.s32 v15, $0x16;
	v24 =	vadd.s32 s0, v26;
	s0 =	sadd.s32 s29, s0  }
0x1bb: {  	v44 =	vimm.s32 $0x0;
	v48 =	vimm.s32 $0x0;
	v21 =	vadd.s32 $0x200, v21;
	s0 =	sadd.s32 $0x80000000, s0  }
0x1bc: {  	s30 =	spop (v2sf);
	vm13 =	vlt.s32 v19, $0x7FF;
	v31 =	vadd.s32 s0, v27;
	vm2 =	vnez.u8 v18  }
0x1bd: {  	v56 =	vld [tilespmem:s19+$0xFFFFFFD0];
	s0 =	sadd.s32 s30, s0;
	v18 =	vimm.s32 $0x0;
	vm0 =	vmmov vm2;
	vm2 =	vnez.u8 v17  }
0x1be: {  	s1 =	sadd.s32 $0x80000000, s0;
	v17 =	vimm.s32 $0x0;
	v18 =	vsel vm0, $0xFFFFFFFF, v18;
	vm0 =	vmmov vm2  }
0x1bf: {  	v35 =	vadd.s32 s1, v23;
	[tilespmem:$0x1FF80] =	vst v18;
	v18 =	vshra.s32 v50, $0x16;
	v17 =	vsel vm0, $0xFFFFFFFF, v17  }
0x1c0: {  	s31 =	spop (v2sf);
	vm0 =	vlt.s32 v19, $0x800;
	[tilespmem:$0x1FF90] =	vst v17;
	v17 =	vadd.s32 $0x200, v18;
	v18 =	vimm.s32 $0x0  }
0x1c1: {  	v30 =	vimm.s32 $0x0;
	s0 =	sadd.s32 s31, s1;
	vm9 =	vlt.s32 v35, $0x800;
	v18 =	vsel vm0, $0xFFFFFFFF, v18  }
0x1c2: {  	s2 =	spop (v2sf);
	s0 =	sadd.s32 $0x80000000, s0;
	vm11 =	vlt.s32 v35, $0x7FF;
	vm15 =	vge.s32 v17, v13;
	v17 =	vld [tilespmem:s19+$0x0];
	[tilespmem:$0x1FFF0] =	vst v18;
	v18 =	vshra.s32 v56, $0x16  }
0x1c3: {  	s2 =	sadd.s32 s2, s0;
	v33 =	vadd.s32 s0, v25;
	v29 =	vsel vm15, $0x1, v0;
	v18 =	vadd.s32 $0x200, v18  }
0x1c4: {  	s4 =	spop (v2sf);
	s2 =	sadd.s32 $0x80000000, s2;
	vm5 =	vlt.s32 v33, $0x800;
	vm0 =	vge.s32 v20, v13;
	(xrf0) =	vadd.scan.msk.s32 $0xffff, v29;
	vm7 =	vge.s32 v18, v13;
	v18 =	vld [tilespmem:s19+$0x10]  }
0x1c5: {  	s4 =	sadd.s32 s4, s2;
	v59 =	vsel vm15, $0xFFFFFFFF, v0;
	v30 =	vsel vm0, $0xFFFFFFFF, v30;
	v29 =	vsel vm7, $0x1, v0  }
0x1c6: {  	s21 =	sadd.s32 $0x80000000, s4;
	v20 =	vld [tilespmem:s19+$0x20];
	v27 =	vsel vm0, $0x1, v0;
	[tilespmem:$0x1FFA0] =	vst v30;
	v30 =	vsel vm0, $0xFFFFFFFF, v0;
	(xrf0) =	vadd.scan.msk.s32 $0xffff, v29  }
0x1c7: {  	[tilespmem:v58+s12+$0x0] =	vst.idx.msk vm3, v5;
	vm0 =	vge.s32 v21, v13;
	v58 =	vadd.s32 s21, v59;
	v29 =	vshra.s32 v17, $0x16  }
0x1c8: {  	v21 =	vld [tilespmem:s19+$0x30];
	v32 =	vsel vm0, $0xFFFFFFFF, v60;
	v61 =	vsel vm0, $0xFFFFFFFF, v0;
	v29 =	vadd.s32 $0x200, v29;
	(xrf0) =	vadd.scan.msk.s32 $0xffff, v27  }
0x1c9: {  	[tilespmem:v57+s12+$0x0] =	vst.idx.msk vm1, v14;
	v27 =	vsel vm0, $0x1, v0;
	vm1 =	vge.s32 v29, v13;
	v29 =	vshra.s32 v18, $0x16  }
0x1ca: {  	v26 =	vsel vm7, $0xFFFFFFFF, v0;
	v62 =	vsel vm1, $0x1, v0;
	v63, _, _ =	vpop (xrf0);
	(xrf0) =	vadd.scan.msk.s32 $0xffff, v27;
	v29 =	vadd.s32 $0x200, v29  }
0x1cb: {  	v14 =	vmovc v50;
	v43 =	vxor.u32 $0x80000000, v63;
	(xrf0) =	vadd.scan.msk.s32 $0xffff, v62;
	vm0 =	vge.s32 v29, v13;
	v29 =	vshra.s32 v20, $0x16  }
0x1cc: {  	[tilespmem:$0x1FFB0] =	vst v32;
	(xrf0) =	vmax.scan.msk.u32 $0xffff, v43;
	v46 =	vsel vm0, $0x1, v0;
	v29 =	vadd.s32 $0x200, v29;
	v27, _, _ =	vpop (xrf0)  }
0x1cd: {  	v5 =	vmovc v12;
	v47 =	vxor.u32 $0x80000000, v27;
	vm6 =	vge.s32 v29, v13;
	v29 =	vshra.s32 v21, $0x16;
	(xrf0) =	vadd.scan.msk.s32 $0xffff, v46  }
0x1ce: {  	v36 =	vsel vm0, $0xFFFFFFFF, v48;
	v51, _, _ =	vpop (xrf0);
	v50 =	vsel vm6, $0x1, v0;
	v29 =	vadd.s32 $0x200, v29;
	(xrf0) =	vmax.scan.msk.u32 $0xffff, v47  }
0x1cf: {  	v12 =	vmovc v56;
	v49 =	vsel vm0, $0xFFFFFFFF, v0;
	v52 =	vxor.u32 $0x80000000, v51;
	vm0 =	vge.s32 v29, v13;
	(xrf0) =	vadd.scan.msk.s32 $0xffff, v50  }
0x1d0: {  	v34 =	vsel vm1, $0xFFFFFFFF, v44;
	v29 =	vadd.s32 v26, v27;
	v55, _, _ =	vpop (xrf0);
	v27 =	vsel vm0, $0x1, v0;
	(xrf0) =	vmax.scan.msk.u32 $0xffff, v52  }
0x1d1: {  	v45 =	vsel vm1, $0xFFFFFFFF, v0;
	vm1 =	vlt.s32 v33, $0x7FF;
	v56 =	vxor.u32 $0x80000000, v55;
	v57, _, _ =	vpop (xrf0);
	(xrf0) =	vadd.scan.msk.s32 $0xffff, v27  }
0x1d2: {  	s20 =	sadd.s32 $0x8, s20;
	[tilespmem:$0x1FFC0] =	vst v34;
	v34 =	vadd.s32 s2, v28;
	v32 =	vadd.s32 v63, v58;
	v59, _, _ =	vpop (xrf0);
	(xrf0) =	vmax.scan.msk.u32 $0xffff, v56  }
0x1d3: {  	p1 =	slt.u32 s20, $0x7F8;
	vm2 =	vlt.s32 v34, $0x800;
	vm8 =	vlt.s32 v34, $0x7FF;
	v26 =	vimm.s32 $0x0;
	v60, _, _ =	vpop (xrf0)  }
.Ltmp13:
0x1d4: {  	[tilespmem:$0x1FFD0] =	vst v36;
	v53 =	vsel vm6, $0xFFFFFFFF, v0;
	v30 =	vadd.s32 v30, v51;
	v26 =	vsel vm0, $0xFFFFFFFF, v26;
	v25, _, _ =	vpop (xrf0);
	(pc) =	sbr.rel @p1 .LBB2_25-.Ltmp13, $4  }
0x1d5: {  	v54 =	vsel vm0, $0xFFFFFFFF, v0;
	[tilespmem:$0x1FFE0] =	vst v26;
	v26 =	vadd.s32 v61, v55;
	v28 =	vxor.u32 $0x80000000, v57;
	v61, _, _ =	vpop (xrf0)  }
0x1d6: {  	v27 =	vadd.s32 v45, v57;
	(v2sf) =	vpush v59, $0xF;
	(xrf0) =	vmax.scan.msk.u32 $0xffff, v28;
	v28 =	vxor.u32 $0x80000000, v60;
	v62, _, _ =	vpop (xrf0)  }
0x1d7: {  	v23 =	vadd.s32 v49, v60;
	(v2sf) =	vpush v25, $0xF;
	(xrf0) =	vmax.scan.msk.u32 $0xffff, v28;
	v63 =	vxor.u32 $0x80000000, v61;
	v36, _, _ =	vpop (xrf0)  }
0x1d8: {  	v25 =	vadd.s32 v53, v61;
	(v2sf) =	vpush v62, $0xF;
	v28 =	vadd.s32 v54, v36;
	v37, _, _ =	vpop (xrf0);
	(xrf0) =	vmax.scan.msk.u32 $0xffff, v63  }
0x1d9: {  	_ =	sdelay $0x2  }
0x1da: {  	(v2sf) =	vpush v37, $0xF  }
0x1db: {  	v13, _, _ =	vpop (xrf0)  }
0x1dc: {  	(v2sf) =	vpush v13, $0xF  }
0x1dd: {  	v47, _, _ =	vpop (xrf0)  }
0x1de: {  	(v2sf) =	vpush v47, $0xF  }
0x1df: {  	v48, _, _ =	vpop (xrf0)  }
0x1e0: {  	(v2sf) =	vpush v48, $0xF;
	_ =	sdelay $0x2  }
0x1e1: {  	v49 =	vld [tilespmem:$0x1FF90];
	s0 =	spop (v2sf)  }
0x1e2: {  	s0 =	sadd.s32 s0, s21  }
0x1e3: {  	s29 =	spop (v2sf);
	s1 =	sadd.s32 $0x80000000, s0  }
0x1e4: {  	v50 =	vld [tilespmem:$0x1FF80];
	s0 =	sadd.s32 s29, s1  }
0x1e5: {  	s30 =	spop (v2sf);
	s2 =	sadd.s32 $0x80000000, s0  }
0x1e6: {  	v54 =	vld [tilespmem:$0x1FF70];
	vm0 =	vnez.u8 v49;
	s0 =	sadd.s32 s30, s2  }
0x1e7: {  	vm2 =	vmand vm0, vm2;
	s4 =	spop (v2sf);
	s0 =	sadd.s32 $0x80000000, s0  }
0x1e8: {  	v51 =	vimm.s32 $0x0;
	v52 =	vnsel vm8, $0x7FF, v34;
	v53 =	vxor.u32 $0x80000000, v36;
	s4 =	sadd.s32 s4, s0  }
0x1e9: {  	v35 =	vnsel vm11, $0x7FF, v35;
	v33 =	vnsel vm1, $0x7FF, v33;
	v55 =	vld [tilespmem:$0x1FFF0];
	vm0 =	vnez.u8 v50;
	s5 =	spop (v2sf);
	s4 =	sadd.s32 $0x80000000, s4  }
0x1ea: {  	vm11 =	vlt.s32 v31, $0x7FF;
	vm3 =	vlt.s32 v22, $0x800;
	v57 =	vld [tilespmem:$0x1FFE0];
	vm0 =	vmand vm0, vm5;
	s5 =	sadd.s32 s5, s4  }
0x1eb: {  	v19 =	vnsel vm13, $0x7FF, v19;
	vm8 =	vnez.u8 v54;
	v13 =	vsel vm0, $0xFFFFFFFF, v51;
	s8 =	spop (v2sf);
	s5 =	sadd.s32 $0x80000000, s5  }
0x1ec: {  	vm13 =	vmmov vm7;
	v58 =	vld [tilespmem:$0x1FFD0];
	vm5 =	vmand vm8, vm9;
	vm9 =	vlt.s32 v31, $0x800;
	[tilespmem:$0x1FEE0] =	vst v13;
	s8 =	sadd.s32 s8, s5  }
0x1ed: {  	v31 =	vnsel vm11, $0x7FF, v31;
	vm8 =	vmand vm12, vm3;
	vm0 =	vlt.s32 v24, $0x800;
	[tilespmem:v52+s12+$0x0] =	vst.idx.msk vm2, v11;
	s13 =	spop (v2sf);
	s8 =	sadd.s32 $0x80000000, s8  }
0x1ee: {  	vm1 =	vmand vm4, vm9;
	vm11 =	vmand vm14, vm0;
	vm14 =	vnez.u8 v55;
	v59 =	vld [tilespmem:$0x1FEE0];
	s13 =	sadd.s32 s13, s8  }
0x1ef: {  	vm9 =	vmand vm10, vm14;
	vm10 =	vlt.s32 v32, $0x800;
	vm14 =	vnez.u8 v57;
	s13 =	sadd.s32 $0x80000000, s13  }
0x1f0: {  	vm3 =	vmand vm15, vm10;
	vm0 =	vmmov vm14;
	v28 =	vadd.s32 s13, v28  }
0x1f1: {  	vm14 =	vnez.u8 v58;
	v23 =	vadd.s32 s5, v23;
	vm15 =	vlt.s32 v28, $0x800  }
0x1f2: {  	(xrf0) =	vmax.scan.msk.u32 $0xffff, v53;
	vm7 =	vmmov vm14;
	vm0 =	vmand vm0, vm15;
	vm15 =	vlt.s32 v23, $0x800  }
0x1f3: {  	vm2 =	vmand vm7, vm15;
	vm15 =	vnez.u8 v59;
	_ =	sdelay $0x1  }
0x1f4: {  	vm12 =	vlt.s32 v24, $0x7FF  }
0x1f5: {  	v24 =	vnsel vm12, $0x7FF, v24;
	vm4 =	vlt.s32 v22, $0x7FF  }
0x1f6: {  	v22 =	vnsel vm4, $0x7FF, v22;
	v11 =	vld [tilespmem:$0x1FFA0]  }
0x1f7: {  	vm12 =	vlt.s32 v32, $0x7FF;
	v56, _, _ =	vpop (xrf0);
	[tilespmem:v35+s12+$0x0] =	vst.idx.msk vm5, v9  }
0x1f8: {  	vm6 =	vmmov vm6;
	v32 =	vnsel vm12, $0x7FF, v32;
	(v2sf) =	vpush v56, $0xF;
	[tilespmem:v33+s12+$0x0] =	vst.idx.msk vm15, v10  }
0x1f9: {  	v63 =	vadd.s32 s2, v30;
	v60 =	vadd.s32 s4, v27;
	vm14 =	vlt.s32 v23, $0x7FF;
	v9 =	vld [tilespmem:$0x1FFC0];
	[tilespmem:v31+s12+$0x0] =	vst.idx.msk vm1, v8  }
0x1fa: {  	v25 =	vadd.s32 s8, v25;
	v61 =	vnsel vm14, $0x7FF, v23;
	vm12 =	vlt.s32 v28, $0x7FF;
	[tilespmem:v24+s12+$0x0] =	vst.idx.msk vm11, v7  }
0x1fb: {  	vm10 =	vlt.s32 v25, $0x800;
	v28 =	vnsel vm12, $0x7FF, v28;
	vm12 =	vnez.u8 v11;
	[tilespmem:v22+s12+$0x0] =	vst.idx.msk vm8, v6  }
0x1fc: {  	vm4 =	vmand vm6, vm10;
	vm10 =	vmmov vm12;
	vm12 =	vlt.s32 v25, $0x7FF;
	v6 =	vld [tilespmem:$0x1FFB0]  }
0x1fd: {  	v62 =	vnsel vm12, $0x7FF, v25;
	vm12 =	vlt.s32 v60, $0x7FF;
	vm15 =	vlt.s32 v60, $0x800  }
0x1fe: {  	v10 =	vnsel vm12, $0x7FF, v60;
	v7 =	vadd.s32 s0, v26;
	[tilespmem:v19+s12+$0x0] =	vst.idx.msk vm9, v5;
	v5 =	vadd.s32 s1, v29  }
0x1ff: {  	vm11 =	vlt.s32 v7, $0x7FF;
	vm12 =	vlt.s32 v5, $0x800;
	vm14 =	vnez.u8 v9  }
0x200: {  	[tilespmem:v32+s12+$0x0] =	vst.idx.msk vm3, v14;
	vm3 =	vmand vm13, vm12;
	vm5 =	vmmov vm14;
	vm14 =	vlt.s32 v63, $0x800  }
0x201: {  	vm1 =	vmand vm5, vm15;
	vm15 =	vnez.u8 v6;
	vm5 =	vmand vm10, vm14  }
0x202: {  	vm10 =	vlt.s32 v7, $0x800;
	v6 =	vnsel vm11, $0x7FF, v7;
	vm14 =	vlt.s32 v63, $0x7FF  }
0x203: {  	vm6 =	vmmov vm15;
	v7 =	vnsel vm14, $0x7FF, v63;
	vm15 =	vlt.s32 v5, $0x7FF  }
0x204: {  	[tilespmem:v28+s12+$0x0] =	vst.idx.msk vm0, v21;
	vm6 =	vmand vm6, vm10;
	v5 =	vnsel vm15, $0x7FF, v5  }
0x205: {  	[tilespmem:v62+s12+$0x0] =	vst.idx.msk vm4, v20  }
0x206: {  	p0 =	por $0x1, $0x1;
	[tilespmem:v61+s12+$0x0] =	vst.idx.msk vm2, v18  }
.Ltmp14:
0x207: {  	[tilespmem:v10+s12+$0x0] =	vst.idx.msk vm1, v17;
	(pc) =	sbr.rel @!p0 .LBB2_27-.Ltmp14, $4  }
0x208: {  	[tilespmem:v7+s12+$0x0] =	vst.idx.msk vm5, v16  }
0x209: {  	[tilespmem:v5+s12+$0x0] =	vst.idx.msk vm3, v12  }
0x20a: {  	s20 =	simm.s32 $0x1C020;
	p2 =	por $0x0, $0x0;
	p3 =	por $0x0, $0x0;
	[tilespmem:v6+s12+$0x0] =	vst.idx.msk vm6, v15  }
0x20b: {  	p4 =	por $0x0, $0x0;
	p1 =	por $0x0, $0x0;
	s31 =	spop (v2sf);
	v5 =	vld [tilespmem:s20+$0xFFFFFFE0]  }
0x20c: {  	v7 =	vld [tilespmem:s20+$0x0];
	p0 =	por $0x1, $0x1  }
.Ltmp15:
0x20d: {  	_ = 	snop;
	(pc) =	sbr.rel @!p0 .LBB2_29-.Ltmp15, $4  }
0x20e: {  	_ = 	snop  }
0x20f: {  	v9 =	vld [tilespmem:s20+$0x10]  }
0x210: {  	v6 =	vld [tilespmem:s20+$0xFFFFFFF0];
	s21 =	simm.s32 $0x1C060;
	v8 =	vxor.u32 $0x80000000, v5  }
0x211: {  	p2 =	por $0x1, $0x1;
	v5 =	vld [tilespmem:s21+$0xFFFFFFE0];
	v7 =	vxor.u32 $0x80000000, v7;
	(xrf1) =	vsort.ascd.msk.u32 $0xffff, v8, v8  }
0x212: {  	_ =	sdelay $0x2  }
0x213: {  	(xrf1) =	vsort.ascd.msk.u32 $0xffff, v7, v7;
	v6 =	vxor.u32 $0x80000000, v6  }
0x214: {  	v7 =	vxor.u32 $0x80000000, v9;
	(xrf1) =	vsort.ascd.msk.u32 $0xffff, v6, v6  }
0x215: {  	v9 =	vxor.u32 $0x80000000, v5;
	(xrf1) =	vsort.ascd.msk.u32 $0xffff, v7, v7  }
0x216: {  	(xrf1) =	vsort.ascd.msk.u32 $0xffff, v9, v9;
	_ =	sdelay $0x5  }
0x217: {  	v8 =	vld [tilespmem:s21+$0x0];
	p0 =	por $0x1, $0x1  }
.Ltmp16:
0x218: {  	_ = 	snop;
	(pc) =	sbr.rel @!p0 .LBB2_31-.Ltmp16, $4  }
0x219: {  	_ = 	snop  }
0x21a: {  	v10 =	vld [tilespmem:s21+$0x10]  }
0x21b: {  	s22 =	simm.s32 $0x1C0A0;
	v6 =	vld [tilespmem:s21+$0xFFFFFFF0]  }
0x21c: {  	p3 =	por $0x1, $0x1;
	v5 =	vld [tilespmem:s22+$0xFFFFFFE0];
	v7 =	vxor.u32 $0x80000000, v8  }
0x21d: {  	_ =	sdelay $0x2  }
0x21e: {  	(xrf1) =	vsort.ascd.msk.u32 $0xffff, v7, v7;
	v6 =	vxor.u32 $0x80000000, v6  }
0x21f: {  	v7 =	vxor.u32 $0x80000000, v10;
	(xrf1) =	vsort.ascd.msk.u32 $0xffff, v6, v6  }
0x220: {  	v10 =	vxor.u32 $0x80000000, v5;
	(xrf1) =	vsort.ascd.msk.u32 $0xffff, v7, v7  }
0x221: {  	(xrf1) =	vsort.ascd.msk.u32 $0xffff, v10, v10;
	_ =	sdelay $0x1  }
0x222: {  	v8 =	vld [tilespmem:s22+$0x0];
	p0 =	por $0x1, $0x1  }
.Ltmp17:
0x223: {  	_ = 	snop;
	(pc) =	sbr.rel @!p0 .LBB2_33-.Ltmp17, $4  }
0x224: {  	_ = 	snop  }
0x225: {  	v9 =	vld [tilespmem:s22+$0x10]  }
0x226: {  	s2 =	simm.s32 $0x1C0E0;
	v6 =	vld [tilespmem:s22+$0xFFFFFFF0]  }
0x227: {  	p4 =	por $0x1, $0x1;
	v5 =	vld [tilespmem:s2+$0xFFFFFFE0];
	v7 =	vxor.u32 $0x80000000, v8  }
0x228: {  	_ =	sdelay $0x2  }
0x229: {  	(xrf1) =	vsort.ascd.msk.u32 $0xffff, v7, v7;
	v6 =	vxor.u32 $0x80000000, v6  }
0x22a: {  	v9 =	vxor.u32 $0x80000000, v9;
	(xrf1) =	vsort.ascd.msk.u32 $0xffff, v6, v6  }
0x22b: {  	(xrf1) =	vsort.ascd.msk.u32 $0xffff, v9, v9;
	v9 =	vxor.u32 $0x80000000, v5  }
0x22c: {  	(xrf1) =	vsort.ascd.msk.u32 $0xffff, v9, v9  }
0x22d: {  	v8, _, _ =	vpop (xrf1)  }
0x22e: {  	v10 =	vld [tilespmem:s2+$0x0];
	p0 =	por $0x1, $0x1;
	v7 =	vxor.u32 $0x80000000, v8  }
.Ltmp18:
0x22f: {  	v11 =	vperm.xlane v7, v3;
	(pc) =	sbr.rel @!p0 .LBB2_35-.Ltmp18, $4  }
0x230: {  	v12 =	vld [tilespmem:s2+$0x10]  }
0x231: {  	v8, _, _ =	vpop (xrf1);
	v6 =	vld [tilespmem:s2+$0xFFFFFFF0]  }
0x232: {  	s0 =	simm.s32 $0x10;
	s19 =	simm.s32 $0x1C120;
	v7 =	vxor.u32 $0x80000000, v8;
	v13, _, _ =	vpop (xrf1)  }
0x233: {  	p5 =	por $0x1, $0x1;
	s23 =	simm.s32 $0x1C020;
	s1 =	simm.s32 $0x1C060;
	v8 =	vperm.xlane v7, v3;
	[tilespmem:s20+$0xFFFFFFE0] =	vst v11;
	v5 =	vld [tilespmem:s19+$0xFFFFFFE0];
	v7 =	vxor.u32 $0x80000000, v10;
	v10 =	vxor.u32 $0x80000000, v13;
	v11, _, _ =	vpop (xrf1)  }
.LBB2_36:
0x234: {  	s0 =	sadd.s32 $0x4, s0  }
0x235: {  	v9 =	vld [tilespmem:s19+$0x0];
	(xrf1) =	vsort.ascd.msk.u32 $0xffff, v7, v7;
	[tilespmem:s23+$0x0] =	vst v8;
	v7 =	vxor.u32 $0x80000000, v11;
	p0 =	slt.u32 s0, $0x7C  }
.Ltmp19:
0x236: {  	v11 =	vxor.u32 $0x80000000, v12;
	v14 =	vxor.u32 $0x80000000, v6;
	v12 =	vld [tilespmem:s19+$0x10];
	v13, _, _ =	vpop (xrf1);
	[tilespmem:s23+$0x10] =	vst v7;
	(pc) =	sbr.rel @p0 .LBB2_36-.Ltmp19, $4  }
0x237: {  	v6 =	vld [tilespmem:s19+$0xFFFFFFF0];
	(xrf1) =	vsort.ascd.msk.u32 $0xffff, v14, v14;
	v7 =	vxor.u32 $0x80000000, v13;
	v8, _, _ =	vpop (xrf1);
	[tilespmem:s23+$0xFFFFFFF0] =	vst v10;
	s23 =	smov.u32 s1;
	s1 =	smov.u32 s22;
	s22 =	smov.u32 s2  }
0x238: {  	s2 =	smov.u32 s19;
	(xrf1) =	vsort.ascd.msk.u32 $0xffff, v11, v11;
	v10 =	vperm.xlane v7, v3;
	v7 =	vxor.u32 $0x80000000, v8  }
0x239: {  	s19 =	sadd.s32 $0x40, s19;
	v14 =	vxor.u32 $0x80000000, v5;
	v8 =	vperm.xlane v7, v3;
	v13, _, _ =	vpop (xrf1)  }
0x23a: {  	v5 =	vld [tilespmem:s19+$0xFFFFFFE0];
	v7 =	vxor.u32 $0x80000000, v9;
	(xrf1) =	vsort.ascd.msk.u32 $0xffff, v14, v14;
	[tilespmem:s23+$0xFFFFFFE0] =	vst v10;
	v10 =	vxor.u32 $0x80000000, v13;
	v11, _, _ =	vpop (xrf1)  }
0x23b: {  	s4 =	smov.u32 s22;
	v9 =	vmov v12;
	s22 =	smov.u32 s2  }
.LBB2_38:
0x23c: {  	v12 =	vld [tilespmem:s19+$0x0];
	_ =	sdelay $0x1  }
0x23d: {  	(xrf1) =	vsort.ascd.msk.u32 @p2 $0xffff, v7, v7;
	v7 =	vld [tilespmem:s19+$0xFFFFFFF0];
	_ =	sdelay $0x1  }
0x23e: {  	v6 =	vxor.u32 @p2 $0x80000000, v6;
	v5 =	vxor.u32 $0x80000000, v5  }
0x23f: {  	v9 =	vxor.u32 @p2 $0x80000000, v9;
	(xrf1) =	vsort.ascd.msk.u32 @p2 $0xffff, v6, v6;
	v6 =	vxor.u32 $0x80000000, v12  }
0x240: {  	(xrf1) =	vsort.ascd.msk.u32 @p2 $0xffff, v9, v9  }
0x241: {  	(xrf1) =	vsort.ascd.msk.u32 $0xffff, v5, v5;
	v7 =	vxor.u32 $0x80000000, v7;
	v5, _, _ =	vpop @p4 (xrf1)  }
0x242: {  	[tilespmem:s23+$0x0] =	vst @p5 v8;
	v8 =	vxor.u32 @p5 $0x80000000, v11;
	(xrf1) =	vsort.ascd.msk.u32 $0xffff, v6, v6;
	v6, _, _ =	vpop @p4 (xrf1)  }
0x243: {  	v5 =	vxor.u32 @p4 $0x80000000, v5;
	v6 =	vxor.u32 @p4 $0x80000000, v6;
	v9, _, _ =	vpop @p4 (xrf1)  }
0x244: {  	v13 =	vld [tilespmem:s19+$0x10];
	[tilespmem:s23+$0xFFFFFFF0] =	vst @p5 v10;
	(xrf1) =	vsort.ascd.msk.u32 $0xffff, v7, v7;
	v5 =	vperm.xlane @p4 v5, v3;
	v6 =	vperm.xlane @p4 v6, v3;
	v7, _, _ =	vpop @p4 (xrf1)  }
0x245: {  	s0 =	smov.u32 @p4 s1;
	[tilespmem:s23+$0x10] =	vst @p5 v8;
	v8, _, _ =	vpop @p3 (xrf1)  }
0x246: {  	[tilespmem:s0+$0xFFFFFFE0] =	vst @p4 v5;
	v5 =	vxor.u32 @p4 $0x80000000, v9;
	s0 =	smov.u32 @p4 s0;
	v7 =	vpsel p4, v7, v0;
	v10, _, _ =	vpop @p3 (xrf1);
	v6 =	vpsel p4, v6, v0  }
0x247: {  	[tilespmem:s0+$0x0] =	vst @p4 v6;
	v6 =	vxor.u32 @p4 $0x80000000, v7;
	v7 =	vxor.u32 @p3 $0x80000000, v8;
	v8 =	vxor.u32 @p3 $0x80000000, v10  }
0x248: {  	v5 =	vpsel p4, v5, v0  }
0x249: {  	s1 =	smov.u32 @p3 s4;
	v11 =	vxor.u32 $0x80000000, v13;
	v9, _, _ =	vpop @p3 (xrf1)  }
0x24a: {  	s20 =	smov.u32 @p3 s1;
	(xrf1) =	vsort.ascd.msk.u32 $0xffff, v11, v11;
	[tilespmem:s0+$0x10] =	vst @p4 v6;
	v6 =	vperm.xlane @p3 v7, v3;
	v7 =	vperm.xlane @p3 v8, v3;
	v8, _, _ =	vpop @p3 (xrf1)  }
0x24b: {  	[tilespmem:s0+$0xFFFFFFF0] =	vst @p4 v5;
	s0 =	smov.u32 @p3 s20;
	v5, _, _ =	vpop @p2 (xrf1)  }
0x24c: {  	[tilespmem:s0+$0xFFFFFFE0] =	vst @p3 v6;
	v6 =	vxor.u32 @p3 $0x80000000, v9;
	v7 =	vpsel p3, v7, v0;
	s0 =	smov.u32 @p3 s0;
	v8 =	vpsel p3, v8, v0;
	v9, _, _ =	vpop @p2 (xrf1)  }
0x24d: {  	s1 =	smov.u32 @p2 s22;
	[tilespmem:s0+$0x0] =	vst @p3 v7;
	v7 =	vxor.u32 @p3 $0x80000000, v8;
	v8 =	vxor.u32 @p2 $0x80000000, v9  }
0x24e: {  	s21 =	smov.u32 @p2 s1;
	v6 =	vpsel p3, v6, v0;
	[tilespmem:s0+$0x10] =	vst @p3 v7;
	v7 =	vperm.xlane @p2 v8, v3  }
0x24f: {  	s1 =	smov.u32 @p2 s21;
	v5 =	vxor.u32 @p2 $0x80000000, v5  }
0x250: {  	s1 =	smov.u32 @p2 s1;
	v5 =	vperm.xlane @p2 v5, v3;
	v8, _, _ =	vpop @p2 (xrf1)  }
0x251: {  	[tilespmem:s0+$0xFFFFFFF0] =	vst @p3 v6;
	s0 =	smov.u32 @p2 s1;
	v6, _, _ =	vpop @p2 (xrf1)  }
0x252: {  	[tilespmem:s0+$0xFFFFFFE0] =	vst @p2 v5;
	s0 =	smov.u32 @p2 s0;
	v5 =	vpsel p2, v7, v0;
	v6 =	vpsel p2, v6, v0;
	v7, _, _ =	vpop (xrf1)  }
0x253: {  	[tilespmem:s0+$0x0] =	vst @p2 v5;
	v5 =	vxor.u32 @p2 $0x80000000, v6;
	v6 =	vxor.u32 $0x80000000, v7  }
0x254: {  	v8 =	vxor.u32 @p2 $0x80000000, v8;
	v7, _, _ =	vpop (xrf1);
	[tilespmem:s0+$0x10] =	vst @p2 v5;
	v5 =	vperm.xlane v6, v3  }
0x255: {  	v8 =	vpsel p2, v8, v0;
	v6 =	vxor.u32 $0x80000000, v7  }
0x256: {  	[tilespmem:s0+$0xFFFFFFF0] =	vst @p2 v8;
	v6 =	vperm.xlane v6, v3  }
0x257: {  	v7, _, _ =	vpop (xrf1);
	[tilespmem:s19+$0xFFFFFFE0] =	vst v5  }
0x258: {  	[tilespmem:s19+$0x0] =	vst v6;
	v6 =	vxor.u32 $0x80000000, v7;
	v5, _, _ =	vpop (xrf1)  }
0x259: {  	[tilespmem:s19+$0xFFFFFFF0] =	vst v6;
	v5 =	vxor.u32 $0x80000000, v5  }
0x25a: {  	s2 =	simm.s32 $0x1C040;
	[tilespmem:s19+$0x10] =	vst v5  }
0x25b: {  	v10 =	vld [tilespmem:s2+$0x20]  }
0x25c: {  	v11 =	vld [tilespmem:s2+$0x30]  }
0x25d: {  	p0 =	por $0x1, $0x1;
	v13 =	vld [tilespmem:s2+$0xFFFFFFD0]  }
.Ltmp20:
0x25e: {  	v6 =	vld [tilespmem:s2+$0xFFFFFFE0];
	(pc) =	sbr.rel @!p0 .LBB2_39-.Ltmp20, $4  }
0x25f: {  	v9 =	vld [tilespmem:s2+$0xFFFFFFF0]  }
0x260: {  	v5 =	vld [tilespmem:s2+$0x0]  }
0x261: {  	v7 =	vld [tilespmem:s2+$0x10];
	vm0 =	vgt.s32 v10, v11  }
0x262: {  	s1 =	simm.s32 $0x1C0C0;
	v8 =	vld [tilespmem:s2+$0xFFFFFFC0];
	v12 =	vsel vm0, v11, v10;
	v14 =	vsel vm0, v10, v11  }
0x263: {  	v15 =	vld [tilespmem:s1+$0x20]  }
0x264: {  	[tilespmem:s2+$0x30] =	vst v14;
	v14 =	vld [tilespmem:s1+$0x30];
	vm0 =	vgt.s32 v6, v9  }
0x265: {  	v10 =	vld [tilespmem:s1+$0xFFFFFFD0];
	[tilespmem:s2+$0x20] =	vst v12;
	p0 =	por $0x1, $0x1;
	v11 =	vsel vm0, v9, v6  }
.Ltmp21:
0x266: {  	v16 =	vsel vm0, v6, v9;
	v6 =	vld [tilespmem:s1+$0xFFFFFFE0];
	[tilespmem:s2+$0xFFFFFFE0] =	vst v11;
	vm14 =	vgt.s32 v5, v7;
	(pc) =	sbr.rel @!p0 .LBB2_41-.Ltmp21, $4  }
0x267: {  	v9 =	vld [tilespmem:s1+$0xFFFFFFF0];
	[tilespmem:s2+$0xFFFFFFF0] =	vst v16;
	vm1 =	vgt.s32 v8, v13;
	v11 =	vsel vm14, v7, v5;
	v7 =	vsel vm14, v5, v7  }
0x268: {  	v5 =	vld [tilespmem:s1+$0x0];
	v12 =	vsel vm1, v8, v13;
	[tilespmem:s2+$0x0] =	vst v7  }
0x269: {  	v13 =	vsel vm1, v13, v8;
	v7 =	vld [tilespmem:s1+$0x10];
	vm15 =	vgt.s32 v15, v14;
	[tilespmem:s2+$0xFFFFFFC0] =	vst v12  }
0x26a: {  	s0 =	simm.s32 $0x4;
	s4 =	simm.s32 $0x1C140;
	p1 =	por $0x1, $0x1;
	v8 =	vld [tilespmem:s1+$0xFFFFFFC0];
	v12 =	vsel vm15, v14, v15;
	v14 =	vsel vm15, v15, v14;
	[tilespmem:s2+$0xFFFFFFD0] =	vst v13  }
.LBB2_42:
0x26b: {  	v13 =	vld [tilespmem:s4+$0x20];
	[tilespmem:s1+$0x30] =	vst v14  }
0x26c: {  	s0 =	sadd.s32 $0x4, s0;
	v14 =	vld [tilespmem:s4+$0x30];
	vm0 =	vgt.s32 v6, v9;
	[tilespmem:s2+$0x10] =	vst v11;
	s2 =	smov.u32 s1;
	s1 =	smov.u32 s4  }
0x26d: {  	p0 =	slt.u32 s0, $0x3C;
	v15 =	vld [tilespmem:s4+$0xFFFFFFD0];
	v11 =	vsel vm0, v9, v6;
	v16 =	vsel vm0, v6, v9;
	[tilespmem:s2+$0x20] =	vst v12  }
.Ltmp22:
0x26e: {  	v6 =	vld [tilespmem:s4+$0xFFFFFFE0];
	[tilespmem:s2+$0xFFFFFFE0] =	vst v11;
	vm0 =	vgt.s32 v5, v7;
	(pc) =	sbr.rel @p0 .LBB2_42-.Ltmp22, $4  }
0x26f: {  	v9 =	vld [tilespmem:s4+$0xFFFFFFF0];
	vm1 =	vgt.s32 v8, v10;
	[tilespmem:s2+$0xFFFFFFF0] =	vst v16;
	v11 =	vsel vm0, v7, v5;
	v7 =	vsel vm0, v5, v7  }
0x270: {  	v5 =	vld [tilespmem:s4+$0x0];
	v16 =	vsel vm1, v10, v8;
	v8 =	vsel vm1, v8, v10;
	[tilespmem:s2+$0x0] =	vst v7  }
0x271: {  	v7 =	vld [tilespmem:s4+$0x10];
	vm0 =	vgt.s32 v13, v14;
	[tilespmem:s2+$0xFFFFFFC0] =	vst v8  }
0x272: {  	s4 =	sadd.s32 $0x80, s4;
	v8 =	vld [tilespmem:s1+$0xFFFFFFC0];
	v12 =	vsel vm0, v14, v13;
	v14 =	vsel vm0, v13, v14;
	[tilespmem:s2+$0xFFFFFFD0] =	vst v16;
	v10 =	vmov v15  }
0x273: {  	v13 =	vmov v10  }
.LBB2_44:
0x274: {  	[tilespmem:s1+$0x30] =	vst v14  }
0x275: {  	vm0 =	vgt.s32 v6, v9;
	[tilespmem:s2+$0x10] =	vst @p1 v11  }
0x276: {  	[tilespmem:s1+$0x20] =	vst v12;
	v10 =	vsel vm0, v9, v6  }
0x277: {  	v6 =	vsel vm0, v6, v9;
	[tilespmem:s1+$0xFFFFFFE0] =	vst v10;
	vm15 =	vgt.s32 v5, v7  }
0x278: {  	p0 =	por $0x1, $0x1;
	[tilespmem:s1+$0xFFFFFFF0] =	vst v6;
	v6 =	vsel vm15, v5, v7  }
.Ltmp23:
0x279: {  	vm1 =	vgt.s32 v8, v13;
	v5 =	vsel vm15, v7, v5;
	[tilespmem:s1+$0x0] =	vst v6;
	(pc) =	sbr.rel @!p0 .LBB2_45-.Ltmp23, $4  }
0x27a: {  	v63 =	vsel vm1, v8, v13;
	[tilespmem:s1+$0x10] =	vst v5  }
0x27b: {  	v6 =	vsel vm1, v13, v8;
	[tilespmem:s1+$0xFFFFFFC0] =	vst v63  }
0x27c: {  	s20 =	simm.s32 $0x1C020;
	p2 =	por $0x0, $0x0;
	[tilespmem:s1+$0xFFFFFFD0] =	vst v6  }
0x27d: {  	p3 =	por $0x0, $0x0;
	p4 =	por $0x0, $0x0;
	p1 =	por $0x0, $0x0;
	v5 =	vld [tilespmem:s20+$0xFFFFFFE0]  }
0x27e: {  	v7 =	vld [tilespmem:s20+$0xFFFFFFF0];
	p0 =	por $0x1, $0x1  }
.Ltmp24:
0x27f: {  	_ = 	snop;
	(pc) =	sbr.rel @!p0 .LBB2_47-.Ltmp24, $4  }
0x280: {  	_ = 	snop  }
0x281: {  	v9 =	vld [tilespmem:s20+$0x10]  }
0x282: {  	v6 =	vld [tilespmem:s20+$0x0];
	s21 =	simm.s32 $0x1C060;
	v8 =	vxor.u32 $0x80000000, v5  }
0x283: {  	p2 =	por $0x1, $0x1;
	v5 =	vld [tilespmem:s21+$0xFFFFFFE0];
	v7 =	vxor.u32 $0x80000000, v7;
	(xrf1) =	vsort.ascd.msk.u32 $0xffff, v8, v8  }
0x284: {  	_ =	sdelay $0x2  }
0x285: {  	(xrf1) =	vsort.ascd.msk.u32 $0xffff, v7, v7;
	v6 =	vxor.u32 $0x80000000, v6  }
0x286: {  	v7 =	vxor.u32 $0x80000000, v9;
	(xrf1) =	vsort.ascd.msk.u32 $0xffff, v6, v6  }
0x287: {  	v9 =	vxor.u32 $0x80000000, v5;
	(xrf1) =	vsort.ascd.msk.u32 $0xffff, v7, v7  }
0x288: {  	(xrf1) =	vsort.ascd.msk.u32 $0xffff, v9, v9;
	_ =	sdelay $0x5  }
0x289: {  	v8 =	vld [tilespmem:s21+$0xFFFFFFF0];
	p0 =	por $0x1, $0x1  }
.Ltmp25:
0x28a: {  	_ = 	snop;
	(pc) =	sbr.rel @!p0 .LBB2_49-.Ltmp25, $4  }
0x28b: {  	_ = 	snop  }
0x28c: {  	v10 =	vld [tilespmem:s21+$0x10]  }
0x28d: {  	s22 =	simm.s32 $0x1C0A0;
	v6 =	vld [tilespmem:s21+$0x0]  }
0x28e: {  	p3 =	por $0x1, $0x1;
	v5 =	vld [tilespmem:s22+$0xFFFFFFE0];
	v7 =	vxor.u32 $0x80000000, v8  }
0x28f: {  	_ =	sdelay $0x2  }
0x290: {  	(xrf1) =	vsort.ascd.msk.u32 $0xffff, v7, v7;
	v6 =	vxor.u32 $0x80000000, v6  }
0x291: {  	v7 =	vxor.u32 $0x80000000, v10;
	(xrf1) =	vsort.ascd.msk.u32 $0xffff, v6, v6  }
0x292: {  	v10 =	vxor.u32 $0x80000000, v5;
	(xrf1) =	vsort.ascd.msk.u32 $0xffff, v7, v7  }
0x293: {  	(xrf1) =	vsort.ascd.msk.u32 $0xffff, v10, v10;
	_ =	sdelay $0x1  }
0x294: {  	v8 =	vld [tilespmem:s22+$0xFFFFFFF0];
	p0 =	por $0x1, $0x1  }
.Ltmp26:
0x295: {  	_ = 	snop;
	(pc) =	sbr.rel @!p0 .LBB2_51-.Ltmp26, $4  }
0x296: {  	_ = 	snop  }
0x297: {  	v9 =	vld [tilespmem:s22+$0x10]  }
0x298: {  	s2 =	simm.s32 $0x1C0E0;
	v6 =	vld [tilespmem:s22+$0x0]  }
0x299: {  	p4 =	por $0x1, $0x1;
	v5 =	vld [tilespmem:s2+$0xFFFFFFE0];
	v7 =	vxor.u32 $0x80000000, v8  }
0x29a: {  	_ =	sdelay $0x2  }
0x29b: {  	(xrf1) =	vsort.ascd.msk.u32 $0xffff, v7, v7;
	v6 =	vxor.u32 $0x80000000, v6  }
0x29c: {  	v9 =	vxor.u32 $0x80000000, v9;
	(xrf1) =	vsort.ascd.msk.u32 $0xffff, v6, v6  }
0x29d: {  	(xrf1) =	vsort.ascd.msk.u32 $0xffff, v9, v9;
	v9 =	vxor.u32 $0x80000000, v5  }
0x29e: {  	(xrf1) =	vsort.ascd.msk.u32 $0xffff, v9, v9  }
0x29f: {  	v8, _, _ =	vpop (xrf1)  }
0x2a0: {  	v10 =	vld [tilespmem:s2+$0xFFFFFFF0];
	p0 =	por $0x1, $0x1;
	v7 =	vxor.u32 $0x80000000, v8  }
.Ltmp27:
0x2a1: {  	v11 =	vperm.xlane v7, v3;
	(pc) =	sbr.rel @!p0 .LBB2_53-.Ltmp27, $4  }
0x2a2: {  	v12 =	vld [tilespmem:s2+$0x10]  }
0x2a3: {  	v8, _, _ =	vpop (xrf1);
	v6 =	vld [tilespmem:s2+$0x0]  }
0x2a4: {  	s0 =	simm.s32 $0x10;
	s19 =	simm.s32 $0x1C120;
	v7 =	vxor.u32 $0x80000000, v8;
	v13, _, _ =	vpop (xrf1)  }
0x2a5: {  	p5 =	por $0x1, $0x1;
	s23 =	simm.s32 $0x1C020;
	s1 =	simm.s32 $0x1C060;
	v8 =	vperm.xlane v7, v3;
	[tilespmem:s20+$0xFFFFFFE0] =	vst v11;
	v5 =	vld [tilespmem:s19+$0xFFFFFFE0];
	v7 =	vxor.u32 $0x80000000, v10;
	v10 =	vxor.u32 $0x80000000, v13;
	v11, _, _ =	vpop (xrf1)  }
.LBB2_54:
0x2a6: {  	s0 =	sadd.s32 $0x4, s0  }
0x2a7: {  	v9 =	vld [tilespmem:s19+$0xFFFFFFF0];
	(xrf1) =	vsort.ascd.msk.u32 $0xffff, v7, v7;
	[tilespmem:s23+$0xFFFFFFF0] =	vst v8;
	v7 =	vxor.u32 $0x80000000, v11;
	p0 =	slt.u32 s0, $0x7C  }
.Ltmp28:
0x2a8: {  	v11 =	vxor.u32 $0x80000000, v12;
	v14 =	vxor.u32 $0x80000000, v6;
	v12 =	vld [tilespmem:s19+$0x10];
	v13, _, _ =	vpop (xrf1);
	[tilespmem:s23+$0x10] =	vst v7;
	(pc) =	sbr.rel @p0 .LBB2_54-.Ltmp28, $4  }
0x2a9: {  	v6 =	vld [tilespmem:s19+$0x0];
	(xrf1) =	vsort.ascd.msk.u32 $0xffff, v14, v14;
	v7 =	vxor.u32 $0x80000000, v13;
	v8, _, _ =	vpop (xrf1);
	[tilespmem:s23+$0x0] =	vst v10;
	s23 =	smov.u32 s1;
	s1 =	smov.u32 s22;
	s22 =	smov.u32 s2  }
0x2aa: {  	s2 =	smov.u32 s19;
	(xrf1) =	vsort.ascd.msk.u32 $0xffff, v11, v11;
	v10 =	vperm.xlane v7, v3;
	v7 =	vxor.u32 $0x80000000, v8  }
0x2ab: {  	s19 =	sadd.s32 $0x40, s19;
	v14 =	vxor.u32 $0x80000000, v5;
	v8 =	vperm.xlane v7, v3;
	v13, _, _ =	vpop (xrf1)  }
0x2ac: {  	v5 =	vld [tilespmem:s19+$0xFFFFFFE0];
	v7 =	vxor.u32 $0x80000000, v9;
	(xrf1) =	vsort.ascd.msk.u32 $0xffff, v14, v14;
	[tilespmem:s23+$0xFFFFFFE0] =	vst v10;
	v10 =	vxor.u32 $0x80000000, v13;
	v11, _, _ =	vpop (xrf1)  }
0x2ad: {  	s4 =	smov.u32 s22;
	v9 =	vmov v12;
	s22 =	smov.u32 s2  }
.LBB2_56:
0x2ae: {  	v12 =	vld [tilespmem:s19+$0xFFFFFFF0];
	_ =	sdelay $0x1  }
0x2af: {  	(xrf1) =	vsort.ascd.msk.u32 @p2 $0xffff, v7, v7;
	v7 =	vld [tilespmem:s19+$0x0];
	_ =	sdelay $0x1  }
0x2b0: {  	v6 =	vxor.u32 @p2 $0x80000000, v6;
	v5 =	vxor.u32 $0x80000000, v5  }
0x2b1: {  	v9 =	vxor.u32 @p2 $0x80000000, v9;
	(xrf1) =	vsort.ascd.msk.u32 @p2 $0xffff, v6, v6;
	v6 =	vxor.u32 $0x80000000, v12  }
0x2b2: {  	(xrf1) =	vsort.ascd.msk.u32 @p2 $0xffff, v9, v9  }
0x2b3: {  	(xrf1) =	vsort.ascd.msk.u32 $0xffff, v5, v5;
	v7 =	vxor.u32 $0x80000000, v7;
	v5, _, _ =	vpop @p4 (xrf1)  }
0x2b4: {  	[tilespmem:s23+$0xFFFFFFF0] =	vst @p5 v8;
	v8 =	vxor.u32 @p5 $0x80000000, v11;
	(xrf1) =	vsort.ascd.msk.u32 $0xffff, v6, v6;
	v6, _, _ =	vpop @p4 (xrf1)  }
0x2b5: {  	v5 =	vxor.u32 @p4 $0x80000000, v5;
	v6 =	vxor.u32 @p4 $0x80000000, v6;
	v9, _, _ =	vpop @p4 (xrf1)  }
0x2b6: {  	v13 =	vld [tilespmem:s19+$0x10];
	[tilespmem:s23+$0x0] =	vst @p5 v10;
	(xrf1) =	vsort.ascd.msk.u32 $0xffff, v7, v7;
	v5 =	vperm.xlane @p4 v5, v3;
	v6 =	vperm.xlane @p4 v6, v3;
	v7, _, _ =	vpop @p4 (xrf1)  }
0x2b7: {  	s0 =	smov.u32 @p4 s1;
	[tilespmem:s23+$0x10] =	vst @p5 v8;
	v8, _, _ =	vpop @p3 (xrf1)  }
0x2b8: {  	[tilespmem:s0+$0xFFFFFFE0] =	vst @p4 v5;
	v5 =	vxor.u32 @p4 $0x80000000, v9;
	s0 =	smov.u32 @p4 s0;
	v7 =	vpsel p4, v7, v0;
	v10, _, _ =	vpop @p3 (xrf1);
	v6 =	vpsel p4, v6, v0  }
0x2b9: {  	[tilespmem:s0+$0xFFFFFFF0] =	vst @p4 v6;
	v6 =	vxor.u32 @p4 $0x80000000, v7;
	v7 =	vxor.u32 @p3 $0x80000000, v8;
	v8 =	vxor.u32 @p3 $0x80000000, v10  }
0x2ba: {  	v5 =	vpsel p4, v5, v0  }
0x2bb: {  	s1 =	smov.u32 @p3 s4;
	v11 =	vxor.u32 $0x80000000, v13;
	v9, _, _ =	vpop @p3 (xrf1)  }
0x2bc: {  	s20 =	smov.u32 @p3 s1;
	(xrf1) =	vsort.ascd.msk.u32 $0xffff, v11, v11;
	[tilespmem:s0+$0x10] =	vst @p4 v6;
	v6 =	vperm.xlane @p3 v7, v3;
	v7 =	vperm.xlane @p3 v8, v3;
	v8, _, _ =	vpop @p3 (xrf1)  }
0x2bd: {  	[tilespmem:s0+$0x0] =	vst @p4 v5;
	s0 =	smov.u32 @p3 s20;
	v5, _, _ =	vpop @p2 (xrf1)  }
0x2be: {  	[tilespmem:s0+$0xFFFFFFE0] =	vst @p3 v6;
	v6 =	vxor.u32 @p3 $0x80000000, v9;
	v7 =	vpsel p3, v7, v0;
	s0 =	smov.u32 @p3 s0;
	v8 =	vpsel p3, v8, v0;
	v9, _, _ =	vpop @p2 (xrf1)  }
0x2bf: {  	s1 =	smov.u32 @p2 s22;
	[tilespmem:s0+$0xFFFFFFF0] =	vst @p3 v7;
	v7 =	vxor.u32 @p3 $0x80000000, v8;
	v8 =	vxor.u32 @p2 $0x80000000, v9  }
0x2c0: {  	s21 =	smov.u32 @p2 s1;
	v6 =	vpsel p3, v6, v0;
	[tilespmem:s0+$0x10] =	vst @p3 v7;
	v7 =	vperm.xlane @p2 v8, v3  }
0x2c1: {  	s1 =	smov.u32 @p2 s21;
	v5 =	vxor.u32 @p2 $0x80000000, v5  }
0x2c2: {  	s1 =	smov.u32 @p2 s1;
	v5 =	vperm.xlane @p2 v5, v3;
	v8, _, _ =	vpop @p2 (xrf1)  }
0x2c3: {  	[tilespmem:s0+$0x0] =	vst @p3 v6;
	s0 =	smov.u32 @p2 s1;
	v6, _, _ =	vpop @p2 (xrf1)  }
0x2c4: {  	[tilespmem:s0+$0xFFFFFFE0] =	vst @p2 v5;
	s0 =	smov.u32 @p2 s0;
	v5 =	vpsel p2, v7, v0;
	v6 =	vpsel p2, v6, v0;
	v7, _, _ =	vpop (xrf1)  }
0x2c5: {  	[tilespmem:s0+$0xFFFFFFF0] =	vst @p2 v5;
	v5 =	vxor.u32 @p2 $0x80000000, v6;
	v6 =	vxor.u32 $0x80000000, v7  }
0x2c6: {  	v8 =	vxor.u32 @p2 $0x80000000, v8;
	v7, _, _ =	vpop (xrf1);
	[tilespmem:s0+$0x10] =	vst @p2 v5;
	v5 =	vperm.xlane v6, v3  }
0x2c7: {  	v8 =	vpsel p2, v8, v0;
	v6 =	vxor.u32 $0x80000000, v7  }
0x2c8: {  	[tilespmem:s0+$0x0] =	vst @p2 v8;
	v6 =	vperm.xlane v6, v3  }
0x2c9: {  	v7, _, _ =	vpop (xrf1);
	[tilespmem:s19+$0xFFFFFFE0] =	vst v5  }
0x2ca: {  	[tilespmem:s19+$0xFFFFFFF0] =	vst v6;
	v6 =	vxor.u32 $0x80000000, v7;
	v5, _, _ =	vpop (xrf1)  }
0x2cb: {  	[tilespmem:s19+$0x0] =	vst v6;
	v5 =	vxor.u32 $0x80000000, v5  }
0x2cc: {  	s20 =	simm.s32 $0x1C040;
	[tilespmem:s19+$0x10] =	vst v5  }
0x2cd: {  	v10 =	vld [tilespmem:s20+$0x10]  }
0x2ce: {  	v12 =	vld [tilespmem:s20+$0x30]  }
0x2cf: {  	p0 =	por $0x1, $0x1;
	v13 =	vld [tilespmem:s20+$0xFFFFFFE0]  }
.Ltmp29:
0x2d0: {  	v6 =	vld [tilespmem:s20+$0xFFFFFFD0];
	(pc) =	sbr.rel @!p0 .LBB2_57-.Ltmp29, $4  }
0x2d1: {  	v9 =	vld [tilespmem:s20+$0xFFFFFFF0]  }
0x2d2: {  	v5 =	vld [tilespmem:s20+$0x0]  }
0x2d3: {  	v7 =	vld [tilespmem:s20+$0x20];
	vm0 =	vgt.s32 v10, v12  }
0x2d4: {  	s19 =	simm.s32 $0x1C0C0;
	v8 =	vld [tilespmem:s20+$0xFFFFFFC0];
	v11 =	vsel vm0, v12, v10;
	v14 =	vsel vm0, v10, v12  }
0x2d5: {  	v15 =	vld [tilespmem:s19+$0x10]  }
0x2d6: {  	[tilespmem:s20+$0x30] =	vst v14;
	v14 =	vld [tilespmem:s19+$0x30];
	vm0 =	vgt.s32 v6, v9  }
0x2d7: {  	v10 =	vld [tilespmem:s19+$0xFFFFFFE0];
	[tilespmem:s20+$0x10] =	vst v11;
	p0 =	por $0x1, $0x1;
	v12 =	vsel vm0, v9, v6;
	v9 =	vsel vm0, v6, v9  }
.Ltmp30:
0x2d8: {  	v6 =	vld [tilespmem:s19+$0xFFFFFFD0];
	[tilespmem:s20+$0xFFFFFFD0] =	vst v9;
	vm14 =	vgt.s32 v5, v7;
	(pc) =	sbr.rel @!p0 .LBB2_59-.Ltmp30, $4  }
0x2d9: {  	v9 =	vld [tilespmem:s19+$0xFFFFFFF0];
	[tilespmem:s20+$0xFFFFFFF0] =	vst v12;
	vm1 =	vgt.s32 v8, v13;
	v11 =	vsel vm14, v7, v5  }
0x2da: {  	v12 =	vsel vm14, v5, v7;
	v5 =	vld [tilespmem:s19+$0x0];
	v16 =	vsel vm1, v8, v13;
	[tilespmem:s20+$0x0] =	vst v11  }
0x2db: {  	s0 =	simm.s32 $0x4;
	s4 =	simm.s32 $0x1C140;
	v7 =	vld [tilespmem:s19+$0x20];
	v13 =	vsel vm1, v13, v8;
	vm15 =	vgt.s32 v15, v14;
	[tilespmem:s20+$0xFFFFFFC0] =	vst v16  }
0x2dc: {  	p1 =	por $0x1, $0x1;
	s1 =	simm.s32 $0x1C0C0;
	s2 =	simm.s32 $0x1C040;
	v8 =	vld [tilespmem:s19+$0xFFFFFFC0];
	v11 =	vsel vm15, v14, v15;
	v14 =	vsel vm15, v15, v14;
	[tilespmem:s20+$0xFFFFFFE0] =	vst v13  }
.LBB2_60:
0x2dd: {  	v13 =	vld [tilespmem:s4+$0x10];
	[tilespmem:s1+$0x30] =	vst v14  }
0x2de: {  	s0 =	sadd.s32 $0x4, s0;
	v14 =	vld [tilespmem:s4+$0x30];
	vm0 =	vgt.s32 v6, v9;
	[tilespmem:s2+$0x20] =	vst v12;
	s2 =	smov.u32 s1;
	s1 =	smov.u32 s4  }
0x2df: {  	p0 =	slt.u32 s0, $0x3C;
	v15 =	vld [tilespmem:s4+$0xFFFFFFE0];
	v12 =	vsel vm0, v9, v6;
	v9 =	vsel vm0, v6, v9;
	[tilespmem:s2+$0x10] =	vst v11  }
.Ltmp31:
0x2e0: {  	v6 =	vld [tilespmem:s4+$0xFFFFFFD0];
	[tilespmem:s2+$0xFFFFFFD0] =	vst v9;
	vm0 =	vgt.s32 v5, v7;
	(pc) =	sbr.rel @p0 .LBB2_60-.Ltmp31, $4  }
0x2e1: {  	v9 =	vld [tilespmem:s4+$0xFFFFFFF0];
	vm1 =	vgt.s32 v8, v10;
	[tilespmem:s2+$0xFFFFFFF0] =	vst v12;
	v11 =	vsel vm0, v7, v5;
	v12 =	vsel vm0, v5, v7  }
0x2e2: {  	v5 =	vld [tilespmem:s4+$0x0];
	v16 =	vsel vm1, v10, v8;
	v8 =	vsel vm1, v8, v10;
	[tilespmem:s2+$0x0] =	vst v11  }
0x2e3: {  	v7 =	vld [tilespmem:s4+$0x20];
	vm0 =	vgt.s32 v13, v14;
	[tilespmem:s2+$0xFFFFFFC0] =	vst v8  }
0x2e4: {  	s4 =	sadd.s32 $0x80, s4;
	v8 =	vld [tilespmem:s1+$0xFFFFFFC0];
	v11 =	vsel vm0, v14, v13;
	v14 =	vsel vm0, v13, v14;
	[tilespmem:s2+$0xFFFFFFE0] =	vst v16;
	v10 =	vmov v15  }
0x2e5: {  	v13 =	vmov v10  }
.LBB2_62:
0x2e6: {  	[tilespmem:s1+$0x30] =	vst v14  }
0x2e7: {  	vm0 =	vgt.s32 v6, v9;
	[tilespmem:s2+$0x20] =	vst @p1 v12  }
0x2e8: {  	[tilespmem:s1+$0x10] =	vst v11;
	v10 =	vsel vm0, v6, v9  }
0x2e9: {  	v6 =	vsel vm0, v9, v6;
	[tilespmem:s1+$0xFFFFFFD0] =	vst v10;
	vm14 =	vgt.s32 v5, v7  }
0x2ea: {  	[tilespmem:s1+$0xFFFFFFF0] =	vst v6;
	v6 =	vsel vm14, v7, v5  }
0x2eb: {  	vm1 =	vgt.s32 v8, v13;
	v5 =	vsel vm14, v5, v7;
	[tilespmem:s1+$0x0] =	vst v6  }
0x2ec: {  	v9 =	vsel vm1, v8, v13;
	[tilespmem:s1+$0x20] =	vst v5  }
0x2ed: {  	v6 =	vsel vm1, v13, v8;
	[tilespmem:s1+$0xFFFFFFC0] =	vst v9  }
0x2ee: {  	[tilespmem:s1+$0xFFFFFFE0] =	vst v6  }
0x2ef: {  	v10 =	vld [tilespmem:s20+$0x20]  }
0x2f0: {  	v13 =	vld [tilespmem:s20+$0x30]  }
0x2f1: {  	p0 =	por $0x1, $0x1;
	v11 =	vld [tilespmem:s20+$0xFFFFFFD0]  }
.Ltmp32:
0x2f2: {  	v6 =	vld [tilespmem:s20+$0xFFFFFFE0];
	(pc) =	sbr.rel @!p0 .LBB2_63-.Ltmp32, $4  }
0x2f3: {  	v9 =	vld [tilespmem:s20+$0xFFFFFFF0]  }
0x2f4: {  	v5 =	vld [tilespmem:s20+$0x0]  }
0x2f5: {  	v7 =	vld [tilespmem:s20+$0x10];
	vm15 =	vgt.s32 v10, v13  }
0x2f6: {  	p1 =	por $0x0, $0x0;
	s1 =	simm.s32 $0x0;
	v8 =	vld [tilespmem:s20+$0xFFFFFFC0];
	v12 =	vsel vm15, v13, v10;
	v14 =	vsel vm15, v10, v13  }
0x2f7: {  	v15 =	vld [tilespmem:s19+$0x20]  }
0x2f8: {  	[tilespmem:s20+$0x30] =	vst v14;
	v14 =	vld [tilespmem:s19+$0x30];
	vm0 =	vgt.s32 v6, v9  }
0x2f9: {  	v10 =	vld [tilespmem:s19+$0xFFFFFFD0];
	[tilespmem:s20+$0x20] =	vst v12;
	p0 =	por $0x1, $0x1;
	v13 =	vsel vm0, v9, v6;
	v9 =	vsel vm0, v6, v9  }
.Ltmp33:
0x2fa: {  	v6 =	vld [tilespmem:s19+$0xFFFFFFE0];
	[tilespmem:s20+$0xFFFFFFE0] =	vst v9;
	vm14 =	vgt.s32 v5, v7;
	(pc) =	sbr.rel @!p0 .LBB2_65-.Ltmp33, $4  }
0x2fb: {  	v9 =	vld [tilespmem:s19+$0xFFFFFFF0];
	[tilespmem:s20+$0xFFFFFFF0] =	vst v13;
	vm1 =	vgt.s32 v8, v11;
	v12 =	vsel vm14, v7, v5  }
0x2fc: {  	v13 =	vsel vm14, v5, v7;
	v5 =	vld [tilespmem:s19+$0x0];
	v16 =	vsel vm1, v8, v11;
	[tilespmem:s20+$0x0] =	vst v12  }
0x2fd: {  	v7 =	vld [tilespmem:s19+$0x10];
	v11 =	vsel vm1, v11, v8;
	vm15 =	vgt.s32 v15, v14;
	[tilespmem:s20+$0xFFFFFFC0] =	vst v16  }
0x2fe: {  	s0 =	simm.s32 $0x4;
	s2 =	simm.s32 $0x1C140;
	p2 =	por $0x1, $0x1;
	v8 =	vld [tilespmem:s19+$0xFFFFFFC0];
	v12 =	vsel vm15, v14, v15;
	v14 =	vsel vm15, v15, v14;
	[tilespmem:s20+$0xFFFFFFD0] =	vst v11  }
.LBB2_66:
0x2ff: {  	v11 =	vld [tilespmem:s2+$0x20];
	[tilespmem:s19+$0x30] =	vst v14  }
0x300: {  	s0 =	sadd.s32 $0x4, s0;
	v14 =	vld [tilespmem:s2+$0x30];
	vm0 =	vgt.s32 v6, v9;
	[tilespmem:s20+$0x10] =	vst v13;
	s20 =	smov.u32 s19;
	s19 =	smov.u32 s2  }
0x301: {  	p0 =	slt.u32 s0, $0x3C;
	v15 =	vld [tilespmem:s2+$0xFFFFFFD0];
	v13 =	vsel vm0, v9, v6;
	v9 =	vsel vm0, v6, v9;
	[tilespmem:s20+$0x20] =	vst v12  }
.Ltmp34:
0x302: {  	v6 =	vld [tilespmem:s2+$0xFFFFFFE0];
	[tilespmem:s20+$0xFFFFFFE0] =	vst v9;
	vm0 =	vgt.s32 v5, v7;
	(pc) =	sbr.rel @p0 .LBB2_66-.Ltmp34, $4  }
0x303: {  	v9 =	vld [tilespmem:s2+$0xFFFFFFF0];
	vm1 =	vgt.s32 v8, v10;
	[tilespmem:s20+$0xFFFFFFF0] =	vst v13;
	v12 =	vsel vm0, v7, v5;
	v13 =	vsel vm0, v5, v7  }
0x304: {  	v5 =	vld [tilespmem:s2+$0x0];
	v16 =	vsel vm1, v10, v8;
	v8 =	vsel vm1, v8, v10;
	[tilespmem:s20+$0x0] =	vst v12  }
0x305: {  	v7 =	vld [tilespmem:s2+$0x10];
	vm0 =	vgt.s32 v11, v14;
	[tilespmem:s20+$0xFFFFFFC0] =	vst v8  }
0x306: {  	s2 =	sadd.s32 $0x80, s2;
	v8 =	vld [tilespmem:s19+$0xFFFFFFC0];
	v12 =	vsel vm0, v14, v11;
	v14 =	vsel vm0, v11, v14;
	[tilespmem:s20+$0xFFFFFFD0] =	vst v16;
	v10 =	vmov v15  }
0x307: {  	v11 =	vmov v10  }
.LBB2_68:
0x308: {  	[tilespmem:s19+$0x30] =	vst v14  }
0x309: {  	vm0 =	vgt.s32 v6, v9;
	[tilespmem:s20+$0x10] =	vst @p2 v13  }
0x30a: {  	[tilespmem:s19+$0x20] =	vst v12;
	v10 =	vsel vm0, v6, v9  }
0x30b: {  	v6 =	vsel vm0, v9, v6;
	[tilespmem:s19+$0xFFFFFFE0] =	vst v10;
	vm15 =	vgt.s32 v5, v7  }
0x30c: {  	[tilespmem:s19+$0xFFFFFFF0] =	vst v6;
	v6 =	vsel vm15, v7, v5  }
0x30d: {  	vm1 =	vgt.s32 v8, v11;
	v5 =	vsel vm15, v5, v7;
	[tilespmem:s19+$0x0] =	vst v6  }
0x30e: {  	v9 =	vsel vm1, v8, v11;
	[tilespmem:s19+$0x10] =	vst v5  }
0x30f: {  	v6 =	vsel vm1, v11, v8;
	[tilespmem:s19+$0xFFFFFFC0] =	vst v9  }
0x310: {  	s21 =	simm.s32 $0x1C020;
	[tilespmem:s19+$0xFFFFFFD0] =	vst v6  }
0x311: {  	p0 =	por $0x1, $0x1;
	v8 =	vld [tilespmem:s21+$0xFFFFFFE0]  }
.Ltmp35:
0x312: {  	_ = 	snop;
	(pc) =	sbr.rel @!p0 .LBB2_69-.Ltmp35, $4  }
0x313: {  	_ = 	snop  }
0x314: {  	v5 =	vld [tilespmem:s21+$0x10]  }
0x315: {  	v6 =	vld [tilespmem:s21+$0xFFFFFFF0]  }
0x316: {  	s24 =	sand.u32 $0x4, s1;
	s22 =	simm.s32 $0x1C060;
	v7 =	vld [tilespmem:s21+$0x0];
	v8 =	vxor.u32 $0x80000000, v8  }
0x317: {  	_ =	sdelay $0x1  }
0x318: {  	v9 =	vld [tilespmem:s22+$0xFFFFFFE0];
	p0 =	por $0x1, $0x1  }
.Ltmp36:
0x319: {  	v5 =	vxor.u32 $0x80000000, v5;
	(pc) =	sbr.rel @!p0 .LBB2_71-.Ltmp36, $4  }
0x31a: {  	(xrf1) =	vsort.ascd.msk.u32 $0xffff, v5, v5;
	v7 =	vxor.u32 $0x80000000, v7  }
0x31b: {  	v5 =	vld [tilespmem:s22+$0x10];
	v10 =	vxor.u32 $0x80000000, v6;
	(xrf1) =	vsort.ascd.msk.u32 $0xffff, v7, v7  }
0x31c: {  	s0 =	simm.s32 $0x4;
	v6 =	vld [tilespmem:s22+$0xFFFFFFF0];
	(xrf1) =	vsort.ascd.msk.u32 $0xffff, v10, v10  }
0x31d: {  	s25 =	simm.s32 $0x1C0A0;
	p2 =	por $0x1, $0x1;
	s23 =	sand.u32 $0x4, s0;
	v7 =	vld [tilespmem:s22+$0x0];
	v9 =	vxor.u32 $0x80000000, v9;
	(xrf1) =	vsort.ascd.msk.u32 $0xffff, v8, v8  }
0x31e: {  	_ =	sdelay $0x2  }
0x31f: {  	v5 =	vxor.u32 $0x80000000, v5  }
0x320: {  	(xrf1) =	vsort.ascd.msk.u32 $0xffff, v5, v5;
	v7 =	vxor.u32 $0x80000000, v7  }
0x321: {  	v10 =	vxor.u32 $0x80000000, v6;
	(xrf1) =	vsort.ascd.msk.u32 $0xffff, v7, v7  }
0x322: {  	(xrf1) =	vsort.ascd.msk.u32 $0xffff, v10, v10  }
0x323: {  	(xrf1) =	vsort.ascd.msk.u32 $0xffff, v9, v9;
	_ =	sdelay $0x5  }
0x324: {  	v8 =	vld [tilespmem:s25+$0xFFFFFFE0];
	p0 =	por $0x1, $0x1  }
.Ltmp37:
0x325: {  	_ = 	snop;
	(pc) =	sbr.rel @!p0 .LBB2_73-.Ltmp37, $4  }
0x326: {  	_ = 	snop  }
0x327: {  	v5 =	vld [tilespmem:s25+$0x10]  }
0x328: {  	s0 =	simm.s32 $0x8;
	v6 =	vld [tilespmem:s25+$0xFFFFFFF0]  }
0x329: {  	s19 =	simm.s32 $0x1C0E0;
	p3 =	por $0x1, $0x1;
	s20 =	sand.u32 $0x4, s0;
	v7 =	vld [tilespmem:s25+$0x0];
	v8 =	vxor.u32 $0x80000000, v8  }
0x32a: {  	_ =	sdelay $0x2  }
0x32b: {  	v5 =	vxor.u32 $0x80000000, v5  }
0x32c: {  	(xrf1) =	vsort.ascd.msk.u32 $0xffff, v5, v5;
	v7 =	vxor.u32 $0x80000000, v7  }
0x32d: {  	v9 =	vxor.u32 $0x80000000, v6;
	(xrf1) =	vsort.ascd.msk.u32 $0xffff, v7, v7  }
0x32e: {  	(xrf1) =	vsort.ascd.msk.u32 $0xffff, v9, v9  }
0x32f: {  	(xrf1) =	vsort.ascd.msk.u32 $0xffff, v8, v8;
	_ =	sdelay $0x1  }
0x330: {  	v10 =	vld [tilespmem:s19+$0xFFFFFFE0];
	p0 =	por $0x1, $0x1  }
.Ltmp38:
0x331: {  	_ = 	snop;
	(pc) =	sbr.rel @!p0 .LBB2_75-.Ltmp38, $4  }
0x332: {  	_ = 	snop  }
0x333: {  	v5 =	vld [tilespmem:s19+$0x10]  }
0x334: {  	s0 =	simm.s32 $0xC;
	v6 =	vld [tilespmem:s19+$0xFFFFFFF0];
	v9, _, _ =	vpop (xrf1)  }
0x335: {  	s8 =	simm.s32 $0x1C120;
	p4 =	por $0x1, $0x1;
	s4 =	sand.u32 $0x4, s0;
	v7 =	vld [tilespmem:s19+$0x0];
	v18 =	vxor.u32 $0x80000000, v10;
	v10, _, _ =	vpop (xrf1)  }
0x336: {  	_ =	sdelay $0x2  }
0x337: {  	v5 =	vxor.u32 $0x80000000, v5  }
0x338: {  	(xrf1) =	vsort.ascd.msk.u32 $0xffff, v5, v5;
	v7 =	vxor.u32 $0x80000000, v7  }
0x339: {  	v13 =	vxor.u32 $0x80000000, v6;
	(xrf1) =	vsort.ascd.msk.u32 $0xffff, v7, v7  }
0x33a: {  	(xrf1) =	vsort.ascd.msk.u32 $0xffff, v13, v13  }
0x33b: {  	(xrf1) =	vsort.ascd.msk.u32 $0xffff, v18, v18;
	_ =	sdelay $0x1  }
0x33c: {  	v8 =	vld [tilespmem:s8+$0xFFFFFFE0];
	v11, _, _ =	vpop (xrf1);
	p0 =	por $0x1, $0x1  }
.Ltmp39:
0x33d: {  	v12 =	vxor.u32 $0x80000000, v9;
	v6, _, _ =	vpop (xrf1);
	(pc) =	sbr.rel @!p0 .LBB2_77-.Ltmp39, $4  }
0x33e: {  	v15 =	vxor.u32 $0x80000000, v10;
	v14 =	vperm.xlane v12, v3;
	v5 =	vld [tilespmem:s8+$0x10];
	v19 =	vxor.u32 $0x80000000, v6  }
0x33f: {  	s1 =	simm.s32 $0x10;
	p5 =	seq.s32 s24, $0x0;
	v11 =	vxor.u32 $0x80000000, v11;
	v21 =	vperm.xlane v15, v3;
	v6 =	vld [tilespmem:s8+$0xFFFFFFF0];
	v20 =	vperm.xlane v19, v3  }
0x340: {  	s2 =	simm.s32 $0x1C160;
	p1 =	por $0x1, $0x1;
	s26 =	simm.s32 $0x1C020;
	v16 =	vperm.xlane v11, v3;
	v12 =	vpsel p5, v14, v12;
	v7 =	vld [tilespmem:s8+$0x0];
	v13, _, _ =	vpop (xrf1)  }
0x341: {  	s29 =	smov.u32 s23;
	s28 =	simm.s32 $0x1C060;
	s16 =	sand.u32 $0x4, s1;
	v15 =	vpsel p5, v21, v15;
	v8 =	vxor.u32 $0x80000000, v8;
	v17, _, _ =	vpop (xrf1);
	v14 =	vpsel p5, v20, v19  }
.LBB2_78:
0x342: {  	s1 =	sadd.s32 $0x4, s1  }
0x343: {  	v18 =	vld [tilespmem:s2+$0xFFFFFFE0];
	v19 =	vxor.u32 $0x80000000, v5;
	v20 =	vxor.u32 $0x80000000, v13;
	v13, _, _ =	vpop (xrf1);
	v11 =	vpsel p5, v16, v11;
	[tilespmem:s26+$0x10] =	vst v12;
	p6 =	slt.u32 s1, $0x7C  }
.Ltmp40:
0x344: {  	v21 =	vxor.u32 $0x80000000, v17;
	s0 =	sand.u32 $0x4, s1;
	v5 =	vld [tilespmem:s2+$0x10];
	v12 =	vxor.u32 $0x80000000, v6;
	v17 =	vperm.xlane v20, v3;
	v16, _, _ =	vpop (xrf1);
	[tilespmem:s26+$0xFFFFFFF0] =	vst v11;
	(pc) =	sbr.rel @p6 .LBB2_78-.Ltmp40, $4  }
0x345: {  	s5 =	smov.u32 s19;
	s19 =	smov.u32 s8;
	s8 =	smov.u32 s2;
	v11 =	vxor.u32 $0x80000000, v13;
	v6 =	vld [tilespmem:s2+$0xFFFFFFF0];
	v22 =	vxor.u32 $0x80000000, v7;
	(xrf1) =	vsort.ascd.msk.u32 $0xffff, v19, v19;
	v19 =	vxor.u32 $0x80000000, v16  }
0x346: {  	p5 =	seq.s32 s29, $0x0;
	s29 =	smov.u32 s20;
	s20 =	smov.u32 s4;
	v23 =	vperm.xlane v21, v3;
	v7 =	vld [tilespmem:s2+$0x0];
	(xrf1) =	vsort.ascd.msk.u32 $0xffff, v22, v22;
	v22 =	vperm.xlane v19, v3;
	[tilespmem:s26+$0xFFFFFFE0] =	vst v14  }
0x347: {  	s4 =	smov.u32 s16;
	v16 =	vperm.xlane v11, v3;
	s16 =	smov.u32 s0;
	(xrf1) =	vsort.ascd.msk.u32 $0xffff, v12, v12;
	v13, _, _ =	vpop (xrf1);
	v12 =	vpsel p5, v17, v20;
	[tilespmem:s26+$0x0] =	vst v15;
	s26 =	smov.u32 s28  }
0x348: {  	s2 =	sadd.s32 $0x40, s2;
	v15 =	vpsel p5, v23, v21;
	s28 =	smov.u32 s25;
	s25 =	smov.u32 s5;
	(xrf1) =	vsort.ascd.msk.u32 $0xffff, v8, v8;
	v8 =	vxor.u32 $0x80000000, v18;
	v17, _, _ =	vpop (xrf1);
	v14 =	vpsel p5, v22, v19  }
0x349: {  	s2 =	smov.u32 s19;
	s1 =	smov.u32 s20  }
0x34a: {  	s19 =	smov.u32 s8;
	s30 =	smov.u32 s4;
	s20 =	smov.u32 s16  }
.LBB2_80:
0x34b: {  	v5 =	vxor.u32 $0x80000000, v5;
	v18, _, _ =	vpop @p4 (xrf1);
	p0 =	por !p5, !p1  }
0x34c: {  	v13 =	vxor.u32 @p4 $0x80000000, v13;
	v7 =	vxor.u32 $0x80000000, v7;
	v11 =	vpsel p0, v11, v16;
	v16, _, _ =	vpop @p4 (xrf1)  }
0x34d: {  	(xrf1) =	vsort.ascd.msk.u32 $0xffff, v5, v5;
	v5 =	vxor.u32 @p4 $0x80000000, v17;
	v17 =	vperm.xlane @p4 v13, v3;
	v16 =	vxor.u32 @p4 $0x80000000, v16  }
0x34e: {  	p0 =	seq.s32 @p4 s29, $0x0;
	(xrf1) =	vsort.ascd.msk.u32 $0xffff, v7, v7;
	v7 =	vxor.u32 @p4 $0x80000000, v18;
	v18 =	vperm.xlane @p4 v16, v3  }
0x34f: {  	v6 =	vxor.u32 $0x80000000, v6;
	p6 =	por !p0, !p4  }
0x350: {  	(xrf1) =	vsort.ascd.msk.u32 $0xffff, v6, v6;
	v6 =	vperm.xlane @p4 v5, v3;
	v13 =	vpsel p6, v13, v17  }
0x351: {  	(xrf1) =	vsort.ascd.msk.u32 $0xffff, v8, v8;
	v8 =	vperm.xlane @p4 v7, v3;
	v17, _, _ =	vpop @p3 (xrf1);
	v16 =	vpsel p6, v16, v18  }
0x352: {  	v7 =	vpsel p4, v7, v0;
	v5 =	vpsel p6, v5, v6;
	v18, _, _ =	vpop @p3 (xrf1)  }
0x353: {  	[tilespmem:s26+$0x10] =	vst @p1 v12;
	v6 =	vpsel p3, v17, v9;
	v8 =	vpsel p4, v8, v0;
	v9 =	vpsel p4, v13, v0;
	v13, _, _ =	vpop @p3 (xrf1)  }
0x354: {  	s0 =	smov.u32 @p2 s2;
	[tilespmem:s26+$0xFFFFFFE0] =	vst @p1 v14;
	v12 =	vpsel p4, v16, v0;
	v5 =	vpsel p4, v5, v0;
	v6 =	vxor.u32 @p3 $0x80000000, v6;
	v16, _, _ =	vpop @p3 (xrf1)  }
0x355: {  	s24 =	smov.u32 @p3 s1;
	s1 =	smov.u32 @p4 s28;
	[tilespmem:s26+$0xFFFFFFF0] =	vst @p1 v11;
	p0 =	por @!p4 p0, p0;
	v10 =	vpsel p3, v18, v10;
	v11 =	vperm.xlane @p3 v6, v3;
	v16 =	vxor.u32 @p3 $0x80000000, v16  }
0x356: {  	[tilespmem:s26+$0x0] =	vst @p1 v15;
	s1 =	smov.u32 @p4 s1;
	p6 =	por !p0, !p4;
	p0 =	seq.s32 @p3 s24, $0x0;
	v10 =	vxor.u32 @p3 $0x80000000, v10;
	v13 =	vxor.u32 @p3 $0x80000000, v13;
	v14 =	vperm.xlane @p3 v16, v3  }
0x357: {  	s2 =	smov.u32 @p2 s30;
	s4 =	smov.u32 @p3 s25;
	p5 =	por !p0, !p3;
	v7 =	vpsel p6, v7, v8;
	[tilespmem:s1+$0x10] =	vst @p4 v9;
	v17 =	vperm.xlane @p3 v10, v3;
	v8, _, _ =	vpop @p2 (xrf1);
	v15 =	vperm.xlane @p3 v13, v3  }
0x358: {  	s23 =	smov.u32 @p2 s2;
	s21 =	smov.u32 @p3 s4;
	[tilespmem:s1+$0xFFFFFFF0] =	vst @p4 v7;
	v6 =	vpsel p5, v6, v11;
	v13 =	vpsel p3, v13, v0;
	v7 =	vpsel p2, v8, v0  }
0x359: {  	s22 =	smov.u32 @p2 s0;
	s2 =	smov.u32 @p3 s21;
	p0 =	por @!p3 p0, p0;
	[tilespmem:s1+$0xFFFFFFE0] =	vst @p4 v12;
	v9, _, _ =	vpop @p2 (xrf1);
	v6 =	vpsel p3, v6, v0;
	v10 =	vpsel p5, v10, v17;
	v8 =	vpsel p3, v15, v0  }
0x35a: {  	s0 =	smov.u32 @p2 s23;
	p0 =	por !p0, !p3;
	[tilespmem:s1+$0x0] =	vst @p4 v5;
	s1 =	smov.u32 @p3 s2;
	v9 =	vpsel p2, v9, v0;
	v5 =	vxor.u32 @p2 $0x80000000, v7;
	v11 =	vpsel p5, v16, v14;
	v14, _, _ =	vpop @p2 (xrf1)  }
0x35b: {  	s0 =	smov.u32 @p2 s0;
	[tilespmem:s1+$0x10] =	vst @p3 v6;
	v7 =	vpsel p0, v13, v8;
	v6 =	vperm.xlane @p2 v5, v3;
	v11 =	vpsel p3, v11, v0;
	v12, _, _ =	vpop @p2 (xrf1)  }
0x35c: {  	p0 =	seq.s32 @p2 s0, $0x0;
	v10 =	vpsel p3, v10, v0;
	[tilespmem:s1+$0xFFFFFFF0] =	vst @p3 v7;
	v8 =	vxor.u32 @p2 $0x80000000, v12;
	v12 =	vxor.u32 @p2 $0x80000000, v14  }
0x35d: {  	s2 =	smov.u32 @p2 s22;
	v9 =	vxor.u32 @p2 $0x80000000, v9;
	p6 =	por !p0, !p2;
	[tilespmem:s1+$0x0] =	vst @p3 v10;
	v13 =	vperm.xlane @p2 v8, v3;
	v7 =	vperm.xlane @p2 v12, v3  }
0x35e: {  	s0 =	smov.u32 @p2 s2;
	p0 =	por @!p2 p0, p0;
	[tilespmem:s1+$0xFFFFFFE0] =	vst @p3 v11;
	v5 =	vpsel p6, v5, v6;
	v14 =	vperm.xlane @p2 v9, v3;
	v11, _, _ =	vpop (xrf1);
	v10 =	vpsel p2, v12, v0  }
0x35f: {  	s0 =	smov.u32 @p2 s0;
	p0 =	por !p0, !p2;
	v5 =	vpsel p2, v5, v0;
	v6 =	vpsel p6, v8, v13;
	v8, _, _ =	vpop (xrf1);
	v7 =	vpsel p2, v7, v0  }
0x360: {  	[tilespmem:s0+$0x10] =	vst @p2 v5;
	v11 =	vxor.u32 $0x80000000, v11;
	v9 =	vpsel p6, v9, v14;
	v12, _, _ =	vpop (xrf1);
	v7 =	vpsel p0, v10, v7  }
0x361: {  	v5 =	vpsel p2, v6, v0;
	v6 =	vperm.xlane v11, v3;
	v10, _, _ =	vpop (xrf1);
	[tilespmem:s0+$0xFFFFFFF0] =	vst @p2 v7;
	v7 =	vxor.u32 $0x80000000, v12  }
0x362: {  	p4 =	seq.s32 s20, $0x0;
	v9 =	vpsel p2, v9, v0;
	[tilespmem:s0+$0xFFFFFFE0] =	vst @p2 v5;
	v10 =	vxor.u32 $0x80000000, v10;
	v5 =	vperm.xlane v7, v3  }
0x363: {  	v8 =	vxor.u32 $0x80000000, v8;
	[tilespmem:s0+$0x0] =	vst @p2 v9;
	v6 =	vpsel p4, v6, v11;
	v12 =	vperm.xlane v10, v3  }
0x364: {  	v9 =	vperm.xlane v8, v3;
	[tilespmem:s19+$0x10] =	vst v6;
	v5 =	vpsel p4, v5, v7  }
0x365: {  	v6 =	vpsel p4, v12, v10;
	[tilespmem:s19+$0xFFFFFFF0] =	vst v5  }
0x366: {  	v5 =	vpsel p4, v9, v8;
	[tilespmem:s19+$0xFFFFFFE0] =	vst v6  }
0x367: {  	s20 =	simm.s32 $0x1C040;
	[tilespmem:s19+$0x0] =	vst v5  }
0x368: {  	v5 =	vld [tilespmem:s20+$0x30]  }
0x369: {  	v6 =	vld [tilespmem:s20+$0xFFFFFFF0]  }
0x36a: {  	v7 =	vld [tilespmem:s20+$0x20]  }
0x36b: {  	v8 =	vld [tilespmem:s20+$0xFFFFFFE0]  }
0x36c: {  	s30 =	simm.s32 $0x0;
	v11 =	vld [tilespmem:s20+$0x10]  }
0x36d: {  	s0 =	sand.u32 $0x4, s30;
	v12 =	vld [tilespmem:s20+$0xFFFFFFD0]  }
0x36e: {  	p5 =	seq.s32 s0, $0x0;
	v13 =	vld [tilespmem:s20+$0x0];
	vm0 =	vgt.s32 v6, v5  }
0x36f: {  	s1 =	simm.s32 $0x1C0C0;
	p1 =	por p5, p5;
	v14 =	vld [tilespmem:s20+$0xFFFFFFC0];
	v9 =	vsel vm0, v5, v6;
	v6 =	vsel vm0, v6, v5  }
0x370: {  	v10 =	vld [tilespmem:s1+$0xFFFFFFF0];
	vm0 =	vgt.s32 v8, v7;
	v15 =	vpsel p1, v6, v9  }
0x371: {  	v5 =	vld [tilespmem:s1+$0x30];
	v9 =	vpsel p1, v9, v6;
	v61 =	vsel vm0, v7, v8;
	v7 =	vsel vm0, v8, v7;
	[tilespmem:s20+$0xFFFFFFF0] =	vst v15  }
0x372: {  	v6 =	vld [tilespmem:s1+$0x20];
	vm0 =	vgt.s32 v12, v11;
	v8 =	vpsel p1, v7, v61;
	[tilespmem:s20+$0x30] =	vst v9  }
0x373: {  	s2 =	simm.s32 $0x4;
	v15 =	vpsel p1, v61, v7;
	v9 =	vld [tilespmem:s1+$0xFFFFFFE0];
	v62 =	vsel vm0, v11, v12;
	v11 =	vsel vm0, v12, v11;
	[tilespmem:s20+$0xFFFFFFE0] =	vst v8  }
0x374: {  	s31 =	sand.u32 $0x4, s2;
	v7 =	vld [tilespmem:s1+$0x10];
	vm0 =	vgt.s32 v14, v13;
	v8 =	vpsel p1, v11, v62;
	[tilespmem:s20+$0x20] =	vst v15  }
0x375: {  	p6 =	seq.s32 s31, $0x0;
	v15 =	vpsel p1, v62, v11;
	v11 =	vld [tilespmem:s1+$0xFFFFFFD0];
	v63 =	vsel vm0, v13, v14;
	v13 =	vsel vm0, v14, v13;
	[tilespmem:s20+$0xFFFFFFD0] =	vst v8  }
0x376: {  	s4 =	simm.s32 $0x1C0C0;
	p2 =	por p6, p6;
	s0 =	simm.s32 $0x1C040;
	v8 =	vld [tilespmem:s1+$0x0];
	v12 =	vpsel p1, v13, v63;
	v13 =	vpsel p1, v63, v13;
	[tilespmem:s20+$0x10] =	vst v15;
	vm0 =	vgt.s32 v10, v5  }
.LBB2_81:
0x377: {  	s2 =	sadd.s32 $0x4, s2;
	v14 =	vld [tilespmem:s1+$0xFFFFFFC0];
	v15 =	vsel vm0, v5, v10;
	v10 =	vsel vm0, v10, v5;
	s4 =	sadd.s32 $0x80, s4;
	[tilespmem:s0+$0x0] =	vst v13  }
0x378: {  	s5 =	sand.u32 $0x4, s2;
	v5 =	vld [tilespmem:s4+$0x30];
	p3 =	slt.u32 s2, $0x3C;
	vm0 =	vgt.s32 v9, v6;
	v13 =	vpsel p2, v10, v15;
	v15 =	vpsel p2, v15, v10;
	[tilespmem:s0+$0xFFFFFFC0] =	vst v12;
	s0 =	smov.u32 s1  }
0x379: {  	s1 =	smov.u32 s4;
	p0 =	seq.s32 s5, $0x0;
	v10 =	vld [tilespmem:s4+$0xFFFFFFF0];
	v12 =	vsel vm0, v6, v9;
	v9 =	vsel vm0, v9, v6;
	[tilespmem:s0+$0xFFFFFFF0] =	vst v13  }
.Ltmp41:
0x37a: {  	v6 =	vld [tilespmem:s4+$0x20];
	vm0 =	vgt.s32 v11, v7;
	v13 =	vpsel p2, v9, v12;
	v12 =	vpsel p2, v12, v9;
	[tilespmem:s0+$0x30] =	vst v15;
	(pc) =	sbr.rel @p3 .LBB2_81-.Ltmp41, $4  }
0x37b: {  	v9 =	vld [tilespmem:s4+$0xFFFFFFE0];
	v15 =	vsel vm0, v7, v11;
	v11 =	vsel vm0, v11, v7;
	[tilespmem:s0+$0xFFFFFFE0] =	vst v13  }
0x37c: {  	v7 =	vld [tilespmem:s4+$0x10];
	vm0 =	vgt.s32 v14, v8;
	v13 =	vpsel p2, v11, v15;
	v15 =	vpsel p2, v15, v11;
	[tilespmem:s0+$0x20] =	vst v12  }
0x37d: {  	v11 =	vld [tilespmem:s4+$0xFFFFFFD0];
	v16 =	vsel vm0, v8, v14;
	v14 =	vsel vm0, v14, v8;
	[tilespmem:s0+$0xFFFFFFD0] =	vst v13  }
0x37e: {  	v8 =	vld [tilespmem:s4+$0x0];
	vm0 =	vgt.s32 v10, v5;
	v12 =	vpsel p2, v14, v16;
	v13 =	vpsel p2, v16, v14;
	[tilespmem:s0+$0x10] =	vst v15;
	p2 =	por p0, p0  }
0x37f: {  	v14 =	vld [tilespmem:s1+$0xFFFFFFC0];
	v15 =	vsel vm0, v5, v10;
	v5 =	vsel vm0, v10, v5;
	[tilespmem:s0+$0x0] =	vst v13  }
0x380: {  	[tilespmem:s0+$0xFFFFFFC0] =	vst v12;
	vm0 =	vgt.s32 v9, v6;
	v10 =	vpsel p2, v5, v15  }
0x381: {  	v5 =	vpsel p2, v15, v5;
	v12 =	vsel vm0, v6, v9;
	v6 =	vsel vm0, v9, v6;
	[tilespmem:s1+$0xFFFFFFF0] =	vst v10  }
0x382: {  	[tilespmem:s1+$0x30] =	vst v5;
	vm0 =	vgt.s32 v11, v7;
	v9 =	vpsel p2, v6, v12  }
0x383: {  	v5 =	vpsel p2, v12, v6;
	v6 =	vsel vm0, v7, v11;
	v7 =	vsel vm0, v11, v7;
	[tilespmem:s1+$0xFFFFFFE0] =	vst v9  }
0x384: {  	[tilespmem:s1+$0x20] =	vst v5;
	vm0 =	vgt.s32 v14, v8;
	v9 =	vpsel p2, v7, v6  }
0x385: {  	v5 =	vpsel p2, v6, v7;
	v6 =	vsel vm0, v8, v14;
	v7 =	vsel vm0, v14, v8;
	[tilespmem:s1+$0xFFFFFFD0] =	vst v9  }
0x386: {  	[tilespmem:s1+$0x10] =	vst v5;
	v8 =	vpsel p2, v6, v7  }
0x387: {  	v5 =	vpsel p2, v7, v6;
	[tilespmem:s1+$0x0] =	vst v8  }
0x388: {  	[tilespmem:s1+$0xFFFFFFC0] =	vst v5  }
0x389: {  	v5 =	vld [tilespmem:s20+$0x30]  }
0x38a: {  	v6 =	vld [tilespmem:s20+$0x10]  }
0x38b: {  	v7 =	vld [tilespmem:s20+$0x20]  }
0x38c: {  	v8 =	vld [tilespmem:s20+$0x0]  }
0x38d: {  	v11 =	vld [tilespmem:s20+$0xFFFFFFF0]  }
0x38e: {  	v12 =	vld [tilespmem:s20+$0xFFFFFFD0]  }
0x38f: {  	v13 =	vld [tilespmem:s20+$0xFFFFFFE0];
	vm0 =	vgt.s32 v6, v5  }
0x390: {  	s1 =	simm.s32 $0x1C0C0;
	v14 =	vld [tilespmem:s20+$0xFFFFFFC0];
	v10 =	vsel vm0, v5, v6;
	v6 =	vsel vm0, v6, v5  }
0x391: {  	v9 =	vld [tilespmem:s1+$0x10];
	vm0 =	vgt.s32 v8, v7;
	v15 =	vpsel p1, v6, v10  }
0x392: {  	v5 =	vld [tilespmem:s1+$0x30];
	v16 =	vsel vm0, v7, v8;
	v7 =	vsel vm0, v8, v7;
	v8 =	vpsel p1, v10, v6;
	[tilespmem:s20+$0x10] =	vst v15  }
0x393: {  	v6 =	vld [tilespmem:s1+$0x20];
	vm0 =	vgt.s32 v12, v11;
	v15 =	vpsel p1, v7, v16;
	[tilespmem:s20+$0x30] =	vst v8  }
0x394: {  	s2 =	simm.s32 $0x4;
	v10 =	vld [tilespmem:s1+$0x0];
	v8 =	vpsel p1, v16, v7;
	v62 =	vsel vm0, v11, v12;
	v11 =	vsel vm0, v12, v11;
	[tilespmem:s20+$0x0] =	vst v15  }
0x395: {  	s31 =	sand.u32 $0x4, s2;
	v7 =	vld [tilespmem:s1+$0xFFFFFFF0];
	vm0 =	vgt.s32 v14, v13;
	v12 =	vpsel p1, v11, v62;
	[tilespmem:s20+$0x20] =	vst v8  }
0x396: {  	p0 =	seq.s32 s31, $0x0;
	v15 =	vpsel p1, v62, v11;
	v11 =	vld [tilespmem:s1+$0xFFFFFFD0];
	v63 =	vsel vm0, v13, v14;
	v13 =	vsel vm0, v14, v13;
	[tilespmem:s20+$0xFFFFFFD0] =	vst v12  }
0x397: {  	s0 =	simm.s32 $0x1C0C0;
	v8 =	vld [tilespmem:s1+$0xFFFFFFE0];
	v12 =	vpsel p1, v13, v63;
	v13 =	vpsel p1, v63, v13;
	[tilespmem:s20+$0xFFFFFFF0] =	vst v15;
	p1 =	por p0, p0;
	vm0 =	vgt.s32 v9, v5  }
.LBB2_83:
0x398: {  	s2 =	sadd.s32 $0x4, s2;
	v14 =	vld [tilespmem:s1+$0xFFFFFFC0];
	v15 =	vsel vm0, v5, v9;
	v16 =	vsel vm0, v9, v5;
	s0 =	sadd.s32 $0x80, s0;
	[tilespmem:s20+$0xFFFFFFE0] =	vst v13  }
0x399: {  	s4 =	sand.u32 $0x4, s2;
	v5 =	vld [tilespmem:s0+$0x30];
	p2 =	slt.u32 s2, $0x3C;
	vm0 =	vgt.s32 v10, v6;
	v13 =	vpsel p1, v16, v15;
	[tilespmem:s20+$0xFFFFFFC0] =	vst v12;
	s20 =	smov.u32 s1  }
0x39a: {  	s1 =	smov.u32 s0;
	p0 =	seq.s32 s4, $0x0;
	v9 =	vld [tilespmem:s0+$0x10];
	v12 =	vsel vm0, v6, v10;
	v10 =	vsel vm0, v10, v6;
	[tilespmem:s20+$0x10] =	vst v13;
	v13 =	vpsel p1, v15, v16  }
.Ltmp42:
0x39b: {  	v6 =	vld [tilespmem:s0+$0x20];
	vm0 =	vgt.s32 v11, v7;
	v15 =	vpsel p1, v10, v12;
	v12 =	vpsel p1, v12, v10;
	[tilespmem:s20+$0x30] =	vst v13;
	(pc) =	sbr.rel @p2 .LBB2_83-.Ltmp42, $4  }
0x39c: {  	v10 =	vld [tilespmem:s0+$0x0];
	v13 =	vsel vm0, v7, v11;
	v11 =	vsel vm0, v11, v7;
	[tilespmem:s20+$0x0] =	vst v15  }
0x39d: {  	v7 =	vld [tilespmem:s0+$0xFFFFFFF0];
	vm0 =	vgt.s32 v14, v8;
	v15 =	vpsel p1, v11, v13;
	v16 =	vpsel p1, v13, v11;
	[tilespmem:s20+$0x20] =	vst v12  }
0x39e: {  	v11 =	vld [tilespmem:s0+$0xFFFFFFD0];
	v13 =	vsel vm0, v8, v14;
	v14 =	vsel vm0, v14, v8;
	[tilespmem:s20+$0xFFFFFFD0] =	vst v15  }
0x39f: {  	v8 =	vld [tilespmem:s0+$0xFFFFFFE0];
	vm0 =	vgt.s32 v9, v5;
	v12 =	vpsel p1, v14, v13;
	v13 =	vpsel p1, v13, v14;
	[tilespmem:s20+$0xFFFFFFF0] =	vst v16;
	p1 =	por p0, p0  }
0x3a0: {  	v14 =	vld [tilespmem:s1+$0xFFFFFFC0];
	v15 =	vsel vm0, v5, v9;
	v5 =	vsel vm0, v9, v5;
	[tilespmem:s20+$0xFFFFFFE0] =	vst v13  }
0x3a1: {  	[tilespmem:s20+$0xFFFFFFC0] =	vst v12;
	vm0 =	vgt.s32 v10, v6;
	v9 =	vpsel p1, v5, v15  }
0x3a2: {  	v5 =	vpsel p1, v15, v5;
	v12 =	vsel vm0, v6, v10;
	v6 =	vsel vm0, v10, v6;
	[tilespmem:s1+$0x10] =	vst v9  }
0x3a3: {  	[tilespmem:s1+$0x30] =	vst v5;
	vm0 =	vgt.s32 v11, v7;
	v9 =	vpsel p1, v6, v12  }
0x3a4: {  	v5 =	vpsel p1, v12, v6;
	v6 =	vsel vm0, v7, v11;
	v7 =	vsel vm0, v11, v7;
	[tilespmem:s1+$0x0] =	vst v9  }
0x3a5: {  	[tilespmem:s1+$0x20] =	vst v5;
	vm0 =	vgt.s32 v14, v8;
	v9 =	vpsel p1, v7, v6  }
0x3a6: {  	v5 =	vpsel p1, v6, v7;
	v6 =	vsel vm0, v8, v14;
	v7 =	vsel vm0, v14, v8;
	[tilespmem:s1+$0xFFFFFFD0] =	vst v9  }
0x3a7: {  	[tilespmem:s1+$0xFFFFFFF0] =	vst v5;
	v8 =	vpsel p1, v6, v7  }
0x3a8: {  	v5 =	vpsel p1, v7, v6;
	[tilespmem:s1+$0xFFFFFFE0] =	vst v8  }
0x3a9: {  	s2 =	simm.s32 $0x1C040;
	[tilespmem:s1+$0xFFFFFFC0] =	vst v5  }
0x3aa: {  	v5 =	vld [tilespmem:s2+$0x30]  }
0x3ab: {  	v6 =	vld [tilespmem:s2+$0x20]  }
0x3ac: {  	v7 =	vld [tilespmem:s2+$0x10]  }
0x3ad: {  	v8 =	vld [tilespmem:s2+$0x0]  }
0x3ae: {  	s22 =	simm.s32 $0x0;
	v11 =	vld [tilespmem:s2+$0xFFFFFFF0]  }
0x3af: {  	s0 =	sand.u32 $0x4, s22;
	v12 =	vld [tilespmem:s2+$0xFFFFFFE0]  }
0x3b0: {  	p0 =	seq.s32 s0, $0x0;
	v13 =	vld [tilespmem:s2+$0xFFFFFFD0];
	vm0 =	vgt.s32 v6, v5  }
0x3b1: {  	p0 =	por p0, p0;
	s1 =	simm.s32 $0x1C0C0;
	v14 =	vld [tilespmem:s2+$0xFFFFFFC0];
	v9 =	vsel vm0, v5, v6;
	v6 =	vsel vm0, v6, v5  }
0x3b2: {  	v10 =	vld [tilespmem:s1+$0x20];
	vm0 =	vgt.s32 v8, v7;
	v15 =	vpsel p0, v6, v9  }
0x3b3: {  	v5 =	vld [tilespmem:s1+$0x30];
	v9 =	vpsel p0, v9, v6;
	v16 =	vsel vm0, v7, v8;
	v7 =	vsel vm0, v8, v7;
	[tilespmem:s2+$0x20] =	vst v15  }
0x3b4: {  	v6 =	vld [tilespmem:s1+$0x10];
	vm0 =	vgt.s32 v12, v11;
	v8 =	vpsel p0, v7, v16;
	[tilespmem:s2+$0x30] =	vst v9  }
0x3b5: {  	s4 =	simm.s32 $0x4;
	v15 =	vpsel p0, v16, v7;
	v9 =	vld [tilespmem:s1+$0x0];
	v62 =	vsel vm0, v11, v12;
	v11 =	vsel vm0, v12, v11;
	[tilespmem:s2+$0x0] =	vst v8  }
0x3b6: {  	s31 =	sand.u32 $0x4, s4;
	v7 =	vld [tilespmem:s1+$0xFFFFFFF0];
	vm0 =	vgt.s32 v14, v13;
	v8 =	vpsel p0, v11, v62;
	[tilespmem:s2+$0x10] =	vst v15  }
0x3b7: {  	p6 =	seq.s32 s31, $0x0;
	v15 =	vpsel p0, v62, v11;
	v11 =	vld [tilespmem:s1+$0xFFFFFFE0];
	v63 =	vsel vm0, v13, v14;
	v13 =	vsel vm0, v14, v13;
	[tilespmem:s2+$0xFFFFFFE0] =	vst v8  }
0x3b8: {  	s0 =	simm.s32 $0x1C0C0;
	p1 =	por p6, p6;
	v8 =	vld [tilespmem:s1+$0xFFFFFFD0];
	v12 =	vpsel p0, v13, v63;
	v13 =	vpsel p0, v63, v13;
	[tilespmem:s2+$0xFFFFFFF0] =	vst v15;
	vm0 =	vgt.s32 v10, v5  }
.LBB2_85:
0x3b9: {  	s4 =	sadd.s32 $0x4, s4;
	v14 =	vld [tilespmem:s1+$0xFFFFFFC0];
	v15 =	vsel vm0, v5, v10;
	v10 =	vsel vm0, v10, v5;
	s0 =	sadd.s32 $0x80, s0;
	[tilespmem:s2+$0xFFFFFFD0] =	vst v13  }
0x3ba: {  	s5 =	sand.u32 $0x4, s4;
	v5 =	vld [tilespmem:s0+$0x30];
	p2 =	slt.u32 s4, $0x3C;
	vm0 =	vgt.s32 v9, v6;
	v13 =	vpsel p1, v10, v15;
	v15 =	vpsel p1, v15, v10;
	[tilespmem:s2+$0xFFFFFFC0] =	vst v12;
	s2 =	smov.u32 s1  }
0x3bb: {  	s1 =	smov.u32 s0;
	p0 =	seq.s32 s5, $0x0;
	v10 =	vld [tilespmem:s0+$0x20];
	v12 =	vsel vm0, v6, v9;
	v9 =	vsel vm0, v9, v6;
	[tilespmem:s2+$0x20] =	vst v13  }
.Ltmp43:
0x3bc: {  	v6 =	vld [tilespmem:s0+$0x10];
	vm0 =	vgt.s32 v11, v7;
	v13 =	vpsel p1, v9, v12;
	v12 =	vpsel p1, v12, v9;
	[tilespmem:s2+$0x30] =	vst v15;
	(pc) =	sbr.rel @p2 .LBB2_85-.Ltmp43, $4  }
0x3bd: {  	v9 =	vld [tilespmem:s0+$0x0];
	v15 =	vsel vm0, v7, v11;
	v11 =	vsel vm0, v11, v7;
	[tilespmem:s2+$0x0] =	vst v13  }
0x3be: {  	v7 =	vld [tilespmem:s0+$0xFFFFFFF0];
	vm0 =	vgt.s32 v14, v8;
	v13 =	vpsel p1, v11, v15;
	v15 =	vpsel p1, v15, v11;
	[tilespmem:s2+$0x10] =	vst v12  }
0x3bf: {  	v11 =	vld [tilespmem:s0+$0xFFFFFFE0];
	v16 =	vsel vm0, v8, v14;
	v14 =	vsel vm0, v14, v8;
	[tilespmem:s2+$0xFFFFFFE0] =	vst v13  }
0x3c0: {  	v8 =	vld [tilespmem:s0+$0xFFFFFFD0];
	vm0 =	vgt.s32 v10, v5;
	v12 =	vpsel p1, v14, v16;
	v13 =	vpsel p1, v16, v14;
	[tilespmem:s2+$0xFFFFFFF0] =	vst v15;
	p1 =	por p0, p0  }
0x3c1: {  	v14 =	vld [tilespmem:s1+$0xFFFFFFC0];
	v15 =	vsel vm0, v5, v10;
	v5 =	vsel vm0, v10, v5;
	[tilespmem:s2+$0xFFFFFFD0] =	vst v13  }
0x3c2: {  	[tilespmem:s2+$0xFFFFFFC0] =	vst v12;
	vm13 =	vgt.s32 v9, v6;
	v10 =	vpsel p1, v5, v15  }
0x3c3: {  	v5 =	vpsel p1, v15, v5;
	v12 =	vsel vm13, v6, v9;
	v6 =	vsel vm13, v9, v6;
	[tilespmem:s1+$0x20] =	vst v10  }
0x3c4: {  	[tilespmem:s1+$0x30] =	vst v5;
	vm14 =	vgt.s32 v11, v7;
	v9 =	vpsel p1, v6, v12  }
0x3c5: {  	v5 =	vpsel p1, v12, v6;
	v6 =	vsel vm14, v7, v11;
	v7 =	vsel vm14, v11, v7;
	[tilespmem:s1+$0x0] =	vst v9  }
0x3c6: {  	[tilespmem:s1+$0x10] =	vst v5;
	vm15 =	vgt.s32 v14, v8;
	v9 =	vpsel p1, v7, v6  }
0x3c7: {  	v5 =	vpsel p1, v6, v7;
	v6 =	vsel vm15, v8, v14;
	v7 =	vsel vm15, v14, v8;
	[tilespmem:s1+$0xFFFFFFE0] =	vst v9  }
0x3c8: {  	[tilespmem:s1+$0xFFFFFFF0] =	vst v5;
	v8 =	vpsel p1, v6, v7  }
0x3c9: {  	v5 =	vpsel p1, v7, v6;
	[tilespmem:s1+$0xFFFFFFD0] =	vst v8  }
0x3ca: {  	s24 =	simm.s32 $0x1C020;
	[tilespmem:s1+$0xFFFFFFC0] =	vst v5  }
0x3cb: {  	v5 =	vld [tilespmem:s24+$0x10]  }
0x3cc: {  	v6 =	vld [tilespmem:s24+$0x0]  }
0x3cd: {  	v7 =	vld [tilespmem:s24+$0xFFFFFFF0];
	_ =	sdelay $0x2  }
0x3ce: {  	s23 =	simm.s32 $0x1C060;
	v8 =	vld [tilespmem:s24+$0xFFFFFFE0]  }
0x3cf: {  	v9 =	vld [tilespmem:s23+$0x10];
	v5 =	vxor.u32 $0x80000000, v5  }
0x3d0: {  	v6 =	vxor.u32 $0x80000000, v6;
	(xrf1) =	vsort.ascd.msk.u32 $0xffff, v5, v5;
	v5 =	vxor.u32 $0x80000000, v7;
	v7 =	vld [tilespmem:s23+$0x0]  }
0x3d1: {  	(xrf1) =	vsort.ascd.msk.u32 $0xffff, v6, v6;
	_ =	sdelay $0x1  }
0x3d2: {  	v6 =	vxor.u32 $0x80000000, v8;
	(xrf1) =	vsort.ascd.msk.u32 $0xffff, v5, v5  }
0x3d3: {  	v8 =	vld [tilespmem:s23+$0xFFFFFFF0];
	(xrf1) =	vsort.ascd.msk.u32 $0xffff, v6, v6;
	v6 =	vxor.u32 $0x80000000, v9  }
0x3d4: {  	s21 =	simm.s32 $0x1C0A0;
	v5 =	vld [tilespmem:s23+$0xFFFFFFE0];
	(xrf1) =	vsort.ascd.msk.u32 $0xffff, v6, v6;
	v7 =	vxor.u32 $0x80000000, v7  }
0x3d5: {  	(xrf1) =	vsort.ascd.msk.u32 $0xffff, v7, v7;
	v7 =	vld [tilespmem:s21+$0x10]  }
0x3d6: {  	v9 =	vld [tilespmem:s21+$0x0]  }
0x3d7: {  	s19 =	simm.s32 $0x1C0E0;
	v10 =	vld [tilespmem:s21+$0xFFFFFFF0]  }
0x3d8: {  	v11 =	vld [tilespmem:s19+$0x10];
	v8 =	vxor.u32 $0x80000000, v8  }
0x3d9: {  	v6 =	vld [tilespmem:s21+$0xFFFFFFE0];
	v5 =	vxor.u32 $0x80000000, v5;
	(xrf1) =	vsort.ascd.msk.u32 $0xffff, v8, v8  }
0x3da: {  	v8 =	vld [tilespmem:s19+$0xFFFFFFF0];
	(xrf1) =	vsort.ascd.msk.u32 $0xffff, v5, v5;
	v5 =	vxor.u32 $0x80000000, v7  }
0x3db: {  	v9 =	vxor.u32 $0x80000000, v9;
	v7 =	vld [tilespmem:s19+$0x0]  }
0x3dc: {  	(xrf1) =	vsort.ascd.msk.u32 $0xffff, v5, v5  }
0x3dd: {  	v12 =	vld [tilespmem:s19+$0xFFFFFFE0];
	v10 =	vxor.u32 $0x80000000, v10;
	(xrf1) =	vsort.ascd.msk.u32 $0xffff, v9, v9;
	v5, _, _ =	vpop (xrf1)  }
0x3de: {  	v6 =	vxor.u32 $0x80000000, v6;
	v9, _, _ =	vpop (xrf1);
	(xrf1) =	vsort.ascd.msk.u32 $0xffff, v10, v10  }
0x3df: {  	v11 =	vxor.u32 $0x80000000, v11;
	(xrf1) =	vsort.ascd.msk.u32 $0xffff, v6, v6  }
0x3e0: {  	v15 =	vxor.u32 $0x80000000, v8;
	v13, _, _ =	vpop (xrf1);
	v7 =	vxor.u32 $0x80000000, v7;
	(xrf1) =	vsort.ascd.msk.u32 $0xffff, v11, v11  }
0x3e1: {  	v14 =	vxor.u32 $0x80000000, v5;
	v5, _, _ =	vpop (xrf1);
	(xrf1) =	vsort.ascd.msk.u32 $0xffff, v7, v7  }
0x3e2: {  	v19 =	vxor.u32 $0x80000000, v12;
	(xrf1) =	vsort.ascd.msk.u32 $0xffff, v15, v15  }
0x3e3: {  	v15, _, _ =	vpop (xrf1);
	(xrf1) =	vsort.ascd.msk.u32 $0xffff, v19, v19  }
0x3e4: {  	s20 =	simm.s32 $0x1C120  }
0x3e5: {  	v10 =	vld [tilespmem:s20+$0xFFFFFFE0];
	_ =	sdelay $0x1  }
0x3e6: {  	s0 =	sand.u32 $0x8, s22;
	s29 =	simm.s32 $0x4;
	v16 =	vxor.u32 $0x80000000, v9;
	v9 =	vperm.xlane v14, v3;
	v17 =	vxor.u32 $0x80000000, v5;
	v5 =	vld [tilespmem:s20+$0x10]  }
0x3e7: {  	s30 =	simm.s32 $0x8;
	s31 =	simm.s32 $0xC;
	p1 =	seq.s32 s0, $0x0;
	v8 =	vld [tilespmem:s20+$0xFFFFFFF0];
	v6 =	vxor.u32 $0x80000000, v13;
	v18 =	vperm.xlane v16, v3;
	v7 =	vperm.xlane v17, v3  }
0x3e8: {  	s8 =	simm.s32 $0x10;
	s4 =	sand.u32 $0x8, s29;
	s2 =	sand.u32 $0x8, s30;
	v11 =	vld [tilespmem:s20+$0x0];
	v12 =	vperm.xlane v6, v3;
	v13 =	vpsel p1, v9, v14  }
0x3e9: {  	s22 =	sand.u32 $0x8, s8;
	s0 =	simm.s32 $0x1C160;
	s1 =	sand.u32 $0x8, s31;
	v9 =	vxor.u32 $0x80000000, v10;
	v14, _, _ =	vpop (xrf1);
	v10 =	vpsel p1, v7, v17;
	v7 =	vpsel p1, v18, v16  }
.LBB2_87:
0x3ea: {  	s8 =	sadd.s32 $0x4, s8  }
0x3eb: {  	v16 =	vld [tilespmem:s0+$0xFFFFFFE0];
	v17 =	vxor.u32 $0x80000000, v5;
	v18 =	vxor.u32 $0x80000000, v15;
	v15, _, _ =	vpop (xrf1);
	v6 =	vpsel p1, v12, v6;
	[tilespmem:s24+$0x10] =	vst v13;
	p2 =	slt.u32 s8, $0x7C  }
.Ltmp44:
0x3ec: {  	v19 =	vxor.u32 $0x80000000, v14;
	s5 =	sand.u32 $0x8, s8;
	v5 =	vld [tilespmem:s0+$0x10];
	v12 =	vxor.u32 $0x80000000, v8;
	v13 =	vperm.xlane v18, v3;
	v14, _, _ =	vpop (xrf1);
	[tilespmem:s24+$0xFFFFFFF0] =	vst v6;
	(pc) =	sbr.rel @p2 .LBB2_87-.Ltmp44, $4  }
0x3ed: {  	s13 =	smov.u32 s19;
	s19 =	smov.u32 s20;
	s20 =	smov.u32 s0;
	v6 =	vxor.u32 $0x80000000, v15;
	v8 =	vld [tilespmem:s0+$0xFFFFFFF0];
	v20 =	vxor.u32 $0x80000000, v11;
	(xrf1) =	vsort.ascd.msk.u32 $0xffff, v17, v17;
	v17 =	vxor.u32 $0x80000000, v14  }
0x3ee: {  	p1 =	seq.s32 s4, $0x0;
	s4 =	smov.u32 s2;
	s2 =	smov.u32 s1;
	v21 =	vperm.xlane v19, v3;
	v11 =	vld [tilespmem:s0+$0x0];
	(xrf1) =	vsort.ascd.msk.u32 $0xffff, v20, v20;
	v20 =	vperm.xlane v17, v3;
	[tilespmem:s24+$0xFFFFFFE0] =	vst v10  }
0x3ef: {  	s1 =	smov.u32 s22;
	s22 =	smov.u32 s5;
	v13 =	vpsel p1, v13, v18;
	(xrf1) =	vsort.ascd.msk.u32 $0xffff, v12, v12;
	v15, _, _ =	vpop (xrf1);
	v12 =	vperm.xlane v6, v3;
	[tilespmem:s24+$0x0] =	vst v7;
	s24 =	smov.u32 s23  }
0x3f0: {  	s0 =	sadd.s32 $0x40, s0;
	v7 =	vpsel p1, v21, v19;
	s23 =	smov.u32 s21;
	s21 =	smov.u32 s13;
	(xrf1) =	vsort.ascd.msk.u32 $0xffff, v9, v9;
	v9 =	vxor.u32 $0x80000000, v16;
	v14, _, _ =	vpop (xrf1);
	v10 =	vpsel p1, v20, v17  }
0x3f1: {  	v5 =	vxor.u32 $0x80000000, v5  }
0x3f2: {  	(xrf1) =	vsort.ascd.msk.u32 $0xffff, v5, v5;
	v5 =	vxor.u32 $0x80000000, v8  }
0x3f3: {  	v11 =	vxor.u32 $0x80000000, v11  }
0x3f4: {  	(xrf1) =	vsort.ascd.msk.u32 $0xffff, v11, v11  }
0x3f5: {  	v6 =	vpsel p1, v12, v6;
	(xrf1) =	vsort.ascd.msk.u32 $0xffff, v5, v5;
	v5, _, _ =	vpop (xrf1)  }
0x3f6: {  	[tilespmem:s24+$0x10] =	vst v13;
	v8 =	vxor.u32 $0x80000000, v15;
	(xrf1) =	vsort.ascd.msk.u32 $0xffff, v9, v9;
	v9, _, _ =	vpop (xrf1);
	v5 =	vxor.u32 $0x80000000, v5  }
0x3f7: {  	[tilespmem:s24+$0xFFFFFFE0] =	vst v10;
	v11 =	vperm.xlane v8, v3;
	v9 =	vxor.u32 $0x80000000, v9;
	v10 =	vperm.xlane v5, v3  }
0x3f8: {  	p0 =	seq.s32 s4, $0x0;
	v12 =	vxor.u32 $0x80000000, v14;
	[tilespmem:s24+$0xFFFFFFF0] =	vst v6;
	v6, _, _ =	vpop (xrf1);
	v13 =	vperm.xlane v9, v3  }
0x3f9: {  	[tilespmem:s24+$0x0] =	vst v7;
	v8 =	vpsel p0, v11, v8;
	v11 =	vperm.xlane v12, v3;
	v7, _, _ =	vpop (xrf1);
	v6 =	vxor.u32 $0x80000000, v6  }
0x3fa: {  	[tilespmem:s23+$0x10] =	vst v8;
	v14, _, _ =	vpop (xrf1);
	v5 =	vpsel p0, v10, v5;
	v8 =	vpsel p0, v13, v9;
	v9 =	vperm.xlane v6, v3  }
0x3fb: {  	[tilespmem:s23+$0xFFFFFFF0] =	vst v5;
	v5 =	vxor.u32 $0x80000000, v14;
	v10, _, _ =	vpop (xrf1)  }
0x3fc: {  	v11 =	vpsel p0, v11, v12;
	v12 =	vperm.xlane v5, v3;
	v10 =	vxor.u32 $0x80000000, v10  }
0x3fd: {  	p4 =	seq.s32 s2, $0x0;
	v7 =	vxor.u32 $0x80000000, v7;
	[tilespmem:s23+$0xFFFFFFE0] =	vst v8;
	v8, _, _ =	vpop (xrf1);
	v13 =	vperm.xlane v10, v3  }
0x3fe: {  	[tilespmem:s23+$0x0] =	vst v11;
	v11 =	vperm.xlane v7, v3;
	v6 =	vpsel p4, v9, v6;
	v9, _, _ =	vpop (xrf1)  }
0x3ff: {  	v5 =	vpsel p4, v12, v5;
	[tilespmem:s21+$0x10] =	vst v6;
	v14, _, _ =	vpop (xrf1);
	v6 =	vpsel p4, v13, v10  }
0x400: {  	v7 =	vpsel p4, v11, v7;
	v8 =	vxor.u32 $0x80000000, v8;
	[tilespmem:s21+$0xFFFFFFF0] =	vst v5;
	v12, _, _ =	vpop (xrf1);
	v5 =	vxor.u32 $0x80000000, v14  }
0x401: {  	v10 =	vperm.xlane v8, v3;
	v11 =	vxor.u32 $0x80000000, v12;
	v12 =	vperm.xlane v5, v3  }
0x402: {  	p5 =	seq.s32 s1, $0x0;
	[tilespmem:s21+$0xFFFFFFE0] =	vst v6;
	v6, _, _ =	vpop (xrf1)  }
0x403: {  	[tilespmem:s21+$0x0] =	vst v7;
	v9 =	vxor.u32 $0x80000000, v9;
	v8 =	vpsel p5, v10, v8;
	v13 =	vperm.xlane v11, v3;
	v7, _, _ =	vpop (xrf1)  }
0x404: {  	v10 =	vperm.xlane v9, v3;
	[tilespmem:s19+$0x10] =	vst v8;
	v6 =	vxor.u32 $0x80000000, v6;
	v5 =	vpsel p5, v12, v5;
	v14, _, _ =	vpop (xrf1)  }
0x405: {  	v8 =	vpsel p5, v13, v11;
	v11 =	vperm.xlane v6, v3;
	[tilespmem:s19+$0xFFFFFFF0] =	vst v5;
	v12, _, _ =	vpop (xrf1);
	v5 =	vxor.u32 $0x80000000, v14  }
0x406: {  	p6 =	seq.s32 s22, $0x0;
	v9 =	vpsel p5, v10, v9;
	[tilespmem:s19+$0xFFFFFFE0] =	vst v8;
	v10 =	vxor.u32 $0x80000000, v12;
	v8 =	vperm.xlane v5, v3  }
0x407: {  	v7 =	vxor.u32 $0x80000000, v7;
	[tilespmem:s19+$0x0] =	vst v9;
	v6 =	vpsel p6, v11, v6;
	v12 =	vperm.xlane v10, v3  }
0x408: {  	s0 =	simm.s32 $0x0;
	s21 =	simm.s32 $0x0;
	v9 =	vperm.xlane v7, v3;
	[tilespmem:s20+$0x10] =	vst v6;
	v5 =	vpsel p6, v8, v5  }
0x409: {  	s0 =	sand.u32 $0x70, s0;
	s29 =	sand.u32 $0x4, s21;
	v6 =	vpsel p6, v12, v10;
	[tilespmem:s20+$0xFFFFFFF0] =	vst v5  }
0x40a: {  	s0 =	sor.u32 s29, s0;
	v5 =	vpsel p6, v9, v7;
	[tilespmem:s20+$0xFFFFFFE0] =	vst v6  }
0x40b: {  	s2 =	sshll.u32 s0, $0x4;
	[tilespmem:s20+$0x0] =	vst v5  }
0x40c: {  	v5 =	vld [tilespmem:s2+$0x1C030]  }
0x40d: {  	v6 =	vld [tilespmem:s2+$0x1C0B0]  }
0x40e: {  	v9 =	vld [tilespmem:s2+$0x1C000]  }
0x40f: {  	v11 =	vld [tilespmem:s2+$0x1C080]  }
0x410: {  	s4 =	simm.s32 $0x4;
	s8 =	simm.s32 $0x8;
	v13 =	vld [tilespmem:s2+$0x1C010]  }
0x411: {  	s30 =	sand.u32 $0x4, s4;
	s31 =	sand.u32 $0x70, s8;
	v14 =	vld [tilespmem:s2+$0x1C090]  }
0x412: {  	s5 =	sand.u32 $0x8, s21;
	s0 =	sor.u32 s30, s31;
	v7 =	vld [tilespmem:s2+$0x1C020];
	vm0 =	vlt.s32 v5, v6  }
0x413: {  	p1 =	seq.s32 s5, $0x0;
	s1 =	sshll.u32 s0, $0x4;
	v10 =	vld [tilespmem:s2+$0x1C0A0];
	v8 =	vsel vm0, v5, v6;
	v6 =	vsel vm0, v6, v5  }
0x414: {  	vm14 =	vgt.s32 v9, v11;
	v5 =	vld [tilespmem:s1+$0x1C030];
	v12 =	vpsel p1, v8, v6  }
0x415: {  	v16 =	vsel vm14, v11, v9;
	v9 =	vsel vm14, v9, v11;
	v15 =	vpsel p1, v6, v8;
	v8 =	vld [tilespmem:s1+$0x1C0B0];
	[tilespmem:s2+$0x1C0B0] =	vst v12  }
0x416: {  	vm15 =	vlt.s32 v13, v14;
	v6 =	vld [tilespmem:s1+$0x1C000];
	v12 =	vpsel p1, v9, v16;
	[tilespmem:s2+$0x1C030] =	vst v15  }
0x417: {  	s0 =	simm.s32 $0x4;
	v11 =	vpsel p1, v16, v9;
	v9 =	vld [tilespmem:s1+$0x1C080];
	[tilespmem:s2+$0x1C000] =	vst v12;
	v12 =	vsel vm15, v13, v14;
	v13 =	vsel vm15, v14, v13  }
.LBB2_89:
0x418: {  	s4 =	sadd.s32 $0x4, s4;
	v14 =	vld [tilespmem:s1+$0x1C010];
	s8 =	sadd.s32 $0x8, s8;
	[tilespmem:s2+$0x1C080] =	vst v11;
	v11 =	vpsel p1, v13, v12;
	v12 =	vpsel p1, v12, v13;
	vm0 =	vlt.s32 v7, v10  }
0x419: {  	s5 =	sand.u32 $0x4, s4;
	s13 =	sand.u32 $0x70, s8;
	p2 =	slt.u32 s4, $0x3C;
	v13 =	vld [tilespmem:s1+$0x1C090];
	[tilespmem:s2+$0x1C010] =	vst v11;
	v11 =	vsel vm0, v7, v10;
	v10 =	vsel vm0, v10, v7  }
0x41a: {  	s5 =	sor.u32 s5, s13;
	s13 =	sand.u32 $0x8, s0;
	v7 =	vld [tilespmem:s1+$0x1C020];
	vm0 =	vlt.s32 v5, v8;
	[tilespmem:s2+$0x1C090] =	vst v12;
	v12 =	vpsel p1, v10, v11;
	v11 =	vpsel p1, v11, v10;
	s0 =	smov.u32 s4  }
.Ltmp45:
0x41b: {  	s5 =	sshll.u32 s5, $0x4;
	p1 =	seq.s32 s13, $0x0;
	v10 =	vld [tilespmem:s1+$0x1C0A0];
	v15 =	vsel vm0, v5, v8;
	v8 =	vsel vm0, v8, v5;
	[tilespmem:s2+$0x1C020] =	vst v12;
	(pc) =	sbr.rel @p2 .LBB2_89-.Ltmp45, $4  }
0x41c: {  	v5 =	vld [tilespmem:s5+$0x1C030];
	vm0 =	vgt.s32 v6, v9;
	v12 =	vpsel p1, v8, v15;
	v15 =	vpsel p1, v15, v8;
	[tilespmem:s2+$0x1C0A0] =	vst v11;
	s2 =	smov.u32 s1;
	s1 =	smov.u32 s5  }
0x41d: {  	v8 =	vld [tilespmem:s1+$0x1C0B0];
	v11 =	vsel vm0, v9, v6;
	v9 =	vsel vm0, v6, v9;
	[tilespmem:s2+$0x1C0B0] =	vst v15  }
0x41e: {  	v6 =	vld [tilespmem:s1+$0x1C000];
	v15 =	vpsel p1, v9, v11;
	v11 =	vpsel p1, v11, v9;
	vm0 =	vlt.s32 v14, v13;
	[tilespmem:s2+$0x1C030] =	vst v12  }
0x41f: {  	v9 =	vld [tilespmem:s1+$0x1C080];
	[tilespmem:s2+$0x1C000] =	vst v15;
	v12 =	vsel vm0, v14, v13;
	v13 =	vsel vm0, v13, v14  }
0x420: {  	v14 =	vld [tilespmem:s1+$0x1C010];
	[tilespmem:s2+$0x1C080] =	vst v11;
	v11 =	vpsel p1, v13, v12;
	vm0 =	vlt.s32 v7, v10  }
0x421: {  	v12 =	vpsel p1, v12, v13;
	v13 =	vld [tilespmem:s1+$0x1C090];
	[tilespmem:s2+$0x1C010] =	vst v11;
	v11 =	vsel vm0, v7, v10;
	v7 =	vsel vm0, v10, v7  }
0x422: {  	s0 =	sand.u32 $0x8, s0;
	v10 =	vld [tilespmem:s1+$0x1C020];
	[tilespmem:s2+$0x1C090] =	vst v12;
	vm0 =	vlt.s32 v5, v8;
	v12 =	vpsel p1, v7, v11  }
0x423: {  	p0 =	seq.s32 s0, $0x0;
	v7 =	vpsel p1, v11, v7;
	v11 =	vld [tilespmem:s1+$0x1C0A0];
	v15 =	vsel vm0, v5, v8;
	v5 =	vsel vm0, v8, v5;
	[tilespmem:s2+$0x1C020] =	vst v12  }
0x424: {  	[tilespmem:s2+$0x1C0A0] =	vst v7;
	vm0 =	vgt.s32 v6, v9;
	v8 =	vpsel p0, v15, v5  }
0x425: {  	v5 =	vpsel p0, v5, v15;
	v7 =	vsel vm0, v9, v6;
	v6 =	vsel vm0, v6, v9;
	[tilespmem:s1+$0x1C0B0] =	vst v8  }
0x426: {  	vm0 =	vlt.s32 v14, v13;
	[tilespmem:s1+$0x1C030] =	vst v5;
	v8 =	vpsel p0, v6, v7  }
0x427: {  	v5 =	vpsel p0, v7, v6;
	v6 =	vsel vm0, v14, v13;
	v7 =	vsel vm0, v13, v14;
	[tilespmem:s1+$0x1C000] =	vst v8  }
0x428: {  	[tilespmem:s1+$0x1C080] =	vst v5;
	v5 =	vpsel p0, v7, v6;
	vm0 =	vlt.s32 v10, v11  }
0x429: {  	v6 =	vpsel p0, v6, v7;
	[tilespmem:s1+$0x1C010] =	vst v5;
	v5 =	vsel vm0, v10, v11;
	v7 =	vsel vm0, v11, v10  }
0x42a: {  	[tilespmem:s1+$0x1C090] =	vst v6;
	v6 =	vpsel p0, v7, v5  }
0x42b: {  	v5 =	vpsel p0, v5, v7;
	[tilespmem:s1+$0x1C020] =	vst v6  }
0x42c: {  	s19 =	simm.s32 $0x1C040;
	[tilespmem:s1+$0x1C0A0] =	vst v5  }
0x42d: {  	v5 =	vld [tilespmem:s19+$0x30]  }
0x42e: {  	v6 =	vld [tilespmem:s19+$0xFFFFFFF0]  }
0x42f: {  	v7 =	vld [tilespmem:s19+$0x20]  }
0x430: {  	v8 =	vld [tilespmem:s19+$0xFFFFFFE0]  }
0x431: {  	v11 =	vld [tilespmem:s19+$0x10]  }
0x432: {  	s30 =	sand.u32 $0x8, s21;
	v12 =	vld [tilespmem:s19+$0xFFFFFFD0]  }
0x433: {  	p5 =	seq.s32 s30, $0x0;
	v13 =	vld [tilespmem:s19+$0x0];
	vm0 =	vgt.s32 v6, v5  }
0x434: {  	p0 =	por p5, p5;
	s1 =	simm.s32 $0x1C0C0;
	v14 =	vld [tilespmem:s19+$0xFFFFFFC0];
	v9 =	vsel vm0, v5, v6;
	v6 =	vsel vm0, v6, v5  }
0x435: {  	v10 =	vld [tilespmem:s1+$0xFFFFFFF0];
	vm0 =	vgt.s32 v8, v7;
	v15 =	vpsel p0, v6, v9  }
0x436: {  	v5 =	vld [tilespmem:s1+$0x30];
	v9 =	vpsel p0, v9, v6;
	v16 =	vsel vm0, v7, v8;
	v7 =	vsel vm0, v8, v7;
	[tilespmem:s19+$0xFFFFFFF0] =	vst v15  }
0x437: {  	v6 =	vld [tilespmem:s1+$0x20];
	vm0 =	vgt.s32 v12, v11;
	v8 =	vpsel p0, v7, v16;
	[tilespmem:s19+$0x30] =	vst v9  }
0x438: {  	s2 =	simm.s32 $0x4;
	v15 =	vpsel p0, v16, v7;
	v9 =	vld [tilespmem:s1+$0xFFFFFFE0];
	v62 =	vsel vm0, v11, v12;
	v11 =	vsel vm0, v12, v11;
	[tilespmem:s19+$0xFFFFFFE0] =	vst v8  }
0x439: {  	s31 =	sand.u32 $0x8, s2;
	v7 =	vld [tilespmem:s1+$0x10];
	vm0 =	vgt.s32 v14, v13;
	v8 =	vpsel p0, v11, v62;
	[tilespmem:s19+$0x20] =	vst v15  }
0x43a: {  	p6 =	seq.s32 s31, $0x0;
	v15 =	vpsel p0, v62, v11;
	v11 =	vld [tilespmem:s1+$0xFFFFFFD0];
	v63 =	vsel vm0, v13, v14;
	v13 =	vsel vm0, v14, v13;
	[tilespmem:s19+$0xFFFFFFD0] =	vst v8  }
0x43b: {  	s4 =	simm.s32 $0x1C0C0;
	s0 =	simm.s32 $0x1C040;
	p1 =	por p6, p6;
	v8 =	vld [tilespmem:s1+$0x0];
	v12 =	vpsel p0, v13, v63;
	v13 =	vpsel p0, v63, v13;
	[tilespmem:s19+$0x10] =	vst v15;
	vm0 =	vgt.s32 v10, v5  }
.LBB2_91:
0x43c: {  	s2 =	sadd.s32 $0x4, s2;
	v14 =	vld [tilespmem:s1+$0xFFFFFFC0];
	v15 =	vsel vm0, v5, v10;
	v10 =	vsel vm0, v10, v5;
	s4 =	sadd.s32 $0x80, s4;
	[tilespmem:s0+$0x0] =	vst v13  }
0x43d: {  	s5 =	sand.u32 $0x8, s2;
	v5 =	vld [tilespmem:s4+$0x30];
	p2 =	slt.u32 s2, $0x3C;
	vm0 =	vgt.s32 v9, v6;
	v13 =	vpsel p1, v10, v15;
	v15 =	vpsel p1, v15, v10;
	[tilespmem:s0+$0xFFFFFFC0] =	vst v12;
	s0 =	smov.u32 s1  }
0x43e: {  	s1 =	smov.u32 s4;
	p0 =	seq.s32 s5, $0x0;
	v10 =	vld [tilespmem:s4+$0xFFFFFFF0];
	v12 =	vsel vm0, v6, v9;
	v9 =	vsel vm0, v9, v6;
	[tilespmem:s0+$0xFFFFFFF0] =	vst v13  }
.Ltmp46:
0x43f: {  	v6 =	vld [tilespmem:s4+$0x20];
	vm0 =	vgt.s32 v11, v7;
	v13 =	vpsel p1, v9, v12;
	v12 =	vpsel p1, v12, v9;
	[tilespmem:s0+$0x30] =	vst v15;
	(pc) =	sbr.rel @p2 .LBB2_91-.Ltmp46, $4  }
0x440: {  	v9 =	vld [tilespmem:s4+$0xFFFFFFE0];
	v15 =	vsel vm0, v7, v11;
	v11 =	vsel vm0, v11, v7;
	[tilespmem:s0+$0xFFFFFFE0] =	vst v13  }
0x441: {  	v7 =	vld [tilespmem:s4+$0x10];
	vm0 =	vgt.s32 v14, v8;
	v13 =	vpsel p1, v11, v15;
	v15 =	vpsel p1, v15, v11;
	[tilespmem:s0+$0x20] =	vst v12  }
0x442: {  	v11 =	vld [tilespmem:s4+$0xFFFFFFD0];
	v16 =	vsel vm0, v8, v14;
	v14 =	vsel vm0, v14, v8;
	[tilespmem:s0+$0xFFFFFFD0] =	vst v13  }
0x443: {  	v8 =	vld [tilespmem:s4+$0x0];
	vm0 =	vgt.s32 v10, v5;
	v12 =	vpsel p1, v14, v16;
	v13 =	vpsel p1, v16, v14;
	[tilespmem:s0+$0x10] =	vst v15;
	p1 =	por p0, p0  }
0x444: {  	v14 =	vld [tilespmem:s1+$0xFFFFFFC0];
	v15 =	vsel vm0, v5, v10;
	v5 =	vsel vm0, v10, v5;
	[tilespmem:s0+$0x0] =	vst v13  }
0x445: {  	[tilespmem:s0+$0xFFFFFFC0] =	vst v12;
	vm0 =	vgt.s32 v9, v6;
	v10 =	vpsel p1, v5, v15  }
0x446: {  	v5 =	vpsel p1, v15, v5;
	v12 =	vsel vm0, v6, v9;
	v6 =	vsel vm0, v9, v6;
	[tilespmem:s1+$0xFFFFFFF0] =	vst v10  }
0x447: {  	[tilespmem:s1+$0x30] =	vst v5;
	vm0 =	vgt.s32 v11, v7;
	v9 =	vpsel p1, v6, v12  }
0x448: {  	v5 =	vpsel p1, v12, v6;
	v6 =	vsel vm0, v7, v11;
	v7 =	vsel vm0, v11, v7;
	[tilespmem:s1+$0xFFFFFFE0] =	vst v9  }
0x449: {  	[tilespmem:s1+$0x20] =	vst v5;
	vm0 =	vgt.s32 v14, v8;
	v9 =	vpsel p1, v7, v6  }
0x44a: {  	v5 =	vpsel p1, v6, v7;
	v6 =	vsel vm0, v8, v14;
	v7 =	vsel vm0, v14, v8;
	[tilespmem:s1+$0xFFFFFFD0] =	vst v9  }
0x44b: {  	[tilespmem:s1+$0x10] =	vst v5;
	v8 =	vpsel p1, v6, v7  }
0x44c: {  	v5 =	vpsel p1, v7, v6;
	[tilespmem:s1+$0x0] =	vst v8  }
0x44d: {  	[tilespmem:s1+$0xFFFFFFC0] =	vst v5  }
0x44e: {  	v5 =	vld [tilespmem:s19+$0x30]  }
0x44f: {  	v6 =	vld [tilespmem:s19+$0x10]  }
0x450: {  	v7 =	vld [tilespmem:s19+$0x20]  }
0x451: {  	v8 =	vld [tilespmem:s19+$0x0]  }
0x452: {  	s30 =	simm.s32 $0x0;
	v11 =	vld [tilespmem:s19+$0xFFFFFFF0]  }
0x453: {  	s0 =	sand.u32 $0x8, s30;
	v12 =	vld [tilespmem:s19+$0xFFFFFFD0]  }
0x454: {  	p0 =	seq.s32 s0, $0x0;
	v13 =	vld [tilespmem:s19+$0xFFFFFFE0];
	vm0 =	vgt.s32 v6, v5  }
0x455: {  	p1 =	por p0, p0;
	s1 =	simm.s32 $0x1C0C0;
	v14 =	vld [tilespmem:s19+$0xFFFFFFC0];
	v9 =	vsel vm0, v5, v6;
	v6 =	vsel vm0, v6, v5  }
0x456: {  	v10 =	vld [tilespmem:s1+$0x10];
	vm0 =	vgt.s32 v8, v7;
	v15 =	vpsel p1, v6, v9  }
0x457: {  	v5 =	vld [tilespmem:s1+$0x30];
	v9 =	vpsel p1, v9, v6;
	v16 =	vsel vm0, v7, v8;
	v7 =	vsel vm0, v8, v7;
	[tilespmem:s19+$0x10] =	vst v15  }
0x458: {  	v6 =	vld [tilespmem:s1+$0x20];
	vm0 =	vgt.s32 v12, v11;
	v8 =	vpsel p1, v7, v16;
	[tilespmem:s19+$0x30] =	vst v9  }
0x459: {  	s2 =	simm.s32 $0x4;
	v15 =	vpsel p1, v16, v7;
	v9 =	vld [tilespmem:s1+$0x0];
	v62 =	vsel vm0, v11, v12;
	v11 =	vsel vm0, v12, v11;
	[tilespmem:s19+$0x0] =	vst v8  }
0x45a: {  	s31 =	sand.u32 $0x8, s2;
	v7 =	vld [tilespmem:s1+$0xFFFFFFF0];
	vm0 =	vgt.s32 v14, v13;
	v8 =	vpsel p1, v11, v62;
	[tilespmem:s19+$0x20] =	vst v15  }
0x45b: {  	p6 =	seq.s32 s31, $0x0;
	v15 =	vpsel p1, v62, v11;
	v11 =	vld [tilespmem:s1+$0xFFFFFFD0];
	v63 =	vsel vm0, v13, v14;
	v13 =	vsel vm0, v14, v13;
	[tilespmem:s19+$0xFFFFFFD0] =	vst v8  }
0x45c: {  	s0 =	simm.s32 $0x1C0C0;
	p2 =	por p6, p6;
	v8 =	vld [tilespmem:s1+$0xFFFFFFE0];
	v12 =	vpsel p1, v13, v63;
	v13 =	vpsel p1, v63, v13;
	[tilespmem:s19+$0xFFFFFFF0] =	vst v15;
	vm0 =	vgt.s32 v10, v5  }
.LBB2_93:
0x45d: {  	s2 =	sadd.s32 $0x4, s2;
	v14 =	vld [tilespmem:s1+$0xFFFFFFC0];
	v15 =	vsel vm0, v5, v10;
	v10 =	vsel vm0, v10, v5;
	s0 =	sadd.s32 $0x80, s0;
	[tilespmem:s19+$0xFFFFFFE0] =	vst v13  }
0x45e: {  	s4 =	sand.u32 $0x8, s2;
	v5 =	vld [tilespmem:s0+$0x30];
	p3 =	slt.u32 s2, $0x3C;
	vm0 =	vgt.s32 v9, v6;
	v13 =	vpsel p2, v10, v15;
	v15 =	vpsel p2, v15, v10;
	[tilespmem:s19+$0xFFFFFFC0] =	vst v12;
	s19 =	smov.u32 s1  }
0x45f: {  	s1 =	smov.u32 s0;
	p0 =	seq.s32 s4, $0x0;
	v10 =	vld [tilespmem:s0+$0x10];
	v12 =	vsel vm0, v6, v9;
	v9 =	vsel vm0, v9, v6;
	[tilespmem:s19+$0x10] =	vst v13  }
.Ltmp47:
0x460: {  	v6 =	vld [tilespmem:s0+$0x20];
	vm0 =	vgt.s32 v11, v7;
	v13 =	vpsel p2, v9, v12;
	v12 =	vpsel p2, v12, v9;
	[tilespmem:s19+$0x30] =	vst v15;
	(pc) =	sbr.rel @p3 .LBB2_93-.Ltmp47, $4  }
0x461: {  	v9 =	vld [tilespmem:s0+$0x0];
	v15 =	vsel vm0, v7, v11;
	v11 =	vsel vm0, v11, v7;
	[tilespmem:s19+$0x0] =	vst v13  }
0x462: {  	v7 =	vld [tilespmem:s0+$0xFFFFFFF0];
	vm0 =	vgt.s32 v14, v8;
	v13 =	vpsel p2, v11, v15;
	v15 =	vpsel p2, v15, v11;
	[tilespmem:s19+$0x20] =	vst v12  }
0x463: {  	v11 =	vld [tilespmem:s0+$0xFFFFFFD0];
	v16 =	vsel vm0, v8, v14;
	v14 =	vsel vm0, v14, v8;
	[tilespmem:s19+$0xFFFFFFD0] =	vst v13  }
0x464: {  	v8 =	vld [tilespmem:s0+$0xFFFFFFE0];
	vm0 =	vgt.s32 v10, v5;
	v12 =	vpsel p2, v14, v16;
	v13 =	vpsel p2, v16, v14;
	[tilespmem:s19+$0xFFFFFFF0] =	vst v15;
	p2 =	por p0, p0  }
0x465: {  	v14 =	vld [tilespmem:s1+$0xFFFFFFC0];
	v15 =	vsel vm0, v5, v10;
	v5 =	vsel vm0, v10, v5;
	[tilespmem:s19+$0xFFFFFFE0] =	vst v13  }
0x466: {  	[tilespmem:s19+$0xFFFFFFC0] =	vst v12;
	vm0 =	vgt.s32 v9, v6;
	v10 =	vpsel p2, v5, v15  }
0x467: {  	v5 =	vpsel p2, v15, v5;
	v12 =	vsel vm0, v6, v9;
	v6 =	vsel vm0, v9, v6;
	[tilespmem:s1+$0x10] =	vst v10  }
0x468: {  	[tilespmem:s1+$0x30] =	vst v5;
	vm0 =	vgt.s32 v11, v7;
	v9 =	vpsel p2, v6, v12  }
0x469: {  	v5 =	vpsel p2, v12, v6;
	v6 =	vsel vm0, v7, v11;
	v7 =	vsel vm0, v11, v7;
	[tilespmem:s1+$0x0] =	vst v9  }
0x46a: {  	[tilespmem:s1+$0x20] =	vst v5;
	vm0 =	vgt.s32 v14, v8;
	v9 =	vpsel p2, v7, v6  }
0x46b: {  	v5 =	vpsel p2, v6, v7;
	v6 =	vsel vm0, v8, v14;
	v7 =	vsel vm0, v14, v8;
	[tilespmem:s1+$0xFFFFFFD0] =	vst v9  }
0x46c: {  	[tilespmem:s1+$0xFFFFFFF0] =	vst v5;
	v8 =	vpsel p2, v6, v7  }
0x46d: {  	v5 =	vpsel p2, v7, v6;
	[tilespmem:s1+$0xFFFFFFE0] =	vst v8  }
0x46e: {  	s2 =	simm.s32 $0x1C040;
	[tilespmem:s1+$0xFFFFFFC0] =	vst v5  }
0x46f: {  	v5 =	vld [tilespmem:s2+$0x30]  }
0x470: {  	v6 =	vld [tilespmem:s2+$0x20]  }
0x471: {  	v7 =	vld [tilespmem:s2+$0x10]  }
0x472: {  	v8 =	vld [tilespmem:s2+$0x0]  }
0x473: {  	v11 =	vld [tilespmem:s2+$0xFFFFFFF0]  }
0x474: {  	v12 =	vld [tilespmem:s2+$0xFFFFFFE0]  }
0x475: {  	v13 =	vld [tilespmem:s2+$0xFFFFFFD0];
	vm0 =	vgt.s32 v6, v5  }
0x476: {  	s1 =	simm.s32 $0x1C0C0;
	v14 =	vld [tilespmem:s2+$0xFFFFFFC0];
	v10 =	vsel vm0, v5, v6;
	v6 =	vsel vm0, v6, v5  }
0x477: {  	v9 =	vld [tilespmem:s1+$0x20];
	vm0 =	vgt.s32 v8, v7;
	v15 =	vpsel p1, v6, v10  }
0x478: {  	v5 =	vld [tilespmem:s1+$0x30];
	v16 =	vsel vm0, v7, v8;
	v7 =	vsel vm0, v8, v7;
	v8 =	vpsel p1, v10, v6;
	[tilespmem:s2+$0x20] =	vst v15  }
0x479: {  	v6 =	vld [tilespmem:s1+$0x10];
	vm0 =	vgt.s32 v12, v11;
	v15 =	vpsel p1, v7, v16;
	[tilespmem:s2+$0x30] =	vst v8  }
0x47a: {  	s4 =	simm.s32 $0x4;
	v10 =	vld [tilespmem:s1+$0x0];
	v8 =	vpsel p1, v16, v7;
	v62 =	vsel vm0, v11, v12;
	v11 =	vsel vm0, v12, v11;
	[tilespmem:s2+$0x0] =	vst v15  }
0x47b: {  	s0 =	sand.u32 $0x8, s4;
	v7 =	vld [tilespmem:s1+$0xFFFFFFF0];
	vm0 =	vgt.s32 v14, v13;
	v12 =	vpsel p1, v11, v62;
	[tilespmem:s2+$0x10] =	vst v8  }
0x47c: {  	p0 =	seq.s32 s0, $0x0;
	v15 =	vpsel p1, v62, v11;
	v11 =	vld [tilespmem:s1+$0xFFFFFFE0];
	v63 =	vsel vm0, v13, v14;
	v13 =	vsel vm0, v14, v13;
	[tilespmem:s2+$0xFFFFFFE0] =	vst v12  }
0x47d: {  	s0 =	simm.s32 $0x1C0C0;
	v8 =	vld [tilespmem:s1+$0xFFFFFFD0];
	v12 =	vpsel p1, v13, v63;
	v13 =	vpsel p1, v63, v13;
	[tilespmem:s2+$0xFFFFFFF0] =	vst v15;
	p1 =	por p0, p0;
	vm0 =	vgt.s32 v9, v5  }
.LBB2_95:
0x47e: {  	s4 =	sadd.s32 $0x4, s4;
	v14 =	vld [tilespmem:s1+$0xFFFFFFC0];
	v15 =	vsel vm0, v5, v9;
	v16 =	vsel vm0, v9, v5;
	s0 =	sadd.s32 $0x80, s0;
	[tilespmem:s2+$0xFFFFFFD0] =	vst v13  }
0x47f: {  	s5 =	sand.u32 $0x8, s4;
	v5 =	vld [tilespmem:s0+$0x30];
	p2 =	slt.u32 s4, $0x3C;
	vm0 =	vgt.s32 v10, v6;
	v13 =	vpsel p1, v16, v15;
	[tilespmem:s2+$0xFFFFFFC0] =	vst v12;
	s2 =	smov.u32 s1  }
0x480: {  	s1 =	smov.u32 s0;
	p0 =	seq.s32 s5, $0x0;
	v9 =	vld [tilespmem:s0+$0x20];
	v12 =	vsel vm0, v6, v10;
	v10 =	vsel vm0, v10, v6;
	[tilespmem:s2+$0x20] =	vst v13;
	v13 =	vpsel p1, v15, v16  }
.Ltmp48:
0x481: {  	v6 =	vld [tilespmem:s0+$0x10];
	vm0 =	vgt.s32 v11, v7;
	v15 =	vpsel p1, v10, v12;
	v12 =	vpsel p1, v12, v10;
	[tilespmem:s2+$0x30] =	vst v13;
	(pc) =	sbr.rel @p2 .LBB2_95-.Ltmp48, $4  }
0x482: {  	v10 =	vld [tilespmem:s0+$0x0];
	v13 =	vsel vm0, v7, v11;
	v11 =	vsel vm0, v11, v7;
	[tilespmem:s2+$0x0] =	vst v15  }
0x483: {  	v7 =	vld [tilespmem:s0+$0xFFFFFFF0];
	vm0 =	vgt.s32 v14, v8;
	v15 =	vpsel p1, v11, v13;
	v16 =	vpsel p1, v13, v11;
	[tilespmem:s2+$0x10] =	vst v12  }
0x484: {  	v11 =	vld [tilespmem:s0+$0xFFFFFFE0];
	v13 =	vsel vm0, v8, v14;
	v14 =	vsel vm0, v14, v8;
	[tilespmem:s2+$0xFFFFFFE0] =	vst v15  }
0x485: {  	v8 =	vld [tilespmem:s0+$0xFFFFFFD0];
	vm0 =	vgt.s32 v9, v5;
	v12 =	vpsel p1, v14, v13;
	v13 =	vpsel p1, v13, v14;
	[tilespmem:s2+$0xFFFFFFF0] =	vst v16;
	p1 =	por p0, p0  }
0x486: {  	v14 =	vld [tilespmem:s1+$0xFFFFFFC0];
	v15 =	vsel vm0, v5, v9;
	v5 =	vsel vm0, v9, v5;
	[tilespmem:s2+$0xFFFFFFD0] =	vst v13  }
0x487: {  	[tilespmem:s2+$0xFFFFFFC0] =	vst v12;
	vm13 =	vgt.s32 v10, v6;
	v9 =	vpsel p1, v5, v15  }
0x488: {  	v5 =	vpsel p1, v15, v5;
	v12 =	vsel vm13, v6, v10;
	v6 =	vsel vm13, v10, v6;
	[tilespmem:s1+$0x20] =	vst v9  }
0x489: {  	[tilespmem:s1+$0x30] =	vst v5;
	vm14 =	vgt.s32 v11, v7;
	v9 =	vpsel p1, v6, v12  }
0x48a: {  	v5 =	vpsel p1, v12, v6;
	v6 =	vsel vm14, v7, v11;
	v7 =	vsel vm14, v11, v7;
	[tilespmem:s1+$0x0] =	vst v9  }
0x48b: {  	[tilespmem:s1+$0x10] =	vst v5;
	vm15 =	vgt.s32 v14, v8;
	v9 =	vpsel p1, v7, v6  }
0x48c: {  	v5 =	vpsel p1, v6, v7;
	v6 =	vsel vm15, v8, v14;
	v7 =	vsel vm15, v14, v8;
	[tilespmem:s1+$0xFFFFFFE0] =	vst v9  }
0x48d: {  	[tilespmem:s1+$0xFFFFFFF0] =	vst v5;
	v8 =	vpsel p1, v6, v7  }
0x48e: {  	v5 =	vpsel p1, v7, v6;
	[tilespmem:s1+$0xFFFFFFD0] =	vst v8  }
0x48f: {  	s25 =	simm.s32 $0x1C020;
	[tilespmem:s1+$0xFFFFFFC0] =	vst v5  }
0x490: {  	v5 =	vld [tilespmem:s25+$0x10]  }
0x491: {  	v6 =	vld [tilespmem:s25+$0x0]  }
0x492: {  	v7 =	vld [tilespmem:s25+$0xFFFFFFF0];
	_ =	sdelay $0x1  }
0x493: {  	v8 =	vld [tilespmem:s25+$0xFFFFFFE0]  }
0x494: {  	s24 =	simm.s32 $0x1C060  }
0x495: {  	v9 =	vld [tilespmem:s24+$0x10];
	v5 =	vxor.u32 $0x80000000, v5  }
0x496: {  	v6 =	vxor.u32 $0x80000000, v6;
	(xrf1) =	vsort.ascd.msk.u32 $0xffff, v5, v5;
	v5 =	vxor.u32 $0x80000000, v7;
	v7 =	vld [tilespmem:s24+$0x0]  }
0x497: {  	(xrf1) =	vsort.ascd.msk.u32 $0xffff, v6, v6  }
0x498: {  	v6 =	vxor.u32 $0x80000000, v8;
	(xrf1) =	vsort.ascd.msk.u32 $0xffff, v5, v5  }
0x499: {  	(xrf1) =	vsort.ascd.msk.u32 $0xffff, v6, v6  }
0x49a: {  	v8 =	vld [tilespmem:s24+$0xFFFFFFF0];
	v6 =	vxor.u32 $0x80000000, v9  }
0x49b: {  	s22 =	simm.s32 $0x1C0A0;
	v5 =	vld [tilespmem:s24+$0xFFFFFFE0];
	(xrf1) =	vsort.ascd.msk.u32 $0xffff, v6, v6;
	v7 =	vxor.u32 $0x80000000, v7  }
0x49c: {  	(xrf1) =	vsort.ascd.msk.u32 $0xffff, v7, v7;
	v7 =	vld [tilespmem:s22+$0x10]  }
0x49d: {  	v9 =	vld [tilespmem:s22+$0x0]  }
0x49e: {  	s23 =	simm.s32 $0x1C0E0;
	v10 =	vld [tilespmem:s22+$0xFFFFFFF0]  }
0x49f: {  	v11 =	vld [tilespmem:s23+$0x10];
	v8 =	vxor.u32 $0x80000000, v8  }
0x4a0: {  	v6 =	vld [tilespmem:s22+$0xFFFFFFE0];
	v5 =	vxor.u32 $0x80000000, v5;
	(xrf1) =	vsort.ascd.msk.u32 $0xffff, v8, v8  }
0x4a1: {  	v8 =	vld [tilespmem:s23+$0xFFFFFFF0];
	(xrf1) =	vsort.ascd.msk.u32 $0xffff, v5, v5;
	v5 =	vxor.u32 $0x80000000, v7  }
0x4a2: {  	v9 =	vxor.u32 $0x80000000, v9;
	v7 =	vld [tilespmem:s23+$0x0]  }
0x4a3: {  	(xrf1) =	vsort.ascd.msk.u32 $0xffff, v5, v5  }
0x4a4: {  	v12 =	vld [tilespmem:s23+$0xFFFFFFE0];
	v10 =	vxor.u32 $0x80000000, v10;
	v5, _, _ =	vpop (xrf1);
	(xrf1) =	vsort.ascd.msk.u32 $0xffff, v9, v9  }
0x4a5: {  	v6 =	vxor.u32 $0x80000000, v6;
	v9, _, _ =	vpop (xrf1);
	(xrf1) =	vsort.ascd.msk.u32 $0xffff, v10, v10  }
0x4a6: {  	v11 =	vxor.u32 $0x80000000, v11;
	v13, _, _ =	vpop (xrf1);
	(xrf1) =	vsort.ascd.msk.u32 $0xffff, v6, v6  }
0x4a7: {  	v15 =	vxor.u32 $0x80000000, v8;
	v14 =	vxor.u32 $0x80000000, v5;
	v7 =	vxor.u32 $0x80000000, v7;
	v5, _, _ =	vpop (xrf1);
	(xrf1) =	vsort.ascd.msk.u32 $0xffff, v11, v11  }
0x4a8: {  	(xrf1) =	vsort.ascd.msk.u32 $0xffff, v7, v7  }
0x4a9: {  	v12 =	vxor.u32 $0x80000000, v12;
	(xrf1) =	vsort.ascd.msk.u32 $0xffff, v15, v15  }
0x4aa: {  	v15, _, _ =	vpop (xrf1);
	(xrf1) =	vsort.ascd.msk.u32 $0xffff, v12, v12  }
0x4ab: {  	s21 =	simm.s32 $0x1C120  }
0x4ac: {  	v10 =	vld [tilespmem:s21+$0xFFFFFFE0]  }
0x4ad: {  	s20 =	simm.s32 $0x0  }
0x4ae: {  	s19 =	simm.s32 $0x4;
	s0 =	sand.u32 $0x10, s20;
	v16 =	vxor.u32 $0x80000000, v9;
	v9 =	vperm.xlane v14, v3;
	v17 =	vxor.u32 $0x80000000, v5;
	v5 =	vld [tilespmem:s21+$0x10]  }
0x4af: {  	s30 =	simm.s32 $0x8;
	s31 =	simm.s32 $0xC;
	p1 =	seq.s32 s0, $0x0;
	v8 =	vld [tilespmem:s21+$0xFFFFFFF0];
	v6 =	vxor.u32 $0x80000000, v13;
	v18 =	vperm.xlane v16, v3;
	v7 =	vperm.xlane v17, v3  }
0x4b0: {  	s8 =	simm.s32 $0x10;
	s4 =	sand.u32 $0x10, s19;
	s2 =	sand.u32 $0x10, s30;
	v11 =	vld [tilespmem:s21+$0x0];
	v13 =	vperm.xlane v6, v3;
	v14 =	vpsel p1, v9, v14  }
0x4b1: {  	s26 =	sand.u32 $0x10, s8;
	s0 =	simm.s32 $0x1C160;
	s1 =	sand.u32 $0x10, s31;
	v9 =	vxor.u32 $0x80000000, v10;
	v12, _, _ =	vpop (xrf1);
	v10 =	vpsel p1, v7, v17;
	v7 =	vpsel p1, v18, v16  }
.LBB2_97:
0x4b2: {  	s8 =	sadd.s32 $0x4, s8  }
0x4b3: {  	v16 =	vld [tilespmem:s0+$0xFFFFFFE0];
	v17 =	vxor.u32 $0x80000000, v5;
	v18 =	vxor.u32 $0x80000000, v15;
	v15, _, _ =	vpop (xrf1);
	v6 =	vpsel p1, v13, v6;
	[tilespmem:s25+$0x10] =	vst v14;
	s5 =	smov.u32 s23;
	p2 =	slt.u32 s8, $0x7C  }
.Ltmp49:
0x4b4: {  	v19 =	vxor.u32 $0x80000000, v12;
	s13 =	sand.u32 $0x10, s8;
	v5 =	vld [tilespmem:s0+$0x10];
	v13 =	vxor.u32 $0x80000000, v8;
	v12 =	vperm.xlane v18, v3;
	v14, _, _ =	vpop (xrf1);
	[tilespmem:s25+$0xFFFFFFF0] =	vst v6;
	(pc) =	sbr.rel @p2 .LBB2_97-.Ltmp49, $4  }
0x4b5: {  	s23 =	smov.u32 s21;
	s21 =	smov.u32 s0;
	v6 =	vxor.u32 $0x80000000, v15;
	v8 =	vld [tilespmem:s0+$0xFFFFFFF0];
	v20 =	vxor.u32 $0x80000000, v11;
	(xrf1) =	vsort.ascd.msk.u32 $0xffff, v17, v17;
	v17 =	vxor.u32 $0x80000000, v14  }
0x4b6: {  	p1 =	seq.s32 s4, $0x0;
	s4 =	smov.u32 s2;
	s2 =	smov.u32 s1;
	v21 =	vperm.xlane v19, v3;
	v11 =	vld [tilespmem:s0+$0x0];
	(xrf1) =	vsort.ascd.msk.u32 $0xffff, v20, v20;
	v20 =	vperm.xlane v17, v3;
	[tilespmem:s25+$0xFFFFFFE0] =	vst v10  }
0x4b7: {  	s1 =	smov.u32 s26;
	s26 =	smov.u32 s13;
	v14 =	vpsel p1, v12, v18;
	(xrf1) =	vsort.ascd.msk.u32 $0xffff, v13, v13;
	v15, _, _ =	vpop (xrf1);
	v13 =	vperm.xlane v6, v3;
	[tilespmem:s25+$0x0] =	vst v7;
	s25 =	smov.u32 s24  }
0x4b8: {  	s0 =	sadd.s32 $0x40, s0;
	v7 =	vpsel p1, v21, v19;
	s24 =	smov.u32 s22;
	s22 =	smov.u32 s5;
	(xrf1) =	vsort.ascd.msk.u32 $0xffff, v9, v9;
	v9 =	vxor.u32 $0x80000000, v16;
	v12, _, _ =	vpop (xrf1);
	v10 =	vpsel p1, v20, v17  }
0x4b9: {  	v5 =	vxor.u32 $0x80000000, v5  }
0x4ba: {  	(xrf1) =	vsort.ascd.msk.u32 $0xffff, v5, v5;
	v5 =	vxor.u32 $0x80000000, v8  }
0x4bb: {  	v11 =	vxor.u32 $0x80000000, v11  }
0x4bc: {  	(xrf1) =	vsort.ascd.msk.u32 $0xffff, v11, v11  }
0x4bd: {  	v6 =	vpsel p1, v13, v6;
	(xrf1) =	vsort.ascd.msk.u32 $0xffff, v5, v5;
	v5, _, _ =	vpop (xrf1)  }
0x4be: {  	[tilespmem:s25+$0x10] =	vst v14;
	v8 =	vxor.u32 $0x80000000, v15;
	(xrf1) =	vsort.ascd.msk.u32 $0xffff, v9, v9;
	v9, _, _ =	vpop (xrf1);
	v5 =	vxor.u32 $0x80000000, v5  }
0x4bf: {  	[tilespmem:s25+$0xFFFFFFE0] =	vst v10;
	v11 =	vperm.xlane v8, v3;
	v9 =	vxor.u32 $0x80000000, v9;
	v10 =	vperm.xlane v5, v3  }
0x4c0: {  	p0 =	seq.s32 s4, $0x0;
	v12 =	vxor.u32 $0x80000000, v12;
	[tilespmem:s25+$0xFFFFFFF0] =	vst v6;
	v6, _, _ =	vpop (xrf1);
	v13 =	vperm.xlane v9, v3  }
0x4c1: {  	[tilespmem:s25+$0x0] =	vst v7;
	v8 =	vpsel p0, v11, v8;
	v11 =	vperm.xlane v12, v3;
	v7, _, _ =	vpop (xrf1);
	v6 =	vxor.u32 $0x80000000, v6  }
0x4c2: {  	[tilespmem:s24+$0x10] =	vst v8;
	v14, _, _ =	vpop (xrf1);
	v5 =	vpsel p0, v10, v5;
	v8 =	vpsel p0, v13, v9;
	v9 =	vperm.xlane v6, v3  }
0x4c3: {  	[tilespmem:s24+$0xFFFFFFF0] =	vst v5;
	v5 =	vxor.u32 $0x80000000, v14;
	v10, _, _ =	vpop (xrf1)  }
0x4c4: {  	v11 =	vpsel p0, v11, v12;
	v12 =	vperm.xlane v5, v3;
	v10 =	vxor.u32 $0x80000000, v10  }
0x4c5: {  	p4 =	seq.s32 s2, $0x0;
	v7 =	vxor.u32 $0x80000000, v7;
	[tilespmem:s24+$0xFFFFFFE0] =	vst v8;
	v8, _, _ =	vpop (xrf1);
	v13 =	vperm.xlane v10, v3  }
0x4c6: {  	[tilespmem:s24+$0x0] =	vst v11;
	v11 =	vperm.xlane v7, v3;
	v6 =	vpsel p4, v9, v6;
	v9, _, _ =	vpop (xrf1)  }
0x4c7: {  	v5 =	vpsel p4, v12, v5;
	[tilespmem:s22+$0x10] =	vst v6;
	v14, _, _ =	vpop (xrf1);
	v6 =	vpsel p4, v13, v10  }
0x4c8: {  	v7 =	vpsel p4, v11, v7;
	v8 =	vxor.u32 $0x80000000, v8;
	[tilespmem:s22+$0xFFFFFFF0] =	vst v5;
	v12, _, _ =	vpop (xrf1);
	v5 =	vxor.u32 $0x80000000, v14  }
0x4c9: {  	v10 =	vperm.xlane v8, v3;
	v11 =	vxor.u32 $0x80000000, v12;
	v12 =	vperm.xlane v5, v3  }
0x4ca: {  	p5 =	seq.s32 s1, $0x0;
	[tilespmem:s22+$0xFFFFFFE0] =	vst v6;
	v6, _, _ =	vpop (xrf1)  }
0x4cb: {  	[tilespmem:s22+$0x0] =	vst v7;
	v9 =	vxor.u32 $0x80000000, v9;
	v8 =	vpsel p5, v10, v8;
	v13 =	vperm.xlane v11, v3;
	v7, _, _ =	vpop (xrf1)  }
0x4cc: {  	v10 =	vperm.xlane v9, v3;
	[tilespmem:s23+$0x10] =	vst v8;
	v6 =	vxor.u32 $0x80000000, v6;
	v5 =	vpsel p5, v12, v5;
	v14, _, _ =	vpop (xrf1)  }
0x4cd: {  	v8 =	vpsel p5, v13, v11;
	v11 =	vperm.xlane v6, v3;
	[tilespmem:s23+$0xFFFFFFF0] =	vst v5;
	v12, _, _ =	vpop (xrf1);
	v5 =	vxor.u32 $0x80000000, v14  }
0x4ce: {  	p6 =	seq.s32 s26, $0x0;
	v9 =	vpsel p5, v10, v9;
	[tilespmem:s23+$0xFFFFFFE0] =	vst v8;
	v10 =	vxor.u32 $0x80000000, v12;
	v8 =	vperm.xlane v5, v3  }
0x4cf: {  	v7 =	vxor.u32 $0x80000000, v7;
	[tilespmem:s23+$0x0] =	vst v9;
	v6 =	vpsel p6, v11, v6;
	v12 =	vperm.xlane v10, v3  }
0x4d0: {  	s2 =	simm.s32 $0x0;
	v9 =	vperm.xlane v7, v3;
	[tilespmem:s21+$0x10] =	vst v6;
	v5 =	vpsel p6, v8, v5  }
0x4d1: {  	s0 =	sand.u32 $0xC, s20;
	s29 =	sand.u32 $0x60, s2;
	v6 =	vpsel p6, v12, v10;
	[tilespmem:s21+$0xFFFFFFF0] =	vst v5  }
0x4d2: {  	s0 =	sor.u32 s0, s29;
	v5 =	vpsel p6, v9, v7;
	[tilespmem:s21+$0xFFFFFFE0] =	vst v6  }
0x4d3: {  	s4 =	sshll.u32 s0, $0x4;
	[tilespmem:s21+$0x0] =	vst v5  }
0x4d4: {  	v5 =	vld [tilespmem:s4+$0x1C030]  }
0x4d5: {  	v6 =	vld [tilespmem:s4+$0x1C130]  }
0x4d6: {  	v9 =	vld [tilespmem:s4+$0x1C000]  }
0x4d7: {  	v11 =	vld [tilespmem:s4+$0x1C100]  }
0x4d8: {  	s8 =	simm.s32 $0x8;
	v13 =	vld [tilespmem:s4+$0x1C010]  }
0x4d9: {  	s30 =	sand.u32 $0xC, s19;
	s31 =	sand.u32 $0x60, s8;
	v14 =	vld [tilespmem:s4+$0x1C110]  }
0x4da: {  	s5 =	sand.u32 $0x10, s20;
	s0 =	sor.u32 s30, s31;
	v7 =	vld [tilespmem:s4+$0x1C020];
	vm0 =	vlt.s32 v5, v6  }
0x4db: {  	p1 =	seq.s32 s5, $0x0;
	s1 =	sshll.u32 s0, $0x4;
	v10 =	vld [tilespmem:s4+$0x1C120];
	v8 =	vsel vm0, v5, v6;
	v6 =	vsel vm0, v6, v5  }
0x4dc: {  	vm14 =	vgt.s32 v9, v11;
	v5 =	vld [tilespmem:s1+$0x1C030];
	v12 =	vpsel p1, v8, v6  }
0x4dd: {  	v16 =	vsel vm14, v11, v9;
	v9 =	vsel vm14, v9, v11;
	v15 =	vpsel p1, v6, v8;
	v8 =	vld [tilespmem:s1+$0x1C130];
	[tilespmem:s4+$0x1C130] =	vst v12  }
0x4de: {  	vm15 =	vlt.s32 v13, v14;
	v6 =	vld [tilespmem:s1+$0x1C000];
	v12 =	vpsel p1, v9, v16;
	[tilespmem:s4+$0x1C030] =	vst v15  }
0x4df: {  	s0 =	simm.s32 $0x4;
	v11 =	vpsel p1, v16, v9;
	v9 =	vld [tilespmem:s1+$0x1C100];
	[tilespmem:s4+$0x1C000] =	vst v12;
	v12 =	vsel vm15, v13, v14;
	v13 =	vsel vm15, v14, v13  }
.LBB2_99:
0x4e0: {  	s19 =	sadd.s32 $0x4, s19;
	v14 =	vld [tilespmem:s1+$0x1C010];
	s8 =	sadd.s32 $0x8, s8;
	[tilespmem:s4+$0x1C100] =	vst v11;
	v11 =	vpsel p1, v13, v12;
	v12 =	vpsel p1, v12, v13;
	vm0 =	vlt.s32 v7, v10  }
0x4e1: {  	s5 =	sand.u32 $0xC, s19;
	s13 =	sand.u32 $0x60, s8;
	p2 =	slt.u32 s19, $0x3C;
	v13 =	vld [tilespmem:s1+$0x1C110];
	[tilespmem:s4+$0x1C010] =	vst v11;
	v11 =	vsel vm0, v7, v10;
	v10 =	vsel vm0, v10, v7  }
0x4e2: {  	s5 =	sor.u32 s5, s13;
	s13 =	sand.u32 $0x10, s0;
	v7 =	vld [tilespmem:s1+$0x1C020];
	vm0 =	vlt.s32 v5, v8;
	[tilespmem:s4+$0x1C110] =	vst v12;
	v12 =	vpsel p1, v10, v11;
	v11 =	vpsel p1, v11, v10;
	s0 =	smov.u32 s19  }
.Ltmp50:
0x4e3: {  	s5 =	sshll.u32 s5, $0x4;
	p1 =	seq.s32 s13, $0x0;
	v10 =	vld [tilespmem:s1+$0x1C120];
	v15 =	vsel vm0, v5, v8;
	v8 =	vsel vm0, v8, v5;
	[tilespmem:s4+$0x1C020] =	vst v12;
	(pc) =	sbr.rel @p2 .LBB2_99-.Ltmp50, $4  }
0x4e4: {  	v5 =	vld [tilespmem:s5+$0x1C030];
	vm0 =	vgt.s32 v6, v9;
	v12 =	vpsel p1, v8, v15;
	v15 =	vpsel p1, v15, v8;
	[tilespmem:s4+$0x1C120] =	vst v11;
	s4 =	smov.u32 s1;
	s1 =	smov.u32 s5  }
0x4e5: {  	v8 =	vld [tilespmem:s1+$0x1C130];
	v11 =	vsel vm0, v9, v6;
	v9 =	vsel vm0, v6, v9;
	[tilespmem:s4+$0x1C130] =	vst v15  }
0x4e6: {  	v6 =	vld [tilespmem:s1+$0x1C000];
	v15 =	vpsel p1, v9, v11;
	v11 =	vpsel p1, v11, v9;
	vm0 =	vlt.s32 v14, v13;
	[tilespmem:s4+$0x1C030] =	vst v12  }
0x4e7: {  	v9 =	vld [tilespmem:s1+$0x1C100];
	[tilespmem:s4+$0x1C000] =	vst v15;
	v12 =	vsel vm0, v14, v13;
	v13 =	vsel vm0, v13, v14  }
0x4e8: {  	v14 =	vld [tilespmem:s1+$0x1C010];
	[tilespmem:s4+$0x1C100] =	vst v11;
	v11 =	vpsel p1, v13, v12;
	vm0 =	vlt.s32 v7, v10  }
0x4e9: {  	v61 =	vpsel p1, v12, v13;
	v62 =	vld [tilespmem:s1+$0x1C110];
	[tilespmem:s4+$0x1C010] =	vst v11;
	v11 =	vsel vm0, v7, v10;
	v7 =	vsel vm0, v10, v7  }
0x4ea: {  	s0 =	sand.u32 $0x10, s0;
	v10 =	vld [tilespmem:s1+$0x1C020];
	[tilespmem:s4+$0x1C110] =	vst v61;
	vm12 =	vlt.s32 v5, v8;
	v63 =	vpsel p1, v7, v11  }
0x4eb: {  	p0 =	seq.s32 s0, $0x0;
	v7 =	vpsel p1, v11, v7;
	v11 =	vld [tilespmem:s1+$0x1C120];
	v15 =	vsel vm12, v5, v8;
	v5 =	vsel vm12, v8, v5;
	[tilespmem:s4+$0x1C020] =	vst v63  }
0x4ec: {  	[tilespmem:s4+$0x1C120] =	vst v7;
	vm13 =	vgt.s32 v6, v9;
	v8 =	vpsel p0, v15, v5  }
0x4ed: {  	v5 =	vpsel p0, v5, v15;
	v7 =	vsel vm13, v9, v6;
	v6 =	vsel vm13, v6, v9;
	[tilespmem:s1+$0x1C130] =	vst v8  }
0x4ee: {  	vm14 =	vlt.s32 v14, v62;
	[tilespmem:s1+$0x1C030] =	vst v5;
	v8 =	vpsel p0, v6, v7  }
0x4ef: {  	v5 =	vpsel p0, v7, v6;
	v6 =	vsel vm14, v14, v62;
	v7 =	vsel vm14, v62, v14;
	[tilespmem:s1+$0x1C000] =	vst v8  }
0x4f0: {  	[tilespmem:s1+$0x1C100] =	vst v5;
	v5 =	vpsel p0, v7, v6;
	vm15 =	vlt.s32 v10, v11  }
0x4f1: {  	s20 =	simm.s32 $0x0;
	v6 =	vpsel p0, v6, v7;
	[tilespmem:s1+$0x1C010] =	vst v5;
	v5 =	vsel vm15, v10, v11;
	v7 =	vsel vm15, v11, v10  }
0x4f2: {  	s2 =	sand.u32 $0x70, s2;
	s31 =	sand.u32 $0x4, s20;
	[tilespmem:s1+$0x1C110] =	vst v6;
	v6 =	vpsel p0, v7, v5  }
0x4f3: {  	p2 =	por $0x1, $0x1;
	s0 =	sor.u32 s31, s2;
	v5 =	vpsel p0, v5, v7;
	[tilespmem:s1+$0x1C020] =	vst v6  }
.Ltmp51:
0x4f4: {  	s4 =	sshll.u32 s0, $0x4;
	[tilespmem:s1+$0x1C120] =	vst v5;
	(pc) =	sbr.rel @!p2 .LBB2_101-.Ltmp51, $4  }
0x4f5: {  	v6 =	vld [tilespmem:s4+$0x1C030]  }
0x4f6: {  	v8 =	vld [tilespmem:s4+$0x1C0B0]  }
0x4f7: {  	v5 =	vld [tilespmem:s4+$0x1C000]  }
0x4f8: {  	p1 =	por $0x0, $0x0;
	v7 =	vld [tilespmem:s4+$0x1C080]  }
0x4f9: {  	s1 =	simm.s32 $0x4;
	v13 =	vld [tilespmem:s4+$0x1C010];
	s8 =	simm.s32 $0x8  }
0x4fa: {  	v14 =	vld [tilespmem:s4+$0x1C090];
	s0 =	sand.u32 $0x4, s1;
	s2 =	sand.u32 $0x70, s8  }
0x4fb: {  	s5 =	sand.u32 $0x10, s20;
	v9 =	vld [tilespmem:s4+$0x1C020];
	p0 =	por $0x1, $0x1;
	s0 =	sor.u32 s0, s2;
	vm0 =	vlt.s32 v6, v8  }
.Ltmp52:
0x4fc: {  	v10 =	vld [tilespmem:s4+$0x1C0A0];
	p3 =	seq.s32 s5, $0x0;
	s2 =	sshll.u32 s0, $0x4;
	v11 =	vsel vm0, v6, v8;
	v8 =	vsel vm0, v8, v6;
	(pc) =	sbr.rel @!p0 .LBB2_104-.Ltmp52, $4  }
0x4fd: {  	v6 =	vld [tilespmem:s2+$0x1C030];
	vm14 =	vgt.s32 v5, v7;
	v12 =	vpsel p3, v11, v8  }
0x4fe: {  	v11 =	vpsel p3, v8, v11;
	v8 =	vld [tilespmem:s2+$0x1C0B0];
	v15 =	vsel vm14, v7, v5;
	v7 =	vsel vm14, v5, v7;
	[tilespmem:s4+$0x1C0B0] =	vst v12  }
0x4ff: {  	v5 =	vld [tilespmem:s2+$0x1C000];
	vm15 =	vlt.s32 v13, v14;
	[tilespmem:s4+$0x1C030] =	vst v11;
	v12 =	vpsel p3, v7, v15  }
0x500: {  	p4 =	por $0x1, $0x1;
	s0 =	simm.s32 $0x4;
	v11 =	vpsel p3, v15, v7;
	v7 =	vld [tilespmem:s2+$0x1C080];
	[tilespmem:s4+$0x1C000] =	vst v12;
	v12 =	vsel vm15, v13, v14;
	v13 =	vsel vm15, v14, v13  }
.LBB2_103:
0x501: {  	s0 =	sadd.s32 $0x4, s0;
	v14 =	vld [tilespmem:s2+$0x1C010];
	s8 =	sadd.s32 $0x8, s8;
	[tilespmem:s4+$0x1C080] =	vst v11;
	v11 =	vpsel p3, v13, v12;
	v12 =	vpsel p3, v12, v13;
	vm0 =	vlt.s32 v9, v10  }
0x502: {  	s5 =	sand.u32 $0x4, s0;
	s13 =	sand.u32 $0x70, s8;
	p5 =	slt.u32 s0, $0x3C;
	v13 =	vld [tilespmem:s2+$0x1C090];
	[tilespmem:s4+$0x1C010] =	vst v11;
	v11 =	vsel vm0, v9, v10;
	v10 =	vsel vm0, v10, v9  }
0x503: {  	s5 =	sor.u32 s5, s13;
	s13 =	sand.u32 $0x10, s1;
	v9 =	vld [tilespmem:s2+$0x1C020];
	vm0 =	vlt.s32 v6, v8;
	[tilespmem:s4+$0x1C090] =	vst v12;
	v12 =	vpsel p3, v10, v11;
	v11 =	vpsel p3, v11, v10;
	s1 =	smov.u32 s0  }
.Ltmp53:
0x504: {  	s5 =	sshll.u32 s5, $0x4;
	p3 =	seq.s32 s13, $0x0;
	v10 =	vld [tilespmem:s2+$0x1C0A0];
	v15 =	vsel vm0, v6, v8;
	v8 =	vsel vm0, v8, v6;
	[tilespmem:s4+$0x1C020] =	vst v12;
	(pc) =	sbr.rel @p5 .LBB2_103-.Ltmp53, $4  }
0x505: {  	v6 =	vld [tilespmem:s5+$0x1C030];
	vm0 =	vgt.s32 v5, v7;
	v12 =	vpsel p3, v8, v15;
	v15 =	vpsel p3, v15, v8;
	[tilespmem:s4+$0x1C0A0] =	vst v11;
	s4 =	smov.u32 s2;
	s2 =	smov.u32 s5  }
0x506: {  	v8 =	vld [tilespmem:s2+$0x1C0B0];
	v11 =	vsel vm0, v7, v5;
	v7 =	vsel vm0, v5, v7;
	[tilespmem:s4+$0x1C0B0] =	vst v15  }
0x507: {  	v5 =	vld [tilespmem:s2+$0x1C000];
	v15 =	vpsel p3, v7, v11;
	v11 =	vpsel p3, v11, v7;
	vm0 =	vlt.s32 v14, v13;
	[tilespmem:s4+$0x1C030] =	vst v12  }
0x508: {  	v7 =	vld [tilespmem:s2+$0x1C080];
	[tilespmem:s4+$0x1C000] =	vst v15;
	v12 =	vsel vm0, v14, v13;
	v13 =	vsel vm0, v13, v14  }
.LBB2_104:
0x509: {  	p0 =	por !p3, !p4  }
0x50a: {  	v14 =	vld [tilespmem:s2+$0x1C010];
	[tilespmem:s4+$0x1C080] =	vst @p4 v11;
	vm0 =	vlt.s32 @p4 v9, v10;
	v11 =	vpsel p0, v12, v13  }
0x50b: {  	v63 =	vld [tilespmem:s2+$0x1C090];
	v12 =	vpsel p0, v13, v12;
	[tilespmem:s4+$0x1C010] =	vst @p4 v11;
	v11 =	vsel @p4 vm0, v9, v10;
	v9 =	vsel @p4 vm0, v10, v9  }
0x50c: {  	s0 =	sand.u32 $0x10, s1;
	v10 =	vld [tilespmem:s2+$0x1C020];
	vm0 =	vlt.s32 v6, v8;
	[tilespmem:s4+$0x1C090] =	vst @p4 v12;
	v12 =	vpsel p0, v11, v9  }
0x50d: {  	p5 =	seq.s32 s0, $0x0;
	v9 =	vpsel p0, v9, v11;
	v11 =	vld [tilespmem:s2+$0x1C0A0];
	v15 =	vsel vm0, v6, v8;
	v6 =	vsel vm0, v8, v6;
	[tilespmem:s4+$0x1C020] =	vst @p4 v12  }
0x50e: {  	vm0 =	vgt.s32 v5, v7;
	v8 =	vpsel p5, v15, v6;
	[tilespmem:s4+$0x1C0A0] =	vst @p4 v9  }
0x50f: {  	v6 =	vpsel p5, v6, v15;
	v9 =	vsel vm0, v7, v5;
	v5 =	vsel vm0, v5, v7;
	[tilespmem:s2+$0x1C0B0] =	vst v8  }
0x510: {  	vm0 =	vlt.s32 v14, v63;
	[tilespmem:s2+$0x1C030] =	vst v6;
	v7 =	vpsel p5, v5, v9  }
0x511: {  	v5 =	vpsel p5, v9, v5;
	v6 =	vsel vm0, v14, v63;
	[tilespmem:s2+$0x1C000] =	vst v7;
	v7 =	vsel vm0, v63, v14  }
0x512: {  	[tilespmem:s2+$0x1C080] =	vst v5;
	v5 =	vpsel p5, v7, v6;
	vm0 =	vlt.s32 v10, v11  }
0x513: {  	v6 =	vpsel p5, v6, v7;
	[tilespmem:s2+$0x1C010] =	vst v5;
	v5 =	vsel vm0, v10, v11;
	v7 =	vsel vm0, v11, v10  }
0x514: {  	[tilespmem:s2+$0x1C090] =	vst v6;
	v6 =	vpsel p5, v7, v5  }
0x515: {  	v5 =	vpsel p5, v5, v7;
	[tilespmem:s2+$0x1C020] =	vst v6  }
0x516: {  	s19 =	simm.s32 $0x1C040;
	[tilespmem:s2+$0x1C0A0] =	vst v5  }
0x517: {  	v8 =	vld [tilespmem:s19+$0x30]  }
0x518: {  	v11 =	vld [tilespmem:s19+$0xFFFFFFF0]  }
.Ltmp54:
0x519: {  	v7 =	vld [tilespmem:s19+$0x20];
	(pc) =	sbr.rel @!p2 .LBB2_105-.Ltmp54, $4  }
0x51a: {  	v10 =	vld [tilespmem:s19+$0xFFFFFFE0]  }
0x51b: {  	s31 =	sand.u32 $0x10, s20;
	v6 =	vld [tilespmem:s19+$0x10]  }
0x51c: {  	p6 =	seq.s32 s31, $0x0;
	v9 =	vld [tilespmem:s19+$0xFFFFFFD0]  }
0x51d: {  	p3 =	por p6, p6;
	v5 =	vld [tilespmem:s19+$0x0];
	vm0 =	vgt.s32 v11, v8  }
0x51e: {  	v12 =	vld [tilespmem:s19+$0xFFFFFFC0];
	v13 =	vsel vm0, v8, v11;
	v11 =	vsel vm0, v11, v8;
	s1 =	simm.s32 $0x1C0C0  }
0x51f: {  	vm0 =	vgt.s32 v10, v7;
	v14 =	vpsel p3, v11, v13;
	v8 =	vld [tilespmem:s1+$0x30]  }
0x520: {  	p2 =	por $0x1, $0x1;
	v13 =	vpsel p3, v13, v11;
	v11 =	vld [tilespmem:s1+$0xFFFFFFF0];
	v15 =	vsel vm0, v7, v10;
	v7 =	vsel vm0, v10, v7;
	[tilespmem:s19+$0xFFFFFFF0] =	vst v14  }
.Ltmp55:
0x521: {  	[tilespmem:s19+$0x30] =	vst v13;
	v10 =	vld [tilespmem:s1+$0xFFFFFFE0];
	vm0 =	vgt.s32 v9, v6;
	v14 =	vpsel p3, v7, v15;
	(pc) =	sbr.rel @!p2 .LBB2_107-.Ltmp55, $4  }
0x522: {  	s2 =	simm.s32 $0x4;
	v15 =	vpsel p3, v15, v7;
	v7 =	vld [tilespmem:s1+$0x20];
	v13 =	vsel vm0, v6, v9;
	v9 =	vsel vm0, v9, v6;
	[tilespmem:s19+$0xFFFFFFE0] =	vst v14  }
0x523: {  	s0 =	sand.u32 $0x10, s2;
	v6 =	vld [tilespmem:s1+$0x10];
	[tilespmem:s19+$0x20] =	vst v15;
	vm0 =	vgt.s32 v12, v5;
	v14 =	vpsel p3, v9, v13  }
0x524: {  	p1 =	por $0x1, $0x1;
	p0 =	seq.s32 s0, $0x0;
	v17 =	vpsel p3, v13, v9;
	v9 =	vld [tilespmem:s1+$0xFFFFFFD0];
	v16 =	vsel vm0, v5, v12;
	v5 =	vsel vm0, v12, v5;
	[tilespmem:s19+$0xFFFFFFD0] =	vst v14  }
0x525: {  	s4 =	simm.s32 $0x1C0C0;
	s0 =	simm.s32 $0x1C040;
	vm0 =	vgt.s32 v11, v8;
	[tilespmem:s19+$0x10] =	vst v17;
	v12 =	vpsel p3, v5, v16;
	v13 =	vpsel p3, v16, v5;
	p3 =	por p0, p0;
	v5 =	vld [tilespmem:s1+$0x0]  }
.LBB2_108:
0x526: {  	s2 =	sadd.s32 $0x4, s2;
	v14 =	vld [tilespmem:s1+$0xFFFFFFC0];
	v15 =	vsel vm0, v8, v11;
	v11 =	vsel vm0, v11, v8;
	s4 =	sadd.s32 $0x80, s4;
	[tilespmem:s0+$0x0] =	vst v13  }
0x527: {  	s5 =	sand.u32 $0x10, s2;
	v8 =	vld [tilespmem:s4+$0x30];
	p2 =	slt.u32 s2, $0x3C;
	vm0 =	vgt.s32 v10, v7;
	v13 =	vpsel p3, v11, v15;
	v15 =	vpsel p3, v15, v11;
	[tilespmem:s0+$0xFFFFFFC0] =	vst v12;
	s0 =	smov.u32 s1  }
0x528: {  	s1 =	smov.u32 s4;
	p0 =	seq.s32 s5, $0x0;
	v11 =	vld [tilespmem:s4+$0xFFFFFFF0];
	v12 =	vsel vm0, v7, v10;
	v10 =	vsel vm0, v10, v7;
	[tilespmem:s0+$0xFFFFFFF0] =	vst v13  }
.Ltmp56:
0x529: {  	v7 =	vld [tilespmem:s4+$0x20];
	vm0 =	vgt.s32 v9, v6;
	v13 =	vpsel p3, v10, v12;
	v12 =	vpsel p3, v12, v10;
	[tilespmem:s0+$0x30] =	vst v15;
	(pc) =	sbr.rel @p2 .LBB2_108-.Ltmp56, $4  }
0x52a: {  	v10 =	vld [tilespmem:s4+$0xFFFFFFE0];
	v15 =	vsel vm0, v6, v9;
	v9 =	vsel vm0, v9, v6;
	[tilespmem:s0+$0xFFFFFFE0] =	vst v13  }
0x52b: {  	v6 =	vld [tilespmem:s4+$0x10];
	vm0 =	vgt.s32 v14, v5;
	v13 =	vpsel p3, v9, v15;
	v15 =	vpsel p3, v15, v9;
	[tilespmem:s0+$0x20] =	vst v12  }
0x52c: {  	v9 =	vld [tilespmem:s4+$0xFFFFFFD0];
	v16 =	vsel vm0, v5, v14;
	v14 =	vsel vm0, v14, v5;
	[tilespmem:s0+$0xFFFFFFD0] =	vst v13  }
0x52d: {  	v5 =	vld [tilespmem:s4+$0x0];
	vm0 =	vgt.s32 v11, v8;
	v12 =	vpsel p3, v14, v16;
	v13 =	vpsel p3, v16, v14;
	[tilespmem:s0+$0x10] =	vst v15;
	p3 =	por p0, p0  }
.LBB2_109:
0x52e: {  	v14 =	vld [tilespmem:s1+$0xFFFFFFC0];
	v15 =	vsel vm0, v8, v11;
	v8 =	vsel vm0, v11, v8;
	[tilespmem:s0+$0x0] =	vst @p1 v13  }
0x52f: {  	[tilespmem:s0+$0xFFFFFFC0] =	vst @p1 v12;
	vm0 =	vgt.s32 v10, v7;
	v11 =	vpsel p3, v8, v15  }
0x530: {  	v8 =	vpsel p3, v15, v8;
	v12 =	vsel vm0, v7, v10;
	v7 =	vsel vm0, v10, v7;
	[tilespmem:s1+$0xFFFFFFF0] =	vst v11  }
0x531: {  	[tilespmem:s1+$0x30] =	vst v8;
	vm0 =	vgt.s32 v9, v6;
	v10 =	vpsel p3, v7, v12  }
0x532: {  	v7 =	vpsel p3, v12, v7;
	v8 =	vsel vm0, v6, v9;
	v6 =	vsel vm0, v9, v6;
	[tilespmem:s1+$0xFFFFFFE0] =	vst v10  }
0x533: {  	[tilespmem:s1+$0x20] =	vst v7;
	vm0 =	vgt.s32 v14, v5;
	v9 =	vpsel p3, v6, v8  }
0x534: {  	v6 =	vpsel p3, v8, v6;
	v7 =	vsel vm0, v5, v14;
	v5 =	vsel vm0, v14, v5;
	[tilespmem:s1+$0xFFFFFFD0] =	vst v9  }
0x535: {  	[tilespmem:s1+$0x10] =	vst v6;
	v8 =	vpsel p3, v7, v5  }
0x536: {  	v5 =	vpsel p3, v5, v7;
	[tilespmem:s1+$0x0] =	vst v8  }
0x537: {  	[tilespmem:s1+$0xFFFFFFC0] =	vst v5  }
0x538: {  	v5 =	vld [tilespmem:s19+$0x30]  }
0x539: {  	v6 =	vld [tilespmem:s19+$0x10]  }
0x53a: {  	v7 =	vld [tilespmem:s19+$0x20]  }
0x53b: {  	v8 =	vld [tilespmem:s19+$0x0]  }
0x53c: {  	s30 =	simm.s32 $0x0;
	v11 =	vld [tilespmem:s19+$0xFFFFFFF0]  }
0x53d: {  	s0 =	sand.u32 $0x10, s30;
	v12 =	vld [tilespmem:s19+$0xFFFFFFD0]  }
0x53e: {  	p0 =	seq.s32 s0, $0x0;
	v13 =	vld [tilespmem:s19+$0xFFFFFFE0];
	vm0 =	vgt.s32 v6, v5  }
0x53f: {  	p1 =	por p0, p0;
	s1 =	simm.s32 $0x1C0C0;
	v14 =	vld [tilespmem:s19+$0xFFFFFFC0];
	v9 =	vsel vm0, v5, v6;
	v6 =	vsel vm0, v6, v5  }
0x540: {  	v10 =	vld [tilespmem:s1+$0x10];
	vm0 =	vgt.s32 v8, v7;
	v15 =	vpsel p1, v6, v9  }
0x541: {  	v5 =	vld [tilespmem:s1+$0x30];
	v9 =	vpsel p1, v9, v6;
	v16 =	vsel vm0, v7, v8;
	v7 =	vsel vm0, v8, v7;
	[tilespmem:s19+$0x10] =	vst v15  }
0x542: {  	v6 =	vld [tilespmem:s1+$0x20];
	vm0 =	vgt.s32 v12, v11;
	v8 =	vpsel p1, v7, v16;
	[tilespmem:s19+$0x30] =	vst v9  }
0x543: {  	s2 =	simm.s32 $0x4;
	v15 =	vpsel p1, v16, v7;
	v9 =	vld [tilespmem:s1+$0x0];
	v62 =	vsel vm0, v11, v12;
	v11 =	vsel vm0, v12, v11;
	[tilespmem:s19+$0x0] =	vst v8  }
0x544: {  	s31 =	sand.u32 $0x10, s2;
	v7 =	vld [tilespmem:s1+$0xFFFFFFF0];
	vm0 =	vgt.s32 v14, v13;
	v8 =	vpsel p1, v11, v62;
	[tilespmem:s19+$0x20] =	vst v15  }
0x545: {  	p6 =	seq.s32 s31, $0x0;
	v15 =	vpsel p1, v62, v11;
	v11 =	vld [tilespmem:s1+$0xFFFFFFD0];
	v63 =	vsel vm0, v13, v14;
	v13 =	vsel vm0, v14, v13;
	[tilespmem:s19+$0xFFFFFFD0] =	vst v8  }
0x546: {  	s0 =	simm.s32 $0x1C0C0;
	p2 =	por p6, p6;
	v8 =	vld [tilespmem:s1+$0xFFFFFFE0];
	v12 =	vpsel p1, v13, v63;
	v13 =	vpsel p1, v63, v13;
	[tilespmem:s19+$0xFFFFFFF0] =	vst v15;
	vm0 =	vgt.s32 v10, v5  }
.LBB2_110:
0x547: {  	s2 =	sadd.s32 $0x4, s2;
	v14 =	vld [tilespmem:s1+$0xFFFFFFC0];
	v15 =	vsel vm0, v5, v10;
	v10 =	vsel vm0, v10, v5;
	s0 =	sadd.s32 $0x80, s0;
	[tilespmem:s19+$0xFFFFFFE0] =	vst v13  }
0x548: {  	s4 =	sand.u32 $0x10, s2;
	v5 =	vld [tilespmem:s0+$0x30];
	p3 =	slt.u32 s2, $0x3C;
	vm0 =	vgt.s32 v9, v6;
	v13 =	vpsel p2, v10, v15;
	v15 =	vpsel p2, v15, v10;
	[tilespmem:s19+$0xFFFFFFC0] =	vst v12;
	s19 =	smov.u32 s1  }
0x549: {  	s1 =	smov.u32 s0;
	p0 =	seq.s32 s4, $0x0;
	v10 =	vld [tilespmem:s0+$0x10];
	v12 =	vsel vm0, v6, v9;
	v9 =	vsel vm0, v9, v6;
	[tilespmem:s19+$0x10] =	vst v13  }
.Ltmp57:
0x54a: {  	v6 =	vld [tilespmem:s0+$0x20];
	vm0 =	vgt.s32 v11, v7;
	v13 =	vpsel p2, v9, v12;
	v12 =	vpsel p2, v12, v9;
	[tilespmem:s19+$0x30] =	vst v15;
	(pc) =	sbr.rel @p3 .LBB2_110-.Ltmp57, $4  }
0x54b: {  	v9 =	vld [tilespmem:s0+$0x0];
	v15 =	vsel vm0, v7, v11;
	v11 =	vsel vm0, v11, v7;
	[tilespmem:s19+$0x0] =	vst v13  }
0x54c: {  	v7 =	vld [tilespmem:s0+$0xFFFFFFF0];
	vm0 =	vgt.s32 v14, v8;
	v13 =	vpsel p2, v11, v15;
	v15 =	vpsel p2, v15, v11;
	[tilespmem:s19+$0x20] =	vst v12  }
0x54d: {  	v11 =	vld [tilespmem:s0+$0xFFFFFFD0];
	v16 =	vsel vm0, v8, v14;
	v14 =	vsel vm0, v14, v8;
	[tilespmem:s19+$0xFFFFFFD0] =	vst v13  }
0x54e: {  	v8 =	vld [tilespmem:s0+$0xFFFFFFE0];
	vm0 =	vgt.s32 v10, v5;
	v12 =	vpsel p2, v14, v16;
	v13 =	vpsel p2, v16, v14;
	[tilespmem:s19+$0xFFFFFFF0] =	vst v15;
	p2 =	por p0, p0  }
0x54f: {  	v14 =	vld [tilespmem:s1+$0xFFFFFFC0];
	v15 =	vsel vm0, v5, v10;
	v5 =	vsel vm0, v10, v5;
	[tilespmem:s19+$0xFFFFFFE0] =	vst v13  }
0x550: {  	[tilespmem:s19+$0xFFFFFFC0] =	vst v12;
	vm0 =	vgt.s32 v9, v6;
	v10 =	vpsel p2, v5, v15  }
0x551: {  	v5 =	vpsel p2, v15, v5;
	v12 =	vsel vm0, v6, v9;
	v6 =	vsel vm0, v9, v6;
	[tilespmem:s1+$0x10] =	vst v10  }
0x552: {  	[tilespmem:s1+$0x30] =	vst v5;
	vm0 =	vgt.s32 v11, v7;
	v9 =	vpsel p2, v6, v12  }
0x553: {  	v5 =	vpsel p2, v12, v6;
	v6 =	vsel vm0, v7, v11;
	v7 =	vsel vm0, v11, v7;
	[tilespmem:s1+$0x0] =	vst v9  }
0x554: {  	[tilespmem:s1+$0x20] =	vst v5;
	vm0 =	vgt.s32 v14, v8;
	v9 =	vpsel p2, v7, v6  }
0x555: {  	v5 =	vpsel p2, v6, v7;
	v6 =	vsel vm0, v8, v14;
	v7 =	vsel vm0, v14, v8;
	[tilespmem:s1+$0xFFFFFFD0] =	vst v9  }
0x556: {  	[tilespmem:s1+$0xFFFFFFF0] =	vst v5;
	v8 =	vpsel p2, v6, v7  }
0x557: {  	v5 =	vpsel p2, v7, v6;
	[tilespmem:s1+$0xFFFFFFE0] =	vst v8  }
0x558: {  	s2 =	simm.s32 $0x1C040;
	[tilespmem:s1+$0xFFFFFFC0] =	vst v5  }
0x559: {  	v5 =	vld [tilespmem:s2+$0x30]  }
0x55a: {  	v6 =	vld [tilespmem:s2+$0x20]  }
0x55b: {  	v7 =	vld [tilespmem:s2+$0x10]  }
0x55c: {  	v8 =	vld [tilespmem:s2+$0x0]  }
0x55d: {  	v11 =	vld [tilespmem:s2+$0xFFFFFFF0]  }
0x55e: {  	v12 =	vld [tilespmem:s2+$0xFFFFFFE0]  }
0x55f: {  	v13 =	vld [tilespmem:s2+$0xFFFFFFD0];
	vm0 =	vgt.s32 v6, v5  }
0x560: {  	s1 =	simm.s32 $0x1C0C0;
	v14 =	vld [tilespmem:s2+$0xFFFFFFC0];
	v10 =	vsel vm0, v5, v6;
	v6 =	vsel vm0, v6, v5  }
0x561: {  	v9 =	vld [tilespmem:s1+$0x20];
	vm0 =	vgt.s32 v8, v7;
	v15 =	vpsel p1, v6, v10  }
0x562: {  	v5 =	vld [tilespmem:s1+$0x30];
	v16 =	vsel vm0, v7, v8;
	v7 =	vsel vm0, v8, v7;
	v8 =	vpsel p1, v10, v6;
	[tilespmem:s2+$0x20] =	vst v15  }
0x563: {  	v6 =	vld [tilespmem:s1+$0x10];
	vm0 =	vgt.s32 v12, v11;
	v15 =	vpsel p1, v7, v16;
	[tilespmem:s2+$0x30] =	vst v8  }
0x564: {  	s4 =	simm.s32 $0x4;
	v10 =	vld [tilespmem:s1+$0x0];
	v8 =	vpsel p1, v16, v7;
	v62 =	vsel vm0, v11, v12;
	v11 =	vsel vm0, v12, v11;
	[tilespmem:s2+$0x0] =	vst v15  }
0x565: {  	s0 =	sand.u32 $0x10, s4;
	v7 =	vld [tilespmem:s1+$0xFFFFFFF0];
	vm0 =	vgt.s32 v14, v13;
	v12 =	vpsel p1, v11, v62;
	[tilespmem:s2+$0x10] =	vst v8  }
0x566: {  	p0 =	seq.s32 s0, $0x0;
	v15 =	vpsel p1, v62, v11;
	v11 =	vld [tilespmem:s1+$0xFFFFFFE0];
	v63 =	vsel vm0, v13, v14;
	v13 =	vsel vm0, v14, v13;
	[tilespmem:s2+$0xFFFFFFE0] =	vst v12  }
0x567: {  	s0 =	simm.s32 $0x1C0C0;
	v8 =	vld [tilespmem:s1+$0xFFFFFFD0];
	v12 =	vpsel p1, v13, v63;
	v13 =	vpsel p1, v63, v13;
	[tilespmem:s2+$0xFFFFFFF0] =	vst v15;
	p1 =	por p0, p0;
	vm0 =	vgt.s32 v9, v5  }
.LBB2_112:
0x568: {  	s4 =	sadd.s32 $0x4, s4;
	v14 =	vld [tilespmem:s1+$0xFFFFFFC0];
	v15 =	vsel vm0, v5, v9;
	v16 =	vsel vm0, v9, v5;
	s0 =	sadd.s32 $0x80, s0;
	[tilespmem:s2+$0xFFFFFFD0] =	vst v13  }
0x569: {  	s5 =	sand.u32 $0x10, s4;
	v5 =	vld [tilespmem:s0+$0x30];
	p2 =	slt.u32 s4, $0x3C;
	vm0 =	vgt.s32 v10, v6;
	v13 =	vpsel p1, v16, v15;
	[tilespmem:s2+$0xFFFFFFC0] =	vst v12;
	s2 =	smov.u32 s1  }
0x56a: {  	s1 =	smov.u32 s0;
	p0 =	seq.s32 s5, $0x0;
	v9 =	vld [tilespmem:s0+$0x20];
	v12 =	vsel vm0, v6, v10;
	v10 =	vsel vm0, v10, v6;
	[tilespmem:s2+$0x20] =	vst v13;
	v13 =	vpsel p1, v15, v16  }
.Ltmp58:
0x56b: {  	v6 =	vld [tilespmem:s0+$0x10];
	vm0 =	vgt.s32 v11, v7;
	v15 =	vpsel p1, v10, v12;
	v12 =	vpsel p1, v12, v10;
	[tilespmem:s2+$0x30] =	vst v13;
	(pc) =	sbr.rel @p2 .LBB2_112-.Ltmp58, $4  }
0x56c: {  	v10 =	vld [tilespmem:s0+$0x0];
	v13 =	vsel vm0, v7, v11;
	v11 =	vsel vm0, v11, v7;
	[tilespmem:s2+$0x0] =	vst v15  }
0x56d: {  	v7 =	vld [tilespmem:s0+$0xFFFFFFF0];
	vm0 =	vgt.s32 v14, v8;
	v15 =	vpsel p1, v11, v13;
	v16 =	vpsel p1, v13, v11;
	[tilespmem:s2+$0x10] =	vst v12  }
0x56e: {  	v11 =	vld [tilespmem:s0+$0xFFFFFFE0];
	v13 =	vsel vm0, v8, v14;
	v14 =	vsel vm0, v14, v8;
	[tilespmem:s2+$0xFFFFFFE0] =	vst v15  }
0x56f: {  	v8 =	vld [tilespmem:s0+$0xFFFFFFD0];
	vm0 =	vgt.s32 v9, v5;
	v12 =	vpsel p1, v14, v13;
	v13 =	vpsel p1, v13, v14;
	[tilespmem:s2+$0xFFFFFFF0] =	vst v16;
	p1 =	por p0, p0  }
0x570: {  	v14 =	vld [tilespmem:s1+$0xFFFFFFC0];
	v15 =	vsel vm0, v5, v9;
	v5 =	vsel vm0, v9, v5;
	[tilespmem:s2+$0xFFFFFFD0] =	vst v13  }
0x571: {  	[tilespmem:s2+$0xFFFFFFC0] =	vst v12;
	vm13 =	vgt.s32 v10, v6;
	v9 =	vpsel p1, v5, v15  }
0x572: {  	v5 =	vpsel p1, v15, v5;
	v12 =	vsel vm13, v6, v10;
	v6 =	vsel vm13, v10, v6;
	[tilespmem:s1+$0x20] =	vst v9  }
0x573: {  	[tilespmem:s1+$0x30] =	vst v5;
	vm14 =	vgt.s32 v11, v7;
	v9 =	vpsel p1, v6, v12  }
0x574: {  	v5 =	vpsel p1, v12, v6;
	v6 =	vsel vm14, v7, v11;
	v7 =	vsel vm14, v11, v7;
	[tilespmem:s1+$0x0] =	vst v9  }
0x575: {  	[tilespmem:s1+$0x10] =	vst v5;
	vm15 =	vgt.s32 v14, v8;
	v9 =	vpsel p1, v7, v6  }
0x576: {  	v5 =	vpsel p1, v6, v7;
	v6 =	vsel vm15, v8, v14;
	v7 =	vsel vm15, v14, v8;
	[tilespmem:s1+$0xFFFFFFE0] =	vst v9  }
0x577: {  	[tilespmem:s1+$0xFFFFFFF0] =	vst v5;
	v8 =	vpsel p1, v6, v7  }
0x578: {  	v5 =	vpsel p1, v7, v6;
	[tilespmem:s1+$0xFFFFFFD0] =	vst v8  }
0x579: {  	s25 =	simm.s32 $0x1C020;
	[tilespmem:s1+$0xFFFFFFC0] =	vst v5  }
0x57a: {  	v5 =	vld [tilespmem:s25+$0x10]  }
0x57b: {  	v6 =	vld [tilespmem:s25+$0x0]  }
0x57c: {  	v7 =	vld [tilespmem:s25+$0xFFFFFFF0];
	_ =	sdelay $0x1  }
0x57d: {  	v8 =	vld [tilespmem:s25+$0xFFFFFFE0]  }
0x57e: {  	s24 =	simm.s32 $0x1C060  }
0x57f: {  	v9 =	vld [tilespmem:s24+$0x10];
	v5 =	vxor.u32 $0x80000000, v5  }
0x580: {  	v6 =	vxor.u32 $0x80000000, v6;
	(xrf1) =	vsort.ascd.msk.u32 $0xffff, v5, v5;
	v5 =	vxor.u32 $0x80000000, v7;
	v7 =	vld [tilespmem:s24+$0x0]  }
0x581: {  	(xrf1) =	vsort.ascd.msk.u32 $0xffff, v6, v6  }
0x582: {  	v6 =	vxor.u32 $0x80000000, v8;
	(xrf1) =	vsort.ascd.msk.u32 $0xffff, v5, v5  }
0x583: {  	(xrf1) =	vsort.ascd.msk.u32 $0xffff, v6, v6  }
0x584: {  	v8 =	vld [tilespmem:s24+$0xFFFFFFF0];
	v6 =	vxor.u32 $0x80000000, v9  }
0x585: {  	s21 =	simm.s32 $0x1C0A0;
	v5 =	vld [tilespmem:s24+$0xFFFFFFE0];
	(xrf1) =	vsort.ascd.msk.u32 $0xffff, v6, v6;
	v7 =	vxor.u32 $0x80000000, v7  }
0x586: {  	(xrf1) =	vsort.ascd.msk.u32 $0xffff, v7, v7;
	v7 =	vld [tilespmem:s21+$0x10]  }
0x587: {  	v9 =	vld [tilespmem:s21+$0x0]  }
0x588: {  	s23 =	simm.s32 $0x1C0E0;
	v10 =	vld [tilespmem:s21+$0xFFFFFFF0]  }
0x589: {  	v11 =	vld [tilespmem:s23+$0x10];
	v8 =	vxor.u32 $0x80000000, v8  }
0x58a: {  	v6 =	vld [tilespmem:s21+$0xFFFFFFE0];
	v5 =	vxor.u32 $0x80000000, v5;
	(xrf1) =	vsort.ascd.msk.u32 $0xffff, v8, v8  }
0x58b: {  	v8 =	vld [tilespmem:s23+$0xFFFFFFF0];
	(xrf1) =	vsort.ascd.msk.u32 $0xffff, v5, v5;
	v5 =	vxor.u32 $0x80000000, v7  }
0x58c: {  	v9 =	vxor.u32 $0x80000000, v9;
	v7 =	vld [tilespmem:s23+$0x0]  }
0x58d: {  	(xrf1) =	vsort.ascd.msk.u32 $0xffff, v5, v5  }
0x58e: {  	v12 =	vld [tilespmem:s23+$0xFFFFFFE0];
	v10 =	vxor.u32 $0x80000000, v10;
	v5, _, _ =	vpop (xrf1);
	(xrf1) =	vsort.ascd.msk.u32 $0xffff, v9, v9  }
0x58f: {  	v6 =	vxor.u32 $0x80000000, v6;
	v9, _, _ =	vpop (xrf1);
	(xrf1) =	vsort.ascd.msk.u32 $0xffff, v10, v10  }
0x590: {  	v11 =	vxor.u32 $0x80000000, v11;
	v13, _, _ =	vpop (xrf1);
	(xrf1) =	vsort.ascd.msk.u32 $0xffff, v6, v6  }
0x591: {  	v15 =	vxor.u32 $0x80000000, v8;
	v14 =	vxor.u32 $0x80000000, v5;
	v7 =	vxor.u32 $0x80000000, v7;
	v5, _, _ =	vpop (xrf1);
	(xrf1) =	vsort.ascd.msk.u32 $0xffff, v11, v11  }
0x592: {  	(xrf1) =	vsort.ascd.msk.u32 $0xffff, v7, v7  }
0x593: {  	v12 =	vxor.u32 $0x80000000, v12;
	(xrf1) =	vsort.ascd.msk.u32 $0xffff, v15, v15  }
0x594: {  	v15, _, _ =	vpop (xrf1);
	(xrf1) =	vsort.ascd.msk.u32 $0xffff, v12, v12  }
0x595: {  	s20 =	simm.s32 $0x1C120  }
0x596: {  	v10 =	vld [tilespmem:s20+$0xFFFFFFE0]  }
0x597: {  	s22 =	simm.s32 $0x0  }
0x598: {  	s19 =	simm.s32 $0x4;
	s0 =	sand.u32 $0x20, s22;
	v16 =	vxor.u32 $0x80000000, v9;
	v9 =	vperm.xlane v14, v3;
	v17 =	vxor.u32 $0x80000000, v5;
	v5 =	vld [tilespmem:s20+$0x10]  }
0x599: {  	s30 =	simm.s32 $0x8;
	s31 =	simm.s32 $0xC;
	p1 =	seq.s32 s0, $0x0;
	v8 =	vld [tilespmem:s20+$0xFFFFFFF0];
	v6 =	vxor.u32 $0x80000000, v13;
	v18 =	vperm.xlane v16, v3;
	v7 =	vperm.xlane v17, v3  }
0x59a: {  	s8 =	simm.s32 $0x10;
	s4 =	sand.u32 $0x20, s19;
	s2 =	sand.u32 $0x20, s30;
	v11 =	vld [tilespmem:s20+$0x0];
	v13 =	vperm.xlane v6, v3;
	v14 =	vpsel p1, v9, v14  }
0x59b: {  	s26 =	sand.u32 $0x20, s8;
	s0 =	simm.s32 $0x1C160;
	s1 =	sand.u32 $0x20, s31;
	v9 =	vxor.u32 $0x80000000, v10;
	v12, _, _ =	vpop (xrf1);
	v10 =	vpsel p1, v7, v17;
	v7 =	vpsel p1, v18, v16  }
.LBB2_114:
0x59c: {  	s8 =	sadd.s32 $0x4, s8  }
0x59d: {  	v16 =	vld [tilespmem:s0+$0xFFFFFFE0];
	v17 =	vxor.u32 $0x80000000, v5;
	v18 =	vxor.u32 $0x80000000, v15;
	v15, _, _ =	vpop (xrf1);
	v6 =	vpsel p1, v13, v6;
	[tilespmem:s25+$0x10] =	vst v14;
	s5 =	smov.u32 s23;
	p2 =	slt.u32 s8, $0x7C  }
.Ltmp59:
0x59e: {  	v19 =	vxor.u32 $0x80000000, v12;
	s13 =	sand.u32 $0x20, s8;
	v5 =	vld [tilespmem:s0+$0x10];
	v13 =	vxor.u32 $0x80000000, v8;
	v12 =	vperm.xlane v18, v3;
	v14, _, _ =	vpop (xrf1);
	[tilespmem:s25+$0xFFFFFFF0] =	vst v6;
	(pc) =	sbr.rel @p2 .LBB2_114-.Ltmp59, $4  }
0x59f: {  	s23 =	smov.u32 s20;
	s20 =	smov.u32 s0;
	v6 =	vxor.u32 $0x80000000, v15;
	v8 =	vld [tilespmem:s0+$0xFFFFFFF0];
	v20 =	vxor.u32 $0x80000000, v11;
	(xrf1) =	vsort.ascd.msk.u32 $0xffff, v17, v17;
	v17 =	vxor.u32 $0x80000000, v14  }
0x5a0: {  	p1 =	seq.s32 s4, $0x0;
	s4 =	smov.u32 s2;
	s2 =	smov.u32 s1;
	v21 =	vperm.xlane v19, v3;
	v11 =	vld [tilespmem:s0+$0x0];
	(xrf1) =	vsort.ascd.msk.u32 $0xffff, v20, v20;
	v20 =	vperm.xlane v17, v3;
	[tilespmem:s25+$0xFFFFFFE0] =	vst v10  }
0x5a1: {  	s1 =	smov.u32 s26;
	s26 =	smov.u32 s13;
	v14 =	vpsel p1, v12, v18;
	(xrf1) =	vsort.ascd.msk.u32 $0xffff, v13, v13;
	v15, _, _ =	vpop (xrf1);
	v13 =	vperm.xlane v6, v3;
	[tilespmem:s25+$0x0] =	vst v7;
	s25 =	smov.u32 s24  }
0x5a2: {  	s0 =	sadd.s32 $0x40, s0;
	v7 =	vpsel p1, v21, v19;
	s24 =	smov.u32 s21;
	s21 =	smov.u32 s5;
	(xrf1) =	vsort.ascd.msk.u32 $0xffff, v9, v9;
	v9 =	vxor.u32 $0x80000000, v16;
	v12, _, _ =	vpop (xrf1);
	v10 =	vpsel p1, v20, v17  }
0x5a3: {  	v5 =	vxor.u32 $0x80000000, v5  }
0x5a4: {  	(xrf1) =	vsort.ascd.msk.u32 $0xffff, v5, v5;
	v5 =	vxor.u32 $0x80000000, v8  }
0x5a5: {  	v11 =	vxor.u32 $0x80000000, v11  }
0x5a6: {  	(xrf1) =	vsort.ascd.msk.u32 $0xffff, v11, v11  }
0x5a7: {  	v6 =	vpsel p1, v13, v6;
	(xrf1) =	vsort.ascd.msk.u32 $0xffff, v5, v5;
	v5, _, _ =	vpop (xrf1)  }
0x5a8: {  	[tilespmem:s25+$0x10] =	vst v14;
	v8 =	vxor.u32 $0x80000000, v15;
	(xrf1) =	vsort.ascd.msk.u32 $0xffff, v9, v9;
	v9, _, _ =	vpop (xrf1);
	v5 =	vxor.u32 $0x80000000, v5  }
0x5a9: {  	[tilespmem:s25+$0xFFFFFFE0] =	vst v10;
	v11 =	vperm.xlane v8, v3;
	v9 =	vxor.u32 $0x80000000, v9;
	v10 =	vperm.xlane v5, v3  }
0x5aa: {  	p0 =	seq.s32 s4, $0x0;
	v12 =	vxor.u32 $0x80000000, v12;
	[tilespmem:s25+$0xFFFFFFF0] =	vst v6;
	v6, _, _ =	vpop (xrf1);
	v13 =	vperm.xlane v9, v3  }
0x5ab: {  	[tilespmem:s25+$0x0] =	vst v7;
	v8 =	vpsel p0, v11, v8;
	v11 =	vperm.xlane v12, v3;
	v7, _, _ =	vpop (xrf1);
	v6 =	vxor.u32 $0x80000000, v6  }
0x5ac: {  	[tilespmem:s24+$0x10] =	vst v8;
	v14, _, _ =	vpop (xrf1);
	v5 =	vpsel p0, v10, v5;
	v8 =	vpsel p0, v13, v9;
	v9 =	vperm.xlane v6, v3  }
0x5ad: {  	[tilespmem:s24+$0xFFFFFFF0] =	vst v5;
	v5 =	vxor.u32 $0x80000000, v14;
	v10, _, _ =	vpop (xrf1)  }
0x5ae: {  	v11 =	vpsel p0, v11, v12;
	v12 =	vperm.xlane v5, v3;
	v10 =	vxor.u32 $0x80000000, v10  }
0x5af: {  	p4 =	seq.s32 s2, $0x0;
	v7 =	vxor.u32 $0x80000000, v7;
	[tilespmem:s24+$0xFFFFFFE0] =	vst v8;
	v8, _, _ =	vpop (xrf1);
	v13 =	vperm.xlane v10, v3  }
0x5b0: {  	[tilespmem:s24+$0x0] =	vst v11;
	v11 =	vperm.xlane v7, v3;
	v6 =	vpsel p4, v9, v6;
	v9, _, _ =	vpop (xrf1)  }
0x5b1: {  	v5 =	vpsel p4, v12, v5;
	[tilespmem:s21+$0x10] =	vst v6;
	v14, _, _ =	vpop (xrf1);
	v6 =	vpsel p4, v13, v10  }
0x5b2: {  	v7 =	vpsel p4, v11, v7;
	v8 =	vxor.u32 $0x80000000, v8;
	[tilespmem:s21+$0xFFFFFFF0] =	vst v5;
	v12, _, _ =	vpop (xrf1);
	v5 =	vxor.u32 $0x80000000, v14  }
0x5b3: {  	v10 =	vperm.xlane v8, v3;
	v11 =	vxor.u32 $0x80000000, v12;
	v12 =	vperm.xlane v5, v3  }
0x5b4: {  	p5 =	seq.s32 s1, $0x0;
	[tilespmem:s21+$0xFFFFFFE0] =	vst v6;
	v6, _, _ =	vpop (xrf1)  }
0x5b5: {  	[tilespmem:s21+$0x0] =	vst v7;
	v9 =	vxor.u32 $0x80000000, v9;
	v8 =	vpsel p5, v10, v8;
	v13 =	vperm.xlane v11, v3;
	v7, _, _ =	vpop (xrf1)  }
0x5b6: {  	v10 =	vperm.xlane v9, v3;
	[tilespmem:s23+$0x10] =	vst v8;
	v6 =	vxor.u32 $0x80000000, v6;
	v5 =	vpsel p5, v12, v5;
	v14, _, _ =	vpop (xrf1)  }
0x5b7: {  	v8 =	vpsel p5, v13, v11;
	v11 =	vperm.xlane v6, v3;
	[tilespmem:s23+$0xFFFFFFF0] =	vst v5;
	v12, _, _ =	vpop (xrf1);
	v5 =	vxor.u32 $0x80000000, v14  }
0x5b8: {  	p6 =	seq.s32 s26, $0x0;
	v9 =	vpsel p5, v10, v9;
	[tilespmem:s23+$0xFFFFFFE0] =	vst v8;
	v10 =	vxor.u32 $0x80000000, v12;
	v8 =	vperm.xlane v5, v3  }
0x5b9: {  	v7 =	vxor.u32 $0x80000000, v7;
	[tilespmem:s23+$0x0] =	vst v9;
	v6 =	vpsel p6, v11, v6;
	v12 =	vperm.xlane v10, v3  }
0x5ba: {  	s2 =	simm.s32 $0x0;
	v9 =	vperm.xlane v7, v3;
	[tilespmem:s20+$0x10] =	vst v6;
	v5 =	vpsel p6, v8, v5  }
0x5bb: {  	s0 =	sand.u32 $0x1C, s22;
	s29 =	sand.u32 $0x40, s2;
	v6 =	vpsel p6, v12, v10;
	[tilespmem:s20+$0xFFFFFFF0] =	vst v5  }
0x5bc: {  	s0 =	sor.u32 s0, s29;
	v5 =	vpsel p6, v9, v7;
	[tilespmem:s20+$0xFFFFFFE0] =	vst v6  }
0x5bd: {  	s4 =	sshll.u32 s0, $0x4;
	[tilespmem:s20+$0x0] =	vst v5  }
0x5be: {  	v5 =	vld [tilespmem:s4+$0x1C030]  }
0x5bf: {  	v6 =	vld [tilespmem:s4+$0x1C230]  }
0x5c0: {  	v8 =	vld [tilespmem:s4+$0x1C000]  }
0x5c1: {  	v11 =	vld [tilespmem:s4+$0x1C200]  }
0x5c2: {  	s8 =	simm.s32 $0x8;
	v13 =	vld [tilespmem:s4+$0x1C010]  }
0x5c3: {  	s30 =	sand.u32 $0x1C, s19;
	s31 =	sand.u32 $0x40, s8;
	v14 =	vld [tilespmem:s4+$0x1C210]  }
0x5c4: {  	s0 =	sor.u32 s30, s31;
	v7 =	vld [tilespmem:s4+$0x1C020];
	vm0 =	vlt.s32 v5, v6  }
0x5c5: {  	p1 =	por $0x1, $0x1;
	s1 =	sshll.u32 s0, $0x4;
	v10 =	vld [tilespmem:s4+$0x1C220];
	v9 =	vsel vm0, v5, v6;
	v6 =	vsel vm0, v6, v5  }
0x5c6: {  	vm14 =	vgt.s32 v8, v11;
	v5 =	vld [tilespmem:s1+$0x1C030];
	v12 =	vpsel p1, v9, v6  }
0x5c7: {  	v16 =	vsel vm14, v11, v8;
	v8 =	vsel vm14, v8, v11;
	v15 =	vpsel p1, v6, v9;
	v9 =	vld [tilespmem:s1+$0x1C230];
	[tilespmem:s4+$0x1C230] =	vst v12  }
0x5c8: {  	vm15 =	vlt.s32 v13, v14;
	v6 =	vld [tilespmem:s1+$0x1C000];
	v12 =	vpsel p1, v8, v16;
	[tilespmem:s4+$0x1C030] =	vst v15  }
0x5c9: {  	s0 =	simm.s32 $0x4;
	v11 =	vpsel p1, v16, v8;
	v8 =	vld [tilespmem:s1+$0x1C200];
	[tilespmem:s4+$0x1C000] =	vst v12;
	v12 =	vsel vm15, v13, v14;
	v13 =	vsel vm15, v14, v13  }
.LBB2_116:
0x5ca: {  	s19 =	sadd.s32 $0x4, s19;
	v14 =	vld [tilespmem:s1+$0x1C010];
	s8 =	sadd.s32 $0x8, s8;
	[tilespmem:s4+$0x1C200] =	vst v11;
	v11 =	vpsel p1, v13, v12;
	v12 =	vpsel p1, v12, v13;
	vm0 =	vlt.s32 v7, v10  }
0x5cb: {  	s5 =	sand.u32 $0x1C, s19;
	s13 =	sand.u32 $0x40, s8;
	p2 =	slt.u32 s19, $0x3C;
	v13 =	vld [tilespmem:s1+$0x1C210];
	[tilespmem:s4+$0x1C010] =	vst v11;
	v11 =	vsel vm0, v7, v10;
	v10 =	vsel vm0, v10, v7  }
0x5cc: {  	s5 =	sor.u32 s5, s13;
	v7 =	vld [tilespmem:s1+$0x1C020];
	vm0 =	vlt.s32 v5, v9;
	[tilespmem:s4+$0x1C210] =	vst v12;
	v12 =	vpsel p1, v10, v11;
	v11 =	vpsel p1, v11, v10  }
.Ltmp60:
0x5cd: {  	p1 =	slt.u32 s0, $0x20;
	s5 =	sshll.u32 s5, $0x4;
	v10 =	vld [tilespmem:s1+$0x1C220];
	v15 =	vsel vm0, v5, v9;
	v9 =	vsel vm0, v9, v5;
	[tilespmem:s4+$0x1C020] =	vst v12;
	(pc) =	sbr.rel @p2 .LBB2_116-.Ltmp60, $4  }
0x5ce: {  	s0 =	smov.u32 s19;
	v5 =	vld [tilespmem:s5+$0x1C030];
	vm0 =	vgt.s32 v6, v8;
	v12 =	vpsel p1, v9, v15;
	v15 =	vpsel p1, v15, v9;
	[tilespmem:s4+$0x1C220] =	vst v11;
	s4 =	smov.u32 s1;
	s1 =	smov.u32 s5  }
0x5cf: {  	v9 =	vld [tilespmem:s1+$0x1C230];
	v11 =	vsel vm0, v8, v6;
	v8 =	vsel vm0, v6, v8;
	[tilespmem:s4+$0x1C230] =	vst v15  }
0x5d0: {  	v6 =	vld [tilespmem:s1+$0x1C000];
	v15 =	vpsel p1, v8, v11;
	v11 =	vpsel p1, v11, v8;
	vm0 =	vlt.s32 v14, v13;
	[tilespmem:s4+$0x1C030] =	vst v12  }
0x5d1: {  	v8 =	vld [tilespmem:s1+$0x1C200];
	[tilespmem:s4+$0x1C000] =	vst v15;
	v12 =	vsel vm0, v14, v13;
	v13 =	vsel vm0, v13, v14  }
0x5d2: {  	v14 =	vld [tilespmem:s1+$0x1C010];
	[tilespmem:s4+$0x1C200] =	vst v11;
	v11 =	vpsel p1, v13, v12;
	vm0 =	vlt.s32 v7, v10  }
0x5d3: {  	v61 =	vpsel p1, v12, v13;
	v62 =	vld [tilespmem:s1+$0x1C210];
	[tilespmem:s4+$0x1C010] =	vst v11;
	v11 =	vsel vm0, v7, v10;
	v7 =	vsel vm0, v10, v7  }
0x5d4: {  	v10 =	vld [tilespmem:s1+$0x1C020];
	[tilespmem:s4+$0x1C210] =	vst v61;
	vm12 =	vlt.s32 v5, v9;
	v63 =	vpsel p1, v7, v11  }
0x5d5: {  	p0 =	slt.u32 s0, $0x20;
	v7 =	vpsel p1, v11, v7;
	v11 =	vld [tilespmem:s1+$0x1C220];
	v15 =	vsel vm12, v5, v9;
	v5 =	vsel vm12, v9, v5;
	[tilespmem:s4+$0x1C020] =	vst v63  }
0x5d6: {  	[tilespmem:s4+$0x1C220] =	vst v7;
	vm13 =	vgt.s32 v6, v8;
	v9 =	vpsel p0, v15, v5  }
0x5d7: {  	v5 =	vpsel p0, v5, v15;
	v7 =	vsel vm13, v8, v6;
	v6 =	vsel vm13, v6, v8;
	[tilespmem:s1+$0x1C230] =	vst v9  }
0x5d8: {  	vm14 =	vlt.s32 v14, v62;
	[tilespmem:s1+$0x1C030] =	vst v5;
	v8 =	vpsel p0, v6, v7  }
0x5d9: {  	v5 =	vpsel p0, v7, v6;
	v6 =	vsel vm14, v14, v62;
	v7 =	vsel vm14, v62, v14;
	[tilespmem:s1+$0x1C000] =	vst v8  }
0x5da: {  	[tilespmem:s1+$0x1C200] =	vst v5;
	v5 =	vpsel p0, v7, v6;
	vm15 =	vlt.s32 v10, v11  }
0x5db: {  	s19 =	simm.s32 $0x0;
	v6 =	vpsel p0, v6, v7;
	[tilespmem:s1+$0x1C010] =	vst v5;
	v5 =	vsel vm15, v10, v11;
	v7 =	vsel vm15, v11, v10  }
0x5dc: {  	s2 =	sand.u32 $0x60, s2;
	s31 =	sand.u32 $0xC, s19;
	[tilespmem:s1+$0x1C210] =	vst v6;
	v6 =	vpsel p0, v7, v5  }
0x5dd: {  	p2 =	por $0x1, $0x1;
	s0 =	sor.u32 s31, s2;
	v5 =	vpsel p0, v5, v7;
	[tilespmem:s1+$0x1C020] =	vst v6  }
.Ltmp61:
0x5de: {  	[tilespmem:s1+$0x1C220] =	vst v5;
	s1 =	sshll.u32 s0, $0x4;
	(pc) =	sbr.rel @!p2 .LBB2_118-.Ltmp61, $4  }
0x5df: {  	v6 =	vld [tilespmem:s1+$0x1C030]  }
0x5e0: {  	v8 =	vld [tilespmem:s1+$0x1C130]  }
0x5e1: {  	v5 =	vld [tilespmem:s1+$0x1C000]  }
0x5e2: {  	p1 =	por $0x0, $0x0;
	v7 =	vld [tilespmem:s1+$0x1C100]  }
0x5e3: {  	s4 =	simm.s32 $0x4;
	v13 =	vld [tilespmem:s1+$0x1C010];
	s8 =	simm.s32 $0x8  }
0x5e4: {  	v14 =	vld [tilespmem:s1+$0x1C110];
	s0 =	sand.u32 $0xC, s4;
	s2 =	sand.u32 $0x60, s8  }
0x5e5: {  	v9 =	vld [tilespmem:s1+$0x1C020];
	p0 =	por $0x1, $0x1;
	s0 =	sor.u32 s0, s2;
	vm0 =	vlt.s32 v6, v8  }
.Ltmp62:
0x5e6: {  	p3 =	por $0x1, $0x1;
	v10 =	vld [tilespmem:s1+$0x1C120];
	s2 =	sshll.u32 s0, $0x4;
	v11 =	vsel vm0, v6, v8;
	v8 =	vsel vm0, v8, v6;
	(pc) =	sbr.rel @!p0 .LBB2_121-.Ltmp62, $4  }
0x5e7: {  	v6 =	vld [tilespmem:s2+$0x1C030];
	vm14 =	vgt.s32 v5, v7;
	v12 =	vpsel p3, v11, v8  }
0x5e8: {  	v11 =	vpsel p3, v8, v11;
	v8 =	vld [tilespmem:s2+$0x1C130];
	v15 =	vsel vm14, v7, v5;
	v7 =	vsel vm14, v5, v7;
	[tilespmem:s1+$0x1C130] =	vst v12  }
0x5e9: {  	v5 =	vld [tilespmem:s2+$0x1C000];
	vm15 =	vlt.s32 v13, v14;
	[tilespmem:s1+$0x1C030] =	vst v11;
	v12 =	vpsel p3, v7, v15  }
0x5ea: {  	p4 =	por $0x1, $0x1;
	s0 =	simm.s32 $0x4;
	v11 =	vpsel p3, v15, v7;
	v7 =	vld [tilespmem:s2+$0x1C100];
	[tilespmem:s1+$0x1C000] =	vst v12;
	v12 =	vsel vm15, v13, v14;
	v13 =	vsel vm15, v14, v13  }
.LBB2_120:
0x5eb: {  	s0 =	sadd.s32 $0x4, s0;
	v14 =	vld [tilespmem:s2+$0x1C010];
	s8 =	sadd.s32 $0x8, s8;
	[tilespmem:s1+$0x1C100] =	vst v11;
	v11 =	vpsel p3, v13, v12;
	v12 =	vpsel p3, v12, v13;
	vm0 =	vlt.s32 v9, v10  }
0x5ec: {  	s5 =	sand.u32 $0xC, s0;
	s13 =	sand.u32 $0x60, s8;
	p5 =	slt.u32 s0, $0x3C;
	v13 =	vld [tilespmem:s2+$0x1C110];
	[tilespmem:s1+$0x1C010] =	vst v11;
	v11 =	vsel vm0, v9, v10;
	v10 =	vsel vm0, v10, v9  }
0x5ed: {  	s5 =	sor.u32 s5, s13;
	v9 =	vld [tilespmem:s2+$0x1C020];
	vm0 =	vlt.s32 v6, v8;
	[tilespmem:s1+$0x1C110] =	vst v12;
	v12 =	vpsel p3, v10, v11;
	v11 =	vpsel p3, v11, v10  }
.Ltmp63:
0x5ee: {  	p3 =	slt.u32 s4, $0x20;
	s5 =	sshll.u32 s5, $0x4;
	v10 =	vld [tilespmem:s2+$0x1C120];
	v15 =	vsel vm0, v6, v8;
	v8 =	vsel vm0, v8, v6;
	[tilespmem:s1+$0x1C020] =	vst v12;
	(pc) =	sbr.rel @p5 .LBB2_120-.Ltmp63, $4  }
0x5ef: {  	s4 =	smov.u32 s0;
	v6 =	vld [tilespmem:s5+$0x1C030];
	vm0 =	vgt.s32 v5, v7;
	v12 =	vpsel p3, v8, v15;
	v15 =	vpsel p3, v15, v8;
	[tilespmem:s1+$0x1C120] =	vst v11;
	s1 =	smov.u32 s2;
	s2 =	smov.u32 s5  }
0x5f0: {  	v8 =	vld [tilespmem:s2+$0x1C130];
	v11 =	vsel vm0, v7, v5;
	v7 =	vsel vm0, v5, v7;
	[tilespmem:s1+$0x1C130] =	vst v15  }
0x5f1: {  	v5 =	vld [tilespmem:s2+$0x1C000];
	v15 =	vpsel p3, v7, v11;
	v11 =	vpsel p3, v11, v7;
	vm0 =	vlt.s32 v14, v13;
	[tilespmem:s1+$0x1C030] =	vst v12  }
0x5f2: {  	v7 =	vld [tilespmem:s2+$0x1C100];
	[tilespmem:s1+$0x1C000] =	vst v15;
	v12 =	vsel vm0, v14, v13;
	v13 =	vsel vm0, v13, v14  }
.LBB2_121:
0x5f3: {  	p0 =	por !p3, !p4  }
0x5f4: {  	v14 =	vld [tilespmem:s2+$0x1C010];
	[tilespmem:s1+$0x1C100] =	vst @p4 v11;
	vm0 =	vlt.s32 @p4 v9, v10;
	v11 =	vpsel p0, v12, v13  }
0x5f5: {  	v63 =	vld [tilespmem:s2+$0x1C110];
	v12 =	vpsel p0, v13, v12;
	[tilespmem:s1+$0x1C010] =	vst @p4 v11;
	v11 =	vsel @p4 vm0, v9, v10;
	v9 =	vsel @p4 vm0, v10, v9  }
0x5f6: {  	v10 =	vld [tilespmem:s2+$0x1C020];
	vm12 =	vlt.s32 v6, v8;
	[tilespmem:s1+$0x1C110] =	vst @p4 v12;
	v12 =	vpsel p0, v11, v9  }
0x5f7: {  	p6 =	slt.u32 s4, $0x20;
	v9 =	vpsel p0, v9, v11;
	v11 =	vld [tilespmem:s2+$0x1C120];
	v15 =	vsel vm12, v6, v8;
	v6 =	vsel vm12, v8, v6;
	[tilespmem:s1+$0x1C020] =	vst @p4 v12  }
0x5f8: {  	vm13 =	vgt.s32 v5, v7;
	v8 =	vpsel p6, v15, v6;
	[tilespmem:s1+$0x1C120] =	vst @p4 v9  }
0x5f9: {  	v6 =	vpsel p6, v6, v15;
	v9 =	vsel vm13, v7, v5;
	v5 =	vsel vm13, v5, v7;
	[tilespmem:s2+$0x1C130] =	vst v8  }
0x5fa: {  	vm14 =	vlt.s32 v14, v63;
	[tilespmem:s2+$0x1C030] =	vst v6;
	v7 =	vpsel p6, v5, v9  }
0x5fb: {  	v5 =	vpsel p6, v9, v5;
	v6 =	vsel vm14, v14, v63;
	[tilespmem:s2+$0x1C000] =	vst v7;
	v7 =	vsel vm14, v63, v14  }
0x5fc: {  	[tilespmem:s2+$0x1C100] =	vst v5;
	v5 =	vpsel p6, v7, v6;
	vm15 =	vlt.s32 v10, v11  }
0x5fd: {  	s0 =	simm.s32 $0x0;
	v6 =	vpsel p6, v6, v7;
	[tilespmem:s2+$0x1C010] =	vst v5;
	v5 =	vsel vm15, v10, v11;
	v7 =	vsel vm15, v11, v10  }
0x5fe: {  	s31 =	sand.u32 $0x4, s19;
	s0 =	sand.u32 $0x70, s0;
	[tilespmem:s2+$0x1C110] =	vst v6;
	v6 =	vpsel p6, v7, v5  }
0x5ff: {  	s0 =	sor.u32 s31, s0;
	v5 =	vpsel p6, v5, v7;
	[tilespmem:s2+$0x1C020] =	vst v6  }
.Ltmp64:
0x600: {  	s1 =	sshll.u32 s0, $0x4;
	[tilespmem:s2+$0x1C120] =	vst v5;
	(pc) =	sbr.rel @!p2 .LBB2_122-.Ltmp64, $4  }
0x601: {  	v6 =	vld [tilespmem:s1+$0x1C030]  }
0x602: {  	v8 =	vld [tilespmem:s1+$0x1C0B0]  }
0x603: {  	v5 =	vld [tilespmem:s1+$0x1C000]  }
0x604: {  	v7 =	vld [tilespmem:s1+$0x1C080]  }
0x605: {  	s19 =	simm.s32 $0x4;
	v13 =	vld [tilespmem:s1+$0x1C010];
	s4 =	simm.s32 $0x8  }
0x606: {  	v14 =	vld [tilespmem:s1+$0x1C090];
	s0 =	sand.u32 $0x4, s19;
	s2 =	sand.u32 $0x70, s4  }
0x607: {  	v9 =	vld [tilespmem:s1+$0x1C020];
	p0 =	por $0x1, $0x1;
	s0 =	sor.u32 s0, s2;
	vm0 =	vlt.s32 v6, v8  }
.Ltmp65:
0x608: {  	p2 =	por $0x1, $0x1;
	v10 =	vld [tilespmem:s1+$0x1C0A0];
	s2 =	sshll.u32 s0, $0x4;
	v11 =	vsel vm0, v6, v8;
	v8 =	vsel vm0, v8, v6;
	(pc) =	sbr.rel @!p0 .LBB2_125-.Ltmp65, $4  }
0x609: {  	v6 =	vld [tilespmem:s2+$0x1C030];
	vm14 =	vgt.s32 v5, v7;
	v12 =	vpsel p2, v11, v8  }
0x60a: {  	v11 =	vpsel p2, v8, v11;
	v8 =	vld [tilespmem:s2+$0x1C0B0];
	v15 =	vsel vm14, v7, v5;
	v7 =	vsel vm14, v5, v7;
	[tilespmem:s1+$0x1C0B0] =	vst v12  }
0x60b: {  	v5 =	vld [tilespmem:s2+$0x1C000];
	vm15 =	vlt.s32 v13, v14;
	[tilespmem:s1+$0x1C030] =	vst v11;
	v12 =	vpsel p2, v7, v15  }
0x60c: {  	p1 =	por $0x1, $0x1;
	s0 =	simm.s32 $0x4;
	v11 =	vpsel p2, v15, v7;
	v7 =	vld [tilespmem:s2+$0x1C080];
	[tilespmem:s1+$0x1C000] =	vst v12;
	v12 =	vsel vm15, v13, v14;
	v13 =	vsel vm15, v14, v13  }
.LBB2_124:
0x60d: {  	s0 =	sadd.s32 $0x4, s0;
	v14 =	vld [tilespmem:s2+$0x1C010];
	s4 =	sadd.s32 $0x8, s4;
	[tilespmem:s1+$0x1C080] =	vst v11;
	v11 =	vpsel p2, v13, v12;
	v12 =	vpsel p2, v12, v13;
	vm0 =	vlt.s32 v9, v10  }
0x60e: {  	s5 =	sand.u32 $0x4, s0;
	s8 =	sand.u32 $0x70, s4;
	p3 =	slt.u32 s0, $0x3C;
	v13 =	vld [tilespmem:s2+$0x1C090];
	[tilespmem:s1+$0x1C010] =	vst v11;
	v11 =	vsel vm0, v9, v10;
	v10 =	vsel vm0, v10, v9  }
0x60f: {  	s5 =	sor.u32 s5, s8;
	v9 =	vld [tilespmem:s2+$0x1C020];
	vm0 =	vlt.s32 v6, v8;
	[tilespmem:s1+$0x1C090] =	vst v12;
	v12 =	vpsel p2, v10, v11;
	v11 =	vpsel p2, v11, v10  }
.Ltmp66:
0x610: {  	p2 =	slt.u32 s19, $0x20;
	s5 =	sshll.u32 s5, $0x4;
	v10 =	vld [tilespmem:s2+$0x1C0A0];
	v15 =	vsel vm0, v6, v8;
	v8 =	vsel vm0, v8, v6;
	[tilespmem:s1+$0x1C020] =	vst v12;
	(pc) =	sbr.rel @p3 .LBB2_124-.Ltmp66, $4  }
0x611: {  	s19 =	smov.u32 s0;
	v6 =	vld [tilespmem:s5+$0x1C030];
	vm0 =	vgt.s32 v5, v7;
	v12 =	vpsel p2, v8, v15;
	v15 =	vpsel p2, v15, v8;
	[tilespmem:s1+$0x1C0A0] =	vst v11;
	s1 =	smov.u32 s2;
	s2 =	smov.u32 s5  }
0x612: {  	v8 =	vld [tilespmem:s2+$0x1C0B0];
	v11 =	vsel vm0, v7, v5;
	v7 =	vsel vm0, v5, v7;
	[tilespmem:s1+$0x1C0B0] =	vst v15  }
0x613: {  	v5 =	vld [tilespmem:s2+$0x1C000];
	v15 =	vpsel p2, v7, v11;
	v11 =	vpsel p2, v11, v7;
	vm0 =	vlt.s32 v14, v13;
	[tilespmem:s1+$0x1C030] =	vst v12  }
0x614: {  	v7 =	vld [tilespmem:s2+$0x1C080];
	[tilespmem:s1+$0x1C000] =	vst v15;
	v12 =	vsel vm0, v14, v13;
	v13 =	vsel vm0, v13, v14  }
.LBB2_125:
0x615: {  	p0 =	por !p2, !p1  }
0x616: {  	v14 =	vld [tilespmem:s2+$0x1C010];
	[tilespmem:s1+$0x1C080] =	vst @p1 v11;
	vm0 =	vlt.s32 @p1 v9, v10;
	v11 =	vpsel p0, v12, v13  }
0x617: {  	v63 =	vld [tilespmem:s2+$0x1C090];
	v12 =	vpsel p0, v13, v12;
	[tilespmem:s1+$0x1C010] =	vst @p1 v11;
	v11 =	vsel @p1 vm0, v9, v10;
	v9 =	vsel @p1 vm0, v10, v9  }
0x618: {  	v10 =	vld [tilespmem:s2+$0x1C020];
	vm0 =	vlt.s32 v6, v8;
	[tilespmem:s1+$0x1C090] =	vst @p1 v12;
	v12 =	vpsel p0, v11, v9  }
0x619: {  	p5 =	slt.u32 s19, $0x20;
	v9 =	vpsel p0, v9, v11;
	v11 =	vld [tilespmem:s2+$0x1C0A0];
	v15 =	vsel vm0, v6, v8;
	v6 =	vsel vm0, v8, v6;
	[tilespmem:s1+$0x1C020] =	vst @p1 v12  }
0x61a: {  	vm0 =	vgt.s32 v5, v7;
	v8 =	vpsel p5, v15, v6;
	[tilespmem:s1+$0x1C0A0] =	vst @p1 v9  }
0x61b: {  	v6 =	vpsel p5, v6, v15;
	v9 =	vsel vm0, v7, v5;
	v5 =	vsel vm0, v5, v7;
	[tilespmem:s2+$0x1C0B0] =	vst v8  }
0x61c: {  	vm0 =	vlt.s32 v14, v63;
	[tilespmem:s2+$0x1C030] =	vst v6;
	v7 =	vpsel p5, v5, v9  }
0x61d: {  	v5 =	vpsel p5, v9, v5;
	v6 =	vsel vm0, v14, v63;
	[tilespmem:s2+$0x1C000] =	vst v7;
	v7 =	vsel vm0, v63, v14  }
0x61e: {  	[tilespmem:s2+$0x1C080] =	vst v5;
	v5 =	vpsel p5, v7, v6;
	vm0 =	vlt.s32 v10, v11  }
0x61f: {  	v6 =	vpsel p5, v6, v7;
	[tilespmem:s2+$0x1C010] =	vst v5;
	v5 =	vsel vm0, v10, v11;
	v7 =	vsel vm0, v11, v10  }
0x620: {  	[tilespmem:s2+$0x1C090] =	vst v6;
	v6 =	vpsel p5, v7, v5  }
0x621: {  	v5 =	vpsel p5, v5, v7;
	[tilespmem:s2+$0x1C020] =	vst v6  }
0x622: {  	s19 =	simm.s32 $0x1C040;
	[tilespmem:s2+$0x1C0A0] =	vst v5  }
0x623: {  	v8 =	vld [tilespmem:s19+$0x30]  }
0x624: {  	p3 =	por $0x1, $0x1;
	v11 =	vld [tilespmem:s19+$0xFFFFFFF0]  }
.Ltmp67:
0x625: {  	v7 =	vld [tilespmem:s19+$0x20];
	(pc) =	sbr.rel @!p3 .LBB2_126-.Ltmp67, $4  }
0x626: {  	v9 =	vld [tilespmem:s19+$0xFFFFFFE0]  }
0x627: {  	v6 =	vld [tilespmem:s19+$0x10]  }
0x628: {  	p6 =	por $0x1, $0x1;
	v10 =	vld [tilespmem:s19+$0xFFFFFFD0]  }
0x629: {  	p2 =	por $0x0, $0x0;
	p1 =	por p6, p6;
	v5 =	vld [tilespmem:s19+$0x0];
	vm0 =	vgt.s32 v11, v8  }
0x62a: {  	v12 =	vld [tilespmem:s19+$0xFFFFFFC0];
	v13 =	vsel vm0, v8, v11;
	v11 =	vsel vm0, v11, v8;
	s1 =	simm.s32 $0x1C0C0  }
0x62b: {  	v8 =	vld [tilespmem:s1+$0x30];
	vm0 =	vgt.s32 v9, v7;
	v14 =	vpsel p1, v11, v13  }
0x62c: {  	p0 =	por $0x1, $0x1;
	v13 =	vpsel p1, v13, v11;
	v11 =	vld [tilespmem:s1+$0xFFFFFFF0];
	v15 =	vsel vm0, v7, v9;
	v16 =	vsel vm0, v9, v7;
	[tilespmem:s19+$0xFFFFFFF0] =	vst v14  }
.Ltmp68:
0x62d: {  	v7 =	vld [tilespmem:s1+$0x20];
	[tilespmem:s19+$0x30] =	vst v13;
	vm0 =	vgt.s32 v10, v6;
	v14 =	vpsel p1, v16, v15;
	(pc) =	sbr.rel @!p0 .LBB2_128-.Ltmp68, $4  }
0x62e: {  	v9 =	vld [tilespmem:s1+$0xFFFFFFE0];
	v13 =	vsel vm0, v6, v10;
	v10 =	vsel vm0, v10, v6;
	[tilespmem:s19+$0xFFFFFFE0] =	vst v14;
	v14 =	vpsel p1, v15, v16  }
0x62f: {  	v6 =	vld [tilespmem:s1+$0x10];
	vm0 =	vgt.s32 v12, v5;
	v15 =	vpsel p1, v10, v13;
	[tilespmem:s19+$0x20] =	vst v14  }
0x630: {  	p4 =	por $0x1, $0x1;
	s0 =	simm.s32 $0x4;
	p5 =	por $0x1, $0x1;
	v14 =	vpsel p1, v13, v10;
	v10 =	vld [tilespmem:s1+$0xFFFFFFD0];
	v63 =	vsel vm0, v5, v12;
	v12 =	vsel vm0, v12, v5;
	[tilespmem:s19+$0xFFFFFFD0] =	vst v15  }
0x631: {  	s4 =	simm.s32 $0x1C0C0;
	s2 =	simm.s32 $0x1C040;
	p4 =	por p4, p4;
	v5 =	vld [tilespmem:s1+$0x0];
	vm0 =	vgt.s32 v11, v8;
	[tilespmem:s19+$0x10] =	vst v14;
	v13 =	vpsel p1, v12, v63;
	v12 =	vpsel p1, v63, v12  }
.LBB2_129:
0x632: {  	s0 =	sadd.s32 $0x4, s0;
	v14 =	vld [tilespmem:s1+$0xFFFFFFC0];
	v15 =	vsel vm0, v8, v11;
	v11 =	vsel vm0, v11, v8;
	s4 =	sadd.s32 $0x80, s4;
	[tilespmem:s2+$0xFFFFFFC0] =	vst v13  }
0x633: {  	p6 =	slt.u32 s0, $0x20;
	v8 =	vld [tilespmem:s4+$0x30];
	p0 =	slt.u32 s0, $0x3C;
	vm0 =	vgt.s32 v9, v7;
	v13 =	vpsel p4, v11, v15;
	v15 =	vpsel p4, v15, v11;
	[tilespmem:s2+$0x0] =	vst v12;
	s2 =	smov.u32 s1  }
0x634: {  	s1 =	smov.u32 s4;
	v11 =	vld [tilespmem:s4+$0xFFFFFFF0];
	v12 =	vsel vm0, v7, v9;
	v16 =	vsel vm0, v9, v7;
	[tilespmem:s2+$0xFFFFFFF0] =	vst v13  }
.Ltmp69:
0x635: {  	v7 =	vld [tilespmem:s4+$0x20];
	vm0 =	vgt.s32 v10, v6;
	v13 =	vpsel p4, v16, v12;
	[tilespmem:s2+$0x30] =	vst v15;
	(pc) =	sbr.rel @p0 .LBB2_129-.Ltmp69, $4  }
0x636: {  	v12 =	vpsel p4, v12, v16;
	v9 =	vld [tilespmem:s4+$0xFFFFFFE0];
	v15 =	vsel vm0, v6, v10;
	v10 =	vsel vm0, v10, v6;
	[tilespmem:s2+$0xFFFFFFE0] =	vst v13  }
0x637: {  	v6 =	vld [tilespmem:s4+$0x10];
	vm0 =	vgt.s32 v14, v5;
	v13 =	vpsel p4, v10, v15;
	v15 =	vpsel p4, v15, v10;
	[tilespmem:s2+$0x20] =	vst v12  }
0x638: {  	v10 =	vld [tilespmem:s4+$0xFFFFFFD0];
	v12 =	vsel vm0, v5, v14;
	v14 =	vsel vm0, v14, v5;
	[tilespmem:s2+$0xFFFFFFD0] =	vst v13  }
0x639: {  	v5 =	vld [tilespmem:s4+$0x0];
	vm0 =	vgt.s32 v11, v8;
	v13 =	vpsel p4, v14, v12;
	v12 =	vpsel p4, v12, v14;
	[tilespmem:s2+$0x10] =	vst v15;
	p4 =	por p6, p6  }
.LBB2_130:
0x63a: {  	v14 =	vld [tilespmem:s1+$0xFFFFFFC0];
	v15 =	vsel vm0, v8, v11;
	v8 =	vsel vm0, v11, v8;
	[tilespmem:s2+$0xFFFFFFC0] =	vst @p5 v13  }
0x63b: {  	[tilespmem:s2+$0x0] =	vst @p5 v12;
	vm0 =	vgt.s32 v9, v7;
	v11 =	vpsel p4, v8, v15  }
0x63c: {  	v8 =	vpsel p4, v15, v8;
	v63 =	vsel vm0, v7, v9;
	v7 =	vsel vm0, v9, v7;
	[tilespmem:s1+$0xFFFFFFF0] =	vst v11  }
0x63d: {  	[tilespmem:s1+$0x30] =	vst v8;
	vm0 =	vgt.s32 v10, v6;
	v9 =	vpsel p4, v7, v63  }
0x63e: {  	v7 =	vpsel p4, v63, v7;
	v8 =	vsel vm0, v6, v10;
	v6 =	vsel vm0, v10, v6;
	[tilespmem:s1+$0xFFFFFFE0] =	vst v9  }
0x63f: {  	[tilespmem:s1+$0x20] =	vst v7;
	vm0 =	vgt.s32 v14, v5;
	v9 =	vpsel p4, v6, v8  }
0x640: {  	v6 =	vpsel p4, v8, v6;
	v7 =	vsel vm0, v5, v14;
	v5 =	vsel vm0, v14, v5;
	[tilespmem:s1+$0xFFFFFFD0] =	vst v9  }
0x641: {  	[tilespmem:s1+$0x10] =	vst v6;
	v8 =	vpsel p4, v5, v7  }
0x642: {  	v5 =	vpsel p4, v7, v5;
	[tilespmem:s1+$0xFFFFFFC0] =	vst v8  }
0x643: {  	[tilespmem:s1+$0x0] =	vst v5  }
0x644: {  	v8 =	vld [tilespmem:s19+$0x30]  }
0x645: {  	v11 =	vld [tilespmem:s19+$0x10]  }
.Ltmp70:
0x646: {  	v7 =	vld [tilespmem:s19+$0x20];
	(pc) =	sbr.rel @!p3 .LBB2_131-.Ltmp70, $4  }
0x647: {  	v9 =	vld [tilespmem:s19+$0x0]  }
0x648: {  	v6 =	vld [tilespmem:s19+$0xFFFFFFF0]  }
0x649: {  	v10 =	vld [tilespmem:s19+$0xFFFFFFD0]  }
0x64a: {  	v5 =	vld [tilespmem:s19+$0xFFFFFFE0];
	vm0 =	vgt.s32 v11, v8  }
0x64b: {  	v12 =	vld [tilespmem:s19+$0xFFFFFFC0];
	v13 =	vsel vm0, v8, v11;
	v11 =	vsel vm0, v11, v8;
	s1 =	simm.s32 $0x1C0C0  }
0x64c: {  	v8 =	vld [tilespmem:s1+$0x30];
	vm0 =	vgt.s32 v9, v7;
	v14 =	vpsel p1, v11, v13  }
0x64d: {  	p3 =	por $0x1, $0x1;
	v13 =	vpsel p1, v13, v11;
	v11 =	vld [tilespmem:s1+$0x10];
	v15 =	vsel vm0, v7, v9;
	v16 =	vsel vm0, v9, v7;
	[tilespmem:s19+$0x10] =	vst v14  }
.Ltmp71:
0x64e: {  	v7 =	vld [tilespmem:s1+$0x20];
	[tilespmem:s19+$0x30] =	vst v13;
	vm0 =	vgt.s32 v10, v6;
	v14 =	vpsel p1, v16, v15;
	(pc) =	sbr.rel @!p3 .LBB2_134-.Ltmp71, $4  }
0x64f: {  	v9 =	vld [tilespmem:s1+$0x0];
	v13 =	vsel vm0, v6, v10;
	v10 =	vsel vm0, v10, v6;
	[tilespmem:s19+$0x0] =	vst v14;
	v14 =	vpsel p1, v15, v16  }
0x650: {  	v6 =	vld [tilespmem:s1+$0xFFFFFFF0];
	vm0 =	vgt.s32 v12, v5;
	v15 =	vpsel p1, v10, v13;
	[tilespmem:s19+$0x20] =	vst v14  }
0x651: {  	s0 =	simm.s32 $0x4;
	p0 =	por $0x1, $0x1;
	v63 =	vpsel p1, v13, v10;
	v10 =	vld [tilespmem:s1+$0xFFFFFFD0];
	v14 =	vsel vm0, v5, v12;
	v5 =	vsel vm0, v12, v5;
	[tilespmem:s19+$0xFFFFFFD0] =	vst v15  }
0x652: {  	p2 =	por $0x1, $0x1;
	s2 =	simm.s32 $0x1C0C0;
	vm0 =	vgt.s32 v11, v8;
	[tilespmem:s19+$0xFFFFFFF0] =	vst v63;
	v13 =	vpsel p1, v5, v14;
	v12 =	vpsel p1, v14, v5;
	v5 =	vld [tilespmem:s1+$0xFFFFFFE0];
	p1 =	por p0, p0  }
.LBB2_133:
0x653: {  	s0 =	sadd.s32 $0x4, s0;
	v14 =	vld [tilespmem:s1+$0xFFFFFFC0];
	v15 =	vsel vm0, v8, v11;
	v11 =	vsel vm0, v11, v8;
	s2 =	sadd.s32 $0x80, s2;
	[tilespmem:s19+$0xFFFFFFC0] =	vst v13  }
0x654: {  	p3 =	slt.u32 s0, $0x20;
	v8 =	vld [tilespmem:s2+$0x30];
	p0 =	slt.u32 s0, $0x3C;
	vm0 =	vgt.s32 v9, v7;
	v13 =	vpsel p1, v11, v15;
	v15 =	vpsel p1, v15, v11;
	[tilespmem:s19+$0xFFFFFFE0] =	vst v12;
	s19 =	smov.u32 s1  }
0x655: {  	s1 =	smov.u32 s2;
	v11 =	vld [tilespmem:s2+$0x10];
	v12 =	vsel vm0, v7, v9;
	v16 =	vsel vm0, v9, v7;
	[tilespmem:s19+$0x10] =	vst v13  }
.Ltmp72:
0x656: {  	v7 =	vld [tilespmem:s2+$0x20];
	vm0 =	vgt.s32 v10, v6;
	v13 =	vpsel p1, v16, v12;
	[tilespmem:s19+$0x30] =	vst v15;
	(pc) =	sbr.rel @p0 .LBB2_133-.Ltmp72, $4  }
0x657: {  	v12 =	vpsel p1, v12, v16;
	v9 =	vld [tilespmem:s2+$0x0];
	v15 =	vsel vm0, v6, v10;
	v10 =	vsel vm0, v10, v6;
	[tilespmem:s19+$0x0] =	vst v13  }
0x658: {  	v6 =	vld [tilespmem:s2+$0xFFFFFFF0];
	vm0 =	vgt.s32 v14, v5;
	v13 =	vpsel p1, v10, v15;
	v15 =	vpsel p1, v15, v10;
	[tilespmem:s19+$0x20] =	vst v12  }
0x659: {  	v10 =	vld [tilespmem:s2+$0xFFFFFFD0];
	v12 =	vsel vm0, v5, v14;
	v14 =	vsel vm0, v14, v5;
	[tilespmem:s19+$0xFFFFFFD0] =	vst v13  }
0x65a: {  	v5 =	vld [tilespmem:s2+$0xFFFFFFE0];
	vm0 =	vgt.s32 v11, v8;
	v13 =	vpsel p1, v14, v12;
	v12 =	vpsel p1, v12, v14;
	[tilespmem:s19+$0xFFFFFFF0] =	vst v15;
	p1 =	por p3, p3  }
.LBB2_134:
0x65b: {  	v14 =	vld [tilespmem:s1+$0xFFFFFFC0];
	v15 =	vsel vm0, v8, v11;
	v8 =	vsel vm0, v11, v8;
	[tilespmem:s19+$0xFFFFFFC0] =	vst @p2 v13  }
0x65c: {  	[tilespmem:s19+$0xFFFFFFE0] =	vst @p2 v12;
	vm0 =	vgt.s32 v9, v7;
	v11 =	vpsel p1, v8, v15  }
0x65d: {  	v8 =	vpsel p1, v15, v8;
	v12 =	vsel vm0, v7, v9;
	v7 =	vsel vm0, v9, v7;
	[tilespmem:s1+$0x10] =	vst v11  }
0x65e: {  	[tilespmem:s1+$0x30] =	vst v8;
	vm0 =	vgt.s32 v10, v6;
	v9 =	vpsel p1, v7, v12  }
0x65f: {  	v7 =	vpsel p1, v12, v7;
	v8 =	vsel vm0, v6, v10;
	v6 =	vsel vm0, v10, v6;
	[tilespmem:s1+$0x0] =	vst v9  }
0x660: {  	[tilespmem:s1+$0x20] =	vst v7;
	vm0 =	vgt.s32 v14, v5;
	v9 =	vpsel p1, v6, v8  }
0x661: {  	v6 =	vpsel p1, v8, v6;
	v7 =	vsel vm0, v5, v14;
	v5 =	vsel vm0, v14, v5;
	[tilespmem:s1+$0xFFFFFFD0] =	vst v9  }
0x662: {  	[tilespmem:s1+$0xFFFFFFF0] =	vst v6;
	v8 =	vpsel p1, v5, v7  }
0x663: {  	v5 =	vpsel p1, v7, v5;
	[tilespmem:s1+$0xFFFFFFC0] =	vst v8  }
0x664: {  	s2 =	simm.s32 $0x1C040;
	[tilespmem:s1+$0xFFFFFFE0] =	vst v5  }
0x665: {  	v5 =	vld [tilespmem:s2+$0x30]  }
0x666: {  	v6 =	vld [tilespmem:s2+$0x20]  }
0x667: {  	v7 =	vld [tilespmem:s2+$0x10]  }
0x668: {  	v8 =	vld [tilespmem:s2+$0x0]  }
0x669: {  	v11 =	vld [tilespmem:s2+$0xFFFFFFF0]  }
0x66a: {  	v12 =	vld [tilespmem:s2+$0xFFFFFFE0]  }
0x66b: {  	p0 =	por $0x1, $0x1;
	v13 =	vld [tilespmem:s2+$0xFFFFFFD0];
	vm0 =	vgt.s32 v6, v5  }
0x66c: {  	p0 =	por p0, p0;
	s1 =	simm.s32 $0x1C0C0;
	v14 =	vld [tilespmem:s2+$0xFFFFFFC0];
	v9 =	vsel vm0, v5, v6;
	v6 =	vsel vm0, v6, v5  }
0x66d: {  	v10 =	vld [tilespmem:s1+$0x20];
	vm0 =	vgt.s32 v8, v7;
	v15 =	vpsel p0, v6, v9  }
0x66e: {  	v5 =	vld [tilespmem:s1+$0x30];
	v9 =	vpsel p0, v9, v6;
	v16 =	vsel vm0, v7, v8;
	v7 =	vsel vm0, v8, v7;
	[tilespmem:s2+$0x20] =	vst v15  }
0x66f: {  	v6 =	vld [tilespmem:s1+$0x10];
	vm0 =	vgt.s32 v12, v11;
	v8 =	vpsel p0, v7, v16;
	[tilespmem:s2+$0x30] =	vst v9  }
0x670: {  	v9 =	vld [tilespmem:s1+$0x0];
	v15 =	vsel vm0, v11, v12;
	v11 =	vsel vm0, v12, v11;
	[tilespmem:s2+$0x0] =	vst v8;
	v8 =	vpsel p0, v16, v7  }
0x671: {  	vm0 =	vgt.s32 v14, v13;
	v7 =	vld [tilespmem:s1+$0xFFFFFFF0];
	v12 =	vpsel p0, v11, v15;
	[tilespmem:s2+$0x10] =	vst v8  }
0x672: {  	p6 =	por $0x1, $0x1;
	v15 =	vpsel p0, v15, v11;
	v11 =	vld [tilespmem:s1+$0xFFFFFFE0];
	v63 =	vsel vm0, v13, v14;
	v14 =	vsel vm0, v14, v13;
	[tilespmem:s2+$0xFFFFFFE0] =	vst v12  }
0x673: {  	s0 =	simm.s32 $0x4;
	s4 =	simm.s32 $0x1C0C0;
	p1 =	por p6, p6;
	v8 =	vld [tilespmem:s1+$0xFFFFFFD0];
	v13 =	vpsel p0, v14, v63;
	v12 =	vpsel p0, v63, v14;
	[tilespmem:s2+$0xFFFFFFF0] =	vst v15;
	vm0 =	vgt.s32 v10, v5  }
.LBB2_135:
0x674: {  	s0 =	sadd.s32 $0x4, s0;
	v14 =	vld [tilespmem:s1+$0xFFFFFFC0];
	v15 =	vsel vm0, v5, v10;
	v10 =	vsel vm0, v10, v5;
	s4 =	sadd.s32 $0x80, s4;
	[tilespmem:s2+$0xFFFFFFC0] =	vst v13  }
0x675: {  	p2 =	slt.u32 s0, $0x20;
	v5 =	vld [tilespmem:s4+$0x30];
	p0 =	slt.u32 s0, $0x3C;
	vm0 =	vgt.s32 v9, v6;
	v13 =	vpsel p1, v10, v15;
	v15 =	vpsel p1, v15, v10;
	[tilespmem:s2+$0xFFFFFFD0] =	vst v12;
	s2 =	smov.u32 s1  }
0x676: {  	s1 =	smov.u32 s4;
	v10 =	vld [tilespmem:s4+$0x20];
	v12 =	vsel vm0, v6, v9;
	v16 =	vsel vm0, v9, v6;
	[tilespmem:s2+$0x20] =	vst v13  }
.Ltmp73:
0x677: {  	v6 =	vld [tilespmem:s4+$0x10];
	vm0 =	vgt.s32 v11, v7;
	v13 =	vpsel p1, v16, v12;
	[tilespmem:s2+$0x30] =	vst v15;
	(pc) =	sbr.rel @p0 .LBB2_135-.Ltmp73, $4  }
0x678: {  	v12 =	vpsel p1, v12, v16;
	v9 =	vld [tilespmem:s4+$0x0];
	v15 =	vsel vm0, v7, v11;
	v11 =	vsel vm0, v11, v7;
	[tilespmem:s2+$0x0] =	vst v13  }
0x679: {  	v7 =	vld [tilespmem:s4+$0xFFFFFFF0];
	vm0 =	vgt.s32 v14, v8;
	v13 =	vpsel p1, v11, v15;
	v15 =	vpsel p1, v15, v11;
	[tilespmem:s2+$0x10] =	vst v12  }
0x67a: {  	v11 =	vld [tilespmem:s4+$0xFFFFFFE0];
	v12 =	vsel vm0, v8, v14;
	v14 =	vsel vm0, v14, v8;
	[tilespmem:s2+$0xFFFFFFE0] =	vst v13  }
0x67b: {  	v8 =	vld [tilespmem:s4+$0xFFFFFFD0];
	vm0 =	vgt.s32 v10, v5;
	v13 =	vpsel p1, v14, v12;
	v12 =	vpsel p1, v12, v14;
	[tilespmem:s2+$0xFFFFFFF0] =	vst v15;
	p1 =	por p2, p2  }
0x67c: {  	v14 =	vld [tilespmem:s1+$0xFFFFFFC0];
	v15 =	vsel vm0, v5, v10;
	v5 =	vsel vm0, v10, v5;
	[tilespmem:s2+$0xFFFFFFC0] =	vst v13  }
0x67d: {  	[tilespmem:s2+$0xFFFFFFD0] =	vst v12;
	vm13 =	vgt.s32 v9, v6;
	v10 =	vpsel p1, v5, v15  }
0x67e: {  	v5 =	vpsel p1, v15, v5;
	v12 =	vsel vm13, v6, v9;
	v6 =	vsel vm13, v9, v6;
	[tilespmem:s1+$0x20] =	vst v10  }
0x67f: {  	[tilespmem:s1+$0x30] =	vst v5;
	vm14 =	vgt.s32 v11, v7;
	v9 =	vpsel p1, v6, v12  }
0x680: {  	v6 =	vpsel p1, v12, v6;
	v5 =	vsel vm14, v7, v11;
	v7 =	vsel vm14, v11, v7;
	[tilespmem:s1+$0x0] =	vst v9  }
0x681: {  	[tilespmem:s1+$0x10] =	vst v6;
	vm15 =	vgt.s32 v14, v8;
	v9 =	vpsel p1, v7, v5  }
0x682: {  	v5 =	vpsel p1, v5, v7;
	v6 =	vsel vm15, v8, v14;
	v7 =	vsel vm15, v14, v8;
	[tilespmem:s1+$0xFFFFFFE0] =	vst v9  }
0x683: {  	[tilespmem:s1+$0xFFFFFFF0] =	vst v5;
	v8 =	vpsel p1, v7, v6  }
0x684: {  	v5 =	vpsel p1, v6, v7;
	[tilespmem:s1+$0xFFFFFFC0] =	vst v8  }
0x685: {  	s24 =	simm.s32 $0x1C020;
	[tilespmem:s1+$0xFFFFFFD0] =	vst v5  }
0x686: {  	v5 =	vld [tilespmem:s24+$0x10]  }
0x687: {  	v6 =	vld [tilespmem:s24+$0xFFFFFFF0];
	_ =	sdelay $0x1  }
0x688: {  	v7 =	vld [tilespmem:s24+$0x0]  }
0x689: {  	s23 =	simm.s32 $0x1C060;
	v8 =	vld [tilespmem:s24+$0xFFFFFFE0]  }
0x68a: {  	v9 =	vld [tilespmem:s23+$0x10];
	v5 =	vxor.u32 $0x80000000, v5  }
0x68b: {  	v6 =	vxor.u32 $0x80000000, v6;
	(xrf1) =	vsort.ascd.msk.u32 $0xffff, v5, v5;
	v5 =	vld [tilespmem:s23+$0xFFFFFFF0]  }
0x68c: {  	(xrf1) =	vsort.ascd.msk.u32 $0xffff, v6, v6;
	v6 =	vld [tilespmem:s23+$0x0]  }
0x68d: {  	v7 =	vxor.u32 $0x80000000, v7  }
0x68e: {  	v8 =	vxor.u32 $0x80000000, v8;
	(xrf1) =	vsort.ascd.msk.u32 $0xffff, v7, v7  }
0x68f: {  	v7 =	vxor.u32 $0x80000000, v9;
	(xrf1) =	vsort.ascd.msk.u32 $0xffff, v8, v8  }
0x690: {  	s22 =	simm.s32 $0x1C0A0;
	v8 =	vld [tilespmem:s23+$0xFFFFFFE0];
	(xrf1) =	vsort.ascd.msk.u32 $0xffff, v7, v7;
	v5 =	vxor.u32 $0x80000000, v5  }
0x691: {  	v6 =	vxor.u32 $0x80000000, v6;
	(xrf1) =	vsort.ascd.msk.u32 $0xffff, v5, v5;
	v5 =	vld [tilespmem:s22+$0x10]  }
0x692: {  	s20 =	simm.s32 $0x1C0E0;
	(xrf1) =	vsort.ascd.msk.u32 $0xffff, v6, v6;
	v6 =	vld [tilespmem:s22+$0xFFFFFFF0]  }
0x693: {  	v10 =	vld [tilespmem:s20+$0xFFFFFFE0]  }
0x694: {  	v9 =	vld [tilespmem:s22+$0x0]  }
0x695: {  	v7 =	vld [tilespmem:s22+$0xFFFFFFE0]  }
0x696: {  	v11 =	vld [tilespmem:s20+$0x10];
	v8 =	vxor.u32 $0x80000000, v8  }
0x697: {  	v12 =	vld [tilespmem:s20+$0xFFFFFFF0];
	(xrf1) =	vsort.ascd.msk.u32 $0xffff, v8, v8;
	v5 =	vxor.u32 $0x80000000, v5;
	v6 =	vxor.u32 $0x80000000, v6  }
0x698: {  	(xrf1) =	vsort.ascd.msk.u32 $0xffff, v5, v5;
	v5 =	vld [tilespmem:s20+$0x0]  }
0x699: {  	v9 =	vxor.u32 $0x80000000, v9;
	(xrf1) =	vsort.ascd.msk.u32 $0xffff, v6, v6;
	v8, _, _ =	vpop (xrf1)  }
0x69a: {  	v7 =	vxor.u32 $0x80000000, v7;
	v6, _, _ =	vpop (xrf1);
	(xrf1) =	vsort.ascd.msk.u32 $0xffff, v9, v9  }
0x69b: {  	(xrf1) =	vsort.ascd.msk.u32 $0xffff, v7, v7;
	v7 =	vxor.u32 $0x80000000, v11  }
0x69c: {  	v13 =	vxor.u32 $0x80000000, v10;
	v10, _, _ =	vpop (xrf1);
	v11 =	vxor.u32 $0x80000000, v12;
	(xrf1) =	vsort.ascd.msk.u32 $0xffff, v7, v7  }
0x69d: {  	v14 =	vxor.u32 $0x80000000, v6;
	v6, _, _ =	vpop (xrf1);
	v5 =	vxor.u32 $0x80000000, v5;
	(xrf1) =	vsort.ascd.msk.u32 $0xffff, v11, v11  }
0x69e: {  	v16, _, _ =	vpop (xrf1);
	(xrf1) =	vsort.ascd.msk.u32 $0xffff, v5, v5  }
0x69f: {  	s21 =	simm.s32 $0x1C120;
	v5 =	vxor.u32 $0x80000000, v16;
	v16, _, _ =	vpop (xrf1);
	(xrf1) =	vsort.ascd.msk.u32 $0xffff, v13, v13  }
0x6a0: {  	v15 =	vld [tilespmem:s21+$0xFFFFFFE0];
	_ =	sdelay $0x1  }
0x6a1: {  	v8 =	vxor.u32 $0x80000000, v8  }
0x6a2: {  	v9 =	vperm.xlane v8, v3;
	v12 =	vperm.xlane v14, v3;
	v7 =	vld [tilespmem:s21+$0x10];
	v18 =	vxor.u32 $0x80000000, v6  }
0x6a3: {  	p1 =	por $0x1, $0x1;
	v6 =	vxor.u32 $0x80000000, v10;
	v10 =	vld [tilespmem:s21+$0xFFFFFFF0];
	v19 =	vperm.xlane v18, v3  }
0x6a4: {  	s8 =	simm.s32 $0x4;
	s4 =	simm.s32 $0x8;
	s16 =	simm.s32 $0x10;
	v17 =	vpsel p1, v9, v8;
	v9 =	vxor.u32 $0x80000000, v15;
	v14 =	vpsel p1, v12, v14;
	v12 =	vld [tilespmem:s21+$0x0]  }
0x6a5: {  	s0 =	simm.s32 $0x1C160;
	s2 =	simm.s32 $0x10;
	s1 =	simm.s32 $0xC;
	v11 =	vperm.xlane v6, v3;
	v8 =	vperm.xlane v5, v3;
	v15, _, _ =	vpop (xrf1);
	v13 =	vpsel p1, v19, v18  }
.LBB2_137:
0x6a6: {  	s16 =	sadd.s32 $0x4, s16  }
0x6a7: {  	v18 =	vld [tilespmem:s0+$0xFFFFFFE0];
	v19 =	vxor.u32 $0x80000000, v7;
	v20 =	vxor.u32 $0x80000000, v16;
	v21 =	vpsel p1, v11, v6;
	[tilespmem:s24+$0x10] =	vst v17;
	s19 =	simm.s32 $0x1C400;
	p2 =	slt.u32 s16, $0x7C  }
.Ltmp74:
0x6a8: {  	s5 =	smov.u32 s20;
	v7 =	vld [tilespmem:s0+$0x10];
	v6 =	vxor.u32 $0x80000000, v10;
	(xrf1) =	vsort.ascd.msk.u32 $0xffff, v19, v19;
	v17 =	vperm.xlane v20, v3;
	v11, _, _ =	vpop (xrf1);
	[tilespmem:s24+$0xFFFFFFF0] =	vst v14;
	(pc) =	sbr.rel @p2 .LBB2_137-.Ltmp74, $4  }
0x6a9: {  	s20 =	smov.u32 s21;
	s21 =	smov.u32 s0;
	v10 =	vld [tilespmem:s0+$0xFFFFFFF0];
	v14 =	vxor.u32 $0x80000000, v12;
	(xrf1) =	vsort.ascd.msk.u32 $0xffff, v6, v6;
	v19 =	vxor.u32 $0x80000000, v11;
	v6 =	vxor.u32 $0x80000000, v15  }
0x6aa: {  	p1 =	slt.u32 s8, $0x40;
	s8 =	smov.u32 s4;
	s4 =	smov.u32 s1;
	v12 =	vld [tilespmem:s0+$0x0];
	(xrf1) =	vsort.ascd.msk.u32 $0xffff, v14, v14;
	v15, _, _ =	vpop (xrf1);
	v22 =	vperm.xlane v19, v3;
	v11 =	vperm.xlane v6, v3;
	[tilespmem:s24+$0xFFFFFFE0] =	vst v13  }
0x6ab: {  	s1 =	smov.u32 s2;
	s2 =	smov.u32 s16;
	v14 =	vpsel p1, v17, v20;
	v17 =	vpsel p1, v8, v5;
	v16, _, _ =	vpop (xrf1);
	v5 =	vxor.u32 $0x80000000, v15;
	[tilespmem:s24+$0x0] =	vst v21;
	s24 =	smov.u32 s23  }
0x6ac: {  	s0 =	sadd.s32 $0x40, s0;
	s23 =	smov.u32 s22;
	s22 =	smov.u32 s5;
	(xrf1) =	vsort.ascd.msk.u32 $0xffff, v9, v9;
	v9 =	vxor.u32 $0x80000000, v18;
	v8 =	vperm.xlane v5, v3;
	v15, _, _ =	vpop (xrf1);
	v13 =	vpsel p1, v22, v19  }
0x6ad: {  	_ = 	snop  }
0x6ae: {  	v7 =	vxor.u32 $0x80000000, v7  }
0x6af: {  	v10 =	vxor.u32 $0x80000000, v10;
	(xrf1) =	vsort.ascd.msk.u32 $0xffff, v7, v7;
	v7 =	vxor.u32 $0x80000000, v12  }
0x6b0: {  	(xrf1) =	vsort.ascd.msk.u32 $0xffff, v10, v10  }
0x6b1: {  	(xrf1) =	vsort.ascd.msk.u32 $0xffff, v7, v7  }
0x6b2: {  	(xrf1) =	vsort.ascd.msk.u32 $0xffff, v9, v9;
	v7, _, _ =	vpop (xrf1)  }
0x6b3: {  	v6 =	vpsel p1, v11, v6;
	[tilespmem:s24+$0xFFFFFFE0] =	vst v13;
	v12 =	vxor.u32 $0x80000000, v15;
	v7 =	vxor.u32 $0x80000000, v7  }
0x6b4: {  	p0 =	slt.u32 s8, $0x40;
	[tilespmem:s24+$0x0] =	vst v6;
	v6 =	vperm.xlane v12, v3;
	v9 =	vxor.u32 $0x80000000, v16;
	v13 =	vperm.xlane v7, v3  }
0x6b5: {  	[tilespmem:s24+$0xFFFFFFF0] =	vst v14;
	v5 =	vpsel p0, v8, v5;
	v11 =	vperm.xlane v9, v3;
	v10, _, _ =	vpop (xrf1)  }
0x6b6: {  	[tilespmem:s23+$0x10] =	vst v5;
	v6 =	vpsel p0, v6, v12;
	v14, _, _ =	vpop (xrf1)  }
0x6b7: {  	[tilespmem:s23+$0x0] =	vst v6;
	v8 =	vxor.u32 $0x80000000, v10;
	v9 =	vpsel p0, v11, v9;
	v10, _, _ =	vpop (xrf1);
	v7 =	vpsel p0, v13, v7  }
0x6b8: {  	v5 =	vperm.xlane v8, v3;
	v11 =	vxor.u32 $0x80000000, v14;
	[tilespmem:s23+$0xFFFFFFE0] =	vst v7;
	v7 =	vxor.u32 $0x80000000, v10;
	v13, _, _ =	vpop (xrf1)  }
0x6b9: {  	p4 =	slt.u32 s4, $0x40;
	[tilespmem:s23+$0xFFFFFFF0] =	vst v9;
	v9 =	vperm.xlane v11, v3;
	v6 =	vperm.xlane v7, v3;
	v12 =	vxor.u32 $0x80000000, v13;
	v13, _, _ =	vpop (xrf1)  }
0x6ba: {  	[tilespmem:s24+$0x10] =	vst v17;
	v5 =	vpsel p4, v5, v8;
	v10 =	vperm.xlane v12, v3;
	v14, _, _ =	vpop (xrf1)  }
0x6bb: {  	v9 =	vpsel p4, v9, v11;
	[tilespmem:s22+$0x10] =	vst v5;
	v8 =	vxor.u32 $0x80000000, v13;
	v6 =	vpsel p4, v6, v7;
	v11, _, _ =	vpop (xrf1)  }
0x6bc: {  	[tilespmem:s22+$0xFFFFFFF0] =	vst v9;
	v5 =	vperm.xlane v8, v3;
	v10 =	vpsel p4, v10, v12;
	v12 =	vxor.u32 $0x80000000, v14;
	v13, _, _ =	vpop (xrf1)  }
0x6bd: {  	p5 =	slt.u32 s1, $0x40;
	[tilespmem:s22+$0x0] =	vst v6;
	v7 =	vperm.xlane v12, v3;
	v9 =	vxor.u32 $0x80000000, v13;
	v13, _, _ =	vpop (xrf1)  }
0x6be: {  	[tilespmem:s22+$0xFFFFFFE0] =	vst v10;
	v10 =	vxor.u32 $0x80000000, v11;
	v5 =	vpsel p5, v5, v8;
	v11 =	vperm.xlane v9, v3;
	v14, _, _ =	vpop (xrf1)  }
0x6bf: {  	v6 =	vperm.xlane v10, v3;
	v8 =	vxor.u32 $0x80000000, v13;
	[tilespmem:s20+$0x10] =	vst v5;
	v7 =	vpsel p5, v7, v12;
	v12, _, _ =	vpop (xrf1)  }
0x6c0: {  	v5 =	vperm.xlane v8, v3;
	v9 =	vpsel p5, v11, v9;
	v11 =	vxor.u32 $0x80000000, v14;
	v13, _, _ =	vpop (xrf1);
	[tilespmem:s20+$0xFFFFFFF0] =	vst v7  }
0x6c1: {  	p6 =	slt.u32 s2, $0x40;
	v6 =	vpsel p5, v6, v10;
	v7 =	vperm.xlane v11, v3;
	v10 =	vxor.u32 $0x80000000, v13;
	[tilespmem:s20+$0xFFFFFFE0] =	vst v9  }
0x6c2: {  	v9 =	vxor.u32 $0x80000000, v12;
	v5 =	vpsel p6, v5, v8;
	[tilespmem:s20+$0x0] =	vst v6;
	v12 =	vperm.xlane v10, v3  }
0x6c3: {  	v6 =	vperm.xlane v9, v3;
	[tilespmem:s21+$0x10] =	vst v5;
	v7 =	vpsel p6, v7, v11  }
0x6c4: {  	v5 =	vpsel p6, v12, v10;
	[tilespmem:s21+$0xFFFFFFF0] =	vst v7  }
0x6c5: {  	v6 =	vpsel p6, v6, v9;
	[tilespmem:s21+$0xFFFFFFE0] =	vst v5  }
0x6c6: {  	[tilespmem:s21+$0x0] =	vst v6  }
0x6c7: {  	v5 =	vld [tilespmem:s19+$0xFFFFFC30]  }
0x6c8: {  	v6 =	vld [tilespmem:s19+$0x30]  }
0x6c9: {  	v8 =	vld [tilespmem:s19+$0x0]  }
0x6ca: {  	v7 =	vld [tilespmem:s19+$0xFFFFFC10]  }
0x6cb: {  	v12 =	vld [tilespmem:s19+$0xFFFFFC00]  }
0x6cc: {  	v9 =	vld [tilespmem:s19+$0x10]  }
0x6cd: {  	v10 =	vld [tilespmem:s19+$0xFFFFFC20]  }
0x6ce: {  	s1 =	simm.s32 $0x1C440;
	v11 =	vld [tilespmem:s19+$0x20];
	vm0 =	vlt.s32 v5, v6  }
0x6cf: {  	v14 =	vld [tilespmem:s1+$0xFFFFFC30];
	v13 =	vsel vm0, v5, v6  }
0x6d0: {  	v15 =	vld [tilespmem:s1+$0x30];
	vm1 =	vgt.s32 v12, v8;
	v5 =	vsel vm0, v6, v5;
	[tilespmem:s19+$0x30] =	vst v13  }
0x6d1: {  	vm13 =	vlt.s32 v7, v9;
	v6 =	vld [tilespmem:s1+$0x0];
	v63 =	vsel vm1, v8, v12;
	[tilespmem:s19+$0xFFFFFC30] =	vst v5  }
0x6d2: {  	v13 =	vsel vm13, v9, v7;
	v5 =	vsel vm13, v7, v9;
	v7 =	vld [tilespmem:s1+$0xFFFFFC10];
	[tilespmem:s19+$0x0] =	vst v63  }
0x6d3: {  	vm14 =	vgt.s32 v10, v11;
	v9 =	vld [tilespmem:s1+$0x10];
	[tilespmem:s19+$0xFFFFFC10] =	vst v13  }
0x6d4: {  	[tilespmem:s19+$0x10] =	vst v5;
	v13 =	vsel vm14, v10, v11;
	v5 =	vld [tilespmem:s1+$0xFFFFFC20]  }
0x6d5: {  	vm15 =	vlt.s32 v14, v15;
	[tilespmem:s19+$0xFFFFFC20] =	vst v13;
	v13 =	vsel vm1, v12, v8;
	v8 =	vld [tilespmem:s1+$0x20]  }
0x6d6: {  	s0 =	simm.s32 $0x0;
	s2 =	simm.s32 $0x4;
	s4 =	simm.s32 $0x1C480;
	v11 =	vsel vm14, v11, v10;
	v10 =	vld [tilespmem:s1+$0xFFFFFC00];
	v12 =	vsel vm15, v15, v14;
	[tilespmem:s19+$0xFFFFFC00] =	vst v13;
	v13 =	vsel vm15, v14, v15  }
.LBB2_139:
0x6d7: {  	v14 =	vld [tilespmem:s4+$0xFFFFFC30];
	[tilespmem:s1+$0x30] =	vst v13  }
0x6d8: {  	s2 =	sadd.s32 $0x4, s2;
	v15 =	vld [tilespmem:s4+$0x30];
	vm0 =	vlt.s32 v7, v9;
	[tilespmem:s19+$0x20] =	vst v11;
	s19 =	smov.u32 s1;
	s1 =	smov.u32 s4  }
0x6d9: {  	p0 =	slt.u32 s2, $0x3C;
	v16 =	vld [tilespmem:s4+$0x0];
	v11 =	vsel vm0, v7, v9;
	v9 =	vsel vm0, v9, v7;
	[tilespmem:s19+$0xFFFFFC30] =	vst v12  }
.Ltmp75:
0x6da: {  	v7 =	vld [tilespmem:s4+$0xFFFFFC10];
	[tilespmem:s19+$0xFFFFFC10] =	vst v9;
	vm0 =	vgt.s32 v5, v8;
	(pc) =	sbr.rel @p0 .LBB2_139-.Ltmp75, $4  }
0x6db: {  	v9 =	vld [tilespmem:s4+$0x10];
	vm1 =	vgt.s32 v10, v6;
	[tilespmem:s19+$0x10] =	vst v11;
	v11 =	vsel vm0, v8, v5;
	v8 =	vsel vm0, v5, v8  }
0x6dc: {  	v5 =	vld [tilespmem:s4+$0xFFFFFC20];
	v17 =	vsel vm1, v6, v10;
	v18 =	vsel vm1, v10, v6;
	[tilespmem:s19+$0xFFFFFC20] =	vst v8  }
0x6dd: {  	v8 =	vld [tilespmem:s4+$0x20];
	vm0 =	vlt.s32 v14, v15;
	[tilespmem:s19+$0xFFFFFC00] =	vst v18  }
0x6de: {  	s4 =	sadd.s32 $0x40, s4;
	v10 =	vld [tilespmem:s1+$0xFFFFFC00];
	v13 =	vsel vm0, v14, v15;
	v12 =	vsel vm0, v15, v14;
	[tilespmem:s19+$0x0] =	vst v17;
	v6 =	vmov v16  }
0x6df: {  	[tilespmem:s1+$0x30] =	vst v13  }
0x6e0: {  	[tilespmem:s19+$0x20] =	vst v11;
	vm0 =	vlt.s32 v7, v9  }
0x6e1: {  	[tilespmem:s1+$0xFFFFFC30] =	vst v12;
	v11 =	vsel vm0, v9, v7  }
0x6e2: {  	v7 =	vsel vm0, v7, v9;
	[tilespmem:s1+$0xFFFFFC10] =	vst v11;
	vm12 =	vgt.s32 v5, v8  }
0x6e3: {  	[tilespmem:s1+$0x10] =	vst v7;
	v7 =	vsel vm12, v5, v8  }
0x6e4: {  	s2 =	simm.s32 $0x0;
	vm1 =	vgt.s32 v10, v6;
	v5 =	vsel vm12, v8, v5;
	[tilespmem:s1+$0xFFFFFC20] =	vst v7  }
0x6e5: {  	s0 =	sand.u32 $0x1C, s0;
	s4 =	sand.u32 $0x40, s2;
	v9 =	vsel vm1, v10, v6;
	[tilespmem:s1+$0x20] =	vst v5  }
0x6e6: {  	s0 =	sor.u32 s0, s4;
	v6 =	vsel vm1, v6, v10;
	[tilespmem:s1+$0xFFFFFC00] =	vst v9  }
0x6e7: {  	[tilespmem:s1+$0x0] =	vst v6;
	s1 =	sshll.u32 s0, $0x4  }
0x6e8: {  	v6 =	vld [tilespmem:s1+$0x1C030]  }
0x6e9: {  	v7 =	vld [tilespmem:s1+$0x1C230]  }
0x6ea: {  	v10 =	vld [tilespmem:s1+$0x1C000]  }
0x6eb: {  	v11 =	vld [tilespmem:s1+$0x1C200]  }
0x6ec: {  	s8 =	simm.s32 $0x4;
	s0 =	simm.s32 $0x8;
	v12 =	vld [tilespmem:s1+$0x1C010]  }
0x6ed: {  	s31 =	sand.u32 $0x1C, s8;
	s5 =	sand.u32 $0x40, s0;
	v13 =	vld [tilespmem:s1+$0x1C210]  }
0x6ee: {  	v5 =	vld [tilespmem:s1+$0x1C020];
	s4 =	sor.u32 s31, s5;
	vm13 =	vlt.s32 v6, v7  }
0x6ef: {  	v8 =	vld [tilespmem:s1+$0x1C220];
	s4 =	sshll.u32 s4, $0x4;
	v9 =	vsel vm13, v6, v7  }
0x6f0: {  	vm14 =	vgt.s32 v10, v11;
	v7 =	vsel vm13, v7, v6;
	v6 =	vld [tilespmem:s4+$0x1C030];
	[tilespmem:s1+$0x1C230] =	vst v9  }
0x6f1: {  	v14 =	vsel vm14, v10, v11;
	v9 =	vld [tilespmem:s4+$0x1C230];
	[tilespmem:s1+$0x1C030] =	vst v7  }
0x6f2: {  	vm15 =	vlt.s32 v12, v13;
	v11 =	vsel vm14, v11, v10;
	v10 =	vld [tilespmem:s4+$0x1C200];
	[tilespmem:s1+$0x1C000] =	vst v14  }
0x6f3: {  	v7 =	vld [tilespmem:s4+$0x1C000];
	[tilespmem:s1+$0x1C200] =	vst v11;
	v11 =	vsel vm15, v12, v13;
	v12 =	vsel vm15, v13, v12  }
.LBB2_141:
0x6f4: {  	s8 =	sadd.s32 $0x4, s8;
	v13 =	vld [tilespmem:s4+$0x1C010];
	s0 =	sadd.s32 $0x8, s0;
	[tilespmem:s1+$0x1C010] =	vst v12;
	vm0 =	vlt.s32 v5, v8  }
0x6f5: {  	s5 =	sand.u32 $0x1C, s8;
	s13 =	sand.u32 $0x40, s0;
	p0 =	slt.u32 s8, $0x3C;
	v12 =	vld [tilespmem:s4+$0x1C210];
	[tilespmem:s1+$0x1C210] =	vst v11;
	v11 =	vsel vm0, v5, v8;
	v8 =	vsel vm0, v8, v5  }
0x6f6: {  	s5 =	sor.u32 s5, s13;
	v5 =	vld [tilespmem:s4+$0x1C020];
	vm0 =	vlt.s32 v6, v9;
	[tilespmem:s1+$0x1C020] =	vst v8  }
.Ltmp76:
0x6f7: {  	v8 =	vld [tilespmem:s4+$0x1C220];
	v14 =	vsel vm0, v6, v9;
	v15 =	vsel vm0, v9, v6;
	[tilespmem:s1+$0x1C220] =	vst v11;
	s1 =	smov.u32 s4;
	s4 =	sshll.u32 s5, $0x4;
	(pc) =	sbr.rel @p0 .LBB2_141-.Ltmp76, $4  }
0x6f8: {  	v6 =	vld [tilespmem:s4+$0x1C030];
	vm0 =	vgt.s32 v7, v10;
	[tilespmem:s1+$0x1C230] =	vst v14  }
0x6f9: {  	v9 =	vld [tilespmem:s4+$0x1C230];
	v11 =	vsel vm0, v10, v7;
	v10 =	vsel vm0, v7, v10;
	[tilespmem:s1+$0x1C030] =	vst v15  }
0x6fa: {  	v7 =	vld [tilespmem:s4+$0x1C000];
	[tilespmem:s1+$0x1C000] =	vst v10;
	vm0 =	vlt.s32 v13, v12  }
0x6fb: {  	v10 =	vld [tilespmem:s4+$0x1C200];
	[tilespmem:s1+$0x1C200] =	vst v11;
	v11 =	vsel vm0, v13, v12;
	v12 =	vsel vm0, v12, v13  }
0x6fc: {  	v13 =	vld [tilespmem:s4+$0x1C010];
	[tilespmem:s1+$0x1C010] =	vst v12;
	vm0 =	vlt.s32 v5, v8  }
0x6fd: {  	v63 =	vld [tilespmem:s4+$0x1C210];
	[tilespmem:s1+$0x1C210] =	vst v11;
	v11 =	vsel vm0, v8, v5  }
0x6fe: {  	v5 =	vsel vm0, v5, v8;
	v8 =	vld [tilespmem:s4+$0x1C020];
	vm12 =	vlt.s32 v6, v9;
	[tilespmem:s1+$0x1C020] =	vst v11  }
0x6ff: {  	v11 =	vld [tilespmem:s4+$0x1C220];
	[tilespmem:s1+$0x1C220] =	vst v5;
	v14 =	vsel vm12, v6, v9  }
0x700: {  	v5 =	vsel vm12, v9, v6;
	vm13 =	vgt.s32 v7, v10;
	[tilespmem:s4+$0x1C230] =	vst v14  }
0x701: {  	[tilespmem:s4+$0x1C030] =	vst v5;
	v6 =	vsel vm13, v7, v10  }
0x702: {  	v5 =	vsel vm13, v10, v7;
	vm14 =	vlt.s32 v13, v63;
	[tilespmem:s4+$0x1C000] =	vst v6  }
0x703: {  	[tilespmem:s4+$0x1C200] =	vst v5;
	v5 =	vsel vm14, v63, v13  }
0x704: {  	s1 =	simm.s32 $0x0;
	v6 =	vsel vm14, v13, v63;
	[tilespmem:s4+$0x1C010] =	vst v5;
	vm15 =	vlt.s32 v8, v11  }
0x705: {  	s2 =	sand.u32 $0x60, s2;
	s0 =	sand.u32 $0xC, s1;
	[tilespmem:s4+$0x1C210] =	vst v6;
	v5 =	vsel vm15, v11, v8  }
0x706: {  	p2 =	por $0x1, $0x1;
	s0 =	sor.u32 s0, s2;
	v6 =	vsel vm15, v8, v11;
	[tilespmem:s4+$0x1C020] =	vst v5  }
.Ltmp77:
0x707: {  	[tilespmem:s4+$0x1C220] =	vst v6;
	s4 =	sshll.u32 s0, $0x4;
	(pc) =	sbr.rel @!p2 .LBB2_143-.Ltmp77, $4  }
0x708: {  	v6 =	vld [tilespmem:s4+$0x1C030]  }
0x709: {  	v8 =	vld [tilespmem:s4+$0x1C130]  }
0x70a: {  	v5 =	vld [tilespmem:s4+$0x1C000]  }
0x70b: {  	p1 =	por $0x0, $0x0;
	v7 =	vld [tilespmem:s4+$0x1C100]  }
0x70c: {  	s8 =	simm.s32 $0x4;
	v12 =	vld [tilespmem:s4+$0x1C010];
	s16 =	simm.s32 $0x8  }
0x70d: {  	v13 =	vld [tilespmem:s4+$0x1C110];
	s0 =	sand.u32 $0xC, s8;
	s2 =	sand.u32 $0x60, s16  }
0x70e: {  	v9 =	vld [tilespmem:s4+$0x1C020];
	p0 =	por $0x1, $0x1;
	s0 =	sor.u32 s0, s2;
	vm0 =	vlt.s32 v6, v8  }
.Ltmp78:
0x70f: {  	v10 =	vld [tilespmem:s4+$0x1C120];
	s2 =	sshll.u32 s0, $0x4;
	v11 =	vsel vm0, v6, v8;
	(pc) =	sbr.rel @!p0 .LBB2_146-.Ltmp78, $4  }
0x710: {  	v14 =	vsel vm0, v8, v6;
	v6 =	vld [tilespmem:s2+$0x1C030];
	vm14 =	vgt.s32 v5, v7;
	[tilespmem:s4+$0x1C130] =	vst v11  }
0x711: {  	v8 =	vld [tilespmem:s2+$0x1C130];
	[tilespmem:s4+$0x1C030] =	vst v14;
	v11 =	vsel vm14, v7, v5;
	v7 =	vsel vm14, v5, v7  }
0x712: {  	v5 =	vld [tilespmem:s2+$0x1C000];
	vm15 =	vlt.s32 v12, v13;
	[tilespmem:s4+$0x1C000] =	vst v7  }
0x713: {  	p3 =	por $0x1, $0x1;
	v7 =	vld [tilespmem:s2+$0x1C100];
	[tilespmem:s4+$0x1C100] =	vst v11;
	v11 =	vsel vm15, v12, v13;
	v12 =	vsel vm15, v13, v12  }
.LBB2_145:
0x714: {  	s8 =	sadd.s32 $0x4, s8;
	v13 =	vld [tilespmem:s2+$0x1C010];
	s16 =	sadd.s32 $0x8, s16;
	[tilespmem:s4+$0x1C010] =	vst v12;
	vm0 =	vlt.s32 v9, v10  }
0x715: {  	s0 =	sand.u32 $0xC, s8;
	s5 =	sand.u32 $0x60, s16;
	p0 =	slt.u32 s8, $0x3C;
	v12 =	vld [tilespmem:s2+$0x1C110];
	[tilespmem:s4+$0x1C110] =	vst v11;
	v11 =	vsel vm0, v9, v10;
	v10 =	vsel vm0, v10, v9  }
0x716: {  	s0 =	sor.u32 s0, s5;
	v9 =	vld [tilespmem:s2+$0x1C020];
	vm0 =	vlt.s32 v6, v8;
	[tilespmem:s4+$0x1C020] =	vst v10  }
.Ltmp79:
0x717: {  	v10 =	vld [tilespmem:s2+$0x1C120];
	v14 =	vsel vm0, v6, v8;
	v15 =	vsel vm0, v8, v6;
	[tilespmem:s4+$0x1C120] =	vst v11;
	s4 =	smov.u32 s2;
	s2 =	sshll.u32 s0, $0x4;
	(pc) =	sbr.rel @p0 .LBB2_145-.Ltmp79, $4  }
0x718: {  	v6 =	vld [tilespmem:s2+$0x1C030];
	vm0 =	vgt.s32 v5, v7;
	[tilespmem:s4+$0x1C130] =	vst v14  }
0x719: {  	v8 =	vld [tilespmem:s2+$0x1C130];
	v11 =	vsel vm0, v7, v5;
	v7 =	vsel vm0, v5, v7;
	[tilespmem:s4+$0x1C030] =	vst v15  }
0x71a: {  	v5 =	vld [tilespmem:s2+$0x1C000];
	[tilespmem:s4+$0x1C000] =	vst v7;
	vm0 =	vlt.s32 v13, v12  }
0x71b: {  	v7 =	vld [tilespmem:s2+$0x1C100];
	[tilespmem:s4+$0x1C100] =	vst v11;
	v11 =	vsel vm0, v13, v12;
	v12 =	vsel vm0, v12, v13  }
.LBB2_146:
0x71c: {  	v13 =	vld [tilespmem:s2+$0x1C010];
	[tilespmem:s4+$0x1C010] =	vst @p3 v12;
	vm0 =	vlt.s32 @p3 v9, v10  }
0x71d: {  	v63 =	vld [tilespmem:s2+$0x1C110];
	[tilespmem:s4+$0x1C110] =	vst @p3 v11;
	v11 =	vsel @p3 vm0, v10, v9  }
0x71e: {  	v9 =	vsel @p3 vm0, v9, v10;
	v10 =	vld [tilespmem:s2+$0x1C020];
	vm12 =	vlt.s32 v6, v8;
	[tilespmem:s4+$0x1C020] =	vst @p3 v11  }
0x71f: {  	v11 =	vld [tilespmem:s2+$0x1C120];
	[tilespmem:s4+$0x1C120] =	vst @p3 v9;
	v14 =	vsel vm12, v6, v8  }
0x720: {  	v6 =	vsel vm12, v8, v6;
	vm13 =	vgt.s32 v5, v7;
	[tilespmem:s2+$0x1C130] =	vst v14  }
0x721: {  	[tilespmem:s2+$0x1C030] =	vst v6;
	v8 =	vsel vm13, v5, v7  }
0x722: {  	v5 =	vsel vm13, v7, v5;
	vm14 =	vlt.s32 v13, v63;
	[tilespmem:s2+$0x1C000] =	vst v8  }
0x723: {  	[tilespmem:s2+$0x1C100] =	vst v5;
	v5 =	vsel vm14, v63, v13  }
0x724: {  	s0 =	simm.s32 $0x0;
	v6 =	vsel vm14, v13, v63;
	[tilespmem:s2+$0x1C010] =	vst v5;
	vm15 =	vlt.s32 v10, v11  }
0x725: {  	s1 =	sand.u32 $0x4, s1;
	s0 =	sand.u32 $0x70, s0;
	[tilespmem:s2+$0x1C110] =	vst v6;
	v5 =	vsel vm15, v11, v10  }
0x726: {  	s0 =	sor.u32 s1, s0;
	v6 =	vsel vm15, v10, v11;
	[tilespmem:s2+$0x1C020] =	vst v5  }
.Ltmp80:
0x727: {  	[tilespmem:s2+$0x1C120] =	vst v6;
	s2 =	sshll.u32 s0, $0x4;
	(pc) =	sbr.rel @!p2 .LBB2_147-.Ltmp80, $4  }
0x728: {  	v6 =	vld [tilespmem:s2+$0x1C030]  }
0x729: {  	v8 =	vld [tilespmem:s2+$0x1C0B0]  }
0x72a: {  	v5 =	vld [tilespmem:s2+$0x1C000]  }
0x72b: {  	v7 =	vld [tilespmem:s2+$0x1C080]  }
0x72c: {  	s4 =	simm.s32 $0x4;
	v12 =	vld [tilespmem:s2+$0x1C010];
	s8 =	simm.s32 $0x8  }
0x72d: {  	v13 =	vld [tilespmem:s2+$0x1C090];
	s0 =	sand.u32 $0x4, s4;
	s1 =	sand.u32 $0x70, s8  }
0x72e: {  	v9 =	vld [tilespmem:s2+$0x1C020];
	p0 =	por $0x1, $0x1;
	s0 =	sor.u32 s0, s1;
	vm0 =	vlt.s32 v6, v8  }
.Ltmp81:
0x72f: {  	v10 =	vld [tilespmem:s2+$0x1C0A0];
	s1 =	sshll.u32 s0, $0x4;
	v11 =	vsel vm0, v6, v8;
	(pc) =	sbr.rel @!p0 .LBB2_150-.Ltmp81, $4  }
0x730: {  	v14 =	vsel vm0, v8, v6;
	v6 =	vld [tilespmem:s1+$0x1C030];
	vm14 =	vgt.s32 v5, v7;
	[tilespmem:s2+$0x1C0B0] =	vst v11  }
0x731: {  	v8 =	vld [tilespmem:s1+$0x1C0B0];
	[tilespmem:s2+$0x1C030] =	vst v14;
	v11 =	vsel vm14, v7, v5;
	v7 =	vsel vm14, v5, v7  }
0x732: {  	v5 =	vld [tilespmem:s1+$0x1C000];
	vm15 =	vlt.s32 v12, v13;
	[tilespmem:s2+$0x1C000] =	vst v7  }
0x733: {  	p1 =	por $0x1, $0x1;
	v7 =	vld [tilespmem:s1+$0x1C080];
	[tilespmem:s2+$0x1C080] =	vst v11;
	v11 =	vsel vm15, v12, v13;
	v12 =	vsel vm15, v13, v12  }
.LBB2_149:
0x734: {  	s4 =	sadd.s32 $0x4, s4;
	v13 =	vld [tilespmem:s1+$0x1C010];
	s8 =	sadd.s32 $0x8, s8;
	[tilespmem:s2+$0x1C010] =	vst v12;
	vm0 =	vlt.s32 v9, v10  }
0x735: {  	s0 =	sand.u32 $0x4, s4;
	s5 =	sand.u32 $0x70, s8;
	p0 =	slt.u32 s4, $0x3C;
	v12 =	vld [tilespmem:s1+$0x1C090];
	[tilespmem:s2+$0x1C090] =	vst v11;
	v11 =	vsel vm0, v9, v10;
	v10 =	vsel vm0, v10, v9  }
0x736: {  	s0 =	sor.u32 s0, s5;
	v9 =	vld [tilespmem:s1+$0x1C020];
	vm0 =	vlt.s32 v6, v8;
	[tilespmem:s2+$0x1C020] =	vst v10  }
.Ltmp82:
0x737: {  	v10 =	vld [tilespmem:s1+$0x1C0A0];
	v14 =	vsel vm0, v6, v8;
	v15 =	vsel vm0, v8, v6;
	[tilespmem:s2+$0x1C0A0] =	vst v11;
	s2 =	smov.u32 s1;
	s1 =	sshll.u32 s0, $0x4;
	(pc) =	sbr.rel @p0 .LBB2_149-.Ltmp82, $4  }
0x738: {  	v6 =	vld [tilespmem:s1+$0x1C030];
	vm0 =	vgt.s32 v5, v7;
	[tilespmem:s2+$0x1C0B0] =	vst v14  }
0x739: {  	v8 =	vld [tilespmem:s1+$0x1C0B0];
	v11 =	vsel vm0, v7, v5;
	v7 =	vsel vm0, v5, v7;
	[tilespmem:s2+$0x1C030] =	vst v15  }
0x73a: {  	v5 =	vld [tilespmem:s1+$0x1C000];
	[tilespmem:s2+$0x1C000] =	vst v7;
	vm0 =	vlt.s32 v13, v12  }
0x73b: {  	v7 =	vld [tilespmem:s1+$0x1C080];
	[tilespmem:s2+$0x1C080] =	vst v11;
	v11 =	vsel vm0, v13, v12;
	v12 =	vsel vm0, v12, v13  }
.LBB2_150:
0x73c: {  	v13 =	vld [tilespmem:s1+$0x1C010];
	[tilespmem:s2+$0x1C010] =	vst @p1 v12;
	vm0 =	vlt.s32 @p1 v9, v10  }
0x73d: {  	v12 =	vld [tilespmem:s1+$0x1C090];
	[tilespmem:s2+$0x1C090] =	vst @p1 v11;
	v11 =	vsel @p1 vm0, v10, v9  }
0x73e: {  	v9 =	vsel @p1 vm0, v9, v10;
	v10 =	vld [tilespmem:s1+$0x1C020];
	vm11 =	vlt.s32 v6, v8;
	[tilespmem:s2+$0x1C020] =	vst @p1 v11  }
0x73f: {  	v11 =	vld [tilespmem:s1+$0x1C0A0];
	[tilespmem:s2+$0x1C0A0] =	vst @p1 v9;
	v14 =	vsel vm11, v6, v8  }
0x740: {  	v6 =	vsel vm11, v8, v6;
	vm12 =	vgt.s32 v5, v7;
	[tilespmem:s1+$0x1C0B0] =	vst v14  }
0x741: {  	[tilespmem:s1+$0x1C030] =	vst v6;
	v8 =	vsel vm12, v5, v7  }
0x742: {  	v5 =	vsel vm12, v7, v5;
	vm13 =	vlt.s32 v13, v12;
	[tilespmem:s1+$0x1C000] =	vst v8  }
0x743: {  	[tilespmem:s1+$0x1C080] =	vst v5;
	v5 =	vsel vm13, v12, v13  }
0x744: {  	v6 =	vsel vm13, v13, v12;
	[tilespmem:s1+$0x1C010] =	vst v5;
	vm14 =	vlt.s32 v10, v11  }
0x745: {  	[tilespmem:s1+$0x1C090] =	vst v6;
	v5 =	vsel vm14, v11, v10  }
0x746: {  	v6 =	vsel vm14, v10, v11;
	[tilespmem:s1+$0x1C020] =	vst v5  }
0x747: {  	s20 =	simm.s32 $0x1C040;
	[tilespmem:s1+$0x1C0A0] =	vst v6  }
0x748: {  	v10 =	vld [tilespmem:s20+$0xFFFFFFF0]  }
0x749: {  	v11 =	vld [tilespmem:s20+$0x30]  }
0x74a: {  	p2 =	por $0x1, $0x1;
	v12 =	vld [tilespmem:s20+$0x0]  }
.Ltmp83:
0x74b: {  	v6 =	vld [tilespmem:s20+$0xFFFFFFD0];
	(pc) =	sbr.rel @!p2 .LBB2_151-.Ltmp83, $4  }
0x74c: {  	v9 =	vld [tilespmem:s20+$0x10]  }
0x74d: {  	v5 =	vld [tilespmem:s20+$0xFFFFFFE0]  }
0x74e: {  	v7 =	vld [tilespmem:s20+$0x20];
	vm15 =	vgt.s32 v10, v11  }
0x74f: {  	s19 =	simm.s32 $0x1C0C0;
	p1 =	por $0x0, $0x0;
	v8 =	vld [tilespmem:s20+$0xFFFFFFC0];
	v14 =	vsel vm15, v11, v10;
	v13 =	vsel vm15, v10, v11  }
0x750: {  	v15 =	vld [tilespmem:s19+$0xFFFFFFF0]  }
0x751: {  	[tilespmem:s20+$0x30] =	vst v14;
	v16 =	vld [tilespmem:s19+$0x30];
	vm0 =	vgt.s32 v6, v9  }
0x752: {  	v10 =	vld [tilespmem:s19+$0x0];
	[tilespmem:s20+$0xFFFFFFF0] =	vst v13;
	p0 =	por $0x1, $0x1;
	v11 =	vsel vm0, v9, v6;
	v9 =	vsel vm0, v6, v9  }
.Ltmp84:
0x753: {  	v6 =	vld [tilespmem:s19+$0xFFFFFFD0];
	[tilespmem:s20+$0xFFFFFFD0] =	vst v9;
	vm14 =	vgt.s32 v5, v7;
	(pc) =	sbr.rel @!p0 .LBB2_153-.Ltmp84, $4  }
0x754: {  	v9 =	vld [tilespmem:s19+$0x10];
	[tilespmem:s20+$0x10] =	vst v11;
	vm1 =	vgt.s32 v8, v12;
	v11 =	vsel vm14, v7, v5;
	v7 =	vsel vm14, v5, v7  }
0x755: {  	v5 =	vld [tilespmem:s19+$0xFFFFFFE0];
	v13 =	vsel vm1, v8, v12;
	[tilespmem:s20+$0xFFFFFFE0] =	vst v7  }
0x756: {  	s0 =	simm.s32 $0x4;
	s4 =	simm.s32 $0x1C140;
	v12 =	vsel vm1, v12, v8;
	v7 =	vld [tilespmem:s19+$0x20];
	vm15 =	vgt.s32 v15, v16;
	[tilespmem:s20+$0xFFFFFFC0] =	vst v13  }
0x757: {  	p3 =	por $0x1, $0x1;
	s1 =	simm.s32 $0x1C0C0;
	s2 =	simm.s32 $0x1C040;
	v8 =	vld [tilespmem:s19+$0xFFFFFFC0];
	v14 =	vsel vm15, v16, v15;
	v13 =	vsel vm15, v15, v16;
	[tilespmem:s20+$0x0] =	vst v12  }
.LBB2_154:
0x758: {  	v12 =	vld [tilespmem:s4+$0xFFFFFFF0];
	[tilespmem:s1+$0x30] =	vst v14  }
0x759: {  	s0 =	sadd.s32 $0x4, s0;
	v15 =	vld [tilespmem:s4+$0x30];
	vm0 =	vgt.s32 v6, v9;
	[tilespmem:s2+$0x20] =	vst v11;
	s2 =	smov.u32 s1;
	s1 =	smov.u32 s4  }
0x75a: {  	p0 =	slt.u32 s0, $0x3C;
	v16 =	vld [tilespmem:s4+$0x0];
	v11 =	vsel vm0, v9, v6;
	v9 =	vsel vm0, v6, v9;
	[tilespmem:s2+$0xFFFFFFF0] =	vst v13  }
.Ltmp85:
0x75b: {  	v6 =	vld [tilespmem:s4+$0xFFFFFFD0];
	[tilespmem:s2+$0xFFFFFFD0] =	vst v9;
	vm0 =	vgt.s32 v5, v7;
	(pc) =	sbr.rel @p0 .LBB2_154-.Ltmp85, $4  }
0x75c: {  	v9 =	vld [tilespmem:s4+$0x10];
	vm1 =	vgt.s32 v8, v10;
	[tilespmem:s2+$0x10] =	vst v11;
	v11 =	vsel vm0, v7, v5;
	v7 =	vsel vm0, v5, v7  }
0x75d: {  	v5 =	vld [tilespmem:s4+$0xFFFFFFE0];
	v17 =	vsel vm1, v10, v8;
	v8 =	vsel vm1, v8, v10;
	[tilespmem:s2+$0xFFFFFFE0] =	vst v7  }
0x75e: {  	v7 =	vld [tilespmem:s4+$0x20];
	vm0 =	vgt.s32 v12, v15;
	[tilespmem:s2+$0xFFFFFFC0] =	vst v8  }
0x75f: {  	s4 =	sadd.s32 $0x80, s4;
	v8 =	vld [tilespmem:s1+$0xFFFFFFC0];
	v14 =	vsel vm0, v15, v12;
	v13 =	vsel vm0, v12, v15;
	[tilespmem:s2+$0x0] =	vst v17;
	v10 =	vmov v16  }
0x760: {  	v12 =	vmov v10  }
.LBB2_156:
0x761: {  	[tilespmem:s1+$0x30] =	vst v14  }
0x762: {  	vm0 =	vgt.s32 v6, v9;
	[tilespmem:s2+$0x20] =	vst @p3 v11  }
0x763: {  	[tilespmem:s1+$0xFFFFFFF0] =	vst v13;
	v10 =	vsel vm0, v6, v9  }
0x764: {  	v6 =	vsel vm0, v9, v6;
	[tilespmem:s1+$0xFFFFFFD0] =	vst v10;
	vm14 =	vgt.s32 v5, v7  }
0x765: {  	[tilespmem:s1+$0x10] =	vst v6;
	v6 =	vsel vm14, v5, v7  }
0x766: {  	vm1 =	vgt.s32 v8, v12;
	v5 =	vsel vm14, v7, v5;
	[tilespmem:s1+$0xFFFFFFE0] =	vst v6  }
0x767: {  	v9 =	vsel vm1, v8, v12;
	[tilespmem:s1+$0x20] =	vst v5  }
0x768: {  	v6 =	vsel vm1, v12, v8;
	[tilespmem:s1+$0xFFFFFFC0] =	vst v9  }
0x769: {  	[tilespmem:s1+$0x0] =	vst v6  }
0x76a: {  	v10 =	vld [tilespmem:s20+$0x10]  }
0x76b: {  	v11 =	vld [tilespmem:s20+$0x30]  }
0x76c: {  	v12 =	vld [tilespmem:s20+$0xFFFFFFE0]  }
.Ltmp86:
0x76d: {  	v6 =	vld [tilespmem:s20+$0xFFFFFFD0];
	(pc) =	sbr.rel @!p2 .LBB2_157-.Ltmp86, $4  }
0x76e: {  	v9 =	vld [tilespmem:s20+$0xFFFFFFF0]  }
0x76f: {  	v5 =	vld [tilespmem:s20+$0x0]  }
0x770: {  	v7 =	vld [tilespmem:s20+$0x20];
	vm15 =	vgt.s32 v10, v11  }
0x771: {  	v8 =	vld [tilespmem:s20+$0xFFFFFFC0];
	v14 =	vsel vm15, v11, v10;
	v13 =	vsel vm15, v10, v11  }
0x772: {  	v15 =	vld [tilespmem:s19+$0x10]  }
0x773: {  	[tilespmem:s20+$0x30] =	vst v14;
	v16 =	vld [tilespmem:s19+$0x30];
	vm0 =	vgt.s32 v6, v9  }
0x774: {  	v10 =	vld [tilespmem:s19+$0xFFFFFFE0];
	[tilespmem:s20+$0x10] =	vst v13;
	p0 =	por $0x1, $0x1;
	v11 =	vsel vm0, v9, v6;
	v9 =	vsel vm0, v6, v9  }
.Ltmp87:
0x775: {  	v6 =	vld [tilespmem:s19+$0xFFFFFFD0];
	[tilespmem:s20+$0xFFFFFFD0] =	vst v9;
	vm14 =	vgt.s32 v5, v7;
	(pc) =	sbr.rel @!p0 .LBB2_159-.Ltmp87, $4  }
0x776: {  	v9 =	vld [tilespmem:s19+$0xFFFFFFF0];
	[tilespmem:s20+$0xFFFFFFF0] =	vst v11;
	vm1 =	vgt.s32 v8, v12;
	v11 =	vsel vm14, v7, v5;
	v7 =	vsel vm14, v5, v7  }
0x777: {  	v5 =	vld [tilespmem:s19+$0x0];
	v13 =	vsel vm1, v8, v12;
	[tilespmem:s20+$0x0] =	vst v7  }
0x778: {  	v12 =	vsel vm1, v12, v8;
	v7 =	vld [tilespmem:s19+$0x20];
	vm15 =	vgt.s32 v15, v16;
	[tilespmem:s20+$0xFFFFFFC0] =	vst v13  }
0x779: {  	s0 =	simm.s32 $0x4;
	s1 =	simm.s32 $0x1C140;
	p1 =	por $0x1, $0x1;
	v8 =	vld [tilespmem:s19+$0xFFFFFFC0];
	v14 =	vsel vm15, v16, v15;
	v13 =	vsel vm15, v15, v16;
	[tilespmem:s20+$0xFFFFFFE0] =	vst v12  }
.LBB2_160:
0x77a: {  	v12 =	vld [tilespmem:s1+$0x10];
	[tilespmem:s19+$0x30] =	vst v14  }
0x77b: {  	s0 =	sadd.s32 $0x4, s0;
	v15 =	vld [tilespmem:s1+$0x30];
	vm0 =	vgt.s32 v6, v9;
	[tilespmem:s20+$0x20] =	vst v11;
	s20 =	smov.u32 s19;
	s19 =	smov.u32 s1  }
0x77c: {  	p0 =	slt.u32 s0, $0x3C;
	v16 =	vld [tilespmem:s1+$0xFFFFFFE0];
	v11 =	vsel vm0, v9, v6;
	v9 =	vsel vm0, v6, v9;
	[tilespmem:s20+$0x10] =	vst v13  }
.Ltmp88:
0x77d: {  	v6 =	vld [tilespmem:s1+$0xFFFFFFD0];
	[tilespmem:s20+$0xFFFFFFD0] =	vst v9;
	vm0 =	vgt.s32 v5, v7;
	(pc) =	sbr.rel @p0 .LBB2_160-.Ltmp88, $4  }
0x77e: {  	v9 =	vld [tilespmem:s1+$0xFFFFFFF0];
	vm1 =	vgt.s32 v8, v10;
	[tilespmem:s20+$0xFFFFFFF0] =	vst v11;
	v11 =	vsel vm0, v7, v5;
	v7 =	vsel vm0, v5, v7  }
0x77f: {  	v5 =	vld [tilespmem:s1+$0x0];
	v17 =	vsel vm1, v10, v8;
	v8 =	vsel vm1, v8, v10;
	[tilespmem:s20+$0x0] =	vst v7  }
0x780: {  	v7 =	vld [tilespmem:s1+$0x20];
	vm0 =	vgt.s32 v12, v15;
	[tilespmem:s20+$0xFFFFFFC0] =	vst v8  }
0x781: {  	s1 =	sadd.s32 $0x80, s1;
	v8 =	vld [tilespmem:s19+$0xFFFFFFC0];
	v14 =	vsel vm0, v15, v12;
	v13 =	vsel vm0, v12, v15;
	[tilespmem:s20+$0xFFFFFFE0] =	vst v17;
	v10 =	vmov v16  }
0x782: {  	v12 =	vmov v10  }
.LBB2_162:
0x783: {  	[tilespmem:s19+$0x30] =	vst v14  }
0x784: {  	vm0 =	vgt.s32 v6, v9;
	[tilespmem:s20+$0x20] =	vst @p1 v11  }
0x785: {  	[tilespmem:s19+$0x10] =	vst v13;
	v10 =	vsel vm0, v6, v9  }
0x786: {  	v6 =	vsel vm0, v9, v6;
	[tilespmem:s19+$0xFFFFFFD0] =	vst v10;
	vm14 =	vgt.s32 v5, v7  }
0x787: {  	[tilespmem:s19+$0xFFFFFFF0] =	vst v6;
	v6 =	vsel vm14, v5, v7  }
0x788: {  	vm1 =	vgt.s32 v8, v12;
	v5 =	vsel vm14, v7, v5;
	[tilespmem:s19+$0x0] =	vst v6  }
0x789: {  	v9 =	vsel vm1, v8, v12;
	[tilespmem:s19+$0x20] =	vst v5  }
0x78a: {  	v6 =	vsel vm1, v12, v8;
	[tilespmem:s19+$0xFFFFFFC0] =	vst v9  }
0x78b: {  	s2 =	simm.s32 $0x1C040;
	[tilespmem:s19+$0xFFFFFFE0] =	vst v6  }
0x78c: {  	v10 =	vld [tilespmem:s2+$0x20]  }
0x78d: {  	v11 =	vld [tilespmem:s2+$0x30]  }
0x78e: {  	p0 =	por $0x1, $0x1;
	v12 =	vld [tilespmem:s2+$0xFFFFFFD0]  }
.Ltmp89:
0x78f: {  	v6 =	vld [tilespmem:s2+$0xFFFFFFE0];
	(pc) =	sbr.rel @!p0 .LBB2_163-.Ltmp89, $4  }
0x790: {  	v9 =	vld [tilespmem:s2+$0xFFFFFFF0]  }
0x791: {  	v5 =	vld [tilespmem:s2+$0x0]  }
0x792: {  	v7 =	vld [tilespmem:s2+$0x10];
	vm15 =	vgt.s32 v10, v11  }
0x793: {  	s1 =	simm.s32 $0x1C0C0;
	p1 =	por $0x0, $0x0;
	v8 =	vld [tilespmem:s2+$0xFFFFFFC0];
	v14 =	vsel vm15, v11, v10;
	v13 =	vsel vm15, v10, v11  }
0x794: {  	v15 =	vld [tilespmem:s1+$0x20]  }
0x795: {  	[tilespmem:s2+$0x30] =	vst v14;
	v16 =	vld [tilespmem:s1+$0x30];
	vm0 =	vgt.s32 v6, v9  }
0x796: {  	v10 =	vld [tilespmem:s1+$0xFFFFFFD0];
	[tilespmem:s2+$0x20] =	vst v13;
	p0 =	por $0x1, $0x1;
	v11 =	vsel vm0, v9, v6;
	v9 =	vsel vm0, v6, v9  }
.Ltmp90:
0x797: {  	v6 =	vld [tilespmem:s1+$0xFFFFFFE0];
	[tilespmem:s2+$0xFFFFFFE0] =	vst v9;
	vm14 =	vgt.s32 v5, v7;
	(pc) =	sbr.rel @!p0 .LBB2_165-.Ltmp90, $4  }
0x798: {  	v9 =	vld [tilespmem:s1+$0xFFFFFFF0];
	[tilespmem:s2+$0xFFFFFFF0] =	vst v11;
	vm1 =	vgt.s32 v8, v12;
	v11 =	vsel vm14, v7, v5;
	v7 =	vsel vm14, v5, v7  }
0x799: {  	v5 =	vld [tilespmem:s1+$0x0];
	v13 =	vsel vm1, v8, v12;
	[tilespmem:s2+$0x0] =	vst v7  }
0x79a: {  	v12 =	vsel vm1, v12, v8;
	v7 =	vld [tilespmem:s1+$0x10];
	vm15 =	vgt.s32 v15, v16;
	[tilespmem:s2+$0xFFFFFFC0] =	vst v13  }
0x79b: {  	s0 =	simm.s32 $0x4;
	s4 =	simm.s32 $0x1C140;
	p2 =	por $0x1, $0x1;
	v8 =	vld [tilespmem:s1+$0xFFFFFFC0];
	v14 =	vsel vm15, v16, v15;
	v13 =	vsel vm15, v15, v16;
	[tilespmem:s2+$0xFFFFFFD0] =	vst v12  }
.LBB2_166:
0x79c: {  	v12 =	vld [tilespmem:s4+$0x20];
	[tilespmem:s1+$0x30] =	vst v14  }
0x79d: {  	s0 =	sadd.s32 $0x4, s0;
	v15 =	vld [tilespmem:s4+$0x30];
	vm0 =	vgt.s32 v6, v9;
	[tilespmem:s2+$0x10] =	vst v11;
	s2 =	smov.u32 s1;
	s1 =	smov.u32 s4  }
0x79e: {  	p0 =	slt.u32 s0, $0x3C;
	v16 =	vld [tilespmem:s4+$0xFFFFFFD0];
	v11 =	vsel vm0, v9, v6;
	v9 =	vsel vm0, v6, v9;
	[tilespmem:s2+$0x20] =	vst v13  }
.Ltmp91:
0x79f: {  	v6 =	vld [tilespmem:s4+$0xFFFFFFE0];
	[tilespmem:s2+$0xFFFFFFE0] =	vst v9;
	vm0 =	vgt.s32 v5, v7;
	(pc) =	sbr.rel @p0 .LBB2_166-.Ltmp91, $4  }
0x7a0: {  	v9 =	vld [tilespmem:s4+$0xFFFFFFF0];
	vm1 =	vgt.s32 v8, v10;
	[tilespmem:s2+$0xFFFFFFF0] =	vst v11;
	v11 =	vsel vm0, v7, v5;
	v7 =	vsel vm0, v5, v7  }
0x7a1: {  	v5 =	vld [tilespmem:s4+$0x0];
	v17 =	vsel vm1, v10, v8;
	v8 =	vsel vm1, v8, v10;
	[tilespmem:s2+$0x0] =	vst v7  }
0x7a2: {  	v7 =	vld [tilespmem:s4+$0x10];
	vm0 =	vgt.s32 v12, v15;
	[tilespmem:s2+$0xFFFFFFC0] =	vst v8  }
0x7a3: {  	s4 =	sadd.s32 $0x80, s4;
	v8 =	vld [tilespmem:s1+$0xFFFFFFC0];
	v14 =	vsel vm0, v15, v12;
	v13 =	vsel vm0, v12, v15;
	[tilespmem:s2+$0xFFFFFFD0] =	vst v17;
	v10 =	vmov v16  }
0x7a4: {  	v12 =	vmov v10  }
.LBB2_168:
0x7a5: {  	[tilespmem:s1+$0x30] =	vst v14  }
0x7a6: {  	vm0 =	vgt.s32 v6, v9;
	[tilespmem:s2+$0x10] =	vst @p2 v11  }
0x7a7: {  	[tilespmem:s1+$0x20] =	vst v13;
	v10 =	vsel vm0, v6, v9  }
0x7a8: {  	v6 =	vsel vm0, v9, v6;
	[tilespmem:s1+$0xFFFFFFE0] =	vst v10;
	vm15 =	vgt.s32 v5, v7  }
0x7a9: {  	[tilespmem:s1+$0xFFFFFFF0] =	vst v6;
	v6 =	vsel vm15, v5, v7  }
0x7aa: {  	vm1 =	vgt.s32 v8, v12;
	v5 =	vsel vm15, v7, v5;
	[tilespmem:s1+$0x0] =	vst v6  }
0x7ab: {  	p0 =	por $0x1, $0x1;
	v63 =	vsel vm1, v8, v12;
	[tilespmem:s1+$0x10] =	vst v5  }
.Ltmp92:
0x7ac: {  	v6 =	vsel vm1, v12, v8;
	[tilespmem:s1+$0xFFFFFFC0] =	vst v63;
	(pc) =	sbr.rel @!p0 .LBB2_169-.Ltmp92, $4  }
0x7ad: {  	s20 =	simm.s32 $0x1C020;
	[tilespmem:s1+$0xFFFFFFD0] =	vst v6  }
0x7ae: {  	v6 =	vld [tilespmem:s20+$0xFFFFFFE0]  }
0x7af: {  	v7 =	vld [tilespmem:s20+$0x10]  }
0x7b0: {  	v5 =	vld [tilespmem:s20+$0x0]  }
0x7b1: {  	v8 =	vld [tilespmem:s20+$0xFFFFFFF0];
	p0 =	por $0x1, $0x1  }
.Ltmp93:
0x7b2: {  	_ = 	snop;
	(pc) =	sbr.rel @!p0 .LBB2_171-.Ltmp93, $4  }
0x7b3: {  	s21 =	simm.s32 $0x1C060;
	v9 =	vxor.u32 $0x80000000, v6  }
0x7b4: {  	v6 =	vld [tilespmem:s21+$0xFFFFFFE0];
	v10 =	vxor.u32 $0x80000000, v7;
	(xrf1) =	vsort.ascd.msk.u32 $0xffff, v9, v9  }
0x7b5: {  	v7 =	vld [tilespmem:s21+$0x10];
	v11 =	vxor.u32 $0x80000000, v5;
	(xrf1) =	vsort.ascd.msk.u32 $0xffff, v10, v10  }
0x7b6: {  	p2 =	por $0x1, $0x1;
	v5 =	vld [tilespmem:s21+$0x0];
	v9 =	vxor.u32 $0x80000000, v8;
	(xrf1) =	vsort.ascd.msk.u32 $0xffff, v11, v11  }
0x7b7: {  	_ =	sdelay $0x1  }
0x7b8: {  	(xrf1) =	vsort.ascd.msk.u32 $0xffff, v9, v9;
	v9 =	vxor.u32 $0x80000000, v6  }
0x7b9: {  	v10 =	vxor.u32 $0x80000000, v7;
	(xrf1) =	vsort.ascd.msk.u32 $0xffff, v9, v9  }
0x7ba: {  	v11 =	vxor.u32 $0x80000000, v5;
	(xrf1) =	vsort.ascd.msk.u32 $0xffff, v10, v10  }
0x7bb: {  	(xrf1) =	vsort.ascd.msk.u32 $0xffff, v11, v11;
	_ =	sdelay $0x5  }
0x7bc: {  	v8 =	vld [tilespmem:s21+$0xFFFFFFF0];
	p0 =	por $0x1, $0x1  }
.Ltmp94:
0x7bd: {  	_ = 	snop;
	(pc) =	sbr.rel @!p0 .LBB2_173-.Ltmp94, $4  }
0x7be: {  	s19 =	simm.s32 $0x1C0A0  }
0x7bf: {  	v6 =	vld [tilespmem:s19+$0xFFFFFFE0]  }
0x7c0: {  	v7 =	vld [tilespmem:s19+$0x10]  }
0x7c1: {  	p3 =	por $0x1, $0x1;
	v5 =	vld [tilespmem:s19+$0x0];
	v9 =	vxor.u32 $0x80000000, v8  }
0x7c2: {  	_ =	sdelay $0x1  }
0x7c3: {  	(xrf1) =	vsort.ascd.msk.u32 $0xffff, v9, v9;
	v9 =	vxor.u32 $0x80000000, v6  }
0x7c4: {  	v10 =	vxor.u32 $0x80000000, v7;
	(xrf1) =	vsort.ascd.msk.u32 $0xffff, v9, v9  }
0x7c5: {  	v11 =	vxor.u32 $0x80000000, v5;
	(xrf1) =	vsort.ascd.msk.u32 $0xffff, v10, v10  }
0x7c6: {  	(xrf1) =	vsort.ascd.msk.u32 $0xffff, v11, v11;
	_ =	sdelay $0x1  }
0x7c7: {  	v8 =	vld [tilespmem:s19+$0xFFFFFFF0];
	p0 =	por $0x1, $0x1  }
.Ltmp95:
0x7c8: {  	_ = 	snop;
	(pc) =	sbr.rel @!p0 .LBB2_175-.Ltmp95, $4  }
0x7c9: {  	s22 =	simm.s32 $0x1C0E0  }
0x7ca: {  	v6 =	vld [tilespmem:s22+$0xFFFFFFE0]  }
0x7cb: {  	v7 =	vld [tilespmem:s22+$0x10]  }
0x7cc: {  	p4 =	por $0x1, $0x1;
	v5 =	vld [tilespmem:s22+$0x0];
	v9 =	vxor.u32 $0x80000000, v8;
	v8, _, _ =	vpop (xrf1)  }
0x7cd: {  	_ =	sdelay $0x1  }
0x7ce: {  	(xrf1) =	vsort.ascd.msk.u32 $0xffff, v9, v9;
	v9 =	vxor.u32 $0x80000000, v6  }
0x7cf: {  	v15 =	vxor.u32 $0x80000000, v7;
	(xrf1) =	vsort.ascd.msk.u32 $0xffff, v9, v9  }
0x7d0: {  	v16 =	vxor.u32 $0x80000000, v5;
	(xrf1) =	vsort.ascd.msk.u32 $0xffff, v15, v15  }
0x7d1: {  	(xrf1) =	vsort.ascd.msk.u32 $0xffff, v16, v16  }
0x7d2: {  	v10, _, _ =	vpop (xrf1)  }
0x7d3: {  	v11 =	vld [tilespmem:s22+$0xFFFFFFF0];
	p0 =	por $0x1, $0x1;
	v10 =	vxor.u32 $0x80000000, v10  }
.Ltmp96:
0x7d4: {  	v13, _, _ =	vpop (xrf1);
	(pc) =	sbr.rel @!p0 .LBB2_177-.Ltmp96, $4  }
0x7d5: {  	s23 =	simm.s32 $0x1C120;
	v13 =	vxor.u32 $0x80000000, v13;
	v14 =	vperm.xlane v10, v3  }
0x7d6: {  	v6 =	vld [tilespmem:s23+$0xFFFFFFE0];
	v13 =	vperm.xlane v13, v3;
	v10, _, _ =	vpop (xrf1)  }
0x7d7: {  	v12 =	vxor.u32 $0x80000000, v8;
	s0 =	simm.s32 $0x10;
	p1 =	por $0x1, $0x1;
	v7 =	vld [tilespmem:s23+$0x10];
	[tilespmem:s20+$0x10] =	vst v14;
	v9 =	vxor.u32 $0x80000000, v10  }
0x7d8: {  	s24 =	simm.s32 $0x1C020;
	s1 =	simm.s32 $0x1C060;
	s4 =	simm.s32 $0x1C120;
	v12 =	vperm.xlane v12, v3;
	v5 =	vld [tilespmem:s23+$0x0];
	[tilespmem:s20+$0x0] =	vst v13;
	v10 =	vperm.xlane v9, v3;
	v9 =	vxor.u32 $0x80000000, v11;
	v11, _, _ =	vpop (xrf1)  }
.LBB2_178:
0x7d9: {  	s0 =	sadd.s32 $0x4, s0  }
0x7da: {  	v13 =	vld [tilespmem:s23+$0xFFFFFFF0];
	(xrf1) =	vsort.ascd.msk.u32 $0xffff, v9, v9;
	v9, _, _ =	vpop (xrf1);
	[tilespmem:s24+$0xFFFFFFF0] =	vst v10;
	p0 =	slt.u32 s0, $0x7C  }
.Ltmp97:
0x7db: {  	v14 =	vxor.u32 $0x80000000, v11;
	v9 =	vxor.u32 $0x80000000, v9;
	v10, _, _ =	vpop (xrf1);
	[tilespmem:s24+$0xFFFFFFE0] =	vst v12;
	s24 =	smov.u32 s1;
	(pc) =	sbr.rel @p0 .LBB2_178-.Ltmp97, $4  }
0x7dc: {  	s23 =	sadd.s32 $0x40, s23;
	s1 =	smov.u32 s19;
	s19 =	smov.u32 s22;
	v11 =	vxor.u32 $0x80000000, v6;
	v10 =	vxor.u32 $0x80000000, v10;
	v9 =	vperm.xlane v9, v3;
	v12, _, _ =	vpop (xrf1)  }
0x7dd: {  	s22 =	smov.u32 s4;
	s4 =	smov.u32 s23;
	v6 =	vld [tilespmem:s23+$0xFFFFFFE0];
	v15 =	vxor.u32 $0x80000000, v7;
	(xrf1) =	vsort.ascd.msk.u32 $0xffff, v11, v11;
	v17 =	vxor.u32 $0x80000000, v12;
	v16 =	vperm.xlane v10, v3  }
0x7de: {  	v7 =	vld [tilespmem:s23+$0x10];
	v12 =	vxor.u32 $0x80000000, v5;
	(xrf1) =	vsort.ascd.msk.u32 $0xffff, v15, v15;
	v10 =	vperm.xlane v17, v3;
	[tilespmem:s24+$0x10] =	vst v9  }
0x7df: {  	v5 =	vld [tilespmem:s23+$0x0];
	v9 =	vxor.u32 $0x80000000, v13;
	(xrf1) =	vsort.ascd.msk.u32 $0xffff, v12, v12;
	v11, _, _ =	vpop (xrf1);
	v12 =	vperm.xlane v14, v3;
	[tilespmem:s24+$0x0] =	vst v16  }
0x7e0: {  	s2 =	smov.u32 s19;
	s19 =	smov.u32 s4  }
.LBB2_180:
0x7e1: {  	_ = 	snop  }
0x7e2: {  	v6 =	vxor.u32 $0x80000000, v6  }
0x7e3: {  	v13 =	vld [tilespmem:s23+$0xFFFFFFF0];
	v7 =	vxor.u32 $0x80000000, v7  }
0x7e4: {  	(xrf1) =	vsort.ascd.msk.u32 @p2 $0xffff, v9, v9  }
0x7e5: {  	(xrf1) =	vsort.ascd.msk.u32 $0xffff, v6, v6;
	v6, _, _ =	vpop @p4 (xrf1)  }
0x7e6: {  	v11 =	vxor.u32 @p4 $0x80000000, v11;
	v5 =	vxor.u32 $0x80000000, v5;
	(xrf1) =	vsort.ascd.msk.u32 $0xffff, v7, v7;
	v7, _, _ =	vpop @p4 (xrf1)  }
0x7e7: {  	(xrf1) =	vsort.ascd.msk.u32 $0xffff, v5, v5;
	v5 =	vxor.u32 @p4 $0x80000000, v6;
	v6, _, _ =	vpop @p4 (xrf1)  }
0x7e8: {  	[tilespmem:s24+$0xFFFFFFF0] =	vst @p1 v10;
	v10 =	vperm.xlane @p4 v11, v3;
	v61 =	vxor.u32 $0x80000000, v13;
	v9, _, _ =	vpop @p3 (xrf1);
	v6 =	vxor.u32 @p4 $0x80000000, v6  }
0x7e9: {  	(xrf1) =	vsort.ascd.msk.u32 $0xffff, v61, v61;
	v5 =	vperm.xlane @p4 v5, v3;
	v6 =	vperm.xlane @p4 v6, v3;
	v11, _, _ =	vpop @p3 (xrf1)  }
0x7ea: {  	[tilespmem:s24+$0xFFFFFFE0] =	vst @p1 v12;
	s0 =	smov.u32 @p4 s1;
	v7 =	vxor.u32 @p4 $0x80000000, v7;
	v12, _, _ =	vpop @p3 (xrf1)  }
0x7eb: {  	v7 =	vperm.xlane @p4 v7, v3;
	[tilespmem:s0+$0x10] =	vst @p4 v5;
	v5 =	vpsel p4, v6, v0;
	v6 =	vpsel p3, v9, v8;
	v9, _, _ =	vpop @p3 (xrf1)  }
0x7ec: {  	v8 =	vpsel p4, v10, v0;
	v9 =	vxor.u32 @p3 $0x80000000, v9  }
0x7ed: {  	[tilespmem:s0+$0x0] =	vst @p4 v7;
	s0 =	smov.u32 @p4 s0;
	v9 =	vperm.xlane @p3 v9, v3  }
0x7ee: {  	s1 =	smov.u32 @p3 s2;
	v7 =	vxor.u32 @p3 $0x80000000, v11;
	[tilespmem:s0+$0xFFFFFFF0] =	vst @p4 v5;
	v10, _, _ =	vpop @p2 (xrf1)  }
0x7ef: {  	s20 =	smov.u32 @p3 s1;
	v7 =	vperm.xlane @p3 v7, v3;
	v5 =	vxor.u32 @p3 $0x80000000, v12;
	[tilespmem:s0+$0xFFFFFFE0] =	vst @p4 v8;
	v8, _, _ =	vpop @p2 (xrf1)  }
0x7f0: {  	s1 =	smov.u32 @p2 s22;
	v6 =	vxor.u32 @p3 $0x80000000, v6;
	s0 =	smov.u32 @p3 s20;
	v5 =	vperm.xlane @p3 v5, v3;
	v8 =	vxor.u32 @p2 $0x80000000, v8  }
0x7f1: {  	s21 =	smov.u32 @p2 s1;
	v6 =	vperm.xlane @p3 v6, v3;
	[tilespmem:s0+$0x10] =	vst @p3 v7;
	v7 =	vpsel p3, v9, v0;
	v8 =	vperm.xlane @p2 v8, v3;
	v9, _, _ =	vpop @p2 (xrf1)  }
0x7f2: {  	s1 =	smov.u32 @p2 s21;
	[tilespmem:s0+$0x0] =	vst @p3 v5;
	s0 =	smov.u32 @p3 s0;
	v5 =	vpsel p2, v10, v0;
	v10, _, _ =	vpop @p2 (xrf1)  }
0x7f3: {  	s1 =	smov.u32 @p2 s1;
	v6 =	vpsel p3, v6, v0;
	[tilespmem:s0+$0xFFFFFFF0] =	vst @p3 v7;
	v7 =	vxor.u32 @p2 $0x80000000, v9;
	v9 =	vxor.u32 @p2 $0x80000000, v10  }
0x7f4: {  	v5 =	vxor.u32 @p2 $0x80000000, v5;
	[tilespmem:s0+$0xFFFFFFE0] =	vst @p3 v6;
	s0 =	smov.u32 @p2 s1;
	v6 =	vperm.xlane @p2 v7, v3;
	v62, _, _ =	vpop (xrf1);
	v7 =	vperm.xlane @p2 v9, v3  }
0x7f5: {  	v5 =	vperm.xlane @p2 v5, v3;
	[tilespmem:s0+$0x10] =	vst @p2 v8;
	v8, _, _ =	vpop (xrf1)  }
0x7f6: {  	[tilespmem:s0+$0x0] =	vst @p2 v6;
	s0 =	smov.u32 @p2 s0;
	v6 =	vpsel p2, v7, v0;
	v7 =	vxor.u32 $0x80000000, v8;
	v8, _, _ =	vpop (xrf1)  }
0x7f7: {  	v5 =	vpsel p2, v5, v0;
	[tilespmem:s0+$0xFFFFFFF0] =	vst @p2 v6;
	v6 =	vxor.u32 $0x80000000, v8;
	v7 =	vperm.xlane v7, v3;
	v8, _, _ =	vpop (xrf1)  }
0x7f8: {  	[tilespmem:s0+$0xFFFFFFE0] =	vst @p2 v5;
	v5 =	vxor.u32 $0x80000000, v8;
	v6 =	vperm.xlane v6, v3  }
0x7f9: {  	v8 =	vxor.u32 $0x80000000, v62;
	v5 =	vperm.xlane v5, v3;
	[tilespmem:s19+$0x10] =	vst v7  }
0x7fa: {  	v7 =	vperm.xlane v8, v3;
	[tilespmem:s19+$0x0] =	vst v6  }
0x7fb: {  	[tilespmem:s19+$0xFFFFFFF0] =	vst v5  }
0x7fc: {  	s31 =	simm.s32 $0x1C010;
	[tilespmem:s19+$0xFFFFFFE0] =	vst v7  }
0x7fd: {  	v6 =	vld [tilespmem:s31+$0xFFFFFFF0]  }
0x7fe: {  	v7 =	vld [tilespmem:s31+$0x0];
	_ =	sdelay $0x3  }
0x7ff: {  	s1 =	simm.s32 $0x1C030;
	vm0 =	vlt.s32 v6, $0x0;
	v8 =	vxor.u32 $0x7FFFFFFF, v6  }
0x800: {  	s0 =	simm.s32 $0x1C810;
	v5 =	vld [tilespmem:s1+$0xFFFFFFF0];
	vm15 =	vlt.s32 v7, $0x0;
	v63 =	vxor.u32 $0x7FFFFFFF, v7;
	v8 =	vsel vm0, v8, v6  }
0x801: {  	s2 =	simm.s32 $0x2;
	v6 =	vld [tilespmem:s1+$0x0];
	v7 =	vsel vm15, v63, v7;
	[tilespmem:s0+$0xFFFFFFF0] =	vst v8  }
.LBB2_181:
0x802: {  	s2 =	sadd.s32 $0x2, s2  }
0x803: {  	[tilespmem:s0+$0x0] =	vst v7;
	s0 =	sadd.s32 $0x20, s0;
	p0 =	slt.u32 s2, $0x3E  }
.Ltmp98:
0x804: {  	(pc) =	sbr.rel @p0 .LBB2_181-.Ltmp98, $4  }
0x805: {  	_ = 	snop  }
0x806: {  	s1 =	sadd.s32 $0x20, s1;
	vm0 =	vlt.s32 v5, $0x0;
	v7 =	vxor.u32 $0x7FFFFFFF, v5  }
0x807: {  	v7 =	vsel vm0, v7, v5;
	v5 =	vld [tilespmem:s1+$0xFFFFFFF0];
	vm0 =	vlt.s32 v6, $0x0;
	v8 =	vxor.u32 $0x7FFFFFFF, v6  }
0x808: {  	[tilespmem:s0+$0xFFFFFFF0] =	vst v7;
	v7 =	vsel vm0, v8, v6;
	v6 =	vld [tilespmem:s1+$0x0]  }
0x809: {  	_ =	sdelay $0x2  }
0x80a: {  	vm0 =	vlt.s32 v5, $0x0;
	v8 =	vxor.u32 $0x7FFFFFFF, v5  }
0x80b: {  	[tilespmem:s0+$0x0] =	vst v7;
	s29 =	sadd.s32 $0x20, s0;
	v5 =	vsel vm0, v8, v5;
	vm15 =	vlt.s32 v6, $0x0;
	v7 =	vxor.u32 $0x7FFFFFFF, v6  }
0x80c: {  	s30 =	sadd.s32 s18, s7;
	[tilespmem:s29+$0xFFFFFFF0] =	vst v5;
	v5 =	vsel vm15, v7, v6  }
0x80d: {  	s1 =	simm.s32 $0x80;
	s2 =	simm.s32 $0x400;
	s4 =	simm.s32 $0x1C800;
	[tilespmem:s29+$0x0] =	vst v5  }
0x80e: {  	[hbm4b:s30+s1] =	stream.strided.scatter [tilespmem:s4], [sflag:$0x2], $0x400, s2, s1, $0x38;
	[tilespmem:$0x1CC00] =	vst v63  }
0x80f: {  	p0 =	sne.s32 s17, $0x4;
	_ =	swait.ge [sflag:s9], $0x400  }
.Ltmp99:
0x810: {  	s31 =	sld [smem:$0x7FD];
	(pc) =	sbr.rel @p0 .LBB2_4-.Ltmp99, $4  }
.Ltmp100:
0x811: {  	_ = 	snop;
	(pc) =	sbr.rel @!p0 .LBB2_183-.Ltmp100, $4  }
0x812: {  	_ = 	snop  }
0x813: {  	[sflag:s9] =	ssyncset.done $0x0;
	p4 =	seq.s32 s31, $0x1  }
0x814: {  	[sflag:s9] =	ssyncadd.s32 $0xFFFFFC00;
	p4 =	por !p4, !p4  }
0x815: {  	_ = 	snop  }
.LBB2_10:
.Ltmp101:
0x816: {  	(pc) =	sbr.rel .LBB2_22-.Ltmp101, $2  }
0x817: {  	_ =	sdelay $0x2  }
0x818: {  	s4 =	simm.s32 $0x0;
	s25 =	simm.s32 $0x3EF;
	s29 =	simm.s32 $0xFFFFFFFF  }
.LBB2_27:
.Ltmp102:
0x819: {  	(pc) =	sbr.rel .LBB2_38-.Ltmp102, $2  }
0x81a: {  	_ =	sdelay $0x2  }
0x81b: {  	s19 =	simm.s32 $0x1C020;
	p5 =	por $0x0, $0x0  }
.LBB2_39:
.Ltmp103:
0x81c: {  	(pc) =	sbr.rel .LBB2_44-.Ltmp103, $2  }
0x81d: {  	_ =	sdelay $0x2  }
0x81e: {  	s1 =	simm.s32 $0x1C040  }
.LBB2_45:
.Ltmp104:
0x81f: {  	(pc) =	sbr.rel .LBB2_56-.Ltmp104, $2  }
0x820: {  	_ =	sdelay $0x2  }
0x821: {  	s19 =	simm.s32 $0x1C020;
	p5 =	por $0x0, $0x0  }
.LBB2_57:
.Ltmp105:
0x822: {  	(pc) =	sbr.rel .LBB2_62-.Ltmp105, $2  }
0x823: {  	_ =	sdelay $0x2  }
0x824: {  	s1 =	simm.s32 $0x1C040  }
.LBB2_63:
.Ltmp106:
0x825: {  	(pc) =	sbr.rel .LBB2_68-.Ltmp106, $2  }
0x826: {  	_ =	sdelay $0x2  }
0x827: {  	s19 =	simm.s32 $0x1C040;
	p2 =	por $0x0, $0x0  }
.LBB2_69:
.Ltmp107:
0x828: {  	(pc) =	sbr.rel .LBB2_80-.Ltmp107, $3  }
0x829: {  	_ =	sdelay $0x1  }
0x82a: {  	s19 =	simm.s32 $0x1C020;
	s20 =	smov.u32 s24  }
0x82b: {  	p2 =	por $0x0, $0x0;
	p3 =	por $0x0, $0x0;
	p4 =	por $0x0, $0x0  }
.LBB2_101:
.Ltmp108:
0x82c: {  	(pc) =	sbr.rel .LBB2_104-.Ltmp108, $2  }
0x82d: {  	_ =	sdelay $0x2  }
0x82e: {  	s2 =	smov.u32 s4;
	s1 =	simm.s32 $0x0;
	p4 =	por $0x0, $0x0  }
.LBB2_105:
.Ltmp109:
0x82f: {  	(pc) =	sbr.rel .LBB2_109-.Ltmp109, $2  }
0x830: {  	_ =	sdelay $0x2  }
0x831: {  	s1 =	simm.s32 $0x1C040  }
.LBB2_118:
.Ltmp110:
0x832: {  	(pc) =	sbr.rel .LBB2_121-.Ltmp110, $2  }
0x833: {  	_ =	sdelay $0x2  }
0x834: {  	s2 =	smov.u32 s1;
	s4 =	simm.s32 $0x0;
	p4 =	por $0x0, $0x0  }
.LBB2_122:
.Ltmp111:
0x835: {  	(pc) =	sbr.rel .LBB2_125-.Ltmp111, $2  }
0x836: {  	_ =	sdelay $0x2  }
0x837: {  	s2 =	smov.u32 s1  }
.LBB2_126:
.Ltmp112:
0x838: {  	(pc) =	sbr.rel .LBB2_130-.Ltmp112, $2  }
0x839: {  	_ =	sdelay $0x2  }
0x83a: {  	s1 =	simm.s32 $0x1C040;
	p4 =	por p1, p1;
	p5 =	por $0x0, $0x0  }
.LBB2_131:
.Ltmp113:
0x83b: {  	(pc) =	sbr.rel .LBB2_134-.Ltmp113, $2  }
0x83c: {  	_ =	sdelay $0x2  }
0x83d: {  	s1 =	simm.s32 $0x1C040  }
.LBB2_143:
.Ltmp114:
0x83e: {  	(pc) =	sbr.rel .LBB2_146-.Ltmp114, $2  }
0x83f: {  	_ =	sdelay $0x2  }
0x840: {  	s2 =	smov.u32 s4;
	p3 =	por $0x0, $0x0  }
.LBB2_147:
.Ltmp115:
0x841: {  	(pc) =	sbr.rel .LBB2_150-.Ltmp115, $2  }
0x842: {  	_ =	sdelay $0x2  }
0x843: {  	s1 =	smov.u32 s2  }
.LBB2_151:
.Ltmp116:
0x844: {  	(pc) =	sbr.rel .LBB2_156-.Ltmp116, $2  }
0x845: {  	_ =	sdelay $0x2  }
0x846: {  	s1 =	simm.s32 $0x1C040;
	p3 =	por $0x0, $0x0  }
.LBB2_157:
.Ltmp117:
0x847: {  	(pc) =	sbr.rel .LBB2_162-.Ltmp117, $2  }
0x848: {  	_ =	sdelay $0x2  }
0x849: {  	s19 =	simm.s32 $0x1C040  }
.LBB2_163:
.Ltmp118:
0x84a: {  	(pc) =	sbr.rel .LBB2_168-.Ltmp118, $2  }
0x84b: {  	_ =	sdelay $0x2  }
0x84c: {  	s1 =	simm.s32 $0x1C040;
	p2 =	por $0x0, $0x0  }
.LBB2_169:
.Ltmp119:
0x84d: {  	(pc) =	sbr.rel .LBB2_180-.Ltmp119, $3  }
0x84e: {  	_ =	sdelay $0x1  }
0x84f: {  	s23 =	simm.s32 $0x1C020;
	s19 =	simm.s32 $0x1C020  }
0x850: {  	p2 =	por $0x0, $0x0;
	p3 =	por $0x0, $0x0;
	p4 =	por $0x0, $0x0  }
.LBB2_15:
.Ltmp120:
0x851: {  	(pc) =	sbr.rel .LBB2_22-.Ltmp120, $3  }
0x852: {  	_ =	sdelay $0x1  }
0x853: {  	s4 =	simm.s32 $0x0;
	s25 =	simm.s32 $0x3DF  }
0x854: {  	s2 =	simm.s32 $0x1F00;
	s29 =	simm.s32 $0xFFFFFFFF;
	s24 =	simm.s32 $0x3EF  }
.LBB2_29:
.Ltmp121:
0x855: {  	(pc) =	sbr.rel .LBB2_38-.Ltmp121, $2  }
0x856: {  	_ =	sdelay $0x2  }
0x857: {  	s19 =	simm.s32 $0x1C060;
	s22 =	simm.s32 $0x1C020;
	p5 =	por $0x0, $0x0  }
.LBB2_41:
.Ltmp122:
0x858: {  	(pc) =	sbr.rel .LBB2_44-.Ltmp122, $2  }
0x859: {  	_ =	sdelay $0x2  }
0x85a: {  	v13 =	vmov v10  }
.LBB2_47:
.Ltmp123:
0x85b: {  	(pc) =	sbr.rel .LBB2_56-.Ltmp123, $2  }
0x85c: {  	_ =	sdelay $0x2  }
0x85d: {  	s19 =	simm.s32 $0x1C060;
	s22 =	simm.s32 $0x1C020;
	p5 =	por $0x0, $0x0  }
.LBB2_59:
.Ltmp124:
0x85e: {  	(pc) =	sbr.rel .LBB2_62-.Ltmp124, $2  }
0x85f: {  	_ =	sdelay $0x2  }
0x860: {  	s1 =	simm.s32 $0x1C0C0;
	s2 =	simm.s32 $0x1C040;
	v13 =	vmov v10  }
.LBB2_65:
.Ltmp125:
0x861: {  	(pc) =	sbr.rel .LBB2_68-.Ltmp125, $2  }
0x862: {  	_ =	sdelay $0x2  }
0x863: {  	v11 =	vmov v10  }
.LBB2_71:
.Ltmp126:
0x864: {  	(pc) =	sbr.rel .LBB2_80-.Ltmp126, $3  }
0x865: {  	_ =	sdelay $0x1  }
0x866: {  	s2 =	simm.s32 $0x1C020;
	s30 =	smov.u32 s24;
	s20 =	smov.u32 s23  }
0x867: {  	s19 =	simm.s32 $0x1C060;
	v8 =	vmov v9;
	p3 =	por $0x0, $0x0;
	p4 =	por $0x0, $0x0  }
.LBB2_107:
.Ltmp127:
0x868: {  	(pc) =	sbr.rel .LBB2_109-.Ltmp127, $2  }
0x869: {  	_ =	sdelay $0x2  }
0x86a: {  	s0 =	simm.s32 $0x1C040  }
.LBB2_128:
.Ltmp128:
0x86b: {  	(pc) =	sbr.rel .LBB2_130-.Ltmp128, $2  }
0x86c: {  	_ =	sdelay $0x2  }
0x86d: {  	s2 =	simm.s32 $0x1C040  }
.LBB2_153:
.Ltmp129:
0x86e: {  	(pc) =	sbr.rel .LBB2_156-.Ltmp129, $2  }
0x86f: {  	_ =	sdelay $0x2  }
0x870: {  	s1 =	simm.s32 $0x1C0C0;
	s2 =	simm.s32 $0x1C040;
	v12 =	vmov v10  }
.LBB2_159:
.Ltmp130:
0x871: {  	(pc) =	sbr.rel .LBB2_162-.Ltmp130, $2  }
0x872: {  	_ =	sdelay $0x2  }
0x873: {  	v12 =	vmov v10  }
.LBB2_165:
.Ltmp131:
0x874: {  	(pc) =	sbr.rel .LBB2_168-.Ltmp131, $2  }
0x875: {  	_ =	sdelay $0x2  }
0x876: {  	v12 =	vmov v10  }
.LBB2_171:
.Ltmp132:
0x877: {  	(pc) =	sbr.rel .LBB2_180-.Ltmp132, $3  }
0x878: {  	_ =	sdelay $0x1  }
0x879: {  	s23 =	simm.s32 $0x1C060;
	s22 =	simm.s32 $0x1C020  }
0x87a: {  	s19 =	simm.s32 $0x1C060;
	p3 =	por $0x0, $0x0;
	p4 =	por $0x0, $0x0  }
.LBB2_17:
.Ltmp133:
0x87b: {  	(pc) =	sbr.rel .LBB2_22-.Ltmp133, $3  }
0x87c: {  	_ =	sdelay $0x1  }
0x87d: {  	s4 =	simm.s32 $0x0;
	s26 =	smov.u32 s16  }
0x87e: {  	v14 =	vmov v6;
	s25 =	simm.s32 $0x3CF;
	s29 =	simm.s32 $0xFFFFFFFF;
	s16 =	simm.s32 $0x3EF;
	v13 =	vmov v5  }
.LBB2_31:
.Ltmp134:
0x87f: {  	(pc) =	sbr.rel .LBB2_38-.Ltmp134, $3  }
0x880: {  	_ =	sdelay $0x1  }
0x881: {  	s19 =	simm.s32 $0x1C0A0  }
0x882: {  	s4 =	simm.s32 $0x1C020;
	s22 =	simm.s32 $0x1C060;
	p5 =	por $0x0, $0x0;
	v9 =	vmov v10  }
.LBB2_49:
.Ltmp135:
0x883: {  	(pc) =	sbr.rel .LBB2_56-.Ltmp135, $3  }
0x884: {  	_ =	sdelay $0x1  }
0x885: {  	s19 =	simm.s32 $0x1C0A0  }
0x886: {  	s4 =	simm.s32 $0x1C020;
	s22 =	simm.s32 $0x1C060;
	p5 =	por $0x0, $0x0;
	v9 =	vmov v10  }
.LBB2_73:
.Ltmp136:
0x887: {  	(pc) =	sbr.rel .LBB2_80-.Ltmp136, $3  }
0x888: {  	_ =	sdelay $0x1  }
0x889: {  	s2 =	simm.s32 $0x1C060;
	s1 =	smov.u32 s24;
	s30 =	smov.u32 s23  }
0x88a: {  	s19 =	simm.s32 $0x1C0A0;
	s25 =	simm.s32 $0x1C020;
	p4 =	por $0x0, $0x0  }
.LBB2_173:
.Ltmp137:
0x88b: {  	(pc) =	sbr.rel .LBB2_180-.Ltmp137, $3  }
0x88c: {  	_ =	sdelay $0x1  }
0x88d: {  	s23 =	simm.s32 $0x1C0A0  }
0x88e: {  	s2 =	simm.s32 $0x1C020;
	s22 =	simm.s32 $0x1C060;
	p4 =	por $0x0, $0x0  }
.LBB2_19:
.Ltmp138:
0x88f: {  	(pc) =	sbr.rel .LBB2_22-.Ltmp138, $3  }
0x890: {  	_ =	sdelay $0x1  }
0x891: {  	s4 =	simm.s32 $0x0;
	s2 =	simm.s32 $0x1E00;
	s30 =	simm.s32 $0x3EF  }
0x892: {  	s29 =	simm.s32 $0xFFFFFFFF;
	s16 =	simm.s32 $0x3DF;
	s24 =	simm.s32 $0x3CF  }
.LBB2_33:
.Ltmp139:
0x893: {  	(pc) =	sbr.rel .LBB2_38-.Ltmp139, $3  }
0x894: {  	_ =	sdelay $0x1  }
0x895: {  	s19 =	simm.s32 $0x1C0E0;
	_ =	sdelay $0x1  }
0x896: {  	s1 =	simm.s32 $0x1C020;
	s4 =	simm.s32 $0x1C060;
	p5 =	por $0x0, $0x0  }
.LBB2_51:
.Ltmp140:
0x897: {  	(pc) =	sbr.rel .LBB2_56-.Ltmp140, $3  }
0x898: {  	_ =	sdelay $0x1  }
0x899: {  	s19 =	simm.s32 $0x1C0E0;
	_ =	sdelay $0x1  }
0x89a: {  	s1 =	simm.s32 $0x1C020;
	s4 =	simm.s32 $0x1C060;
	p5 =	por $0x0, $0x0  }
.LBB2_75:
.Ltmp141:
0x89b: {  	(pc) =	sbr.rel .LBB2_80-.Ltmp141, $4  }
0x89c: {  	_ = 	snop  }
0x89d: {  	s30 =	smov.u32 s20  }
0x89e: {  	s2 =	simm.s32 $0x1C0A0;
	s29 =	smov.u32 s24;
	s1 =	smov.u32 s23  }
0x89f: {  	v13 =	vmov v9;
	v17 =	vmov v10;
	s20 =	smov.u32 s4;
	s28 =	simm.s32 $0x1C020;
	v8 =	vmov v18;
	s25 =	simm.s32 $0x1C060  }
0x8a0: {  	_ = 	snop  }
.LBB2_175:
.Ltmp142:
0x8a1: {  	(pc) =	sbr.rel .LBB2_180-.Ltmp142, $3  }
0x8a2: {  	_ =	sdelay $0x1  }
0x8a3: {  	s23 =	simm.s32 $0x1C0E0;
	s1 =	simm.s32 $0x1C020;
	_ =	sdelay $0x1  }
0x8a4: {  	v11 =	vmov v8;
	s2 =	simm.s32 $0x1C060;
	s22 =	simm.s32 $0x1C0A0;
	s19 =	simm.s32 $0x1C0E0  }
.LBB2_35:
.Ltmp143:
0x8a5: {  	(pc) =	sbr.rel .LBB2_38-.Ltmp143, $3  }
0x8a6: {  	_ =	sdelay $0x1  }
0x8a7: {  	s23 =	simm.s32 $0x1C020  }
0x8a8: {  	s1 =	simm.s32 $0x1C060;
	s4 =	simm.s32 $0x1C0A0;
	s22 =	simm.s32 $0x1C0E0;
	v9 =	vmov v12  }
.LBB2_53:
.Ltmp144:
0x8a9: {  	(pc) =	sbr.rel .LBB2_56-.Ltmp144, $3  }
0x8aa: {  	_ =	sdelay $0x1  }
0x8ab: {  	s23 =	simm.s32 $0x1C020  }
0x8ac: {  	s1 =	simm.s32 $0x1C060;
	s4 =	simm.s32 $0x1C0A0;
	s22 =	simm.s32 $0x1C0E0;
	v9 =	vmov v12  }
.LBB2_77:
.Ltmp145:
0x8ad: {  	(pc) =	sbr.rel .LBB2_80-.Ltmp145, $4  }
0x8ae: {  	_ = 	snop  }
0x8af: {  	s26 =	simm.s32 $0x1C020;
	s1 =	smov.u32 s20  }
0x8b0: {  	s2 =	simm.s32 $0x1C0E0;
	s19 =	simm.s32 $0x1C120;
	s29 =	smov.u32 s23  }
0x8b1: {  	s30 =	smov.u32 s4;
	s20 =	smov.u32 s16;
	s28 =	simm.s32 $0x1C060  }
.LBB2_177:
.Ltmp146:
0x8b2: {  	(pc) =	sbr.rel .LBB2_180-.Ltmp146, $3  }
0x8b3: {  	_ =	sdelay $0x1  }
0x8b4: {  	s24 =	simm.s32 $0x1C020  }
0x8b5: {  	s1 =	simm.s32 $0x1C060;
	s2 =	simm.s32 $0x1C0A0;
	s19 =	simm.s32 $0x1C120  }
.LBB2_184:
0x8b6: {  	_ =	sfence.sel $0x180000  }
0x8b7: {  	[bflag:$0x0] =	sbarrier.arrive $0xFFFF  }
0x8b8: {  	_ =	strace $0x90000047  }
0x8b9: {  	s0 =	stileid.u32;
	[bflag:$0x2] =	sbarrier.arrive $0xFFFF  }
0x8ba: {  	p0 =	sne.s32 s0, $0x0;
	s0 =	rddreg [dreg:$0x3]  }
0x8bb: {  	s0 =	sadd.s32 @!p0 $0x100000, s0  }
0x8bc: {  	[sflag:s0] =	ssyncadd.tile.s32 @!p0 $0x1;
	_ =	shalt  }
.Lfunc_end2:
_tile_overlayer_lowered:
.L_overlay_start_2:
0x8bd: {  	(tag) =	ssettag $0x2  }
0x8be: {  	s0 =	rddreg [dreg:$0x0];
	s2 =	stileid.u32  }
0x8bf: {  	s1 =	rddreg [dreg:$0x1];
	p0 =	sne.s32 s2, $0x0  }
0x8c0: {  	s3 =	rddreg [dreg:$0x2];
	[bflag:$0x3] =	sbarrier.arrive $0xFFFF;
	s2 =	simm.s32 @!p0 $0x1C02  }
0x8c1: {  	[timem:s3], [sflag:s2] =	dma.local @!p0 [hbm:s0], s1  }
0x8c2: {  	s0 =	simm.s32 @!p0 $0x2  }
0x8c3: {  	_ =	swait.ge @!p0 [sflag:s0], s1  }
0x8c4: {  	s1 =	ssub.s32 @!p0 $0x0, s1;
	[sflag:s0] =	ssyncset.done @!p0 $0x0  }
0x8c5: {  	[sflag:s0] =	ssyncadd.s32 @!p0 s1  }
0x8c6: {  	[bflag:$0x3] =	sbarrier.arrive $0xFFFF  }
0x8c7: {  	_ =	shalt  }

</sc_bundles>
